<compile_context>
chip_gen: v7x
topology: tpu7x:2x2x1
jax: 0.10.2.dev20260603
libtpu: 0.0.44.dev20260713+nightly
codegen_flags: <defaults>
</compile_context>

<pallas_src>
import functools

import jax
import jax.numpy as jnp
from jax import lax
from jax.experimental import pallas as pl
from jax.experimental.pallas import tpu as pltpu
from jax.experimental.pallas import tpu_sc as plsc

def _worker_grid():
    info = plsc.get_sparse_core_info()
    return info.num_cores, info.num_subcores

_BCHUNK = 4
_NBUF = 8
_LEAD = 4


def _make_gather(b: int, s: int, d: int):
    _nc, _ns = _worker_grid()
    _nw = _nc * _ns
    per_w = b // _nw
    n_chunks = per_w // _BCHUNK
    rows = _BCHUNK * s
    assert per_w % _BCHUNK == 0 and n_chunks % _NBUF == 0 and n_chunks >= 2 * _NBUF

    mesh = plsc.VectorSubcoreMesh(core_axis_name="c", subcore_axis_name="s")

    @functools.partial(
        pl.kernel,
        out_type=jax.ShapeDtypeStruct((b, s, d), jnp.float32),
        mesh=mesh,
        scratch_types=(
            [pltpu.VMEM((n_chunks, rows), jnp.int32)]
            + [pltpu.VMEM((rows, d), jnp.float32) for _ in range(_NBUF)]
            + [pltpu.SemaphoreType.DMA for _ in range(2 * _NBUF)]
        ),
        compiler_params=pltpu.CompilerParams(use_tc_tiling_on_sc=False),
    )
    def gather_kernel(table_hbm, idx_hbm, out_hbm, idx_v, *bufs_and_sems):
        bufs = bufs_and_sems[:_NBUF]
        sg = bufs_and_sems[_NBUF:2 * _NBUF]
        so = bufs_and_sems[2 * _NBUF:3 * _NBUF]

        wid = lax.axis_index("s") * _nc + lax.axis_index("c")
        pltpu.sync_copy(idx_hbm.at[wid], idx_v)
        base = wid * per_w

        def fire_gather(k, slot):
            pltpu.async_copy(table_hbm.at[idx_v.at[k]], bufs[slot], sg[slot])

        def wait_gather(k, slot):
            pltpu.make_async_copy(
                table_hbm.at[idx_v.at[k]], bufs[slot], sg[slot]).wait()

        def fire_copy(c, slot):
            for i in range(_BCHUNK):
                pltpu.async_copy(
                    bufs[slot].at[pl.ds(i * s, s)],
                    out_hbm.at[base + c * _BCHUNK + i], so[slot])

        def wait_copy(c, slot):
            for i in range(_BCHUNK):
                pltpu.make_async_copy(
                    bufs[slot].at[pl.ds(i * s, s)],
                    out_hbm.at[base + c * _BCHUNK + i], so[slot]).wait()

        def body(k, b_slot, wait_prev_copy, fire_next):
            wait_gather(k, b_slot)
            fire_copy(k, b_slot)
            if fire_next:
                bn = (b_slot + _LEAD) % _NBUF
                if wait_prev_copy:
                    wait_copy(k + _LEAD - _NBUF, bn)
                fire_gather(k + _LEAD, bn)

        for c in range(_LEAD):
            fire_gather(c, c)
        for i in range(_NBUF):
            body(i, i, wait_prev_copy=(i >= _NBUF - _LEAD), fire_next=True)

        @pl.loop(_NBUF, n_chunks - _NBUF, step=_NBUF)
        def _(g):
            for i in range(_NBUF):
                body(g + i, i, wait_prev_copy=True, fire_next=True)

        for i in range(_NBUF):
            k = n_chunks - _NBUF + i
            body(k, i, wait_prev_copy=True, fire_next=(i < _NBUF - _LEAD))
        for i in range(_NBUF):
            wait_copy(n_chunks - _NBUF + i, i)

    return gather_kernel


def kernel(input, table):
    b, s = input.shape
    v, d = table.shape
    _nc, _ns = _worker_grid()
    nw = _nc * _ns
    per_w = b // nw
    n_chunks = per_w // _BCHUNK
    idx3d = input.reshape(nw, n_chunks, _BCHUNK * s).astype(jnp.int32)
    return _make_gather(b, s, d)(table, idx3d)

# --- scband reference (transcript-rebuilt; emitter-appended) ---
"""Pipeline reference for scband-embed-22763326669356 (READ-ONLY COPY).

The authoritative reference and input builder live on the scoring server;
editing this copy changes nothing except your own understanding.
"""

import jax, jax.numpy as jnp
import numpy as np

INPUT_SIZE = 100000
EMBEDDING_SIZE = 64

def setup_inputs(seed: int = 0) -> dict:
    key = jax.random.key(seed)
    k_idx, k_tab = jax.random.split(key)
    indices = jax.random.randint(k_idx, (4096, 50), 0, INPUT_SIZE, dtype=jnp.int64 if jax.config.jax_enable_x64 else jnp.int32)
    table = jax.random.uniform(k_tab, (INPUT_SIZE, EMBEDDING_SIZE), dtype=jnp.float32, minval=-1.0, maxval=1.0)
    table = table.at[0].set(jnp.zeros((EMBEDDING_SIZE,), dtype=jnp.float32))  # padding_idx=0 row zeroed
    return {"input": indices, "table": table}

def reference(input, table):
    # nn.Embedding forward: simple row gather from the embedding table
    output = jnp.take(table, input, axis=0)
    return output

if __name__ == "__main__":
    import jax
    _d = setup_inputs()
    print(jax.jit(kernel)(*tuple(_d.values())))

</pallas_src>

<mosaic_0001>
#map = affine_map<(d0, d1) -> (0, 0)>
#map1 = affine_map<(d0, d1) -> (0, 0, 0)>
module attributes {stable_mosaic.version = 14 : i64} {
  func.func @gather_kernel(%arg0: i32, %arg1: i32, %arg2: memref<100000x64xf32, #tpu.memory_space<hbm>>, %arg3: memref<32x32x200xi32, #tpu.memory_space<hbm>>, %arg4: memref<4096x50x64xf32, #tpu.memory_space<hbm>>, %arg5: memref<32x200xi32, #tpu.memory_space<vmem>>, %arg6: memref<200x64xf32, #tpu.memory_space<vmem>>, %arg7: memref<200x64xf32, #tpu.memory_space<vmem>>, %arg8: memref<200x64xf32, #tpu.memory_space<vmem>>, %arg9: memref<200x64xf32, #tpu.memory_space<vmem>>, %arg10: memref<200x64xf32, #tpu.memory_space<vmem>>, %arg11: memref<200x64xf32, #tpu.memory_space<vmem>>, %arg12: memref<200x64xf32, #tpu.memory_space<vmem>>, %arg13: memref<200x64xf32, #tpu.memory_space<vmem>>, %arg14: memref<!tpu.dma_semaphore, #tpu.memory_space<semaphore_mem>>, %arg15: memref<!tpu.dma_semaphore, #tpu.memory_space<semaphore_mem>>, %arg16: memref<!tpu.dma_semaphore, #tpu.memory_space<semaphore_mem>>, %arg17: memref<!tpu.dma_semaphore, #tpu.memory_space<semaphore_mem>>, %arg18: memref<!tpu.dma_semaphore, #tpu.memory_space<semaphore_mem>>, %arg19: memref<!tpu.dma_semaphore, #tpu.memory_space<semaphore_mem>>, %arg20: memref<!tpu.dma_semaphore, #tpu.memory_space<semaphore_mem>>, %arg21: memref<!tpu.dma_semaphore, #tpu.memory_space<semaphore_mem>>, %arg22: memref<!tpu.dma_semaphore, #tpu.memory_space<semaphore_mem>>, %arg23: memref<!tpu.dma_semaphore, #tpu.memory_space<semaphore_mem>>, %arg24: memref<!tpu.dma_semaphore, #tpu.memory_space<semaphore_mem>>, %arg25: memref<!tpu.dma_semaphore, #tpu.memory_space<semaphore_mem>>, %arg26: memref<!tpu.dma_semaphore, #tpu.memory_space<semaphore_mem>>, %arg27: memref<!tpu.dma_semaphore, #tpu.memory_space<semaphore_mem>>, %arg28: memref<!tpu.dma_semaphore, #tpu.memory_space<semaphore_mem>>, %arg29: memref<!tpu.dma_semaphore, #tpu.memory_space<semaphore_mem>>) attributes {dimension_semantics = [#tpu.dimension_semantics<core_parallel>, #tpu.dimension_semantics<subcore_parallel>], iteration_bounds = array<i64: 2, 16>, scalar_prefetch = 0 : i64, scratch_operands = 25 : i64, tpu.core_type = #tpu.core_type<sc_vector_subcore>, window_params = [{transform_indices = #map}, {transform_indices = #map1}, {transform_indices = #map1}]} {
    %mul3A = arith.constant 2 : i32
    %mul3A_0 = arith.muli %arg1, %mul3A : i32
    %add3A = arith.addi %mul3A_0, %arg0 : i32
    "tpu.region"() ({
      %run_scoped3A = tpu.sem_alloc : memref<!tpu.dma_semaphore, #tpu.memory_space<semaphore_mem>>
      %dma_start3A_2533 = arith.constant 0 : i32
      %dma_start3A_2534 = arith.constant 0 : i32
      %dma_start3A_2535 = tpu.memref_slice %arg3[%add3A, %dma_start3A_2533, %dma_start3A_2534] : memref<32x32x200xi32, #tpu.memory_space<hbm>> -> memref<1x32x200xi32, #tpu.memory_space<hbm>>
      %dma_start3A_2536 = tpu.memref_squeeze %dma_start3A_2535 : memref<1x32x200xi32, #tpu.memory_space<hbm>> -> memref<32x200xi32, #tpu.memory_space<hbm>>
      %dma_start3A_2537 = arith.constant 0 : i32
      %dma_start3A_2538 = arith.constant 0 : i32
      %dma_start3A_2539 = tpu.memref_slice %arg3[%add3A, %dma_start3A_2537, %dma_start3A_2538] : memref<32x32x200xi32, #tpu.memory_space<hbm>> -> memref<1x32x200xi32, #tpu.memory_space<hbm>>
      %dma_start3A_2540 = tpu.memref_squeeze %dma_start3A_2539 : memref<1x32x200xi32, #tpu.memory_space<hbm>> -> memref<32x200xi32, #tpu.memory_space<hbm>>
      tpu.enqueue_dma source(%dma_start3A_2540 : memref<32x200xi32, #tpu.memory_space<hbm>>) target(%arg5 : memref<32x200xi32, #tpu.memory_space<vmem>>) target_semaphore(%run_scoped3A : memref<!tpu.dma_semaphore, #tpu.memory_space<semaphore_mem>>)
      %dma_wait3A_2541 = arith.constant 0 : i32
      %dma_wait3A_2542 = arith.constant 0 : i32
      %dma_wait3A_2543 = tpu.memref_slice %arg3[%add3A, %dma_wait3A_2541, %dma_wait3A_2542] : memref<32x32x200xi32, #tpu.memory_space<hbm>> -> memref<1x32x200xi32, #tpu.memory_space<hbm>>
      %dma_wait3A_2544 = tpu.memref_squeeze %dma_wait3A_2543 : memref<1x32x200xi32, #tpu.memory_space<hbm>> -> memref<32x200xi32, #tpu.memory_space<hbm>>
      %dma_wait3A_2545 = arith.constant 0 : i32
      %dma_wait3A_2546 = arith.constant 0 : i32
      %dma_wait3A_2547 = tpu.memref_slice %arg3[%add3A, %dma_wait3A_2545, %dma_wait3A_2546] : memref<32x32x200xi32, #tpu.memory_space<hbm>> -> memref<1x32x200xi32, #tpu.memory_space<hbm>>
      %dma_wait3A_2548 = tpu.memref_squeeze %dma_wait3A_2547 : memref<1x32x200xi32, #tpu.memory_space<hbm>> -> memref<32x200xi32, #tpu.memory_space<hbm>>
      tpu.wait_dma2 semaphore(%run_scoped3A : memref<!tpu.dma_semaphore, #tpu.memory_space<semaphore_mem>>) src(%dma_wait3A_2548 : memref<32x200xi32, #tpu.memory_space<hbm>>) dst(%arg5 : memref<32x200xi32, #tpu.memory_space<vmem>>)
      tpu.yield
    }) : () -> ()
    %mul3A_1 = arith.constant 128 : i32
    %mul3A_2 = arith.muli %add3A, %mul3A_1 : i32
    %dma_start3A = arith.constant 0 : i32
    %dma_start3A_3 = arith.constant 0 : i32
    %dma_start3A_4 = tpu.memref_slice %arg5[%dma_start3A, %dma_start3A_3] : memref<32x200xi32, #tpu.memory_space<vmem>> -> memref<1x200xi32, #tpu.memory_space<vmem>>
    %dma_start3A_5 = tpu.memref_squeeze %dma_start3A_4 : memref<1x200xi32, #tpu.memory_space<vmem>> -> memref<200xi32, #tpu.memory_space<vmem>>
    %dma_start3A_6 = arith.constant 0 : i32
    %dma_start3A_7 = arith.constant 0 : i32
    %dma_start3A_8 = tpu.memref_slice %arg2[%dma_start3A_6, %dma_start3A_7] : memref<100000x64xf32, #tpu.memory_space<hbm>> -> memref<100000x64xf32, #tpu.memory_space<hbm>>
    tpu.enqueue_indirect_dma source(%dma_start3A_8 : memref<100000x64xf32, #tpu.memory_space<hbm>>) target(%arg6 : memref<200x64xf32, #tpu.memory_space<vmem>>) offsets(%dma_start3A_5 : memref<200xi32, #tpu.memory_space<vmem>>) semaphore(%arg14 : memref<!tpu.dma_semaphore, #tpu.memory_space<semaphore_mem>>)
    %dma_start3A_9 = arith.constant 1 : i32
    %dma_start3A_10 = arith.constant 0 : i32
    %dma_start3A_11 = tpu.memref_slice %arg5[%dma_start3A_9, %dma_start3A_10] : memref<32x200xi32, #tpu.memory_space<vmem>> -> memref<1x200xi32, #tpu.memory_space<vmem>>
    %dma_start3A_12 = tpu.memref_squeeze %dma_start3A_11 : memref<1x200xi32, #tpu.memory_space<vmem>> -> memref<200xi32, #tpu.memory_space<vmem>>
    %dma_start3A_13 = arith.constant 0 : i32
    %dma_start3A_14 = arith.constant 0 : i32
    %dma_start3A_15 = tpu.memref_slice %arg2[%dma_start3A_13, %dma_start3A_14] : memref<100000x64xf32, #tpu.memory_space<hbm>> -> memref<100000x64xf32, #tpu.memory_space<hbm>>
    tpu.enqueue_indirect_dma source(%dma_start3A_15 : memref<100000x64xf32, #tpu.memory_space<hbm>>) target(%arg7 : memref<200x64xf32, #tpu.memory_space<vmem>>) offsets(%dma_start3A_12 : memref<200xi32, #tpu.memory_space<vmem>>) semaphore(%arg15 : memref<!tpu.dma_semaphore, #tpu.memory_space<semaphore_mem>>)
    %dma_start3A_16 = arith.constant 2 : i32
    %dma_start3A_17 = arith.constant 0 : i32
    %dma_start3A_18 = tpu.memref_slice %arg5[%dma_start3A_16, %dma_start3A_17] : memref<32x200xi32, #tpu.memory_space<vmem>> -> memref<1x200xi32, #tpu.memory_space<vmem>>
    %dma_start3A_19 = tpu.memref_squeeze %dma_start3A_18 : memref<1x200xi32, #tpu.memory_space<vmem>> -> memref<200xi32, #tpu.memory_space<vmem>>
    %dma_start3A_20 = arith.constant 0 : i32
    %dma_start3A_21 = arith.constant 0 : i32
    %dma_start3A_22 = tpu.memref_slice %arg2[%dma_start3A_20, %dma_start3A_21] : memref<100000x64xf32, #tpu.memory_space<hbm>> -> memref<100000x64xf32, #tpu.memory_space<hbm>>
    tpu.enqueue_indirect_dma source(%dma_start3A_22 : memref<100000x64xf32, #tpu.memory_space<hbm>>) target(%arg8 : memref<200x64xf32, #tpu.memory_space<vmem>>) offsets(%dma_start3A_19 : memref<200xi32, #tpu.memory_space<vmem>>) semaphore(%arg16 : memref<!tpu.dma_semaphore, #tpu.memory_space<semaphore_mem>>)
    %dma_start3A_23 = arith.constant 3 : i32
    %dma_start3A_24 = arith.constant 0 : i32
    %dma_start3A_25 = tpu.memref_slice %arg5[%dma_start3A_23, %dma_start3A_24] : memref<32x200xi32, #tpu.memory_space<vmem>> -> memref<1x200xi32, #tpu.memory_space<vmem>>
    %dma_start3A_26 = tpu.memref_squeeze %dma_start3A_25 : memref<1x200xi32, #tpu.memory_space<vmem>> -> memref<200xi32, #tpu.memory_space<vmem>>
    %dma_start3A_27 = arith.constant 0 : i32
    %dma_start3A_28 = arith.constant 0 : i32
    %dma_start3A_29 = tpu.memref_slice %arg2[%dma_start3A_27, %dma_start3A_28] : memref<100000x64xf32, #tpu.memory_space<hbm>> -> memref<100000x64xf32, #tpu.memory_space<hbm>>
    tpu.enqueue_indirect_dma source(%dma_start3A_29 : memref<100000x64xf32, #tpu.memory_space<hbm>>) target(%arg9 : memref<200x64xf32, #tpu.memory_space<vmem>>) offsets(%dma_start3A_26 : memref<200xi32, #tpu.memory_space<vmem>>) semaphore(%arg17 : memref<!tpu.dma_semaphore, #tpu.memory_space<semaphore_mem>>)
    %dma_wait3A = arith.constant 0 : i32
    %dma_wait3A_30 = arith.constant 0 : i32
    %dma_wait3A_31 = tpu.memref_slice %arg5[%dma_wait3A, %dma_wait3A_30] : memref<32x200xi32, #tpu.memory_space<vmem>> -> memref<1x200xi32, #tpu.memory_space<vmem>>
    %dma_wait3A_32 = tpu.memref_squeeze %dma_wait3A_31 : memref<1x200xi32, #tpu.memory_space<vmem>> -> memref<200xi32, #tpu.memory_space<vmem>>
    %dma_wait3A_33 = arith.constant 0 : i32
    %dma_wait3A_34 = arith.constant 0 : i32
    %dma_wait3A_35 = tpu.memref_slice %arg2[%dma_wait3A_33, %dma_wait3A_34] : memref<100000x64xf32, #tpu.memory_space<hbm>> -> memref<100000x64xf32, #tpu.memory_space<hbm>>
    tpu.wait_indirect_dma semaphore(%arg14 : memref<!tpu.dma_semaphore, #tpu.memory_space<semaphore_mem>>) src(%dma_wait3A_35 : memref<100000x64xf32, #tpu.memory_space<hbm>>) dst(%arg6 : memref<200x64xf32, #tpu.memory_space<vmem>>)
    %add3A_36 = arith.constant 0 : i32
    %add3A_37 = arith.addi %mul3A_2, %add3A_36 : i32
    %add3A_38 = arith.constant 0 : i32
    %add3A_39 = arith.addi %add3A_37, %add3A_38 : i32
    %dma_start3A_40 = arith.constant 0 : i32
    %dma_start3A_41 = arith.constant 0 : i32
    %dma_start3A_42 = tpu.memref_slice %arg6[%dma_start3A_40, %dma_start3A_41] : memref<200x64xf32, #tpu.memory_space<vmem>> -> memref<50x64xf32, #tpu.memory_space<vmem>>
    %dma_start3A_43 = arith.constant 0 : i32
    %dma_start3A_44 = arith.constant 0 : i32
    %dma_start3A_45 = tpu.memref_slice %arg4[%add3A_39, %dma_start3A_43, %dma_start3A_44] : memref<4096x50x64xf32, #tpu.memory_space<hbm>> -> memref<1x50x64xf32, #tpu.memory_space<hbm>>
    %dma_start3A_46 = tpu.memref_squeeze %dma_start3A_45 : memref<1x50x64xf32, #tpu.memory_space<hbm>> -> memref<50x64xf32, #tpu.memory_space<hbm>>
    %dma_start3A_47 = arith.constant 0 : i32
    %dma_start3A_48 = arith.constant 0 : i32
    %dma_start3A_49 = tpu.memref_slice %arg4[%add3A_39, %dma_start3A_47, %dma_start3A_48] : memref<4096x50x64xf32, #tpu.memory_space<hbm>> -> memref<1x50x64xf32, #tpu.memory_space<hbm>>
    %dma_start3A_50 = tpu.memref_squeeze %dma_start3A_49 : memref<1x50x64xf32, #tpu.memory_space<hbm>> -> memref<50x64xf32, #tpu.memory_space<hbm>>
    %dma_start3A_51 = arith.constant 0 : i32
    %dma_start3A_52 = arith.constant 0 : i32
    %dma_start3A_53 = tpu.memref_slice %arg6[%dma_start3A_51, %dma_start3A_52] : memref<200x64xf32, #tpu.memory_space<vmem>> -> memref<50x64xf32, #tpu.memory_space<vmem>>
    tpu.enqueue_dma source(%dma_start3A_53 : memref<50x64xf32, #tpu.memory_space<vmem>>) target(%dma_start3A_50 : memref<50x64xf32, #tpu.memory_space<hbm>>) target_semaphore(%arg22 : memref<!tpu.dma_semaphore, #tpu.memory_space<semaphore_mem>>)
    %add3A_54 = arith.constant 0 : i32
    %add3A_55 = arith.addi %mul3A_2, %add3A_54 : i32
    %add3A_56 = arith.constant 1 : i32
    %add3A_57 = arith.addi %add3A_55, %add3A_56 : i32
    %dma_start3A_58 = arith.constant 50 : i32
    %dma_start3A_59 = arith.constant 0 : i32
    %dma_start3A_60 = tpu.memref_slice %arg6[%dma_start3A_58, %dma_start3A_59] : memref<200x64xf32, #tpu.memory_space<vmem>> -> memref<50x64xf32, #tpu.memory_space<vmem>>
    %dma_start3A_61 = arith.constant 0 : i32
    %dma_start3A_62 = arith.constant 0 : i32
    %dma_start3A_63 = tpu.memref_slice %arg4[%add3A_57, %dma_start3A_61, %dma_start3A_62] : memref<4096x50x64xf32, #tpu.memory_space<hbm>> -> memref<1x50x64xf32, #tpu.memory_space<hbm>>
    %dma_start3A_64 = tpu.memref_squeeze %dma_start3A_63 : memref<1x50x64xf32, #tpu.memory_space<hbm>> -> memref<50x64xf32, #tpu.memory_space<hbm>>
    %dma_start3A_65 = arith.constant 0 : i32
    %dma_start3A_66 = arith.constant 0 : i32
    %dma_start3A_67 = tpu.memref_slice %arg4[%add3A_57, %dma_start3A_65, %dma_start3A_66] : memref<4096x50x64xf32, #tpu.memory_space<hbm>> -> memref<1x50x64xf32, #tpu.memory_space<hbm>>
    %dma_start3A_68 = tpu.memref_squeeze %dma_start3A_67 : memref<1x50x64xf32, #tpu.memory_space<hbm>> -> memref<50x64xf32, #tpu.memory_space<hbm>>
    %dma_start3A_69 = arith.constant 50 : i32
    %dma_start3A_70 = arith.constant 0 : i32
    %dma_start3A_71 = tpu.memref_slice %arg6[%dma_start3A_69, %dma_start3A_70] : memref<200x64xf32, #tpu.memory_space<vmem>> -> memref<50x64xf32, #tpu.memory_space<vmem>>
    tpu.enqueue_dma source(%dma_start3A_71 : memref<50x64xf32, #tpu.memory_space<vmem>>) target(%dma_start3A_68 : memref<50x64xf32, #tpu.memory_space<hbm>>) target_semaphore(%arg22 : memref<!tpu.dma_semaphore, #tpu.memory_space<semaphore_mem>>)
    %add3A_72 = arith.constant 0 : i32
    %add3A_73 = arith.addi %mul3A_2, %add3A_72 : i32
    %add3A_74 = arith.constant 2 : i32
    %add3A_75 = arith.addi %add3A_73, %add3A_74 : i32
    %dma_start3A_76 = arith.constant 100 : i32
    %dma_start3A_77 = arith.constant 0 : i32
    %dma_start3A_78 = tpu.memref_slice %arg6[%dma_start3A_76, %dma_start3A_77] : memref<200x64xf32, #tpu.memory_space<vmem>> -> memref<50x64xf32, #tpu.memory_space<vmem>>
    %dma_start3A_79 = arith.constant 0 : i32
    %dma_start3A_80 = arith.constant 0 : i32
    %dma_start3A_81 = tpu.memref_slice %arg4[%add3A_75, %dma_start3A_79, %dma_start3A_80] : memref<4096x50x64xf32, #tpu.memory_space<hbm>> -> memref<1x50x64xf32, #tpu.memory_space<hbm>>
    %dma_start3A_82 = tpu.memref_squeeze %dma_start3A_81 : memref<1x50x64xf32, #tpu.memory_space<hbm>> -> memref<50x64xf32, #tpu.memory_space<hbm>>
    %dma_start3A_83 = arith.constant 0 : i32
    %dma_start3A_84 = arith.constant 0 : i32
    %dma_start3A_85 = tpu.memref_slice %arg4[%add3A_75, %dma_start3A_83, %dma_start3A_84] : memref<4096x50x64xf32, #tpu.memory_space<hbm>> -> memref<1x50x64xf32, #tpu.memory_space<hbm>>
    %dma_start3A_86 = tpu.memref_squeeze %dma_start3A_85 : memref<1x50x64xf32, #tpu.memory_space<hbm>> -> memref<50x64xf32, #tpu.memory_space<hbm>>
    %dma_start3A_87 = arith.constant 100 : i32
    %dma_start3A_88 = arith.constant 0 : i32
    %dma_start3A_89 = tpu.memref_slice %arg6[%dma_start3A_87, %dma_start3A_88] : memref<200x64xf32, #tpu.memory_space<vmem>> -> memref<50x64xf32, #tpu.memory_space<vmem>>
    tpu.enqueue_dma source(%dma_start3A_89 : memref<50x64xf32, #tpu.memory_space<vmem>>) target(%dma_start3A_86 : memref<50x64xf32, #tpu.memory_space<hbm>>) target_semaphore(%arg22 : memref<!tpu.dma_semaphore, #tpu.memory_space<semaphore_mem>>)
    %add3A_90 = arith.constant 0 : i32
    %add3A_91 = arith.addi %mul3A_2, %add3A_90 : i32
    %add3A_92 = arith.constant 3 : i32
    %add3A_93 = arith.addi %add3A_91, %add3A_92 : i32
    %dma_start3A_94 = arith.constant 150 : i32
    %dma_start3A_95 = arith.constant 0 : i32
    %dma_start3A_96 = tpu.memref_slice %arg6[%dma_start3A_94, %dma_start3A_95] : memref<200x64xf32, #tpu.memory_space<vmem>> -> memref<50x64xf32, #tpu.memory_space<vmem>>
    %dma_start3A_97 = arith.constant 0 : i32
    %dma_start3A_98 = arith.constant 0 : i32
    %dma_start3A_99 = tpu.memref_slice %arg4[%add3A_93, %dma_start3A_97, %dma_start3A_98] : memref<4096x50x64xf32, #tpu.memory_space<hbm>> -> memref<1x50x64xf32, #tpu.memory_space<hbm>>
    %dma_start3A_100 = tpu.memref_squeeze %dma_start3A_99 : memref<1x50x64xf32, #tpu.memory_space<hbm>> -> memref<50x64xf32, #tpu.memory_space<hbm>>
    %dma_start3A_101 = arith.constant 0 : i32
    %dma_start3A_102 = arith.constant 0 : i32
    %dma_start3A_103 = tpu.memref_slice %arg4[%add3A_93, %dma_start3A_101, %dma_start3A_102] : memref<4096x50x64xf32, #tpu.memory_space<hbm>> -> memref<1x50x64xf32, #tpu.memory_space<hbm>>
    %dma_start3A_104 = tpu.memref_squeeze %dma_start3A_103 : memref<1x50x64xf32, #tpu.memory_space<hbm>> -> memref<50x64xf32, #tpu.memory_space<hbm>>
    %dma_start3A_105 = arith.constant 150 : i32
    %dma_start3A_106 = arith.constant 0 : i32
    %dma_start3A_107 = tpu.memref_slice %arg6[%dma_start3A_105, %dma_start3A_106] : memref<200x64xf32, #tpu.memory_space<vmem>> -> memref<50x64xf32, #tpu.memory_space<vmem>>
    tpu.enqueue_dma source(%dma_start3A_107 : memref<50x64xf32, #tpu.memory_space<vmem>>) target(%dma_start3A_104 : memref<50x64xf32, #tpu.memory_space<hbm>>) target_semaphore(%arg22 : memref<!tpu.dma_semaphore, #tpu.memory_space<semaphore_mem>>)
    %dma_start3A_108 = arith.constant 4 : i32
    %dma_start3A_109 = arith.constant 0 : i32
    %dma_start3A_110 = tpu.memref_slice %arg5[%dma_start3A_108, %dma_start3A_109] : memref<32x200xi32, #tpu.memory_space<vmem>> -> memref<1x200xi32, #tpu.memory_space<vmem>>
    %dma_start3A_111 = tpu.memref_squeeze %dma_start3A_110 : memref<1x200xi32, #tpu.memory_space<vmem>> -> memref<200xi32, #tpu.memory_space<vmem>>
    %dma_start3A_112 = arith.constant 0 : i32
    %dma_start3A_113 = arith.constant 0 : i32
    %dma_start3A_114 = tpu.memref_slice %arg2[%dma_start3A_112, %dma_start3A_113] : memref<100000x64xf32, #tpu.memory_space<hbm>> -> memref<100000x64xf32, #tpu.memory_space<hbm>>
    tpu.enqueue_indirect_dma source(%dma_start3A_114 : memref<100000x64xf32, #tpu.memory_space<hbm>>) target(%arg10 : memref<200x64xf32, #tpu.memory_space<vmem>>) offsets(%dma_start3A_111 : memref<200xi32, #tpu.memory_space<vmem>>) semaphore(%arg18 : memref<!tpu.dma_semaphore, #tpu.memory_space<semaphore_mem>>)
    %dma_wait3A_115 = arith.constant 1 : i32
    %dma_wait3A_116 = arith.constant 0 : i32
    %dma_wait3A_117 = tpu.memref_slice %arg5[%dma_wait3A_115, %dma_wait3A_116] : memref<32x200xi32, #tpu.memory_space<vmem>> -> memref<1x200xi32, #tpu.memory_space<vmem>>
    %dma_wait3A_118 = tpu.memref_squeeze %dma_wait3A_117 : memref<1x200xi32, #tpu.memory_space<vmem>> -> memref<200xi32, #tpu.memory_space<vmem>>
    %dma_wait3A_119 = arith.constant 0 : i32
    %dma_wait3A_120 = arith.constant 0 : i32
    %dma_wait3A_121 = tpu.memref_slice %arg2[%dma_wait3A_119, %dma_wait3A_120] : memref<100000x64xf32, #tpu.memory_space<hbm>> -> memref<100000x64xf32, #tpu.memory_space<hbm>>
    tpu.wait_indirect_dma semaphore(%arg15 : memref<!tpu.dma_semaphore, #tpu.memory_space<semaphore_mem>>) src(%dma_wait3A_121 : memref<100000x64xf32, #tpu.memory_space<hbm>>) dst(%arg7 : memref<200x64xf32, #tpu.memory_space<vmem>>)
    %add3A_122 = arith.constant 4 : i32
    %add3A_123 = arith.addi %mul3A_2, %add3A_122 : i32
    %add3A_124 = arith.constant 0 : i32
    %add3A_125 = arith.addi %add3A_123, %add3A_124 : i32
    %dma_start3A_126 = arith.constant 0 : i32
    %dma_start3A_127 = arith.constant 0 : i32
    %dma_start3A_128 = tpu.memref_slice %arg7[%dma_start3A_126, %dma_start3A_127] : memref<200x64xf32, #tpu.memory_space<vmem>> -> memref<50x64xf32, #tpu.memory_space<vmem>>
    %dma_start3A_129 = arith.constant 0 : i32
    %dma_start3A_130 = arith.constant 0 : i32
    %dma_start3A_131 = tpu.memref_slice %arg4[%add3A_125, %dma_start3A_129, %dma_start3A_130] : memref<4096x50x64xf32, #tpu.memory_space<hbm>> -> memref<1x50x64xf32, #tpu.memory_space<hbm>>
    %dma_start3A_132 = tpu.memref_squeeze %dma_start3A_131 : memref<1x50x64xf32, #tpu.memory_space<hbm>> -> memref<50x64xf32, #tpu.memory_space<hbm>>
    %dma_start3A_133 = arith.constant 0 : i32
    %dma_start3A_134 = arith.constant 0 : i32
    %dma_start3A_135 = tpu.memref_slice %arg4[%add3A_125, %dma_start3A_133, %dma_start3A_134] : memref<4096x50x64xf32, #tpu.memory_space<hbm>> -> memref<1x50x64xf32, #tpu.memory_space<hbm>>
    %dma_start3A_136 = tpu.memref_squeeze %dma_start3A_135 : memref<1x50x64xf32, #tpu.memory_space<hbm>> -> memref<50x64xf32, #tpu.memory_space<hbm>>
    %dma_start3A_137 = arith.constant 0 : i32
    %dma_start3A_138 = arith.constant 0 : i32
    %dma_start3A_139 = tpu.memref_slice %arg7[%dma_start3A_137, %dma_start3A_138] : memref<200x64xf32, #tpu.memory_space<vmem>> -> memref<50x64xf32, #tpu.memory_space<vmem>>
    tpu.enqueue_dma source(%dma_start3A_139 : memref<50x64xf32, #tpu.memory_space<vmem>>) target(%dma_start3A_136 : memref<50x64xf32, #tpu.memory_space<hbm>>) target_semaphore(%arg23 : memref<!tpu.dma_semaphore, #tpu.memory_space<semaphore_mem>>)
    %add3A_140 = arith.constant 4 : i32
    %add3A_141 = arith.addi %mul3A_2, %add3A_140 : i32
    %add3A_142 = arith.constant 1 : i32
    %add3A_143 = arith.addi %add3A_141, %add3A_142 : i32
    %dma_start3A_144 = arith.constant 50 : i32
    %dma_start3A_145 = arith.constant 0 : i32
    %dma_start3A_146 = tpu.memref_slice %arg7[%dma_start3A_144, %dma_start3A_145] : memref<200x64xf32, #tpu.memory_space<vmem>> -> memref<50x64xf32, #tpu.memory_space<vmem>>
    %dma_start3A_147 = arith.constant 0 : i32
    %dma_start3A_148 = arith.constant 0 : i32
    %dma_start3A_149 = tpu.memref_slice %arg4[%add3A_143, %dma_start3A_147, %dma_start3A_148] : memref<4096x50x64xf32, #tpu.memory_space<hbm>> -> memref<1x50x64xf32, #tpu.memory_space<hbm>>
    %dma_start3A_150 = tpu.memref_squeeze %dma_start3A_149 : memref<1x50x64xf32, #tpu.memory_space<hbm>> -> memref<50x64xf32, #tpu.memory_space<hbm>>
    %dma_start3A_151 = arith.constant 0 : i32
    %dma_start3A_152 = arith.constant 0 : i32
    %dma_start3A_153 = tpu.memref_slice %arg4[%add3A_143, %dma_start3A_151, %dma_start3A_152] : memref<4096x50x64xf32, #tpu.memory_space<hbm>> -> memref<1x50x64xf32, #tpu.memory_space<hbm>>
    %dma_start3A_154 = tpu.memref_squeeze %dma_start3A_153 : memref<1x50x64xf32, #tpu.memory_space<hbm>> -> memref<50x64xf32, #tpu.memory_space<hbm>>
    %dma_start3A_155 = arith.constant 50 : i32
    %dma_start3A_156 = arith.constant 0 : i32
    %dma_start3A_157 = tpu.memref_slice %arg7[%dma_start3A_155, %dma_start3A_156] : memref<200x64xf32, #tpu.memory_space<vmem>> -> memref<50x64xf32, #tpu.memory_space<vmem>>
    tpu.enqueue_dma source(%dma_start3A_157 : memref<50x64xf32, #tpu.memory_space<vmem>>) target(%dma_start3A_154 : memref<50x64xf32, #tpu.memory_space<hbm>>) target_semaphore(%arg23 : memref<!tpu.dma_semaphore, #tpu.memory_space<semaphore_mem>>)
    %add3A_158 = arith.constant 4 : i32
    %add3A_159 = arith.addi %mul3A_2, %add3A_158 : i32
    %add3A_160 = arith.constant 2 : i32
    %add3A_161 = arith.addi %add3A_159, %add3A_160 : i32
    %dma_start3A_162 = arith.constant 100 : i32
    %dma_start3A_163 = arith.constant 0 : i32
    %dma_start3A_164 = tpu.memref_slice %arg7[%dma_start3A_162, %dma_start3A_163] : memref<200x64xf32, #tpu.memory_space<vmem>> -> memref<50x64xf32, #tpu.memory_space<vmem>>
    %dma_start3A_165 = arith.constant 0 : i32
    %dma_start3A_166 = arith.constant 0 : i32
    %dma_start3A_167 = tpu.memref_slice %arg4[%add3A_161, %dma_start3A_165, %dma_start3A_166] : memref<4096x50x64xf32, #tpu.memory_space<hbm>> -> memref<1x50x64xf32, #tpu.memory_space<hbm>>
    %dma_start3A_168 = tpu.memref_squeeze %dma_start3A_167 : memref<1x50x64xf32, #tpu.memory_space<hbm>> -> memref<50x64xf32, #tpu.memory_space<hbm>>
    %dma_start3A_169 = arith.constant 0 : i32
    %dma_start3A_170 = arith.constant 0 : i32
    %dma_start3A_171 = tpu.memref_slice %arg4[%add3A_161, %dma_start3A_169, %dma_start3A_170] : memref<4096x50x64xf32, #tpu.memory_space<hbm>> -> memref<1x50x64xf32, #tpu.memory_space<hbm>>
    %dma_start3A_172 = tpu.memref_squeeze %dma_start3A_171 : memref<1x50x64xf32, #tpu.memory_space<hbm>> -> memref<50x64xf32, #tpu.memory_space<hbm>>
    %dma_start3A_173 = arith.constant 100 : i32
    %dma_start3A_174 = arith.constant 0 : i32
    %dma_start3A_175 = tpu.memref_slice %arg7[%dma_start3A_173, %dma_start3A_174] : memref<200x64xf32, #tpu.memory_space<vmem>> -> memref<50x64xf32, #tpu.memory_space<vmem>>
    tpu.enqueue_dma source(%dma_start3A_175 : memref<50x64xf32, #tpu.memory_space<vmem>>) target(%dma_start3A_172 : memref<50x64xf32, #tpu.memory_space<hbm>>) target_semaphore(%arg23 : memref<!tpu.dma_semaphore, #tpu.memory_space<semaphore_mem>>)
    %add3A_176 = arith.constant 4 : i32
    %add3A_177 = arith.addi %mul3A_2, %add3A_176 : i32
    %add3A_178 = arith.constant 3 : i32
    %add3A_179 = arith.addi %add3A_177, %add3A_178 : i32
    %dma_start3A_180 = arith.constant 150 : i32
    %dma_start3A_181 = arith.constant 0 : i32
    %dma_start3A_182 = tpu.memref_slice %arg7[%dma_start3A_180, %dma_start3A_181] : memref<200x64xf32, #tpu.memory_space<vmem>> -> memref<50x64xf32, #tpu.memory_space<vmem>>
    %dma_start3A_183 = arith.constant 0 : i32
    %dma_start3A_184 = arith.constant 0 : i32
    %dma_start3A_185 = tpu.memref_slice %arg4[%add3A_179, %dma_start3A_183, %dma_start3A_184] : memref<4096x50x64xf32, #tpu.memory_space<hbm>> -> memref<1x50x64xf32, #tpu.memory_space<hbm>>
    %dma_start3A_186 = tpu.memref_squeeze %dma_start3A_185 : memref<1x50x64xf32, #tpu.memory_space<hbm>> -> memref<50x64xf32, #tpu.memory_space<hbm>>
    %dma_start3A_187 = arith.constant 0 : i32
    %dma_start3A_188 = arith.constant 0 : i32
    %dma_start3A_189 = tpu.memref_slice %arg4[%add3A_179, %dma_start3A_187, %dma_start3A_188] : memref<4096x50x64xf32, #tpu.memory_space<hbm>> -> memref<1x50x64xf32, #tpu.memory_space<hbm>>
    %dma_start3A_190 = tpu.memref_squeeze %dma_start3A_189 : memref<1x50x64xf32, #tpu.memory_space<hbm>> -> memref<50x64xf32, #tpu.memory_space<hbm>>
    %dma_start3A_191 = arith.constant 150 : i32
    %dma_start3A_192 = arith.constant 0 : i32
    %dma_start3A_193 = tpu.memref_slice %arg7[%dma_start3A_191, %dma_start3A_192] : memref<200x64xf32, #tpu.memory_space<vmem>> -> memref<50x64xf32, #tpu.memory_space<vmem>>
    tpu.enqueue_dma source(%dma_start3A_193 : memref<50x64xf32, #tpu.memory_space<vmem>>) target(%dma_start3A_190 : memref<50x64xf32, #tpu.memory_space<hbm>>) target_semaphore(%arg23 : memref<!tpu.dma_semaphore, #tpu.memory_space<semaphore_mem>>)
    %dma_start3A_194 = arith.constant 5 : i32
    %dma_start3A_195 = arith.constant 0 : i32
    %dma_start3A_196 = tpu.memref_slice %arg5[%dma_start3A_194, %dma_start3A_195] : memref<32x200xi32, #tpu.memory_space<vmem>> -> memref<1x200xi32, #tpu.memory_space<vmem>>
    %dma_start3A_197 = tpu.memref_squeeze %dma_start3A_196 : memref<1x200xi32, #tpu.memory_space<vmem>> -> memref<200xi32, #tpu.memory_space<vmem>>
    %dma_start3A_198 = arith.constant 0 : i32
    %dma_start3A_199 = arith.constant 0 : i32
    %dma_start3A_200 = tpu.memref_slice %arg2[%dma_start3A_198, %dma_start3A_199] : memref<100000x64xf32, #tpu.memory_space<hbm>> -> memref<100000x64xf32, #tpu.memory_space<hbm>>
    tpu.enqueue_indirect_dma source(%dma_start3A_200 : memref<100000x64xf32, #tpu.memory_space<hbm>>) target(%arg11 : memref<200x64xf32, #tpu.memory_space<vmem>>) offsets(%dma_start3A_197 : memref<200xi32, #tpu.memory_space<vmem>>) semaphore(%arg19 : memref<!tpu.dma_semaphore, #tpu.memory_space<semaphore_mem>>)
    %dma_wait3A_201 = arith.constant 2 : i32
    %dma_wait3A_202 = arith.constant 0 : i32
    %dma_wait3A_203 = tpu.memref_slice %arg5[%dma_wait3A_201, %dma_wait3A_202] : memref<32x200xi32, #tpu.memory_space<vmem>> -> memref<1x200xi32, #tpu.memory_space<vmem>>
    %dma_wait3A_204 = tpu.memref_squeeze %dma_wait3A_203 : memref<1x200xi32, #tpu.memory_space<vmem>> -> memref<200xi32, #tpu.memory_space<vmem>>
    %dma_wait3A_205 = arith.constant 0 : i32
    %dma_wait3A_206 = arith.constant 0 : i32
    %dma_wait3A_207 = tpu.memref_slice %arg2[%dma_wait3A_205, %dma_wait3A_206] : memref<100000x64xf32, #tpu.memory_space<hbm>> -> memref<100000x64xf32, #tpu.memory_space<hbm>>
    tpu.wait_indirect_dma semaphore(%arg16 : memref<!tpu.dma_semaphore, #tpu.memory_space<semaphore_mem>>) src(%dma_wait3A_207 : memref<100000x64xf32, #tpu.memory_space<hbm>>) dst(%arg8 : memref<200x64xf32, #tpu.memory_space<vmem>>)
    %add3A_208 = arith.constant 8 : i32
    %add3A_209 = arith.addi %mul3A_2, %add3A_208 : i32
    %add3A_210 = arith.constant 0 : i32
    %add3A_211 = arith.addi %add3A_209, %add3A_210 : i32
    %dma_start3A_212 = arith.constant 0 : i32
    %dma_start3A_213 = arith.constant 0 : i32
    %dma_start3A_214 = tpu.memref_slice %arg8[%dma_start3A_212, %dma_start3A_213] : memref<200x64xf32, #tpu.memory_space<vmem>> -> memref<50x64xf32, #tpu.memory_space<vmem>>
    %dma_start3A_215 = arith.constant 0 : i32
    %dma_start3A_216 = arith.constant 0 : i32
    %dma_start3A_217 = tpu.memref_slice %arg4[%add3A_211, %dma_start3A_215, %dma_start3A_216] : memref<4096x50x64xf32, #tpu.memory_space<hbm>> -> memref<1x50x64xf32, #tpu.memory_space<hbm>>
    %dma_start3A_218 = tpu.memref_squeeze %dma_start3A_217 : memref<1x50x64xf32, #tpu.memory_space<hbm>> -> memref<50x64xf32, #tpu.memory_space<hbm>>
    %dma_start3A_219 = arith.constant 0 : i32
    %dma_start3A_220 = arith.constant 0 : i32
    %dma_start3A_221 = tpu.memref_slice %arg4[%add3A_211, %dma_start3A_219, %dma_start3A_220] : memref<4096x50x64xf32, #tpu.memory_space<hbm>> -> memref<1x50x64xf32, #tpu.memory_space<hbm>>
    %dma_start3A_222 = tpu.memref_squeeze %dma_start3A_221 : memref<1x50x64xf32, #tpu.memory_space<hbm>> -> memref<50x64xf32, #tpu.memory_space<hbm>>
    %dma_start3A_223 = arith.constant 0 : i32
    %dma_start3A_224 = arith.constant 0 : i32
    %dma_start3A_225 = tpu.memref_slice %arg8[%dma_start3A_223, %dma_start3A_224] : memref<200x64xf32, #tpu.memory_space<vmem>> -> memref<50x64xf32, #tpu.memory_space<vmem>>
    tpu.enqueue_dma source(%dma_start3A_225 : memref<50x64xf32, #tpu.memory_space<vmem>>) target(%dma_start3A_222 : memref<50x64xf32, #tpu.memory_space<hbm>>) target_semaphore(%arg24 : memref<!tpu.dma_semaphore, #tpu.memory_space<semaphore_mem>>)
    %add3A_226 = arith.constant 8 : i32
    %add3A_227 = arith.addi %mul3A_2, %add3A_226 : i32
    %add3A_228 = arith.constant 1 : i32
    %add3A_229 = arith.addi %add3A_227, %add3A_228 : i32
    %dma_start3A_230 = arith.constant 50 : i32
    %dma_start3A_231 = arith.constant 0 : i32
    %dma_start3A_232 = tpu.memref_slice %arg8[%dma_start3A_230, %dma_start3A_231] : memref<200x64xf32, #tpu.memory_space<vmem>> -> memref<50x64xf32, #tpu.memory_space<vmem>>
    %dma_start3A_233 = arith.constant 0 : i32
    %dma_start3A_234 = arith.constant 0 : i32
    %dma_start3A_235 = tpu.memref_slice %arg4[%add3A_229, %dma_start3A_233, %dma_start3A_234] : memref<4096x50x64xf32, #tpu.memory_space<hbm>> -> memref<1x50x64xf32, #tpu.memory_space<hbm>>
    %dma_start3A_236 = tpu.memref_squeeze %dma_start3A_235 : memref<1x50x64xf32, #tpu.memory_space<hbm>> -> memref<50x64xf32, #tpu.memory_space<hbm>>
    %dma_start3A_237 = arith.constant 0 : i32
    %dma_start3A_238 = arith.constant 0 : i32
    %dma_start3A_239 = tpu.memref_slice %arg4[%add3A_229, %dma_start3A_237, %dma_start3A_238] : memref<4096x50x64xf32, #tpu.memory_space<hbm>> -> memref<1x50x64xf32, #tpu.memory_space<hbm>>
    %dma_start3A_240 = tpu.memref_squeeze %dma_start3A_239 : memref<1x50x64xf32, #tpu.memory_space<hbm>> -> memref<50x64xf32, #tpu.memory_space<hbm>>
    %dma_start3A_241 = arith.constant 50 : i32
    %dma_start3A_242 = arith.constant 0 : i32
    %dma_start3A_243 = tpu.memref_slice %arg8[%dma_start3A_241, %dma_start3A_242] : memref<200x64xf32, #tpu.memory_space<vmem>> -> memref<50x64xf32, #tpu.memory_space<vmem>>
    tpu.enqueue_dma source(%dma_start3A_243 : memref<50x64xf32, #tpu.memory_space<vmem>>) target(%dma_start3A_240 : memref<50x64xf32, #tpu.memory_space<hbm>>) target_semaphore(%arg24 : memref<!tpu.dma_semaphore, #tpu.memory_space<semaphore_mem>>)
    %add3A_244 = arith.constant 8 : i32
    %add3A_245 = arith.addi %mul3A_2, %add3A_244 : i32
    %add3A_246 = arith.constant 2 : i32
    %add3A_247 = arith.addi %add3A_245, %add3A_246 : i32
    %dma_start3A_248 = arith.constant 100 : i32
    %dma_start3A_249 = arith.constant 0 : i32
    %dma_start3A_250 = tpu.memref_slice %arg8[%dma_start3A_248, %dma_start3A_249] : memref<200x64xf32, #tpu.memory_space<vmem>> -> memref<50x64xf32, #tpu.memory_space<vmem>>
    %dma_start3A_251 = arith.constant 0 : i32
    %dma_start3A_252 = arith.constant 0 : i32
    %dma_start3A_253 = tpu.memref_slice %arg4[%add3A_247, %dma_start3A_251, %dma_start3A_252] : memref<4096x50x64xf32, #tpu.memory_space<hbm>> -> memref<1x50x64xf32, #tpu.memory_space<hbm>>
    %dma_start3A_254 = tpu.memref_squeeze %dma_start3A_253 : memref<1x50x64xf32, #tpu.memory_space<hbm>> -> memref<50x64xf32, #tpu.memory_space<hbm>>
    %dma_start3A_255 = arith.constant 0 : i32
    %dma_start3A_256 = arith.constant 0 : i32
    %dma_start3A_257 = tpu.memref_slice %arg4[%add3A_247, %dma_start3A_255, %dma_start3A_256] : memref<4096x50x64xf32, #tpu.memory_space<hbm>> -> memref<1x50x64xf32, #tpu.memory_space<hbm>>
    %dma_start3A_258 = tpu.memref_squeeze %dma_start3A_257 : memref<1x50x64xf32, #tpu.memory_space<hbm>> -> memref<50x64xf32, #tpu.memory_space<hbm>>
    %dma_start3A_259 = arith.constant 100 : i32
    %dma_start3A_260 = arith.constant 0 : i32
    %dma_start3A_261 = tpu.memref_slice %arg8[%dma_start3A_259, %dma_start3A_260] : memref<200x64xf32, #tpu.memory_space<vmem>> -> memref<50x64xf32, #tpu.memory_space<vmem>>
    tpu.enqueue_dma source(%dma_start3A_261 : memref<50x64xf32, #tpu.memory_space<vmem>>) target(%dma_start3A_258 : memref<50x64xf32, #tpu.memory_space<hbm>>) target_semaphore(%arg24 : memref<!tpu.dma_semaphore, #tpu.memory_space<semaphore_mem>>)
    %add3A_262 = arith.constant 8 : i32
    %add3A_263 = arith.addi %mul3A_2, %add3A_262 : i32
    %add3A_264 = arith.constant 3 : i32
    %add3A_265 = arith.addi %add3A_263, %add3A_264 : i32
    %dma_start3A_266 = arith.constant 150 : i32
    %dma_start3A_267 = arith.constant 0 : i32
    %dma_start3A_268 = tpu.memref_slice %arg8[%dma_start3A_266, %dma_start3A_267] : memref<200x64xf32, #tpu.memory_space<vmem>> -> memref<50x64xf32, #tpu.memory_space<vmem>>
    %dma_start3A_269 = arith.constant 0 : i32
    %dma_start3A_270 = arith.constant 0 : i32
    %dma_start3A_271 = tpu.memref_slice %arg4[%add3A_265, %dma_start3A_269, %dma_start3A_270] : memref<4096x50x64xf32, #tpu.memory_space<hbm>> -> memref<1x50x64xf32, #tpu.memory_space<hbm>>
    %dma_start3A_272 = tpu.memref_squeeze %dma_start3A_271 : memref<1x50x64xf32, #tpu.memory_space<hbm>> -> memref<50x64xf32, #tpu.memory_space<hbm>>
    %dma_start3A_273 = arith.constant 0 : i32
    %dma_start3A_274 = arith.constant 0 : i32
    %dma_start3A_275 = tpu.memref_slice %arg4[%add3A_265, %dma_start3A_273, %dma_start3A_274] : memref<4096x50x64xf32, #tpu.memory_space<hbm>> -> memref<1x50x64xf32, #tpu.memory_space<hbm>>
    %dma_start3A_276 = tpu.memref_squeeze %dma_start3A_275 : memref<1x50x64xf32, #tpu.memory_space<hbm>> -> memref<50x64xf32, #tpu.memory_space<hbm>>
    %dma_start3A_277 = arith.constant 150 : i32
    %dma_start3A_278 = arith.constant 0 : i32
    %dma_start3A_279 = tpu.memref_slice %arg8[%dma_start3A_277, %dma_start3A_278] : memref<200x64xf32, #tpu.memory_space<vmem>> -> memref<50x64xf32, #tpu.memory_space<vmem>>
    tpu.enqueue_dma source(%dma_start3A_279 : memref<50x64xf32, #tpu.memory_space<vmem>>) target(%dma_start3A_276 : memref<50x64xf32, #tpu.memory_space<hbm>>) target_semaphore(%arg24 : memref<!tpu.dma_semaphore, #tpu.memory_space<semaphore_mem>>)
    %dma_start3A_280 = arith.constant 6 : i32
    %dma_start3A_281 = arith.constant 0 : i32
    %dma_start3A_282 = tpu.memref_slice %arg5[%dma_start3A_280, %dma_start3A_281] : memref<32x200xi32, #tpu.memory_space<vmem>> -> memref<1x200xi32, #tpu.memory_space<vmem>>
    %dma_start3A_283 = tpu.memref_squeeze %dma_start3A_282 : memref<1x200xi32, #tpu.memory_space<vmem>> -> memref<200xi32, #tpu.memory_space<vmem>>
    %dma_start3A_284 = arith.constant 0 : i32
    %dma_start3A_285 = arith.constant 0 : i32
    %dma_start3A_286 = tpu.memref_slice %arg2[%dma_start3A_284, %dma_start3A_285] : memref<100000x64xf32, #tpu.memory_space<hbm>> -> memref<100000x64xf32, #tpu.memory_space<hbm>>
    tpu.enqueue_indirect_dma source(%dma_start3A_286 : memref<100000x64xf32, #tpu.memory_space<hbm>>) target(%arg12 : memref<200x64xf32, #tpu.memory_space<vmem>>) offsets(%dma_start3A_283 : memref<200xi32, #tpu.memory_space<vmem>>) semaphore(%arg20 : memref<!tpu.dma_semaphore, #tpu.memory_space<semaphore_mem>>)
    %dma_wait3A_287 = arith.constant 3 : i32
    %dma_wait3A_288 = arith.constant 0 : i32
    %dma_wait3A_289 = tpu.memref_slice %arg5[%dma_wait3A_287, %dma_wait3A_288] : memref<32x200xi32, #tpu.memory_space<vmem>> -> memref<1x200xi32, #tpu.memory_space<vmem>>
    %dma_wait3A_290 = tpu.memref_squeeze %dma_wait3A_289 : memref<1x200xi32, #tpu.memory_space<vmem>> -> memref<200xi32, #tpu.memory_space<vmem>>
    %dma_wait3A_291 = arith.constant 0 : i32
    %dma_wait3A_292 = arith.constant 0 : i32
    %dma_wait3A_293 = tpu.memref_slice %arg2[%dma_wait3A_291, %dma_wait3A_292] : memref<100000x64xf32, #tpu.memory_space<hbm>> -> memref<100000x64xf32, #tpu.memory_space<hbm>>
    tpu.wait_indirect_dma semaphore(%arg17 : memref<!tpu.dma_semaphore, #tpu.memory_space<semaphore_mem>>) src(%dma_wait3A_293 : memref<100000x64xf32, #tpu.memory_space<hbm>>) dst(%arg9 : memref<200x64xf32, #tpu.memory_space<vmem>>)
    %add3A_294 = arith.constant 12 : i32
    %add3A_295 = arith.addi %mul3A_2, %add3A_294 : i32
    %add3A_296 = arith.constant 0 : i32
    %add3A_297 = arith.addi %add3A_295, %add3A_296 : i32
    %dma_start3A_298 = arith.constant 0 : i32
    %dma_start3A_299 = arith.constant 0 : i32
    %dma_start3A_300 = tpu.memref_slice %arg9[%dma_start3A_298, %dma_start3A_299] : memref<200x64xf32, #tpu.memory_space<vmem>> -> memref<50x64xf32, #tpu.memory_space<vmem>>
    %dma_start3A_301 = arith.constant 0 : i32
    %dma_start3A_302 = arith.constant 0 : i32
    %dma_start3A_303 = tpu.memref_slice %arg4[%add3A_297, %dma_start3A_301, %dma_start3A_302] : memref<4096x50x64xf32, #tpu.memory_space<hbm>> -> memref<1x50x64xf32, #tpu.memory_space<hbm>>
    %dma_start3A_304 = tpu.memref_squeeze %dma_start3A_303 : memref<1x50x64xf32, #tpu.memory_space<hbm>> -> memref<50x64xf32, #tpu.memory_space<hbm>>
    %dma_start3A_305 = arith.constant 0 : i32
    %dma_start3A_306 = arith.constant 0 : i32
    %dma_start3A_307 = tpu.memref_slice %arg4[%add3A_297, %dma_start3A_305, %dma_start3A_306] : memref<4096x50x64xf32, #tpu.memory_space<hbm>> -> memref<1x50x64xf32, #tpu.memory_space<hbm>>
    %dma_start3A_308 = tpu.memref_squeeze %dma_start3A_307 : memref<1x50x64xf32, #tpu.memory_space<hbm>> -> memref<50x64xf32, #tpu.memory_space<hbm>>
    %dma_start3A_309 = arith.constant 0 : i32
    %dma_start3A_310 = arith.constant 0 : i32
    %dma_start3A_311 = tpu.memref_slice %arg9[%dma_start3A_309, %dma_start3A_310] : memref<200x64xf32, #tpu.memory_space<vmem>> -> memref<50x64xf32, #tpu.memory_space<vmem>>
    tpu.enqueue_dma source(%dma_start3A_311 : memref<50x64xf32, #tpu.memory_space<vmem>>) target(%dma_start3A_308 : memref<50x64xf32, #tpu.memory_space<hbm>>) target_semaphore(%arg25 : memref<!tpu.dma_semaphore, #tpu.memory_space<semaphore_mem>>)
    %add3A_312 = arith.constant 12 : i32
    %add3A_313 = arith.addi %mul3A_2, %add3A_312 : i32
    %add3A_314 = arith.constant 1 : i32
    %add3A_315 = arith.addi %add3A_313, %add3A_314 : i32
    %dma_start3A_316 = arith.constant 50 : i32
    %dma_start3A_317 = arith.constant 0 : i32
    %dma_start3A_318 = tpu.memref_slice %arg9[%dma_start3A_316, %dma_start3A_317] : memref<200x64xf32, #tpu.memory_space<vmem>> -> memref<50x64xf32, #tpu.memory_space<vmem>>
    %dma_start3A_319 = arith.constant 0 : i32
    %dma_start3A_320 = arith.constant 0 : i32
    %dma_start3A_321 = tpu.memref_slice %arg4[%add3A_315, %dma_start3A_319, %dma_start3A_320] : memref<4096x50x64xf32, #tpu.memory_space<hbm>> -> memref<1x50x64xf32, #tpu.memory_space<hbm>>
    %dma_start3A_322 = tpu.memref_squeeze %dma_start3A_321 : memref<1x50x64xf32, #tpu.memory_space<hbm>> -> memref<50x64xf32, #tpu.memory_space<hbm>>
    %dma_start3A_323 = arith.constant 0 : i32
    %dma_start3A_324 = arith.constant 0 : i32
    %dma_start3A_325 = tpu.memref_slice %arg4[%add3A_315, %dma_start3A_323, %dma_start3A_324] : memref<4096x50x64xf32, #tpu.memory_space<hbm>> -> memref<1x50x64xf32, #tpu.memory_space<hbm>>
    %dma_start3A_326 = tpu.memref_squeeze %dma_start3A_325 : memref<1x50x64xf32, #tpu.memory_space<hbm>> -> memref<50x64xf32, #tpu.memory_space<hbm>>
    %dma_start3A_327 = arith.constant 50 : i32
    %dma_start3A_328 = arith.constant 0 : i32
    %dma_start3A_329 = tpu.memref_slice %arg9[%dma_start3A_327, %dma_start3A_328] : memref<200x64xf32, #tpu.memory_space<vmem>> -> memref<50x64xf32, #tpu.memory_space<vmem>>
    tpu.enqueue_dma source(%dma_start3A_329 : memref<50x64xf32, #tpu.memory_space<vmem>>) target(%dma_start3A_326 : memref<50x64xf32, #tpu.memory_space<hbm>>) target_semaphore(%arg25 : memref<!tpu.dma_semaphore, #tpu.memory_space<semaphore_mem>>)
    %add3A_330 = arith.constant 12 : i32
    %add3A_331 = arith.addi %mul3A_2, %add3A_330 : i32
    %add3A_332 = arith.constant 2 : i32
    %add3A_333 = arith.addi %add3A_331, %add3A_332 : i32
    %dma_start3A_334 = arith.constant 100 : i32
    %dma_start3A_335 = arith.constant 0 : i32
    %dma_start3A_336 = tpu.memref_slice %arg9[%dma_start3A_334, %dma_start3A_335] : memref<200x64xf32, #tpu.memory_space<vmem>> -> memref<50x64xf32, #tpu.memory_space<vmem>>
    %dma_start3A_337 = arith.constant 0 : i32
    %dma_start3A_338 = arith.constant 0 : i32
    %dma_start3A_339 = tpu.memref_slice %arg4[%add3A_333, %dma_start3A_337, %dma_start3A_338] : memref<4096x50x64xf32, #tpu.memory_space<hbm>> -> memref<1x50x64xf32, #tpu.memory_space<hbm>>
    %dma_start3A_340 = tpu.memref_squeeze %dma_start3A_339 : memref<1x50x64xf32, #tpu.memory_space<hbm>> -> memref<50x64xf32, #tpu.memory_space<hbm>>
    %dma_start3A_341 = arith.constant 0 : i32
    %dma_start3A_342 = arith.constant 0 : i32
    %dma_start3A_343 = tpu.memref_slice %arg4[%add3A_333, %dma_start3A_341, %dma_start3A_342] : memref<4096x50x64xf32, #tpu.memory_space<hbm>> -> memref<1x50x64xf32, #tpu.memory_space<hbm>>
    %dma_start3A_344 = tpu.memref_squeeze %dma_start3A_343 : memref<1x50x64xf32, #tpu.memory_space<hbm>> -> memref<50x64xf32, #tpu.memory_space<hbm>>
    %dma_start3A_345 = arith.constant 100 : i32
    %dma_start3A_346 = arith.constant 0 : i32
    %dma_start3A_347 = tpu.memref_slice %arg9[%dma_start3A_345, %dma_start3A_346] : memref<200x64xf32, #tpu.memory_space<vmem>> -> memref<50x64xf32, #tpu.memory_space<vmem>>
    tpu.enqueue_dma source(%dma_start3A_347 : memref<50x64xf32, #tpu.memory_space<vmem>>) target(%dma_start3A_344 : memref<50x64xf32, #tpu.memory_space<hbm>>) target_semaphore(%arg25 : memref<!tpu.dma_semaphore, #tpu.memory_space<semaphore_mem>>)
    %add3A_348 = arith.constant 12 : i32
    %add3A_349 = arith.addi %mul3A_2, %add3A_348 : i32
    %add3A_350 = arith.constant 3 : i32
    %add3A_351 = arith.addi %add3A_349, %add3A_350 : i32
    %dma_start3A_352 = arith.constant 150 : i32
    %dma_start3A_353 = arith.constant 0 : i32
    %dma_start3A_354 = tpu.memref_slice %arg9[%dma_start3A_352, %dma_start3A_353] : memref<200x64xf32, #tpu.memory_space<vmem>> -> memref<50x64xf32, #tpu.memory_space<vmem>>
    %dma_start3A_355 = arith.constant 0 : i32
    %dma_start3A_356 = arith.constant 0 : i32
    %dma_start3A_357 = tpu.memref_slice %arg4[%add3A_351, %dma_start3A_355, %dma_start3A_356] : memref<4096x50x64xf32, #tpu.memory_space<hbm>> -> memref<1x50x64xf32, #tpu.memory_space<hbm>>
    %dma_start3A_358 = tpu.memref_squeeze %dma_start3A_357 : memref<1x50x64xf32, #tpu.memory_space<hbm>> -> memref<50x64xf32, #tpu.memory_space<hbm>>
    %dma_start3A_359 = arith.constant 0 : i32
    %dma_start3A_360 = arith.constant 0 : i32
    %dma_start3A_361 = tpu.memref_slice %arg4[%add3A_351, %dma_start3A_359, %dma_start3A_360] : memref<4096x50x64xf32, #tpu.memory_space<hbm>> -> memref<1x50x64xf32, #tpu.memory_space<hbm>>
    %dma_start3A_362 = tpu.memref_squeeze %dma_start3A_361 : memref<1x50x64xf32, #tpu.memory_space<hbm>> -> memref<50x64xf32, #tpu.memory_space<hbm>>
    %dma_start3A_363 = arith.constant 150 : i32
    %dma_start3A_364 = arith.constant 0 : i32
    %dma_start3A_365 = tpu.memref_slice %arg9[%dma_start3A_363, %dma_start3A_364] : memref<200x64xf32, #tpu.memory_space<vmem>> -> memref<50x64xf32, #tpu.memory_space<vmem>>
    tpu.enqueue_dma source(%dma_start3A_365 : memref<50x64xf32, #tpu.memory_space<vmem>>) target(%dma_start3A_362 : memref<50x64xf32, #tpu.memory_space<hbm>>) target_semaphore(%arg25 : memref<!tpu.dma_semaphore, #tpu.memory_space<semaphore_mem>>)
    %dma_start3A_366 = arith.constant 7 : i32
    %dma_start3A_367 = arith.constant 0 : i32
    %dma_start3A_368 = tpu.memref_slice %arg5[%dma_start3A_366, %dma_start3A_367] : memref<32x200xi32, #tpu.memory_space<vmem>> -> memref<1x200xi32, #tpu.memory_space<vmem>>
    %dma_start3A_369 = tpu.memref_squeeze %dma_start3A_368 : memref<1x200xi32, #tpu.memory_space<vmem>> -> memref<200xi32, #tpu.memory_space<vmem>>
    %dma_start3A_370 = arith.constant 0 : i32
    %dma_start3A_371 = arith.constant 0 : i32
    %dma_start3A_372 = tpu.memref_slice %arg2[%dma_start3A_370, %dma_start3A_371] : memref<100000x64xf32, #tpu.memory_space<hbm>> -> memref<100000x64xf32, #tpu.memory_space<hbm>>
    tpu.enqueue_indirect_dma source(%dma_start3A_372 : memref<100000x64xf32, #tpu.memory_space<hbm>>) target(%arg13 : memref<200x64xf32, #tpu.memory_space<vmem>>) offsets(%dma_start3A_369 : memref<200xi32, #tpu.memory_space<vmem>>) semaphore(%arg21 : memref<!tpu.dma_semaphore, #tpu.memory_space<semaphore_mem>>)
    %dma_wait3A_373 = arith.constant 4 : i32
    %dma_wait3A_374 = arith.constant 0 : i32
    %dma_wait3A_375 = tpu.memref_slice %arg5[%dma_wait3A_373, %dma_wait3A_374] : memref<32x200xi32, #tpu.memory_space<vmem>> -> memref<1x200xi32, #tpu.memory_space<vmem>>
    %dma_wait3A_376 = tpu.memref_squeeze %dma_wait3A_375 : memref<1x200xi32, #tpu.memory_space<vmem>> -> memref<200xi32, #tpu.memory_space<vmem>>
    %dma_wait3A_377 = arith.constant 0 : i32
    %dma_wait3A_378 = arith.constant 0 : i32
    %dma_wait3A_379 = tpu.memref_slice %arg2[%dma_wait3A_377, %dma_wait3A_378] : memref<100000x64xf32, #tpu.memory_space<hbm>> -> memref<100000x64xf32, #tpu.memory_space<hbm>>
    tpu.wait_indirect_dma semaphore(%arg18 : memref<!tpu.dma_semaphore, #tpu.memory_space<semaphore_mem>>) src(%dma_wait3A_379 : memref<100000x64xf32, #tpu.memory_space<hbm>>) dst(%arg10 : memref<200x64xf32, #tpu.memory_space<vmem>>)
    %add3A_380 = arith.constant 16 : i32
    %add3A_381 = arith.addi %mul3A_2, %add3A_380 : i32
    %add3A_382 = arith.constant 0 : i32
    %add3A_383 = arith.addi %add3A_381, %add3A_382 : i32
    %dma_start3A_384 = arith.constant 0 : i32
    %dma_start3A_385 = arith.constant 0 : i32
    %dma_start3A_386 = tpu.memref_slice %arg10[%dma_start3A_384, %dma_start3A_385] : memref<200x64xf32, #tpu.memory_space<vmem>> -> memref<50x64xf32, #tpu.memory_space<vmem>>
    %dma_start3A_387 = arith.constant 0 : i32
    %dma_start3A_388 = arith.constant 0 : i32
    %dma_start3A_389 = tpu.memref_slice %arg4[%add3A_383, %dma_start3A_387, %dma_start3A_388] : memref<4096x50x64xf32, #tpu.memory_space<hbm>> -> memref<1x50x64xf32, #tpu.memory_space<hbm>>
    %dma_start3A_390 = tpu.memref_squeeze %dma_start3A_389 : memref<1x50x64xf32, #tpu.memory_space<hbm>> -> memref<50x64xf32, #tpu.memory_space<hbm>>
    %dma_start3A_391 = arith.constant 0 : i32
    %dma_start3A_392 = arith.constant 0 : i32
    %dma_start3A_393 = tpu.memref_slice %arg4[%add3A_383, %dma_start3A_391, %dma_start3A_392] : memref<4096x50x64xf32, #tpu.memory_space<hbm>> -> memref<1x50x64xf32, #tpu.memory_space<hbm>>
    %dma_start3A_394 = tpu.memref_squeeze %dma_start3A_393 : memref<1x50x64xf32, #tpu.memory_space<hbm>> -> memref<50x64xf32, #tpu.memory_space<hbm>>
    %dma_start3A_395 = arith.constant 0 : i32
    %dma_start3A_396 = arith.constant 0 : i32
    %dma_start3A_397 = tpu.memref_slice %arg10[%dma_start3A_395, %dma_start3A_396] : memref<200x64xf32, #tpu.memory_space<vmem>> -> memref<50x64xf32, #tpu.memory_space<vmem>>
    tpu.enqueue_dma source(%dma_start3A_397 : memref<50x64xf32, #tpu.memory_space<vmem>>) target(%dma_start3A_394 : memref<50x64xf32, #tpu.memory_space<hbm>>) target_semaphore(%arg26 : memref<!tpu.dma_semaphore, #tpu.memory_space<semaphore_mem>>)
    %add3A_398 = arith.constant 16 : i32
    %add3A_399 = arith.addi %mul3A_2, %add3A_398 : i32
    %add3A_400 = arith.constant 1 : i32
    %add3A_401 = arith.addi %add3A_399, %add3A_400 : i32
    %dma_start3A_402 = arith.constant 50 : i32
    %dma_start3A_403 = arith.constant 0 : i32
    %dma_start3A_404 = tpu.memref_slice %arg10[%dma_start3A_402, %dma_start3A_403] : memref<200x64xf32, #tpu.memory_space<vmem>> -> memref<50x64xf32, #tpu.memory_space<vmem>>
    %dma_start3A_405 = arith.constant 0 : i32
    %dma_start3A_406 = arith.constant 0 : i32
    %dma_start3A_407 = tpu.memref_slice %arg4[%add3A_401, %dma_start3A_405, %dma_start3A_406] : memref<4096x50x64xf32, #tpu.memory_space<hbm>> -> memref<1x50x64xf32, #tpu.memory_space<hbm>>
    %dma_start3A_408 = tpu.memref_squeeze %dma_start3A_407 : memref<1x50x64xf32, #tpu.memory_space<hbm>> -> memref<50x64xf32, #tpu.memory_space<hbm>>
    %dma_start3A_409 = arith.constant 0 : i32
    %dma_start3A_410 = arith.constant 0 : i32
    %dma_start3A_411 = tpu.memref_slice %arg4[%add3A_401, %dma_start3A_409, %dma_start3A_410] : memref<4096x50x64xf32, #tpu.memory_space<hbm>> -> memref<1x50x64xf32, #tpu.memory_space<hbm>>
    %dma_start3A_412 = tpu.memref_squeeze %dma_start3A_411 : memref<1x50x64xf32, #tpu.memory_space<hbm>> -> memref<50x64xf32, #tpu.memory_space<hbm>>
    %dma_start3A_413 = arith.constant 50 : i32
    %dma_start3A_414 = arith.constant 0 : i32
    %dma_start3A_415 = tpu.memref_slice %arg10[%dma_start3A_413, %dma_start3A_414] : memref<200x64xf32, #tpu.memory_space<vmem>> -> memref<50x64xf32, #tpu.memory_space<vmem>>
    tpu.enqueue_dma source(%dma_start3A_415 : memref<50x64xf32, #tpu.memory_space<vmem>>) target(%dma_start3A_412 : memref<50x64xf32, #tpu.memory_space<hbm>>) target_semaphore(%arg26 : memref<!tpu.dma_semaphore, #tpu.memory_space<semaphore_mem>>)
    %add3A_416 = arith.constant 16 : i32
    %add3A_417 = arith.addi %mul3A_2, %add3A_416 : i32
    %add3A_418 = arith.constant 2 : i32
    %add3A_419 = arith.addi %add3A_417, %add3A_418 : i32
    %dma_start3A_420 = arith.constant 100 : i32
    %dma_start3A_421 = arith.constant 0 : i32
    %dma_start3A_422 = tpu.memref_slice %arg10[%dma_start3A_420, %dma_start3A_421] : memref<200x64xf32, #tpu.memory_space<vmem>> -> memref<50x64xf32, #tpu.memory_space<vmem>>
    %dma_start3A_423 = arith.constant 0 : i32
    %dma_start3A_424 = arith.constant 0 : i32
    %dma_start3A_425 = tpu.memref_slice %arg4[%add3A_419, %dma_start3A_423, %dma_start3A_424] : memref<4096x50x64xf32, #tpu.memory_space<hbm>> -> memref<1x50x64xf32, #tpu.memory_space<hbm>>
    %dma_start3A_426 = tpu.memref_squeeze %dma_start3A_425 : memref<1x50x64xf32, #tpu.memory_space<hbm>> -> memref<50x64xf32, #tpu.memory_space<hbm>>
    %dma_start3A_427 = arith.constant 0 : i32
    %dma_start3A_428 = arith.constant 0 : i32
    %dma_start3A_429 = tpu.memref_slice %arg4[%add3A_419, %dma_start3A_427, %dma_start3A_428] : memref<4096x50x64xf32, #tpu.memory_space<hbm>> -> memref<1x50x64xf32, #tpu.memory_space<hbm>>
    %dma_start3A_430 = tpu.memref_squeeze %dma_start3A_429 : memref<1x50x64xf32, #tpu.memory_space<hbm>> -> memref<50x64xf32, #tpu.memory_space<hbm>>
    %dma_start3A_431 = arith.constant 100 : i32
    %dma_start3A_432 = arith.constant 0 : i32
    %dma_start3A_433 = tpu.memref_slice %arg10[%dma_start3A_431, %dma_start3A_432] : memref<200x64xf32, #tpu.memory_space<vmem>> -> memref<50x64xf32, #tpu.memory_space<vmem>>
    tpu.enqueue_dma source(%dma_start3A_433 : memref<50x64xf32, #tpu.memory_space<vmem>>) target(%dma_start3A_430 : memref<50x64xf32, #tpu.memory_space<hbm>>) target_semaphore(%arg26 : memref<!tpu.dma_semaphore, #tpu.memory_space<semaphore_mem>>)
    %add3A_434 = arith.constant 16 : i32
    %add3A_435 = arith.addi %mul3A_2, %add3A_434 : i32
    %add3A_436 = arith.constant 3 : i32
    %add3A_437 = arith.addi %add3A_435, %add3A_436 : i32
    %dma_start3A_438 = arith.constant 150 : i32
    %dma_start3A_439 = arith.constant 0 : i32
    %dma_start3A_440 = tpu.memref_slice %arg10[%dma_start3A_438, %dma_start3A_439] : memref<200x64xf32, #tpu.memory_space<vmem>> -> memref<50x64xf32, #tpu.memory_space<vmem>>
    %dma_start3A_441 = arith.constant 0 : i32
    %dma_start3A_442 = arith.constant 0 : i32
    %dma_start3A_443 = tpu.memref_slice %arg4[%add3A_437, %dma_start3A_441, %dma_start3A_442] : memref<4096x50x64xf32, #tpu.memory_space<hbm>> -> memref<1x50x64xf32, #tpu.memory_space<hbm>>
    %dma_start3A_444 = tpu.memref_squeeze %dma_start3A_443 : memref<1x50x64xf32, #tpu.memory_space<hbm>> -> memref<50x64xf32, #tpu.memory_space<hbm>>
    %dma_start3A_445 = arith.constant 0 : i32
    %dma_start3A_446 = arith.constant 0 : i32
    %dma_start3A_447 = tpu.memref_slice %arg4[%add3A_437, %dma_start3A_445, %dma_start3A_446] : memref<4096x50x64xf32, #tpu.memory_space<hbm>> -> memref<1x50x64xf32, #tpu.memory_space<hbm>>
    %dma_start3A_448 = tpu.memref_squeeze %dma_start3A_447 : memref<1x50x64xf32, #tpu.memory_space<hbm>> -> memref<50x64xf32, #tpu.memory_space<hbm>>
    %dma_start3A_449 = arith.constant 150 : i32
    %dma_start3A_450 = arith.constant 0 : i32
    %dma_start3A_451 = tpu.memref_slice %arg10[%dma_start3A_449, %dma_start3A_450] : memref<200x64xf32, #tpu.memory_space<vmem>> -> memref<50x64xf32, #tpu.memory_space<vmem>>
    tpu.enqueue_dma source(%dma_start3A_451 : memref<50x64xf32, #tpu.memory_space<vmem>>) target(%dma_start3A_448 : memref<50x64xf32, #tpu.memory_space<hbm>>) target_semaphore(%arg26 : memref<!tpu.dma_semaphore, #tpu.memory_space<semaphore_mem>>)
    %add3A_452 = arith.constant 0 : i32
    %add3A_453 = arith.addi %mul3A_2, %add3A_452 : i32
    %add3A_454 = arith.constant 0 : i32
    %add3A_455 = arith.addi %add3A_453, %add3A_454 : i32
    %dma_wait3A_456 = arith.constant 0 : i32
    %dma_wait3A_457 = arith.constant 0 : i32
    %dma_wait3A_458 = tpu.memref_slice %arg6[%dma_wait3A_456, %dma_wait3A_457] : memref<200x64xf32, #tpu.memory_space<vmem>> -> memref<50x64xf32, #tpu.memory_space<vmem>>
    %dma_wait3A_459 = arith.constant 0 : i32
    %dma_wait3A_460 = arith.constant 0 : i32
    %dma_wait3A_461 = tpu.memref_slice %arg4[%add3A_455, %dma_wait3A_459, %dma_wait3A_460] : memref<4096x50x64xf32, #tpu.memory_space<hbm>> -> memref<1x50x64xf32, #tpu.memory_space<hbm>>
    %dma_wait3A_462 = tpu.memref_squeeze %dma_wait3A_461 : memref<1x50x64xf32, #tpu.memory_space<hbm>> -> memref<50x64xf32, #tpu.memory_space<hbm>>
    %dma_wait3A_463 = arith.constant 0 : i32
    %dma_wait3A_464 = arith.constant 0 : i32
    %dma_wait3A_465 = tpu.memref_slice %arg4[%add3A_455, %dma_wait3A_463, %dma_wait3A_464] : memref<4096x50x64xf32, #tpu.memory_space<hbm>> -> memref<1x50x64xf32, #tpu.memory_space<hbm>>
    %dma_wait3A_466 = tpu.memref_squeeze %dma_wait3A_465 : memref<1x50x64xf32, #tpu.memory_space<hbm>> -> memref<50x64xf32, #tpu.memory_space<hbm>>
    %dma_wait3A_467 = arith.constant 0 : i32
    %dma_wait3A_468 = arith.constant 0 : i32
    %dma_wait3A_469 = tpu.memref_slice %arg6[%dma_wait3A_467, %dma_wait3A_468] : memref<200x64xf32, #tpu.memory_space<vmem>> -> memref<50x64xf32, #tpu.memory_space<vmem>>
    tpu.wait_dma2 semaphore(%arg22 : memref<!tpu.dma_semaphore, #tpu.memory_space<semaphore_mem>>) src(%dma_wait3A_469 : memref<50x64xf32, #tpu.memory_space<vmem>>) dst(%dma_wait3A_466 : memref<50x64xf32, #tpu.memory_space<hbm>>)
    %add3A_470 = arith.constant 0 : i32
    %add3A_471 = arith.addi %mul3A_2, %add3A_470 : i32
    %add3A_472 = arith.constant 1 : i32
    %add3A_473 = arith.addi %add3A_471, %add3A_472 : i32
    %dma_wait3A_474 = arith.constant 50 : i32
    %dma_wait3A_475 = arith.constant 0 : i32
    %dma_wait3A_476 = tpu.memref_slice %arg6[%dma_wait3A_474, %dma_wait3A_475] : memref<200x64xf32, #tpu.memory_space<vmem>> -> memref<50x64xf32, #tpu.memory_space<vmem>>
    %dma_wait3A_477 = arith.constant 0 : i32
    %dma_wait3A_478 = arith.constant 0 : i32
    %dma_wait3A_479 = tpu.memref_slice %arg4[%add3A_473, %dma_wait3A_477, %dma_wait3A_478] : memref<4096x50x64xf32, #tpu.memory_space<hbm>> -> memref<1x50x64xf32, #tpu.memory_space<hbm>>
    %dma_wait3A_480 = tpu.memref_squeeze %dma_wait3A_479 : memref<1x50x64xf32, #tpu.memory_space<hbm>> -> memref<50x64xf32, #tpu.memory_space<hbm>>
    %dma_wait3A_481 = arith.constant 0 : i32
    %dma_wait3A_482 = arith.constant 0 : i32
    %dma_wait3A_483 = tpu.memref_slice %arg4[%add3A_473, %dma_wait3A_481, %dma_wait3A_482] : memref<4096x50x64xf32, #tpu.memory_space<hbm>> -> memref<1x50x64xf32, #tpu.memory_space<hbm>>
    %dma_wait3A_484 = tpu.memref_squeeze %dma_wait3A_483 : memref<1x50x64xf32, #tpu.memory_space<hbm>> -> memref<50x64xf32, #tpu.memory_space<hbm>>
    %dma_wait3A_485 = arith.constant 50 : i32
    %dma_wait3A_486 = arith.constant 0 : i32
    %dma_wait3A_487 = tpu.memref_slice %arg6[%dma_wait3A_485, %dma_wait3A_486] : memref<200x64xf32, #tpu.memory_space<vmem>> -> memref<50x64xf32, #tpu.memory_space<vmem>>
    tpu.wait_dma2 semaphore(%arg22 : memref<!tpu.dma_semaphore, #tpu.memory_space<semaphore_mem>>) src(%dma_wait3A_487 : memref<50x64xf32, #tpu.memory_space<vmem>>) dst(%dma_wait3A_484 : memref<50x64xf32, #tpu.memory_space<hbm>>)
    %add3A_488 = arith.constant 0 : i32
    %add3A_489 = arith.addi %mul3A_2, %add3A_488 : i32
    %add3A_490 = arith.constant 2 : i32
    %add3A_491 = arith.addi %add3A_489, %add3A_490 : i32
    %dma_wait3A_492 = arith.constant 100 : i32
    %dma_wait3A_493 = arith.constant 0 : i32
    %dma_wait3A_494 = tpu.memref_slice %arg6[%dma_wait3A_492, %dma_wait3A_493] : memref<200x64xf32, #tpu.memory_space<vmem>> -> memref<50x64xf32, #tpu.memory_space<vmem>>
    %dma_wait3A_495 = arith.constant 0 : i32
    %dma_wait3A_496 = arith.constant 0 : i32
    %dma_wait3A_497 = tpu.memref_slice %arg4[%add3A_491, %dma_wait3A_495, %dma_wait3A_496] : memref<4096x50x64xf32, #tpu.memory_space<hbm>> -> memref<1x50x64xf32, #tpu.memory_space<hbm>>
    %dma_wait3A_498 = tpu.memref_squeeze %dma_wait3A_497 : memref<1x50x64xf32, #tpu.memory_space<hbm>> -> memref<50x64xf32, #tpu.memory_space<hbm>>
    %dma_wait3A_499 = arith.constant 0 : i32
    %dma_wait3A_500 = arith.constant 0 : i32
    %dma_wait3A_501 = tpu.memref_slice %arg4[%add3A_491, %dma_wait3A_499, %dma_wait3A_500] : memref<4096x50x64xf32, #tpu.memory_space<hbm>> -> memref<1x50x64xf32, #tpu.memory_space<hbm>>
    %dma_wait3A_502 = tpu.memref_squeeze %dma_wait3A_501 : memref<1x50x64xf32, #tpu.memory_space<hbm>> -> memref<50x64xf32, #tpu.memory_space<hbm>>
    %dma_wait3A_503 = arith.constant 100 : i32
    %dma_wait3A_504 = arith.constant 0 : i32
    %dma_wait3A_505 = tpu.memref_slice %arg6[%dma_wait3A_503, %dma_wait3A_504] : memref<200x64xf32, #tpu.memory_space<vmem>> -> memref<50x64xf32, #tpu.memory_space<vmem>>
    tpu.wait_dma2 semaphore(%arg22 : memref<!tpu.dma_semaphore, #tpu.memory_space<semaphore_mem>>) src(%dma_wait3A_505 : memref<50x64xf32, #tpu.memory_space<vmem>>) dst(%dma_wait3A_502 : memref<50x64xf32, #tpu.memory_space<hbm>>)
    %add3A_506 = arith.constant 0 : i32
    %add3A_507 = arith.addi %mul3A_2, %add3A_506 : i32
    %add3A_508 = arith.constant 3 : i32
    %add3A_509 = arith.addi %add3A_507, %add3A_508 : i32
    %dma_wait3A_510 = arith.constant 150 : i32
    %dma_wait3A_511 = arith.constant 0 : i32
    %dma_wait3A_512 = tpu.memref_slice %arg6[%dma_wait3A_510, %dma_wait3A_511] : memref<200x64xf32, #tpu.memory_space<vmem>> -> memref<50x64xf32, #tpu.memory_space<vmem>>
    %dma_wait3A_513 = arith.constant 0 : i32
    %dma_wait3A_514 = arith.constant 0 : i32
    %dma_wait3A_515 = tpu.memref_slice %arg4[%add3A_509, %dma_wait3A_513, %dma_wait3A_514] : memref<4096x50x64xf32, #tpu.memory_space<hbm>> -> memref<1x50x64xf32, #tpu.memory_space<hbm>>
    %dma_wait3A_516 = tpu.memref_squeeze %dma_wait3A_515 : memref<1x50x64xf32, #tpu.memory_space<hbm>> -> memref<50x64xf32, #tpu.memory_space<hbm>>
    %dma_wait3A_517 = arith.constant 0 : i32
    %dma_wait3A_518 = arith.constant 0 : i32
    %dma_wait3A_519 = tpu.memref_slice %arg4[%add3A_509, %dma_wait3A_517, %dma_wait3A_518] : memref<4096x50x64xf32, #tpu.memory_space<hbm>> -> memref<1x50x64xf32, #tpu.memory_space<hbm>>
    %dma_wait3A_520 = tpu.memref_squeeze %dma_wait3A_519 : memref<1x50x64xf32, #tpu.memory_space<hbm>> -> memref<50x64xf32, #tpu.memory_space<hbm>>
    %dma_wait3A_521 = arith.constant 150 : i32
    %dma_wait3A_522 = arith.constant 0 : i32
    %dma_wait3A_523 = tpu.memref_slice %arg6[%dma_wait3A_521, %dma_wait3A_522] : memref<200x64xf32, #tpu.memory_space<vmem>> -> memref<50x64xf32, #tpu.memory_space<vmem>>
    tpu.wait_dma2 semaphore(%arg22 : memref<!tpu.dma_semaphore, #tpu.memory_space<semaphore_mem>>) src(%dma_wait3A_523 : memref<50x64xf32, #tpu.memory_space<vmem>>) dst(%dma_wait3A_520 : memref<50x64xf32, #tpu.memory_space<hbm>>)
    %dma_start3A_524 = arith.constant 8 : i32
    %dma_start3A_525 = arith.constant 0 : i32
    %dma_start3A_526 = tpu.memref_slice %arg5[%dma_start3A_524, %dma_start3A_525] : memref<32x200xi32, #tpu.memory_space<vmem>> -> memref<1x200xi32, #tpu.memory_space<vmem>>
    %dma_start3A_527 = tpu.memref_squeeze %dma_start3A_526 : memref<1x200xi32, #tpu.memory_space<vmem>> -> memref<200xi32, #tpu.memory_space<vmem>>
    %dma_start3A_528 = arith.constant 0 : i32
    %dma_start3A_529 = arith.constant 0 : i32
    %dma_start3A_530 = tpu.memref_slice %arg2[%dma_start3A_528, %dma_start3A_529] : memref<100000x64xf32, #tpu.memory_space<hbm>> -> memref<100000x64xf32, #tpu.memory_space<hbm>>
    tpu.enqueue_indirect_dma source(%dma_start3A_530 : memref<100000x64xf32, #tpu.memory_space<hbm>>) target(%arg6 : memref<200x64xf32, #tpu.memory_space<vmem>>) offsets(%dma_start3A_527 : memref<200xi32, #tpu.memory_space<vmem>>) semaphore(%arg14 : memref<!tpu.dma_semaphore, #tpu.memory_space<semaphore_mem>>)
    %dma_wait3A_531 = arith.constant 5 : i32
    %dma_wait3A_532 = arith.constant 0 : i32
    %dma_wait3A_533 = tpu.memref_slice %arg5[%dma_wait3A_531, %dma_wait3A_532] : memref<32x200xi32, #tpu.memory_space<vmem>> -> memref<1x200xi32, #tpu.memory_space<vmem>>
    %dma_wait3A_534 = tpu.memref_squeeze %dma_wait3A_533 : memref<1x200xi32, #tpu.memory_space<vmem>> -> memref<200xi32, #tpu.memory_space<vmem>>
    %dma_wait3A_535 = arith.constant 0 : i32
    %dma_wait3A_536 = arith.constant 0 : i32
    %dma_wait3A_537 = tpu.memref_slice %arg2[%dma_wait3A_535, %dma_wait3A_536] : memref<100000x64xf32, #tpu.memory_space<hbm>> -> memref<100000x64xf32, #tpu.memory_space<hbm>>
    tpu.wait_indirect_dma semaphore(%arg19 : memref<!tpu.dma_semaphore, #tpu.memory_space<semaphore_mem>>) src(%dma_wait3A_537 : memref<100000x64xf32, #tpu.memory_space<hbm>>) dst(%arg11 : memref<200x64xf32, #tpu.memory_space<vmem>>)
    %add3A_538 = arith.constant 20 : i32
    %add3A_539 = arith.addi %mul3A_2, %add3A_538 : i32
    %add3A_540 = arith.constant 0 : i32
    %add3A_541 = arith.addi %add3A_539, %add3A_540 : i32
    %dma_start3A_542 = arith.constant 0 : i32
    %dma_start3A_543 = arith.constant 0 : i32
    %dma_start3A_544 = tpu.memref_slice %arg11[%dma_start3A_542, %dma_start3A_543] : memref<200x64xf32, #tpu.memory_space<vmem>> -> memref<50x64xf32, #tpu.memory_space<vmem>>
    %dma_start3A_545 = arith.constant 0 : i32
    %dma_start3A_546 = arith.constant 0 : i32
    %dma_start3A_547 = tpu.memref_slice %arg4[%add3A_541, %dma_start3A_545, %dma_start3A_546] : memref<4096x50x64xf32, #tpu.memory_space<hbm>> -> memref<1x50x64xf32, #tpu.memory_space<hbm>>
    %dma_start3A_548 = tpu.memref_squeeze %dma_start3A_547 : memref<1x50x64xf32, #tpu.memory_space<hbm>> -> memref<50x64xf32, #tpu.memory_space<hbm>>
    %dma_start3A_549 = arith.constant 0 : i32
    %dma_start3A_550 = arith.constant 0 : i32
    %dma_start3A_551 = tpu.memref_slice %arg4[%add3A_541, %dma_start3A_549, %dma_start3A_550] : memref<4096x50x64xf32, #tpu.memory_space<hbm>> -> memref<1x50x64xf32, #tpu.memory_space<hbm>>
    %dma_start3A_552 = tpu.memref_squeeze %dma_start3A_551 : memref<1x50x64xf32, #tpu.memory_space<hbm>> -> memref<50x64xf32, #tpu.memory_space<hbm>>
    %dma_start3A_553 = arith.constant 0 : i32
    %dma_start3A_554 = arith.constant 0 : i32
    %dma_start3A_555 = tpu.memref_slice %arg11[%dma_start3A_553, %dma_start3A_554] : memref<200x64xf32, #tpu.memory_space<vmem>> -> memref<50x64xf32, #tpu.memory_space<vmem>>
    tpu.enqueue_dma source(%dma_start3A_555 : memref<50x64xf32, #tpu.memory_space<vmem>>) target(%dma_start3A_552 : memref<50x64xf32, #tpu.memory_space<hbm>>) target_semaphore(%arg27 : memref<!tpu.dma_semaphore, #tpu.memory_space<semaphore_mem>>)
    %add3A_556 = arith.constant 20 : i32
    %add3A_557 = arith.addi %mul3A_2, %add3A_556 : i32
    %add3A_558 = arith.constant 1 : i32
    %add3A_559 = arith.addi %add3A_557, %add3A_558 : i32
    %dma_start3A_560 = arith.constant 50 : i32
    %dma_start3A_561 = arith.constant 0 : i32
    %dma_start3A_562 = tpu.memref_slice %arg11[%dma_start3A_560, %dma_start3A_561] : memref<200x64xf32, #tpu.memory_space<vmem>> -> memref<50x64xf32, #tpu.memory_space<vmem>>
    %dma_start3A_563 = arith.constant 0 : i32
    %dma_start3A_564 = arith.constant 0 : i32
    %dma_start3A_565 = tpu.memref_slice %arg4[%add3A_559, %dma_start3A_563, %dma_start3A_564] : memref<4096x50x64xf32, #tpu.memory_space<hbm>> -> memref<1x50x64xf32, #tpu.memory_space<hbm>>
    %dma_start3A_566 = tpu.memref_squeeze %dma_start3A_565 : memref<1x50x64xf32, #tpu.memory_space<hbm>> -> memref<50x64xf32, #tpu.memory_space<hbm>>
    %dma_start3A_567 = arith.constant 0 : i32
    %dma_start3A_568 = arith.constant 0 : i32
    %dma_start3A_569 = tpu.memref_slice %arg4[%add3A_559, %dma_start3A_567, %dma_start3A_568] : memref<4096x50x64xf32, #tpu.memory_space<hbm>> -> memref<1x50x64xf32, #tpu.memory_space<hbm>>
    %dma_start3A_570 = tpu.memref_squeeze %dma_start3A_569 : memref<1x50x64xf32, #tpu.memory_space<hbm>> -> memref<50x64xf32, #tpu.memory_space<hbm>>
    %dma_start3A_571 = arith.constant 50 : i32
    %dma_start3A_572 = arith.constant 0 : i32
    %dma_start3A_573 = tpu.memref_slice %arg11[%dma_start3A_571, %dma_start3A_572] : memref<200x64xf32, #tpu.memory_space<vmem>> -> memref<50x64xf32, #tpu.memory_space<vmem>>
    tpu.enqueue_dma source(%dma_start3A_573 : memref<50x64xf32, #tpu.memory_space<vmem>>) target(%dma_start3A_570 : memref<50x64xf32, #tpu.memory_space<hbm>>) target_semaphore(%arg27 : memref<!tpu.dma_semaphore, #tpu.memory_space<semaphore_mem>>)
    %add3A_574 = arith.constant 20 : i32
    %add3A_575 = arith.addi %mul3A_2, %add3A_574 : i32
    %add3A_576 = arith.constant 2 : i32
    %add3A_577 = arith.addi %add3A_575, %add3A_576 : i32
    %dma_start3A_578 = arith.constant 100 : i32
    %dma_start3A_579 = arith.constant 0 : i32
    %dma_start3A_580 = tpu.memref_slice %arg11[%dma_start3A_578, %dma_start3A_579] : memref<200x64xf32, #tpu.memory_space<vmem>> -> memref<50x64xf32, #tpu.memory_space<vmem>>
    %dma_start3A_581 = arith.constant 0 : i32
    %dma_start3A_582 = arith.constant 0 : i32
    %dma_start3A_583 = tpu.memref_slice %arg4[%add3A_577, %dma_start3A_581, %dma_start3A_582] : memref<4096x50x64xf32, #tpu.memory_space<hbm>> -> memref<1x50x64xf32, #tpu.memory_space<hbm>>
    %dma_start3A_584 = tpu.memref_squeeze %dma_start3A_583 : memref<1x50x64xf32, #tpu.memory_space<hbm>> -> memref<50x64xf32, #tpu.memory_space<hbm>>
    %dma_start3A_585 = arith.constant 0 : i32
    %dma_start3A_586 = arith.constant 0 : i32
    %dma_start3A_587 = tpu.memref_slice %arg4[%add3A_577, %dma_start3A_585, %dma_start3A_586] : memref<4096x50x64xf32, #tpu.memory_space<hbm>> -> memref<1x50x64xf32, #tpu.memory_space<hbm>>
    %dma_start3A_588 = tpu.memref_squeeze %dma_start3A_587 : memref<1x50x64xf32, #tpu.memory_space<hbm>> -> memref<50x64xf32, #tpu.memory_space<hbm>>
    %dma_start3A_589 = arith.constant 100 : i32
    %dma_start3A_590 = arith.constant 0 : i32
    %dma_start3A_591 = tpu.memref_slice %arg11[%dma_start3A_589, %dma_start3A_590] : memref<200x64xf32, #tpu.memory_space<vmem>> -> memref<50x64xf32, #tpu.memory_space<vmem>>
    tpu.enqueue_dma source(%dma_start3A_591 : memref<50x64xf32, #tpu.memory_space<vmem>>) target(%dma_start3A_588 : memref<50x64xf32, #tpu.memory_space<hbm>>) target_semaphore(%arg27 : memref<!tpu.dma_semaphore, #tpu.memory_space<semaphore_mem>>)
    %add3A_592 = arith.constant 20 : i32
    %add3A_593 = arith.addi %mul3A_2, %add3A_592 : i32
    %add3A_594 = arith.constant 3 : i32
    %add3A_595 = arith.addi %add3A_593, %add3A_594 : i32
    %dma_start3A_596 = arith.constant 150 : i32
    %dma_start3A_597 = arith.constant 0 : i32
    %dma_start3A_598 = tpu.memref_slice %arg11[%dma_start3A_596, %dma_start3A_597] : memref<200x64xf32, #tpu.memory_space<vmem>> -> memref<50x64xf32, #tpu.memory_space<vmem>>
    %dma_start3A_599 = arith.constant 0 : i32
    %dma_start3A_600 = arith.constant 0 : i32
    %dma_start3A_601 = tpu.memref_slice %arg4[%add3A_595, %dma_start3A_599, %dma_start3A_600] : memref<4096x50x64xf32, #tpu.memory_space<hbm>> -> memref<1x50x64xf32, #tpu.memory_space<hbm>>
    %dma_start3A_602 = tpu.memref_squeeze %dma_start3A_601 : memref<1x50x64xf32, #tpu.memory_space<hbm>> -> memref<50x64xf32, #tpu.memory_space<hbm>>
    %dma_start3A_603 = arith.constant 0 : i32
    %dma_start3A_604 = arith.constant 0 : i32
    %dma_start3A_605 = tpu.memref_slice %arg4[%add3A_595, %dma_start3A_603, %dma_start3A_604] : memref<4096x50x64xf32, #tpu.memory_space<hbm>> -> memref<1x50x64xf32, #tpu.memory_space<hbm>>
    %dma_start3A_606 = tpu.memref_squeeze %dma_start3A_605 : memref<1x50x64xf32, #tpu.memory_space<hbm>> -> memref<50x64xf32, #tpu.memory_space<hbm>>
    %dma_start3A_607 = arith.constant 150 : i32
    %dma_start3A_608 = arith.constant 0 : i32
    %dma_start3A_609 = tpu.memref_slice %arg11[%dma_start3A_607, %dma_start3A_608] : memref<200x64xf32, #tpu.memory_space<vmem>> -> memref<50x64xf32, #tpu.memory_space<vmem>>
    tpu.enqueue_dma source(%dma_start3A_609 : memref<50x64xf32, #tpu.memory_space<vmem>>) target(%dma_start3A_606 : memref<50x64xf32, #tpu.memory_space<hbm>>) target_semaphore(%arg27 : memref<!tpu.dma_semaphore, #tpu.memory_space<semaphore_mem>>)
    %add3A_610 = arith.constant 4 : i32
    %add3A_611 = arith.addi %mul3A_2, %add3A_610 : i32
    %add3A_612 = arith.constant 0 : i32
    %add3A_613 = arith.addi %add3A_611, %add3A_612 : i32
    %dma_wait3A_614 = arith.constant 0 : i32
    %dma_wait3A_615 = arith.constant 0 : i32
    %dma_wait3A_616 = tpu.memref_slice %arg7[%dma_wait3A_614, %dma_wait3A_615] : memref<200x64xf32, #tpu.memory_space<vmem>> -> memref<50x64xf32, #tpu.memory_space<vmem>>
    %dma_wait3A_617 = arith.constant 0 : i32
    %dma_wait3A_618 = arith.constant 0 : i32
    %dma_wait3A_619 = tpu.memref_slice %arg4[%add3A_613, %dma_wait3A_617, %dma_wait3A_618] : memref<4096x50x64xf32, #tpu.memory_space<hbm>> -> memref<1x50x64xf32, #tpu.memory_space<hbm>>
    %dma_wait3A_620 = tpu.memref_squeeze %dma_wait3A_619 : memref<1x50x64xf32, #tpu.memory_space<hbm>> -> memref<50x64xf32, #tpu.memory_space<hbm>>
    %dma_wait3A_621 = arith.constant 0 : i32
    %dma_wait3A_622 = arith.constant 0 : i32
    %dma_wait3A_623 = tpu.memref_slice %arg4[%add3A_613, %dma_wait3A_621, %dma_wait3A_622] : memref<4096x50x64xf32, #tpu.memory_space<hbm>> -> memref<1x50x64xf32, #tpu.memory_space<hbm>>
    %dma_wait3A_624 = tpu.memref_squeeze %dma_wait3A_623 : memref<1x50x64xf32, #tpu.memory_space<hbm>> -> memref<50x64xf32, #tpu.memory_space<hbm>>
    %dma_wait3A_625 = arith.constant 0 : i32
    %dma_wait3A_626 = arith.constant 0 : i32
    %dma_wait3A_627 = tpu.memref_slice %arg7[%dma_wait3A_625, %dma_wait3A_626] : memref<200x64xf32, #tpu.memory_space<vmem>> -> memref<50x64xf32, #tpu.memory_space<vmem>>
    tpu.wait_dma2 semaphore(%arg23 : memref<!tpu.dma_semaphore, #tpu.memory_space<semaphore_mem>>) src(%dma_wait3A_627 : memref<50x64xf32, #tpu.memory_space<vmem>>) dst(%dma_wait3A_624 : memref<50x64xf32, #tpu.memory_space<hbm>>)
    %add3A_628 = arith.constant 4 : i32
    %add3A_629 = arith.addi %mul3A_2, %add3A_628 : i32
    %add3A_630 = arith.constant 1 : i32
    %add3A_631 = arith.addi %add3A_629, %add3A_630 : i32
    %dma_wait3A_632 = arith.constant 50 : i32
    %dma_wait3A_633 = arith.constant 0 : i32
    %dma_wait3A_634 = tpu.memref_slice %arg7[%dma_wait3A_632, %dma_wait3A_633] : memref<200x64xf32, #tpu.memory_space<vmem>> -> memref<50x64xf32, #tpu.memory_space<vmem>>
    %dma_wait3A_635 = arith.constant 0 : i32
    %dma_wait3A_636 = arith.constant 0 : i32
    %dma_wait3A_637 = tpu.memref_slice %arg4[%add3A_631, %dma_wait3A_635, %dma_wait3A_636] : memref<4096x50x64xf32, #tpu.memory_space<hbm>> -> memref<1x50x64xf32, #tpu.memory_space<hbm>>
    %dma_wait3A_638 = tpu.memref_squeeze %dma_wait3A_637 : memref<1x50x64xf32, #tpu.memory_space<hbm>> -> memref<50x64xf32, #tpu.memory_space<hbm>>
    %dma_wait3A_639 = arith.constant 0 : i32
    %dma_wait3A_640 = arith.constant 0 : i32
    %dma_wait3A_641 = tpu.memref_slice %arg4[%add3A_631, %dma_wait3A_639, %dma_wait3A_640] : memref<4096x50x64xf32, #tpu.memory_space<hbm>> -> memref<1x50x64xf32, #tpu.memory_space<hbm>>
    %dma_wait3A_642 = tpu.memref_squeeze %dma_wait3A_641 : memref<1x50x64xf32, #tpu.memory_space<hbm>> -> memref<50x64xf32, #tpu.memory_space<hbm>>
    %dma_wait3A_643 = arith.constant 50 : i32
    %dma_wait3A_644 = arith.constant 0 : i32
    %dma_wait3A_645 = tpu.memref_slice %arg7[%dma_wait3A_643, %dma_wait3A_644] : memref<200x64xf32, #tpu.memory_space<vmem>> -> memref<50x64xf32, #tpu.memory_space<vmem>>
    tpu.wait_dma2 semaphore(%arg23 : memref<!tpu.dma_semaphore, #tpu.memory_space<semaphore_mem>>) src(%dma_wait3A_645 : memref<50x64xf32, #tpu.memory_space<vmem>>) dst(%dma_wait3A_642 : memref<50x64xf32, #tpu.memory_space<hbm>>)
    %add3A_646 = arith.constant 4 : i32
    %add3A_647 = arith.addi %mul3A_2, %add3A_646 : i32
    %add3A_648 = arith.constant 2 : i32
    %add3A_649 = arith.addi %add3A_647, %add3A_648 : i32
    %dma_wait3A_650 = arith.constant 100 : i32
    %dma_wait3A_651 = arith.constant 0 : i32
    %dma_wait3A_652 = tpu.memref_slice %arg7[%dma_wait3A_650, %dma_wait3A_651] : memref<200x64xf32, #tpu.memory_space<vmem>> -> memref<50x64xf32, #tpu.memory_space<vmem>>
    %dma_wait3A_653 = arith.constant 0 : i32
    %dma_wait3A_654 = arith.constant 0 : i32
    %dma_wait3A_655 = tpu.memref_slice %arg4[%add3A_649, %dma_wait3A_653, %dma_wait3A_654] : memref<4096x50x64xf32, #tpu.memory_space<hbm>> -> memref<1x50x64xf32, #tpu.memory_space<hbm>>
    %dma_wait3A_656 = tpu.memref_squeeze %dma_wait3A_655 : memref<1x50x64xf32, #tpu.memory_space<hbm>> -> memref<50x64xf32, #tpu.memory_space<hbm>>
    %dma_wait3A_657 = arith.constant 0 : i32
    %dma_wait3A_658 = arith.constant 0 : i32
    %dma_wait3A_659 = tpu.memref_slice %arg4[%add3A_649, %dma_wait3A_657, %dma_wait3A_658] : memref<4096x50x64xf32, #tpu.memory_space<hbm>> -> memref<1x50x64xf32, #tpu.memory_space<hbm>>
    %dma_wait3A_660 = tpu.memref_squeeze %dma_wait3A_659 : memref<1x50x64xf32, #tpu.memory_space<hbm>> -> memref<50x64xf32, #tpu.memory_space<hbm>>
    %dma_wait3A_661 = arith.constant 100 : i32
    %dma_wait3A_662 = arith.constant 0 : i32
    %dma_wait3A_663 = tpu.memref_slice %arg7[%dma_wait3A_661, %dma_wait3A_662] : memref<200x64xf32, #tpu.memory_space<vmem>> -> memref<50x64xf32, #tpu.memory_space<vmem>>
    tpu.wait_dma2 semaphore(%arg23 : memref<!tpu.dma_semaphore, #tpu.memory_space<semaphore_mem>>) src(%dma_wait3A_663 : memref<50x64xf32, #tpu.memory_space<vmem>>) dst(%dma_wait3A_660 : memref<50x64xf32, #tpu.memory_space<hbm>>)
    %add3A_664 = arith.constant 4 : i32
    %add3A_665 = arith.addi %mul3A_2, %add3A_664 : i32
    %add3A_666 = arith.constant 3 : i32
    %add3A_667 = arith.addi %add3A_665, %add3A_666 : i32
    %dma_wait3A_668 = arith.constant 150 : i32
    %dma_wait3A_669 = arith.constant 0 : i32
    %dma_wait3A_670 = tpu.memref_slice %arg7[%dma_wait3A_668, %dma_wait3A_669] : memref<200x64xf32, #tpu.memory_space<vmem>> -> memref<50x64xf32, #tpu.memory_space<vmem>>
    %dma_wait3A_671 = arith.constant 0 : i32
    %dma_wait3A_672 = arith.constant 0 : i32
    %dma_wait3A_673 = tpu.memref_slice %arg4[%add3A_667, %dma_wait3A_671, %dma_wait3A_672] : memref<4096x50x64xf32, #tpu.memory_space<hbm>> -> memref<1x50x64xf32, #tpu.memory_space<hbm>>
    %dma_wait3A_674 = tpu.memref_squeeze %dma_wait3A_673 : memref<1x50x64xf32, #tpu.memory_space<hbm>> -> memref<50x64xf32, #tpu.memory_space<hbm>>
    %dma_wait3A_675 = arith.constant 0 : i32
    %dma_wait3A_676 = arith.constant 0 : i32
    %dma_wait3A_677 = tpu.memref_slice %arg4[%add3A_667, %dma_wait3A_675, %dma_wait3A_676] : memref<4096x50x64xf32, #tpu.memory_space<hbm>> -> memref<1x50x64xf32, #tpu.memory_space<hbm>>
    %dma_wait3A_678 = tpu.memref_squeeze %dma_wait3A_677 : memref<1x50x64xf32, #tpu.memory_space<hbm>> -> memref<50x64xf32, #tpu.memory_space<hbm>>
    %dma_wait3A_679 = arith.constant 150 : i32
    %dma_wait3A_680 = arith.constant 0 : i32
    %dma_wait3A_681 = tpu.memref_slice %arg7[%dma_wait3A_679, %dma_wait3A_680] : memref<200x64xf32, #tpu.memory_space<vmem>> -> memref<50x64xf32, #tpu.memory_space<vmem>>
    tpu.wait_dma2 semaphore(%arg23 : memref<!tpu.dma_semaphore, #tpu.memory_space<semaphore_mem>>) src(%dma_wait3A_681 : memref<50x64xf32, #tpu.memory_space<vmem>>) dst(%dma_wait3A_678 : memref<50x64xf32, #tpu.memory_space<hbm>>)
    %dma_start3A_682 = arith.constant 9 : i32
    %dma_start3A_683 = arith.constant 0 : i32
    %dma_start3A_684 = tpu.memref_slice %arg5[%dma_start3A_682, %dma_start3A_683] : memref<32x200xi32, #tpu.memory_space<vmem>> -> memref<1x200xi32, #tpu.memory_space<vmem>>
    %dma_start3A_685 = tpu.memref_squeeze %dma_start3A_684 : memref<1x200xi32, #tpu.memory_space<vmem>> -> memref<200xi32, #tpu.memory_space<vmem>>
    %dma_start3A_686 = arith.constant 0 : i32
    %dma_start3A_687 = arith.constant 0 : i32
    %dma_start3A_688 = tpu.memref_slice %arg2[%dma_start3A_686, %dma_start3A_687] : memref<100000x64xf32, #tpu.memory_space<hbm>> -> memref<100000x64xf32, #tpu.memory_space<hbm>>
    tpu.enqueue_indirect_dma source(%dma_start3A_688 : memref<100000x64xf32, #tpu.memory_space<hbm>>) target(%arg7 : memref<200x64xf32, #tpu.memory_space<vmem>>) offsets(%dma_start3A_685 : memref<200xi32, #tpu.memory_space<vmem>>) semaphore(%arg15 : memref<!tpu.dma_semaphore, #tpu.memory_space<semaphore_mem>>)
    %dma_wait3A_689 = arith.constant 6 : i32
    %dma_wait3A_690 = arith.constant 0 : i32
    %dma_wait3A_691 = tpu.memref_slice %arg5[%dma_wait3A_689, %dma_wait3A_690] : memref<32x200xi32, #tpu.memory_space<vmem>> -> memref<1x200xi32, #tpu.memory_space<vmem>>
    %dma_wait3A_692 = tpu.memref_squeeze %dma_wait3A_691 : memref<1x200xi32, #tpu.memory_space<vmem>> -> memref<200xi32, #tpu.memory_space<vmem>>
    %dma_wait3A_693 = arith.constant 0 : i32
    %dma_wait3A_694 = arith.constant 0 : i32
    %dma_wait3A_695 = tpu.memref_slice %arg2[%dma_wait3A_693, %dma_wait3A_694] : memref<100000x64xf32, #tpu.memory_space<hbm>> -> memref<100000x64xf32, #tpu.memory_space<hbm>>
    tpu.wait_indirect_dma semaphore(%arg20 : memref<!tpu.dma_semaphore, #tpu.memory_space<semaphore_mem>>) src(%dma_wait3A_695 : memref<100000x64xf32, #tpu.memory_space<hbm>>) dst(%arg12 : memref<200x64xf32, #tpu.memory_space<vmem>>)
    %add3A_696 = arith.constant 24 : i32
    %add3A_697 = arith.addi %mul3A_2, %add3A_696 : i32
    %add3A_698 = arith.constant 0 : i32
    %add3A_699 = arith.addi %add3A_697, %add3A_698 : i32
    %dma_start3A_700 = arith.constant 0 : i32
    %dma_start3A_701 = arith.constant 0 : i32
    %dma_start3A_702 = tpu.memref_slice %arg12[%dma_start3A_700, %dma_start3A_701] : memref<200x64xf32, #tpu.memory_space<vmem>> -> memref<50x64xf32, #tpu.memory_space<vmem>>
    %dma_start3A_703 = arith.constant 0 : i32
    %dma_start3A_704 = arith.constant 0 : i32
    %dma_start3A_705 = tpu.memref_slice %arg4[%add3A_699, %dma_start3A_703, %dma_start3A_704] : memref<4096x50x64xf32, #tpu.memory_space<hbm>> -> memref<1x50x64xf32, #tpu.memory_space<hbm>>
    %dma_start3A_706 = tpu.memref_squeeze %dma_start3A_705 : memref<1x50x64xf32, #tpu.memory_space<hbm>> -> memref<50x64xf32, #tpu.memory_space<hbm>>
    %dma_start3A_707 = arith.constant 0 : i32
    %dma_start3A_708 = arith.constant 0 : i32
    %dma_start3A_709 = tpu.memref_slice %arg4[%add3A_699, %dma_start3A_707, %dma_start3A_708] : memref<4096x50x64xf32, #tpu.memory_space<hbm>> -> memref<1x50x64xf32, #tpu.memory_space<hbm>>
    %dma_start3A_710 = tpu.memref_squeeze %dma_start3A_709 : memref<1x50x64xf32, #tpu.memory_space<hbm>> -> memref<50x64xf32, #tpu.memory_space<hbm>>
    %dma_start3A_711 = arith.constant 0 : i32
    %dma_start3A_712 = arith.constant 0 : i32
    %dma_start3A_713 = tpu.memref_slice %arg12[%dma_start3A_711, %dma_start3A_712] : memref<200x64xf32, #tpu.memory_space<vmem>> -> memref<50x64xf32, #tpu.memory_space<vmem>>
    tpu.enqueue_dma source(%dma_start3A_713 : memref<50x64xf32, #tpu.memory_space<vmem>>) target(%dma_start3A_710 : memref<50x64xf32, #tpu.memory_space<hbm>>) target_semaphore(%arg28 : memref<!tpu.dma_semaphore, #tpu.memory_space<semaphore_mem>>)
    %add3A_714 = arith.constant 24 : i32
    %add3A_715 = arith.addi %mul3A_2, %add3A_714 : i32
    %add3A_716 = arith.constant 1 : i32
    %add3A_717 = arith.addi %add3A_715, %add3A_716 : i32
    %dma_start3A_718 = arith.constant 50 : i32
    %dma_start3A_719 = arith.constant 0 : i32
    %dma_start3A_720 = tpu.memref_slice %arg12[%dma_start3A_718, %dma_start3A_719] : memref<200x64xf32, #tpu.memory_space<vmem>> -> memref<50x64xf32, #tpu.memory_space<vmem>>
    %dma_start3A_721 = arith.constant 0 : i32
    %dma_start3A_722 = arith.constant 0 : i32
    %dma_start3A_723 = tpu.memref_slice %arg4[%add3A_717, %dma_start3A_721, %dma_start3A_722] : memref<4096x50x64xf32, #tpu.memory_space<hbm>> -> memref<1x50x64xf32, #tpu.memory_space<hbm>>
    %dma_start3A_724 = tpu.memref_squeeze %dma_start3A_723 : memref<1x50x64xf32, #tpu.memory_space<hbm>> -> memref<50x64xf32, #tpu.memory_space<hbm>>
    %dma_start3A_725 = arith.constant 0 : i32
    %dma_start3A_726 = arith.constant 0 : i32
    %dma_start3A_727 = tpu.memref_slice %arg4[%add3A_717, %dma_start3A_725, %dma_start3A_726] : memref<4096x50x64xf32, #tpu.memory_space<hbm>> -> memref<1x50x64xf32, #tpu.memory_space<hbm>>
    %dma_start3A_728 = tpu.memref_squeeze %dma_start3A_727 : memref<1x50x64xf32, #tpu.memory_space<hbm>> -> memref<50x64xf32, #tpu.memory_space<hbm>>
    %dma_start3A_729 = arith.constant 50 : i32
    %dma_start3A_730 = arith.constant 0 : i32
    %dma_start3A_731 = tpu.memref_slice %arg12[%dma_start3A_729, %dma_start3A_730] : memref<200x64xf32, #tpu.memory_space<vmem>> -> memref<50x64xf32, #tpu.memory_space<vmem>>
    tpu.enqueue_dma source(%dma_start3A_731 : memref<50x64xf32, #tpu.memory_space<vmem>>) target(%dma_start3A_728 : memref<50x64xf32, #tpu.memory_space<hbm>>) target_semaphore(%arg28 : memref<!tpu.dma_semaphore, #tpu.memory_space<semaphore_mem>>)
    %add3A_732 = arith.constant 24 : i32
    %add3A_733 = arith.addi %mul3A_2, %add3A_732 : i32
    %add3A_734 = arith.constant 2 : i32
    %add3A_735 = arith.addi %add3A_733, %add3A_734 : i32
    %dma_start3A_736 = arith.constant 100 : i32
    %dma_start3A_737 = arith.constant 0 : i32
    %dma_start3A_738 = tpu.memref_slice %arg12[%dma_start3A_736, %dma_start3A_737] : memref<200x64xf32, #tpu.memory_space<vmem>> -> memref<50x64xf32, #tpu.memory_space<vmem>>
    %dma_start3A_739 = arith.constant 0 : i32
    %dma_start3A_740 = arith.constant 0 : i32
    %dma_start3A_741 = tpu.memref_slice %arg4[%add3A_735, %dma_start3A_739, %dma_start3A_740] : memref<4096x50x64xf32, #tpu.memory_space<hbm>> -> memref<1x50x64xf32, #tpu.memory_space<hbm>>
    %dma_start3A_742 = tpu.memref_squeeze %dma_start3A_741 : memref<1x50x64xf32, #tpu.memory_space<hbm>> -> memref<50x64xf32, #tpu.memory_space<hbm>>
    %dma_start3A_743 = arith.constant 0 : i32
    %dma_start3A_744 = arith.constant 0 : i32
    %dma_start3A_745 = tpu.memref_slice %arg4[%add3A_735, %dma_start3A_743, %dma_start3A_744] : memref<4096x50x64xf32, #tpu.memory_space<hbm>> -> memref<1x50x64xf32, #tpu.memory_space<hbm>>
    %dma_start3A_746 = tpu.memref_squeeze %dma_start3A_745 : memref<1x50x64xf32, #tpu.memory_space<hbm>> -> memref<50x64xf32, #tpu.memory_space<hbm>>
    %dma_start3A_747 = arith.constant 100 : i32
    %dma_start3A_748 = arith.constant 0 : i32
    %dma_start3A_749 = tpu.memref_slice %arg12[%dma_start3A_747, %dma_start3A_748] : memref<200x64xf32, #tpu.memory_space<vmem>> -> memref<50x64xf32, #tpu.memory_space<vmem>>
    tpu.enqueue_dma source(%dma_start3A_749 : memref<50x64xf32, #tpu.memory_space<vmem>>) target(%dma_start3A_746 : memref<50x64xf32, #tpu.memory_space<hbm>>) target_semaphore(%arg28 : memref<!tpu.dma_semaphore, #tpu.memory_space<semaphore_mem>>)
    %add3A_750 = arith.constant 24 : i32
    %add3A_751 = arith.addi %mul3A_2, %add3A_750 : i32
    %add3A_752 = arith.constant 3 : i32
    %add3A_753 = arith.addi %add3A_751, %add3A_752 : i32
    %dma_start3A_754 = arith.constant 150 : i32
    %dma_start3A_755 = arith.constant 0 : i32
    %dma_start3A_756 = tpu.memref_slice %arg12[%dma_start3A_754, %dma_start3A_755] : memref<200x64xf32, #tpu.memory_space<vmem>> -> memref<50x64xf32, #tpu.memory_space<vmem>>
    %dma_start3A_757 = arith.constant 0 : i32
    %dma_start3A_758 = arith.constant 0 : i32
    %dma_start3A_759 = tpu.memref_slice %arg4[%add3A_753, %dma_start3A_757, %dma_start3A_758] : memref<4096x50x64xf32, #tpu.memory_space<hbm>> -> memref<1x50x64xf32, #tpu.memory_space<hbm>>
    %dma_start3A_760 = tpu.memref_squeeze %dma_start3A_759 : memref<1x50x64xf32, #tpu.memory_space<hbm>> -> memref<50x64xf32, #tpu.memory_space<hbm>>
    %dma_start3A_761 = arith.constant 0 : i32
    %dma_start3A_762 = arith.constant 0 : i32
    %dma_start3A_763 = tpu.memref_slice %arg4[%add3A_753, %dma_start3A_761, %dma_start3A_762] : memref<4096x50x64xf32, #tpu.memory_space<hbm>> -> memref<1x50x64xf32, #tpu.memory_space<hbm>>
    %dma_start3A_764 = tpu.memref_squeeze %dma_start3A_763 : memref<1x50x64xf32, #tpu.memory_space<hbm>> -> memref<50x64xf32, #tpu.memory_space<hbm>>
    %dma_start3A_765 = arith.constant 150 : i32
    %dma_start3A_766 = arith.constant 0 : i32
    %dma_start3A_767 = tpu.memref_slice %arg12[%dma_start3A_765, %dma_start3A_766] : memref<200x64xf32, #tpu.memory_space<vmem>> -> memref<50x64xf32, #tpu.memory_space<vmem>>
    tpu.enqueue_dma source(%dma_start3A_767 : memref<50x64xf32, #tpu.memory_space<vmem>>) target(%dma_start3A_764 : memref<50x64xf32, #tpu.memory_space<hbm>>) target_semaphore(%arg28 : memref<!tpu.dma_semaphore, #tpu.memory_space<semaphore_mem>>)
    %add3A_768 = arith.constant 8 : i32
    %add3A_769 = arith.addi %mul3A_2, %add3A_768 : i32
    %add3A_770 = arith.constant 0 : i32
    %add3A_771 = arith.addi %add3A_769, %add3A_770 : i32
    %dma_wait3A_772 = arith.constant 0 : i32
    %dma_wait3A_773 = arith.constant 0 : i32
    %dma_wait3A_774 = tpu.memref_slice %arg8[%dma_wait3A_772, %dma_wait3A_773] : memref<200x64xf32, #tpu.memory_space<vmem>> -> memref<50x64xf32, #tpu.memory_space<vmem>>
    %dma_wait3A_775 = arith.constant 0 : i32
    %dma_wait3A_776 = arith.constant 0 : i32
    %dma_wait3A_777 = tpu.memref_slice %arg4[%add3A_771, %dma_wait3A_775, %dma_wait3A_776] : memref<4096x50x64xf32, #tpu.memory_space<hbm>> -> memref<1x50x64xf32, #tpu.memory_space<hbm>>
    %dma_wait3A_778 = tpu.memref_squeeze %dma_wait3A_777 : memref<1x50x64xf32, #tpu.memory_space<hbm>> -> memref<50x64xf32, #tpu.memory_space<hbm>>
    %dma_wait3A_779 = arith.constant 0 : i32
    %dma_wait3A_780 = arith.constant 0 : i32
    %dma_wait3A_781 = tpu.memref_slice %arg4[%add3A_771, %dma_wait3A_779, %dma_wait3A_780] : memref<4096x50x64xf32, #tpu.memory_space<hbm>> -> memref<1x50x64xf32, #tpu.memory_space<hbm>>
    %dma_wait3A_782 = tpu.memref_squeeze %dma_wait3A_781 : memref<1x50x64xf32, #tpu.memory_space<hbm>> -> memref<50x64xf32, #tpu.memory_space<hbm>>
    %dma_wait3A_783 = arith.constant 0 : i32
    %dma_wait3A_784 = arith.constant 0 : i32
    %dma_wait3A_785 = tpu.memref_slice %arg8[%dma_wait3A_783, %dma_wait3A_784] : memref<200x64xf32, #tpu.memory_space<vmem>> -> memref<50x64xf32, #tpu.memory_space<vmem>>
    tpu.wait_dma2 semaphore(%arg24 : memref<!tpu.dma_semaphore, #tpu.memory_space<semaphore_mem>>) src(%dma_wait3A_785 : memref<50x64xf32, #tpu.memory_space<vmem>>) dst(%dma_wait3A_782 : memref<50x64xf32, #tpu.memory_space<hbm>>)
    %add3A_786 = arith.constant 8 : i32
    %add3A_787 = arith.addi %mul3A_2, %add3A_786 : i32
    %add3A_788 = arith.constant 1 : i32
    %add3A_789 = arith.addi %add3A_787, %add3A_788 : i32
    %dma_wait3A_790 = arith.constant 50 : i32
    %dma_wait3A_791 = arith.constant 0 : i32
    %dma_wait3A_792 = tpu.memref_slice %arg8[%dma_wait3A_790, %dma_wait3A_791] : memref<200x64xf32, #tpu.memory_space<vmem>> -> memref<50x64xf32, #tpu.memory_space<vmem>>
    %dma_wait3A_793 = arith.constant 0 : i32
    %dma_wait3A_794 = arith.constant 0 : i32
    %dma_wait3A_795 = tpu.memref_slice %arg4[%add3A_789, %dma_wait3A_793, %dma_wait3A_794] : memref<4096x50x64xf32, #tpu.memory_space<hbm>> -> memref<1x50x64xf32, #tpu.memory_space<hbm>>
    %dma_wait3A_796 = tpu.memref_squeeze %dma_wait3A_795 : memref<1x50x64xf32, #tpu.memory_space<hbm>> -> memref<50x64xf32, #tpu.memory_space<hbm>>
    %dma_wait3A_797 = arith.constant 0 : i32
    %dma_wait3A_798 = arith.constant 0 : i32
    %dma_wait3A_799 = tpu.memref_slice %arg4[%add3A_789, %dma_wait3A_797, %dma_wait3A_798] : memref<4096x50x64xf32, #tpu.memory_space<hbm>> -> memref<1x50x64xf32, #tpu.memory_space<hbm>>
    %dma_wait3A_800 = tpu.memref_squeeze %dma_wait3A_799 : memref<1x50x64xf32, #tpu.memory_space<hbm>> -> memref<50x64xf32, #tpu.memory_space<hbm>>
    %dma_wait3A_801 = arith.constant 50 : i32
    %dma_wait3A_802 = arith.constant 0 : i32
    %dma_wait3A_803 = tpu.memref_slice %arg8[%dma_wait3A_801, %dma_wait3A_802] : memref<200x64xf32, #tpu.memory_space<vmem>> -> memref<50x64xf32, #tpu.memory_space<vmem>>
    tpu.wait_dma2 semaphore(%arg24 : memref<!tpu.dma_semaphore, #tpu.memory_space<semaphore_mem>>) src(%dma_wait3A_803 : memref<50x64xf32, #tpu.memory_space<vmem>>) dst(%dma_wait3A_800 : memref<50x64xf32, #tpu.memory_space<hbm>>)
    %add3A_804 = arith.constant 8 : i32
    %add3A_805 = arith.addi %mul3A_2, %add3A_804 : i32
    %add3A_806 = arith.constant 2 : i32
    %add3A_807 = arith.addi %add3A_805, %add3A_806 : i32
    %dma_wait3A_808 = arith.constant 100 : i32
    %dma_wait3A_809 = arith.constant 0 : i32
    %dma_wait3A_810 = tpu.memref_slice %arg8[%dma_wait3A_808, %dma_wait3A_809] : memref<200x64xf32, #tpu.memory_space<vmem>> -> memref<50x64xf32, #tpu.memory_space<vmem>>
    %dma_wait3A_811 = arith.constant 0 : i32
    %dma_wait3A_812 = arith.constant 0 : i32
    %dma_wait3A_813 = tpu.memref_slice %arg4[%add3A_807, %dma_wait3A_811, %dma_wait3A_812] : memref<4096x50x64xf32, #tpu.memory_space<hbm>> -> memref<1x50x64xf32, #tpu.memory_space<hbm>>
    %dma_wait3A_814 = tpu.memref_squeeze %dma_wait3A_813 : memref<1x50x64xf32, #tpu.memory_space<hbm>> -> memref<50x64xf32, #tpu.memory_space<hbm>>
    %dma_wait3A_815 = arith.constant 0 : i32
    %dma_wait3A_816 = arith.constant 0 : i32
    %dma_wait3A_817 = tpu.memref_slice %arg4[%add3A_807, %dma_wait3A_815, %dma_wait3A_816] : memref<4096x50x64xf32, #tpu.memory_space<hbm>> -> memref<1x50x64xf32, #tpu.memory_space<hbm>>
    %dma_wait3A_818 = tpu.memref_squeeze %dma_wait3A_817 : memref<1x50x64xf32, #tpu.memory_space<hbm>> -> memref<50x64xf32, #tpu.memory_space<hbm>>
    %dma_wait3A_819 = arith.constant 100 : i32
    %dma_wait3A_820 = arith.constant 0 : i32
    %dma_wait3A_821 = tpu.memref_slice %arg8[%dma_wait3A_819, %dma_wait3A_820] : memref<200x64xf32, #tpu.memory_space<vmem>> -> memref<50x64xf32, #tpu.memory_space<vmem>>
    tpu.wait_dma2 semaphore(%arg24 : memref<!tpu.dma_semaphore, #tpu.memory_space<semaphore_mem>>) src(%dma_wait3A_821 : memref<50x64xf32, #tpu.memory_space<vmem>>) dst(%dma_wait3A_818 : memref<50x64xf32, #tpu.memory_space<hbm>>)
    %add3A_822 = arith.constant 8 : i32
    %add3A_823 = arith.addi %mul3A_2, %add3A_822 : i32
    %add3A_824 = arith.constant 3 : i32
    %add3A_825 = arith.addi %add3A_823, %add3A_824 : i32
    %dma_wait3A_826 = arith.constant 150 : i32
    %dma_wait3A_827 = arith.constant 0 : i32
    %dma_wait3A_828 = tpu.memref_slice %arg8[%dma_wait3A_826, %dma_wait3A_827] : memref<200x64xf32, #tpu.memory_space<vmem>> -> memref<50x64xf32, #tpu.memory_space<vmem>>
    %dma_wait3A_829 = arith.constant 0 : i32
    %dma_wait3A_830 = arith.constant 0 : i32
    %dma_wait3A_831 = tpu.memref_slice %arg4[%add3A_825, %dma_wait3A_829, %dma_wait3A_830] : memref<4096x50x64xf32, #tpu.memory_space<hbm>> -> memref<1x50x64xf32, #tpu.memory_space<hbm>>
    %dma_wait3A_832 = tpu.memref_squeeze %dma_wait3A_831 : memref<1x50x64xf32, #tpu.memory_space<hbm>> -> memref<50x64xf32, #tpu.memory_space<hbm>>
    %dma_wait3A_833 = arith.constant 0 : i32
    %dma_wait3A_834 = arith.constant 0 : i32
    %dma_wait3A_835 = tpu.memref_slice %arg4[%add3A_825, %dma_wait3A_833, %dma_wait3A_834] : memref<4096x50x64xf32, #tpu.memory_space<hbm>> -> memref<1x50x64xf32, #tpu.memory_space<hbm>>
    %dma_wait3A_836 = tpu.memref_squeeze %dma_wait3A_835 : memref<1x50x64xf32, #tpu.memory_space<hbm>> -> memref<50x64xf32, #tpu.memory_space<hbm>>
    %dma_wait3A_837 = arith.constant 150 : i32
    %dma_wait3A_838 = arith.constant 0 : i32
    %dma_wait3A_839 = tpu.memref_slice %arg8[%dma_wait3A_837, %dma_wait3A_838] : memref<200x64xf32, #tpu.memory_space<vmem>> -> memref<50x64xf32, #tpu.memory_space<vmem>>
    tpu.wait_dma2 semaphore(%arg24 : memref<!tpu.dma_semaphore, #tpu.memory_space<semaphore_mem>>) src(%dma_wait3A_839 : memref<50x64xf32, #tpu.memory_space<vmem>>) dst(%dma_wait3A_836 : memref<50x64xf32, #tpu.memory_space<hbm>>)
    %dma_start3A_840 = arith.constant 10 : i32
    %dma_start3A_841 = arith.constant 0 : i32
    %dma_start3A_842 = tpu.memref_slice %arg5[%dma_start3A_840, %dma_start3A_841] : memref<32x200xi32, #tpu.memory_space<vmem>> -> memref<1x200xi32, #tpu.memory_space<vmem>>
    %dma_start3A_843 = tpu.memref_squeeze %dma_start3A_842 : memref<1x200xi32, #tpu.memory_space<vmem>> -> memref<200xi32, #tpu.memory_space<vmem>>
    %dma_start3A_844 = arith.constant 0 : i32
    %dma_start3A_845 = arith.constant 0 : i32
    %dma_start3A_846 = tpu.memref_slice %arg2[%dma_start3A_844, %dma_start3A_845] : memref<100000x64xf32, #tpu.memory_space<hbm>> -> memref<100000x64xf32, #tpu.memory_space<hbm>>
    tpu.enqueue_indirect_dma source(%dma_start3A_846 : memref<100000x64xf32, #tpu.memory_space<hbm>>) target(%arg8 : memref<200x64xf32, #tpu.memory_space<vmem>>) offsets(%dma_start3A_843 : memref<200xi32, #tpu.memory_space<vmem>>) semaphore(%arg16 : memref<!tpu.dma_semaphore, #tpu.memory_space<semaphore_mem>>)
    %dma_wait3A_847 = arith.constant 7 : i32
    %dma_wait3A_848 = arith.constant 0 : i32
    %dma_wait3A_849 = tpu.memref_slice %arg5[%dma_wait3A_847, %dma_wait3A_848] : memref<32x200xi32, #tpu.memory_space<vmem>> -> memref<1x200xi32, #tpu.memory_space<vmem>>
    %dma_wait3A_850 = tpu.memref_squeeze %dma_wait3A_849 : memref<1x200xi32, #tpu.memory_space<vmem>> -> memref<200xi32, #tpu.memory_space<vmem>>
    %dma_wait3A_851 = arith.constant 0 : i32
    %dma_wait3A_852 = arith.constant 0 : i32
    %dma_wait3A_853 = tpu.memref_slice %arg2[%dma_wait3A_851, %dma_wait3A_852] : memref<100000x64xf32, #tpu.memory_space<hbm>> -> memref<100000x64xf32, #tpu.memory_space<hbm>>
    tpu.wait_indirect_dma semaphore(%arg21 : memref<!tpu.dma_semaphore, #tpu.memory_space<semaphore_mem>>) src(%dma_wait3A_853 : memref<100000x64xf32, #tpu.memory_space<hbm>>) dst(%arg13 : memref<200x64xf32, #tpu.memory_space<vmem>>)
    %add3A_854 = arith.constant 28 : i32
    %add3A_855 = arith.addi %mul3A_2, %add3A_854 : i32
    %add3A_856 = arith.constant 0 : i32
    %add3A_857 = arith.addi %add3A_855, %add3A_856 : i32
    %dma_start3A_858 = arith.constant 0 : i32
    %dma_start3A_859 = arith.constant 0 : i32
    %dma_start3A_860 = tpu.memref_slice %arg13[%dma_start3A_858, %dma_start3A_859] : memref<200x64xf32, #tpu.memory_space<vmem>> -> memref<50x64xf32, #tpu.memory_space<vmem>>
    %dma_start3A_861 = arith.constant 0 : i32
    %dma_start3A_862 = arith.constant 0 : i32
    %dma_start3A_863 = tpu.memref_slice %arg4[%add3A_857, %dma_start3A_861, %dma_start3A_862] : memref<4096x50x64xf32, #tpu.memory_space<hbm>> -> memref<1x50x64xf32, #tpu.memory_space<hbm>>
    %dma_start3A_864 = tpu.memref_squeeze %dma_start3A_863 : memref<1x50x64xf32, #tpu.memory_space<hbm>> -> memref<50x64xf32, #tpu.memory_space<hbm>>
    %dma_start3A_865 = arith.constant 0 : i32
    %dma_start3A_866 = arith.constant 0 : i32
    %dma_start3A_867 = tpu.memref_slice %arg4[%add3A_857, %dma_start3A_865, %dma_start3A_866] : memref<4096x50x64xf32, #tpu.memory_space<hbm>> -> memref<1x50x64xf32, #tpu.memory_space<hbm>>
    %dma_start3A_868 = tpu.memref_squeeze %dma_start3A_867 : memref<1x50x64xf32, #tpu.memory_space<hbm>> -> memref<50x64xf32, #tpu.memory_space<hbm>>
    %dma_start3A_869 = arith.constant 0 : i32
    %dma_start3A_870 = arith.constant 0 : i32
    %dma_start3A_871 = tpu.memref_slice %arg13[%dma_start3A_869, %dma_start3A_870] : memref<200x64xf32, #tpu.memory_space<vmem>> -> memref<50x64xf32, #tpu.memory_space<vmem>>
    tpu.enqueue_dma source(%dma_start3A_871 : memref<50x64xf32, #tpu.memory_space<vmem>>) target(%dma_start3A_868 : memref<50x64xf32, #tpu.memory_space<hbm>>) target_semaphore(%arg29 : memref<!tpu.dma_semaphore, #tpu.memory_space<semaphore_mem>>)
    %add3A_872 = arith.constant 28 : i32
    %add3A_873 = arith.addi %mul3A_2, %add3A_872 : i32
    %add3A_874 = arith.constant 1 : i32
    %add3A_875 = arith.addi %add3A_873, %add3A_874 : i32
    %dma_start3A_876 = arith.constant 50 : i32
    %dma_start3A_877 = arith.constant 0 : i32
    %dma_start3A_878 = tpu.memref_slice %arg13[%dma_start3A_876, %dma_start3A_877] : memref<200x64xf32, #tpu.memory_space<vmem>> -> memref<50x64xf32, #tpu.memory_space<vmem>>
    %dma_start3A_879 = arith.constant 0 : i32
    %dma_start3A_880 = arith.constant 0 : i32
    %dma_start3A_881 = tpu.memref_slice %arg4[%add3A_875, %dma_start3A_879, %dma_start3A_880] : memref<4096x50x64xf32, #tpu.memory_space<hbm>> -> memref<1x50x64xf32, #tpu.memory_space<hbm>>
    %dma_start3A_882 = tpu.memref_squeeze %dma_start3A_881 : memref<1x50x64xf32, #tpu.memory_space<hbm>> -> memref<50x64xf32, #tpu.memory_space<hbm>>
    %dma_start3A_883 = arith.constant 0 : i32
    %dma_start3A_884 = arith.constant 0 : i32
    %dma_start3A_885 = tpu.memref_slice %arg4[%add3A_875, %dma_start3A_883, %dma_start3A_884] : memref<4096x50x64xf32, #tpu.memory_space<hbm>> -> memref<1x50x64xf32, #tpu.memory_space<hbm>>
    %dma_start3A_886 = tpu.memref_squeeze %dma_start3A_885 : memref<1x50x64xf32, #tpu.memory_space<hbm>> -> memref<50x64xf32, #tpu.memory_space<hbm>>
    %dma_start3A_887 = arith.constant 50 : i32
    %dma_start3A_888 = arith.constant 0 : i32
    %dma_start3A_889 = tpu.memref_slice %arg13[%dma_start3A_887, %dma_start3A_888] : memref<200x64xf32, #tpu.memory_space<vmem>> -> memref<50x64xf32, #tpu.memory_space<vmem>>
    tpu.enqueue_dma source(%dma_start3A_889 : memref<50x64xf32, #tpu.memory_space<vmem>>) target(%dma_start3A_886 : memref<50x64xf32, #tpu.memory_space<hbm>>) target_semaphore(%arg29 : memref<!tpu.dma_semaphore, #tpu.memory_space<semaphore_mem>>)
    %add3A_890 = arith.constant 28 : i32
    %add3A_891 = arith.addi %mul3A_2, %add3A_890 : i32
    %add3A_892 = arith.constant 2 : i32
    %add3A_893 = arith.addi %add3A_891, %add3A_892 : i32
    %dma_start3A_894 = arith.constant 100 : i32
    %dma_start3A_895 = arith.constant 0 : i32
    %dma_start3A_896 = tpu.memref_slice %arg13[%dma_start3A_894, %dma_start3A_895] : memref<200x64xf32, #tpu.memory_space<vmem>> -> memref<50x64xf32, #tpu.memory_space<vmem>>
    %dma_start3A_897 = arith.constant 0 : i32
    %dma_start3A_898 = arith.constant 0 : i32
    %dma_start3A_899 = tpu.memref_slice %arg4[%add3A_893, %dma_start3A_897, %dma_start3A_898] : memref<4096x50x64xf32, #tpu.memory_space<hbm>> -> memref<1x50x64xf32, #tpu.memory_space<hbm>>
    %dma_start3A_900 = tpu.memref_squeeze %dma_start3A_899 : memref<1x50x64xf32, #tpu.memory_space<hbm>> -> memref<50x64xf32, #tpu.memory_space<hbm>>
    %dma_start3A_901 = arith.constant 0 : i32
    %dma_start3A_902 = arith.constant 0 : i32
    %dma_start3A_903 = tpu.memref_slice %arg4[%add3A_893, %dma_start3A_901, %dma_start3A_902] : memref<4096x50x64xf32, #tpu.memory_space<hbm>> -> memref<1x50x64xf32, #tpu.memory_space<hbm>>
    %dma_start3A_904 = tpu.memref_squeeze %dma_start3A_903 : memref<1x50x64xf32, #tpu.memory_space<hbm>> -> memref<50x64xf32, #tpu.memory_space<hbm>>
    %dma_start3A_905 = arith.constant 100 : i32
    %dma_start3A_906 = arith.constant 0 : i32
    %dma_start3A_907 = tpu.memref_slice %arg13[%dma_start3A_905, %dma_start3A_906] : memref<200x64xf32, #tpu.memory_space<vmem>> -> memref<50x64xf32, #tpu.memory_space<vmem>>
    tpu.enqueue_dma source(%dma_start3A_907 : memref<50x64xf32, #tpu.memory_space<vmem>>) target(%dma_start3A_904 : memref<50x64xf32, #tpu.memory_space<hbm>>) target_semaphore(%arg29 : memref<!tpu.dma_semaphore, #tpu.memory_space<semaphore_mem>>)
    %add3A_908 = arith.constant 28 : i32
    %add3A_909 = arith.addi %mul3A_2, %add3A_908 : i32
    %add3A_910 = arith.constant 3 : i32
    %add3A_911 = arith.addi %add3A_909, %add3A_910 : i32
    %dma_start3A_912 = arith.constant 150 : i32
    %dma_start3A_913 = arith.constant 0 : i32
    %dma_start3A_914 = tpu.memref_slice %arg13[%dma_start3A_912, %dma_start3A_913] : memref<200x64xf32, #tpu.memory_space<vmem>> -> memref<50x64xf32, #tpu.memory_space<vmem>>
    %dma_start3A_915 = arith.constant 0 : i32
    %dma_start3A_916 = arith.constant 0 : i32
    %dma_start3A_917 = tpu.memref_slice %arg4[%add3A_911, %dma_start3A_915, %dma_start3A_916] : memref<4096x50x64xf32, #tpu.memory_space<hbm>> -> memref<1x50x64xf32, #tpu.memory_space<hbm>>
    %dma_start3A_918 = tpu.memref_squeeze %dma_start3A_917 : memref<1x50x64xf32, #tpu.memory_space<hbm>> -> memref<50x64xf32, #tpu.memory_space<hbm>>
    %dma_start3A_919 = arith.constant 0 : i32
    %dma_start3A_920 = arith.constant 0 : i32
    %dma_start3A_921 = tpu.memref_slice %arg4[%add3A_911, %dma_start3A_919, %dma_start3A_920] : memref<4096x50x64xf32, #tpu.memory_space<hbm>> -> memref<1x50x64xf32, #tpu.memory_space<hbm>>
    %dma_start3A_922 = tpu.memref_squeeze %dma_start3A_921 : memref<1x50x64xf32, #tpu.memory_space<hbm>> -> memref<50x64xf32, #tpu.memory_space<hbm>>
    %dma_start3A_923 = arith.constant 150 : i32
    %dma_start3A_924 = arith.constant 0 : i32
    %dma_start3A_925 = tpu.memref_slice %arg13[%dma_start3A_923, %dma_start3A_924] : memref<200x64xf32, #tpu.memory_space<vmem>> -> memref<50x64xf32, #tpu.memory_space<vmem>>
    tpu.enqueue_dma source(%dma_start3A_925 : memref<50x64xf32, #tpu.memory_space<vmem>>) target(%dma_start3A_922 : memref<50x64xf32, #tpu.memory_space<hbm>>) target_semaphore(%arg29 : memref<!tpu.dma_semaphore, #tpu.memory_space<semaphore_mem>>)
    %add3A_926 = arith.constant 12 : i32
    %add3A_927 = arith.addi %mul3A_2, %add3A_926 : i32
    %add3A_928 = arith.constant 0 : i32
    %add3A_929 = arith.addi %add3A_927, %add3A_928 : i32
    %dma_wait3A_930 = arith.constant 0 : i32
    %dma_wait3A_931 = arith.constant 0 : i32
    %dma_wait3A_932 = tpu.memref_slice %arg9[%dma_wait3A_930, %dma_wait3A_931] : memref<200x64xf32, #tpu.memory_space<vmem>> -> memref<50x64xf32, #tpu.memory_space<vmem>>
    %dma_wait3A_933 = arith.constant 0 : i32
    %dma_wait3A_934 = arith.constant 0 : i32
    %dma_wait3A_935 = tpu.memref_slice %arg4[%add3A_929, %dma_wait3A_933, %dma_wait3A_934] : memref<4096x50x64xf32, #tpu.memory_space<hbm>> -> memref<1x50x64xf32, #tpu.memory_space<hbm>>
    %dma_wait3A_936 = tpu.memref_squeeze %dma_wait3A_935 : memref<1x50x64xf32, #tpu.memory_space<hbm>> -> memref<50x64xf32, #tpu.memory_space<hbm>>
    %dma_wait3A_937 = arith.constant 0 : i32
    %dma_wait3A_938 = arith.constant 0 : i32
    %dma_wait3A_939 = tpu.memref_slice %arg4[%add3A_929, %dma_wait3A_937, %dma_wait3A_938] : memref<4096x50x64xf32, #tpu.memory_space<hbm>> -> memref<1x50x64xf32, #tpu.memory_space<hbm>>
    %dma_wait3A_940 = tpu.memref_squeeze %dma_wait3A_939 : memref<1x50x64xf32, #tpu.memory_space<hbm>> -> memref<50x64xf32, #tpu.memory_space<hbm>>
    %dma_wait3A_941 = arith.constant 0 : i32
    %dma_wait3A_942 = arith.constant 0 : i32
    %dma_wait3A_943 = tpu.memref_slice %arg9[%dma_wait3A_941, %dma_wait3A_942] : memref<200x64xf32, #tpu.memory_space<vmem>> -> memref<50x64xf32, #tpu.memory_space<vmem>>
    tpu.wait_dma2 semaphore(%arg25 : memref<!tpu.dma_semaphore, #tpu.memory_space<semaphore_mem>>) src(%dma_wait3A_943 : memref<50x64xf32, #tpu.memory_space<vmem>>) dst(%dma_wait3A_940 : memref<50x64xf32, #tpu.memory_space<hbm>>)
    %add3A_944 = arith.constant 12 : i32
    %add3A_945 = arith.addi %mul3A_2, %add3A_944 : i32
    %add3A_946 = arith.constant 1 : i32
    %add3A_947 = arith.addi %add3A_945, %add3A_946 : i32
    %dma_wait3A_948 = arith.constant 50 : i32
    %dma_wait3A_949 = arith.constant 0 : i32
    %dma_wait3A_950 = tpu.memref_slice %arg9[%dma_wait3A_948, %dma_wait3A_949] : memref<200x64xf32, #tpu.memory_space<vmem>> -> memref<50x64xf32, #tpu.memory_space<vmem>>
    %dma_wait3A_951 = arith.constant 0 : i32
    %dma_wait3A_952 = arith.constant 0 : i32
    %dma_wait3A_953 = tpu.memref_slice %arg4[%add3A_947, %dma_wait3A_951, %dma_wait3A_952] : memref<4096x50x64xf32, #tpu.memory_space<hbm>> -> memref<1x50x64xf32, #tpu.memory_space<hbm>>
    %dma_wait3A_954 = tpu.memref_squeeze %dma_wait3A_953 : memref<1x50x64xf32, #tpu.memory_space<hbm>> -> memref<50x64xf32, #tpu.memory_space<hbm>>
    %dma_wait3A_955 = arith.constant 0 : i32
    %dma_wait3A_956 = arith.constant 0 : i32
    %dma_wait3A_957 = tpu.memref_slice %arg4[%add3A_947, %dma_wait3A_955, %dma_wait3A_956] : memref<4096x50x64xf32, #tpu.memory_space<hbm>> -> memref<1x50x64xf32, #tpu.memory_space<hbm>>
    %dma_wait3A_958 = tpu.memref_squeeze %dma_wait3A_957 : memref<1x50x64xf32, #tpu.memory_space<hbm>> -> memref<50x64xf32, #tpu.memory_space<hbm>>
    %dma_wait3A_959 = arith.constant 50 : i32
    %dma_wait3A_960 = arith.constant 0 : i32
    %dma_wait3A_961 = tpu.memref_slice %arg9[%dma_wait3A_959, %dma_wait3A_960] : memref<200x64xf32, #tpu.memory_space<vmem>> -> memref<50x64xf32, #tpu.memory_space<vmem>>
    tpu.wait_dma2 semaphore(%arg25 : memref<!tpu.dma_semaphore, #tpu.memory_space<semaphore_mem>>) src(%dma_wait3A_961 : memref<50x64xf32, #tpu.memory_space<vmem>>) dst(%dma_wait3A_958 : memref<50x64xf32, #tpu.memory_space<hbm>>)
    %add3A_962 = arith.constant 12 : i32
    %add3A_963 = arith.addi %mul3A_2, %add3A_962 : i32
    %add3A_964 = arith.constant 2 : i32
    %add3A_965 = arith.addi %add3A_963, %add3A_964 : i32
    %dma_wait3A_966 = arith.constant 100 : i32
    %dma_wait3A_967 = arith.constant 0 : i32
    %dma_wait3A_968 = tpu.memref_slice %arg9[%dma_wait3A_966, %dma_wait3A_967] : memref<200x64xf32, #tpu.memory_space<vmem>> -> memref<50x64xf32, #tpu.memory_space<vmem>>
    %dma_wait3A_969 = arith.constant 0 : i32
    %dma_wait3A_970 = arith.constant 0 : i32
    %dma_wait3A_971 = tpu.memref_slice %arg4[%add3A_965, %dma_wait3A_969, %dma_wait3A_970] : memref<4096x50x64xf32, #tpu.memory_space<hbm>> -> memref<1x50x64xf32, #tpu.memory_space<hbm>>
    %dma_wait3A_972 = tpu.memref_squeeze %dma_wait3A_971 : memref<1x50x64xf32, #tpu.memory_space<hbm>> -> memref<50x64xf32, #tpu.memory_space<hbm>>
    %dma_wait3A_973 = arith.constant 0 : i32
    %dma_wait3A_974 = arith.constant 0 : i32
    %dma_wait3A_975 = tpu.memref_slice %arg4[%add3A_965, %dma_wait3A_973, %dma_wait3A_974] : memref<4096x50x64xf32, #tpu.memory_space<hbm>> -> memref<1x50x64xf32, #tpu.memory_space<hbm>>
    %dma_wait3A_976 = tpu.memref_squeeze %dma_wait3A_975 : memref<1x50x64xf32, #tpu.memory_space<hbm>> -> memref<50x64xf32, #tpu.memory_space<hbm>>
    %dma_wait3A_977 = arith.constant 100 : i32
    %dma_wait3A_978 = arith.constant 0 : i32
    %dma_wait3A_979 = tpu.memref_slice %arg9[%dma_wait3A_977, %dma_wait3A_978] : memref<200x64xf32, #tpu.memory_space<vmem>> -> memref<50x64xf32, #tpu.memory_space<vmem>>
    tpu.wait_dma2 semaphore(%arg25 : memref<!tpu.dma_semaphore, #tpu.memory_space<semaphore_mem>>) src(%dma_wait3A_979 : memref<50x64xf32, #tpu.memory_space<vmem>>) dst(%dma_wait3A_976 : memref<50x64xf32, #tpu.memory_space<hbm>>)
    %add3A_980 = arith.constant 12 : i32
    %add3A_981 = arith.addi %mul3A_2, %add3A_980 : i32
    %add3A_982 = arith.constant 3 : i32
    %add3A_983 = arith.addi %add3A_981, %add3A_982 : i32
    %dma_wait3A_984 = arith.constant 150 : i32
    %dma_wait3A_985 = arith.constant 0 : i32
    %dma_wait3A_986 = tpu.memref_slice %arg9[%dma_wait3A_984, %dma_wait3A_985] : memref<200x64xf32, #tpu.memory_space<vmem>> -> memref<50x64xf32, #tpu.memory_space<vmem>>
    %dma_wait3A_987 = arith.constant 0 : i32
    %dma_wait3A_988 = arith.constant 0 : i32
    %dma_wait3A_989 = tpu.memref_slice %arg4[%add3A_983, %dma_wait3A_987, %dma_wait3A_988] : memref<4096x50x64xf32, #tpu.memory_space<hbm>> -> memref<1x50x64xf32, #tpu.memory_space<hbm>>
    %dma_wait3A_990 = tpu.memref_squeeze %dma_wait3A_989 : memref<1x50x64xf32, #tpu.memory_space<hbm>> -> memref<50x64xf32, #tpu.memory_space<hbm>>
    %dma_wait3A_991 = arith.constant 0 : i32
    %dma_wait3A_992 = arith.constant 0 : i32
    %dma_wait3A_993 = tpu.memref_slice %arg4[%add3A_983, %dma_wait3A_991, %dma_wait3A_992] : memref<4096x50x64xf32, #tpu.memory_space<hbm>> -> memref<1x50x64xf32, #tpu.memory_space<hbm>>
    %dma_wait3A_994 = tpu.memref_squeeze %dma_wait3A_993 : memref<1x50x64xf32, #tpu.memory_space<hbm>> -> memref<50x64xf32, #tpu.memory_space<hbm>>
    %dma_wait3A_995 = arith.constant 150 : i32
    %dma_wait3A_996 = arith.constant 0 : i32
    %dma_wait3A_997 = tpu.memref_slice %arg9[%dma_wait3A_995, %dma_wait3A_996] : memref<200x64xf32, #tpu.memory_space<vmem>> -> memref<50x64xf32, #tpu.memory_space<vmem>>
    tpu.wait_dma2 semaphore(%arg25 : memref<!tpu.dma_semaphore, #tpu.memory_space<semaphore_mem>>) src(%dma_wait3A_997 : memref<50x64xf32, #tpu.memory_space<vmem>>) dst(%dma_wait3A_994 : memref<50x64xf32, #tpu.memory_space<hbm>>)
    %dma_start3A_998 = arith.constant 11 : i32
    %dma_start3A_999 = arith.constant 0 : i32
    %dma_start3A_1000 = tpu.memref_slice %arg5[%dma_start3A_998, %dma_start3A_999] : memref<32x200xi32, #tpu.memory_space<vmem>> -> memref<1x200xi32, #tpu.memory_space<vmem>>
    %dma_start3A_1001 = tpu.memref_squeeze %dma_start3A_1000 : memref<1x200xi32, #tpu.memory_space<vmem>> -> memref<200xi32, #tpu.memory_space<vmem>>
    %dma_start3A_1002 = arith.constant 0 : i32
    %dma_start3A_1003 = arith.constant 0 : i32
    %dma_start3A_1004 = tpu.memref_slice %arg2[%dma_start3A_1002, %dma_start3A_1003] : memref<100000x64xf32, #tpu.memory_space<hbm>> -> memref<100000x64xf32, #tpu.memory_space<hbm>>
    tpu.enqueue_indirect_dma source(%dma_start3A_1004 : memref<100000x64xf32, #tpu.memory_space<hbm>>) target(%arg9 : memref<200x64xf32, #tpu.memory_space<vmem>>) offsets(%dma_start3A_1001 : memref<200xi32, #tpu.memory_space<vmem>>) semaphore(%arg17 : memref<!tpu.dma_semaphore, #tpu.memory_space<semaphore_mem>>)
    %scan3A = arith.constant 0 : i32
    %scan3A_1005 = arith.constant 2 : i32
    %scan3A_1006 = arith.addi %scan3A, %scan3A_1005 : i32
    %scan3A_1007 = arith.constant 1 : i32
    scf.for %scan3A_2533 = %scan3A to %scan3A_1006 step %scan3A_1007  : i32 {
      %mul3A_2534 = arith.constant 8 : i32
      %mul3A_2535 = arith.muli %scan3A_2533, %mul3A_2534 : i32
      %add3A_2536 = arith.constant 8 : i32
      %add3A_2537 = arith.addi %add3A_2536, %mul3A_2535 : i32
      %add3A_2538 = arith.constant 0 : i32
      %add3A_2539 = arith.addi %add3A_2537, %add3A_2538 : i32
      %dma_wait3A_2540 = arith.constant 0 : i32
      %dma_wait3A_2541 = tpu.memref_slice %arg5[%add3A_2539, %dma_wait3A_2540] : memref<32x200xi32, #tpu.memory_space<vmem>> -> memref<1x200xi32, #tpu.memory_space<vmem>>
      %dma_wait3A_2542 = tpu.memref_squeeze %dma_wait3A_2541 : memref<1x200xi32, #tpu.memory_space<vmem>> -> memref<200xi32, #tpu.memory_space<vmem>>
      %dma_wait3A_2543 = arith.constant 0 : i32
      %dma_wait3A_2544 = arith.constant 0 : i32
      %dma_wait3A_2545 = tpu.memref_slice %arg2[%dma_wait3A_2543, %dma_wait3A_2544] : memref<100000x64xf32, #tpu.memory_space<hbm>> -> memref<100000x64xf32, #tpu.memory_space<hbm>>
      tpu.wait_indirect_dma semaphore(%arg14 : memref<!tpu.dma_semaphore, #tpu.memory_space<semaphore_mem>>) src(%dma_wait3A_2545 : memref<100000x64xf32, #tpu.memory_space<hbm>>) dst(%arg6 : memref<200x64xf32, #tpu.memory_space<vmem>>)
      %mul3A_2546 = arith.constant 4 : i32
      %mul3A_2547 = arith.muli %add3A_2539, %mul3A_2546 : i32
      %add3A_2548 = arith.addi %mul3A_2, %mul3A_2547 : i32
      %add3A_2549 = arith.constant 0 : i32
      %add3A_2550 = arith.addi %add3A_2548, %add3A_2549 : i32
      %dma_start3A_2551 = arith.constant 0 : i32
      %dma_start3A_2552 = arith.constant 0 : i32
      %dma_start3A_2553 = tpu.memref_slice %arg6[%dma_start3A_2551, %dma_start3A_2552] : memref<200x64xf32, #tpu.memory_space<vmem>> -> memref<50x64xf32, #tpu.memory_space<vmem>>
      %dma_start3A_2554 = arith.constant 0 : i32
      %dma_start3A_2555 = arith.constant 0 : i32
      %dma_start3A_2556 = tpu.memref_slice %arg4[%add3A_2550, %dma_start3A_2554, %dma_start3A_2555] : memref<4096x50x64xf32, #tpu.memory_space<hbm>> -> memref<1x50x64xf32, #tpu.memory_space<hbm>>
      %dma_start3A_2557 = tpu.memref_squeeze %dma_start3A_2556 : memref<1x50x64xf32, #tpu.memory_space<hbm>> -> memref<50x64xf32, #tpu.memory_space<hbm>>
      %dma_start3A_2558 = arith.constant 0 : i32
      %dma_start3A_2559 = arith.constant 0 : i32
      %dma_start3A_2560 = tpu.memref_slice %arg4[%add3A_2550, %dma_start3A_2558, %dma_start3A_2559] : memref<4096x50x64xf32, #tpu.memory_space<hbm>> -> memref<1x50x64xf32, #tpu.memory_space<hbm>>
      %dma_start3A_2561 = tpu.memref_squeeze %dma_start3A_2560 : memref<1x50x64xf32, #tpu.memory_space<hbm>> -> memref<50x64xf32, #tpu.memory_space<hbm>>
      %dma_start3A_2562 = arith.constant 0 : i32
      %dma_start3A_2563 = arith.constant 0 : i32
      %dma_start3A_2564 = tpu.memref_slice %arg6[%dma_start3A_2562, %dma_start3A_2563] : memref<200x64xf32, #tpu.memory_space<vmem>> -> memref<50x64xf32, #tpu.memory_space<vmem>>
      tpu.enqueue_dma source(%dma_start3A_2564 : memref<50x64xf32, #tpu.memory_space<vmem>>) target(%dma_start3A_2561 : memref<50x64xf32, #tpu.memory_space<hbm>>) target_semaphore(%arg22 : memref<!tpu.dma_semaphore, #tpu.memory_space<semaphore_mem>>)
      %mul3A_2565 = arith.constant 4 : i32
      %mul3A_2566 = arith.muli %add3A_2539, %mul3A_2565 : i32
      %add3A_2567 = arith.addi %mul3A_2, %mul3A_2566 : i32
      %add3A_2568 = arith.constant 1 : i32
      %add3A_2569 = arith.addi %add3A_2567, %add3A_2568 : i32
      %dma_start3A_2570 = arith.constant 50 : i32
      %dma_start3A_2571 = arith.constant 0 : i32
      %dma_start3A_2572 = tpu.memref_slice %arg6[%dma_start3A_2570, %dma_start3A_2571] : memref<200x64xf32, #tpu.memory_space<vmem>> -> memref<50x64xf32, #tpu.memory_space<vmem>>
      %dma_start3A_2573 = arith.constant 0 : i32
      %dma_start3A_2574 = arith.constant 0 : i32
      %dma_start3A_2575 = tpu.memref_slice %arg4[%add3A_2569, %dma_start3A_2573, %dma_start3A_2574] : memref<4096x50x64xf32, #tpu.memory_space<hbm>> -> memref<1x50x64xf32, #tpu.memory_space<hbm>>
      %dma_start3A_2576 = tpu.memref_squeeze %dma_start3A_2575 : memref<1x50x64xf32, #tpu.memory_space<hbm>> -> memref<50x64xf32, #tpu.memory_space<hbm>>
      %dma_start3A_2577 = arith.constant 0 : i32
      %dma_start3A_2578 = arith.constant 0 : i32
      %dma_start3A_2579 = tpu.memref_slice %arg4[%add3A_2569, %dma_start3A_2577, %dma_start3A_2578] : memref<4096x50x64xf32, #tpu.memory_space<hbm>> -> memref<1x50x64xf32, #tpu.memory_space<hbm>>
      %dma_start3A_2580 = tpu.memref_squeeze %dma_start3A_2579 : memref<1x50x64xf32, #tpu.memory_space<hbm>> -> memref<50x64xf32, #tpu.memory_space<hbm>>
      %dma_start3A_2581 = arith.constant 50 : i32
      %dma_start3A_2582 = arith.constant 0 : i32
      %dma_start3A_2583 = tpu.memref_slice %arg6[%dma_start3A_2581, %dma_start3A_2582] : memref<200x64xf32, #tpu.memory_space<vmem>> -> memref<50x64xf32, #tpu.memory_space<vmem>>
      tpu.enqueue_dma source(%dma_start3A_2583 : memref<50x64xf32, #tpu.memory_space<vmem>>) target(%dma_start3A_2580 : memref<50x64xf32, #tpu.memory_space<hbm>>) target_semaphore(%arg22 : memref<!tpu.dma_semaphore, #tpu.memory_space<semaphore_mem>>)
      %mul3A_2584 = arith.constant 4 : i32
      %mul3A_2585 = arith.muli %add3A_2539, %mul3A_2584 : i32
      %add3A_2586 = arith.addi %mul3A_2, %mul3A_2585 : i32
      %add3A_2587 = arith.constant 2 : i32
      %add3A_2588 = arith.addi %add3A_2586, %add3A_2587 : i32
      %dma_start3A_2589 = arith.constant 100 : i32
      %dma_start3A_2590 = arith.constant 0 : i32
      %dma_start3A_2591 = tpu.memref_slice %arg6[%dma_start3A_2589, %dma_start3A_2590] : memref<200x64xf32, #tpu.memory_space<vmem>> -> memref<50x64xf32, #tpu.memory_space<vmem>>
      %dma_start3A_2592 = arith.constant 0 : i32
      %dma_start3A_2593 = arith.constant 0 : i32
      %dma_start3A_2594 = tpu.memref_slice %arg4[%add3A_2588, %dma_start3A_2592, %dma_start3A_2593] : memref<4096x50x64xf32, #tpu.memory_space<hbm>> -> memref<1x50x64xf32, #tpu.memory_space<hbm>>
      %dma_start3A_2595 = tpu.memref_squeeze %dma_start3A_2594 : memref<1x50x64xf32, #tpu.memory_space<hbm>> -> memref<50x64xf32, #tpu.memory_space<hbm>>
      %dma_start3A_2596 = arith.constant 0 : i32
      %dma_start3A_2597 = arith.constant 0 : i32
      %dma_start3A_2598 = tpu.memref_slice %arg4[%add3A_2588, %dma_start3A_2596, %dma_start3A_2597] : memref<4096x50x64xf32, #tpu.memory_space<hbm>> -> memref<1x50x64xf32, #tpu.memory_space<hbm>>
      %dma_start3A_2599 = tpu.memref_squeeze %dma_start3A_2598 : memref<1x50x64xf32, #tpu.memory_space<hbm>> -> memref<50x64xf32, #tpu.memory_space<hbm>>
      %dma_start3A_2600 = arith.constant 100 : i32
      %dma_start3A_2601 = arith.constant 0 : i32
      %dma_start3A_2602 = tpu.memref_slice %arg6[%dma_start3A_2600, %dma_start3A_2601] : memref<200x64xf32, #tpu.memory_space<vmem>> -> memref<50x64xf32, #tpu.memory_space<vmem>>
      tpu.enqueue_dma source(%dma_start3A_2602 : memref<50x64xf32, #tpu.memory_space<vmem>>) target(%dma_start3A_2599 : memref<50x64xf32, #tpu.memory_space<hbm>>) target_semaphore(%arg22 : memref<!tpu.dma_semaphore, #tpu.memory_space<semaphore_mem>>)
      %mul3A_2603 = arith.constant 4 : i32
      %mul3A_2604 = arith.muli %add3A_2539, %mul3A_2603 : i32
      %add3A_2605 = arith.addi %mul3A_2, %mul3A_2604 : i32
      %add3A_2606 = arith.constant 3 : i32
      %add3A_2607 = arith.addi %add3A_2605, %add3A_2606 : i32
      %dma_start3A_2608 = arith.constant 150 : i32
      %dma_start3A_2609 = arith.constant 0 : i32
      %dma_start3A_2610 = tpu.memref_slice %arg6[%dma_start3A_2608, %dma_start3A_2609] : memref<200x64xf32, #tpu.memory_space<vmem>> -> memref<50x64xf32, #tpu.memory_space<vmem>>
      %dma_start3A_2611 = arith.constant 0 : i32
      %dma_start3A_2612 = arith.constant 0 : i32
      %dma_start3A_2613 = tpu.memref_slice %arg4[%add3A_2607, %dma_start3A_2611, %dma_start3A_2612] : memref<4096x50x64xf32, #tpu.memory_space<hbm>> -> memref<1x50x64xf32, #tpu.memory_space<hbm>>
      %dma_start3A_2614 = tpu.memref_squeeze %dma_start3A_2613 : memref<1x50x64xf32, #tpu.memory_space<hbm>> -> memref<50x64xf32, #tpu.memory_space<hbm>>
      %dma_start3A_2615 = arith.constant 0 : i32
      %dma_start3A_2616 = arith.constant 0 : i32
      %dma_start3A_2617 = tpu.memref_slice %arg4[%add3A_2607, %dma_start3A_2615, %dma_start3A_2616] : memref<4096x50x64xf32, #tpu.memory_space<hbm>> -> memref<1x50x64xf32, #tpu.memory_space<hbm>>
      %dma_start3A_2618 = tpu.memref_squeeze %dma_start3A_2617 : memref<1x50x64xf32, #tpu.memory_space<hbm>> -> memref<50x64xf32, #tpu.memory_space<hbm>>
      %dma_start3A_2619 = arith.constant 150 : i32
      %dma_start3A_2620 = arith.constant 0 : i32
      %dma_start3A_2621 = tpu.memref_slice %arg6[%dma_start3A_2619, %dma_start3A_2620] : memref<200x64xf32, #tpu.memory_space<vmem>> -> memref<50x64xf32, #tpu.memory_space<vmem>>
      tpu.enqueue_dma source(%dma_start3A_2621 : memref<50x64xf32, #tpu.memory_space<vmem>>) target(%dma_start3A_2618 : memref<50x64xf32, #tpu.memory_space<hbm>>) target_semaphore(%arg22 : memref<!tpu.dma_semaphore, #tpu.memory_space<semaphore_mem>>)
      %add3A_2622 = arith.constant 4 : i32
      %add3A_2623 = arith.addi %add3A_2539, %add3A_2622 : i32
      %sub3A = arith.constant 8 : i32
      %sub3A_2624 = arith.subi %add3A_2623, %sub3A : i32
      %mul3A_2625 = arith.constant 4 : i32
      %mul3A_2626 = arith.muli %sub3A_2624, %mul3A_2625 : i32
      %add3A_2627 = arith.addi %mul3A_2, %mul3A_2626 : i32
      %add3A_2628 = arith.constant 0 : i32
      %add3A_2629 = arith.addi %add3A_2627, %add3A_2628 : i32
      %dma_wait3A_2630 = arith.constant 0 : i32
      %dma_wait3A_2631 = arith.constant 0 : i32
      %dma_wait3A_2632 = tpu.memref_slice %arg10[%dma_wait3A_2630, %dma_wait3A_2631] : memref<200x64xf32, #tpu.memory_space<vmem>> -> memref<50x64xf32, #tpu.memory_space<vmem>>
      %dma_wait3A_2633 = arith.constant 0 : i32
      %dma_wait3A_2634 = arith.constant 0 : i32
      %dma_wait3A_2635 = tpu.memref_slice %arg4[%add3A_2629, %dma_wait3A_2633, %dma_wait3A_2634] : memref<4096x50x64xf32, #tpu.memory_space<hbm>> -> memref<1x50x64xf32, #tpu.memory_space<hbm>>
      %dma_wait3A_2636 = tpu.memref_squeeze %dma_wait3A_2635 : memref<1x50x64xf32, #tpu.memory_space<hbm>> -> memref<50x64xf32, #tpu.memory_space<hbm>>
      %dma_wait3A_2637 = arith.constant 0 : i32
      %dma_wait3A_2638 = arith.constant 0 : i32
      %dma_wait3A_2639 = tpu.memref_slice %arg4[%add3A_2629, %dma_wait3A_2637, %dma_wait3A_2638] : memref<4096x50x64xf32, #tpu.memory_space<hbm>> -> memref<1x50x64xf32, #tpu.memory_space<hbm>>
      %dma_wait3A_2640 = tpu.memref_squeeze %dma_wait3A_2639 : memref<1x50x64xf32, #tpu.memory_space<hbm>> -> memref<50x64xf32, #tpu.memory_space<hbm>>
      %dma_wait3A_2641 = arith.constant 0 : i32
      %dma_wait3A_2642 = arith.constant 0 : i32
      %dma_wait3A_2643 = tpu.memref_slice %arg10[%dma_wait3A_2641, %dma_wait3A_2642] : memref<200x64xf32, #tpu.memory_space<vmem>> -> memref<50x64xf32, #tpu.memory_space<vmem>>
      tpu.wait_dma2 semaphore(%arg26 : memref<!tpu.dma_semaphore, #tpu.memory_space<semaphore_mem>>) src(%dma_wait3A_2643 : memref<50x64xf32, #tpu.memory_space<vmem>>) dst(%dma_wait3A_2640 : memref<50x64xf32, #tpu.memory_space<hbm>>)
      %mul3A_2644 = arith.constant 4 : i32
      %mul3A_2645 = arith.muli %sub3A_2624, %mul3A_2644 : i32
      %add3A_2646 = arith.addi %mul3A_2, %mul3A_2645 : i32
      %add3A_2647 = arith.constant 1 : i32
      %add3A_2648 = arith.addi %add3A_2646, %add3A_2647 : i32
      %dma_wait3A_2649 = arith.constant 50 : i32
      %dma_wait3A_2650 = arith.constant 0 : i32
      %dma_wait3A_2651 = tpu.memref_slice %arg10[%dma_wait3A_2649, %dma_wait3A_2650] : memref<200x64xf32, #tpu.memory_space<vmem>> -> memref<50x64xf32, #tpu.memory_space<vmem>>
      %dma_wait3A_2652 = arith.constant 0 : i32
      %dma_wait3A_2653 = arith.constant 0 : i32
      %dma_wait3A_2654 = tpu.memref_slice %arg4[%add3A_2648, %dma_wait3A_2652, %dma_wait3A_2653] : memref<4096x50x64xf32, #tpu.memory_space<hbm>> -> memref<1x50x64xf32, #tpu.memory_space<hbm>>
      %dma_wait3A_2655 = tpu.memref_squeeze %dma_wait3A_2654 : memref<1x50x64xf32, #tpu.memory_space<hbm>> -> memref<50x64xf32, #tpu.memory_space<hbm>>
      %dma_wait3A_2656 = arith.constant 0 : i32
      %dma_wait3A_2657 = arith.constant 0 : i32
      %dma_wait3A_2658 = tpu.memref_slice %arg4[%add3A_2648, %dma_wait3A_2656, %dma_wait3A_2657] : memref<4096x50x64xf32, #tpu.memory_space<hbm>> -> memref<1x50x64xf32, #tpu.memory_space<hbm>>
      %dma_wait3A_2659 = tpu.memref_squeeze %dma_wait3A_2658 : memref<1x50x64xf32, #tpu.memory_space<hbm>> -> memref<50x64xf32, #tpu.memory_space<hbm>>
      %dma_wait3A_2660 = arith.constant 50 : i32
      %dma_wait3A_2661 = arith.constant 0 : i32
      %dma_wait3A_2662 = tpu.memref_slice %arg10[%dma_wait3A_2660, %dma_wait3A_2661] : memref<200x64xf32, #tpu.memory_space<vmem>> -> memref<50x64xf32, #tpu.memory_space<vmem>>
      tpu.wait_dma2 semaphore(%arg26 : memref<!tpu.dma_semaphore, #tpu.memory_space<semaphore_mem>>) src(%dma_wait3A_2662 : memref<50x64xf32, #tpu.memory_space<vmem>>) dst(%dma_wait3A_2659 : memref<50x64xf32, #tpu.memory_space<hbm>>)
      %mul3A_2663 = arith.constant 4 : i32
      %mul3A_2664 = arith.muli %sub3A_2624, %mul3A_2663 : i32
      %add3A_2665 = arith.addi %mul3A_2, %mul3A_2664 : i32
      %add3A_2666 = arith.constant 2 : i32
      %add3A_2667 = arith.addi %add3A_2665, %add3A_2666 : i32
      %dma_wait3A_2668 = arith.constant 100 : i32
      %dma_wait3A_2669 = arith.constant 0 : i32
      %dma_wait3A_2670 = tpu.memref_slice %arg10[%dma_wait3A_2668, %dma_wait3A_2669] : memref<200x64xf32, #tpu.memory_space<vmem>> -> memref<50x64xf32, #tpu.memory_space<vmem>>
      %dma_wait3A_2671 = arith.constant 0 : i32
      %dma_wait3A_2672 = arith.constant 0 : i32
      %dma_wait3A_2673 = tpu.memref_slice %arg4[%add3A_2667, %dma_wait3A_2671, %dma_wait3A_2672] : memref<4096x50x64xf32, #tpu.memory_space<hbm>> -> memref<1x50x64xf32, #tpu.memory_space<hbm>>
      %dma_wait3A_2674 = tpu.memref_squeeze %dma_wait3A_2673 : memref<1x50x64xf32, #tpu.memory_space<hbm>> -> memref<50x64xf32, #tpu.memory_space<hbm>>
      %dma_wait3A_2675 = arith.constant 0 : i32
      %dma_wait3A_2676 = arith.constant 0 : i32
      %dma_wait3A_2677 = tpu.memref_slice %arg4[%add3A_2667, %dma_wait3A_2675, %dma_wait3A_2676] : memref<4096x50x64xf32, #tpu.memory_space<hbm>> -> memref<1x50x64xf32, #tpu.memory_space<hbm>>
      %dma_wait3A_2678 = tpu.memref_squeeze %dma_wait3A_2677 : memref<1x50x64xf32, #tpu.memory_space<hbm>> -> memref<50x64xf32, #tpu.memory_space<hbm>>
      %dma_wait3A_2679 = arith.constant 100 : i32
      %dma_wait3A_2680 = arith.constant 0 : i32
      %dma_wait3A_2681 = tpu.memref_slice %arg10[%dma_wait3A_2679, %dma_wait3A_2680] : memref<200x64xf32, #tpu.memory_space<vmem>> -> memref<50x64xf32, #tpu.memory_space<vmem>>
      tpu.wait_dma2 semaphore(%arg26 : memref<!tpu.dma_semaphore, #tpu.memory_space<semaphore_mem>>) src(%dma_wait3A_2681 : memref<50x64xf32, #tpu.memory_space<vmem>>) dst(%dma_wait3A_2678 : memref<50x64xf32, #tpu.memory_space<hbm>>)
      %mul3A_2682 = arith.constant 4 : i32
      %mul3A_2683 = arith.muli %sub3A_2624, %mul3A_2682 : i32
      %add3A_2684 = arith.addi %mul3A_2, %mul3A_2683 : i32
      %add3A_2685 = arith.constant 3 : i32
      %add3A_2686 = arith.addi %add3A_2684, %add3A_2685 : i32
      %dma_wait3A_2687 = arith.constant 150 : i32
      %dma_wait3A_2688 = arith.constant 0 : i32
      %dma_wait3A_2689 = tpu.memref_slice %arg10[%dma_wait3A_2687, %dma_wait3A_2688] : memref<200x64xf32, #tpu.memory_space<vmem>> -> memref<50x64xf32, #tpu.memory_space<vmem>>
      %dma_wait3A_2690 = arith.constant 0 : i32
      %dma_wait3A_2691 = arith.constant 0 : i32
      %dma_wait3A_2692 = tpu.memref_slice %arg4[%add3A_2686, %dma_wait3A_2690, %dma_wait3A_2691] : memref<4096x50x64xf32, #tpu.memory_space<hbm>> -> memref<1x50x64xf32, #tpu.memory_space<hbm>>
      %dma_wait3A_2693 = tpu.memref_squeeze %dma_wait3A_2692 : memref<1x50x64xf32, #tpu.memory_space<hbm>> -> memref<50x64xf32, #tpu.memory_space<hbm>>
      %dma_wait3A_2694 = arith.constant 0 : i32
      %dma_wait3A_2695 = arith.constant 0 : i32
      %dma_wait3A_2696 = tpu.memref_slice %arg4[%add3A_2686, %dma_wait3A_2694, %dma_wait3A_2695] : memref<4096x50x64xf32, #tpu.memory_space<hbm>> -> memref<1x50x64xf32, #tpu.memory_space<hbm>>
      %dma_wait3A_2697 = tpu.memref_squeeze %dma_wait3A_2696 : memref<1x50x64xf32, #tpu.memory_space<hbm>> -> memref<50x64xf32, #tpu.memory_space<hbm>>
      %dma_wait3A_2698 = arith.constant 150 : i32
      %dma_wait3A_2699 = arith.constant 0 : i32
      %dma_wait3A_2700 = tpu.memref_slice %arg10[%dma_wait3A_2698, %dma_wait3A_2699] : memref<200x64xf32, #tpu.memory_space<vmem>> -> memref<50x64xf32, #tpu.memory_space<vmem>>
      tpu.wait_dma2 semaphore(%arg26 : memref<!tpu.dma_semaphore, #tpu.memory_space<semaphore_mem>>) src(%dma_wait3A_2700 : memref<50x64xf32, #tpu.memory_space<vmem>>) dst(%dma_wait3A_2697 : memref<50x64xf32, #tpu.memory_space<hbm>>)
      %add3A_2701 = arith.constant 4 : i32
      %add3A_2702 = arith.addi %add3A_2539, %add3A_2701 : i32
      %dma_start3A_2703 = arith.constant 0 : i32
      %dma_start3A_2704 = tpu.memref_slice %arg5[%add3A_2702, %dma_start3A_2703] : memref<32x200xi32, #tpu.memory_space<vmem>> -> memref<1x200xi32, #tpu.memory_space<vmem>>
      %dma_start3A_2705 = tpu.memref_squeeze %dma_start3A_2704 : memref<1x200xi32, #tpu.memory_space<vmem>> -> memref<200xi32, #tpu.memory_space<vmem>>
      %dma_start3A_2706 = arith.constant 0 : i32
      %dma_start3A_2707 = arith.constant 0 : i32
      %dma_start3A_2708 = tpu.memref_slice %arg2[%dma_start3A_2706, %dma_start3A_2707] : memref<100000x64xf32, #tpu.memory_space<hbm>> -> memref<100000x64xf32, #tpu.memory_space<hbm>>
      tpu.enqueue_indirect_dma source(%dma_start3A_2708 : memref<100000x64xf32, #tpu.memory_space<hbm>>) target(%arg10 : memref<200x64xf32, #tpu.memory_space<vmem>>) offsets(%dma_start3A_2705 : memref<200xi32, #tpu.memory_space<vmem>>) semaphore(%arg18 : memref<!tpu.dma_semaphore, #tpu.memory_space<semaphore_mem>>)
      %add3A_2709 = arith.constant 1 : i32
      %add3A_2710 = arith.addi %add3A_2537, %add3A_2709 : i32
      %dma_wait3A_2711 = arith.constant 0 : i32
      %dma_wait3A_2712 = tpu.memref_slice %arg5[%add3A_2710, %dma_wait3A_2711] : memref<32x200xi32, #tpu.memory_space<vmem>> -> memref<1x200xi32, #tpu.memory_space<vmem>>
      %dma_wait3A_2713 = tpu.memref_squeeze %dma_wait3A_2712 : memref<1x200xi32, #tpu.memory_space<vmem>> -> memref<200xi32, #tpu.memory_space<vmem>>
      %dma_wait3A_2714 = arith.constant 0 : i32
      %dma_wait3A_2715 = arith.constant 0 : i32
      %dma_wait3A_2716 = tpu.memref_slice %arg2[%dma_wait3A_2714, %dma_wait3A_2715] : memref<100000x64xf32, #tpu.memory_space<hbm>> -> memref<100000x64xf32, #tpu.memory_space<hbm>>
      tpu.wait_indirect_dma semaphore(%arg15 : memref<!tpu.dma_semaphore, #tpu.memory_space<semaphore_mem>>) src(%dma_wait3A_2716 : memref<100000x64xf32, #tpu.memory_space<hbm>>) dst(%arg7 : memref<200x64xf32, #tpu.memory_space<vmem>>)
      %mul3A_2717 = arith.constant 4 : i32
      %mul3A_2718 = arith.muli %add3A_2710, %mul3A_2717 : i32
      %add3A_2719 = arith.addi %mul3A_2, %mul3A_2718 : i32
      %add3A_2720 = arith.constant 0 : i32
      %add3A_2721 = arith.addi %add3A_2719, %add3A_2720 : i32
      %dma_start3A_2722 = arith.constant 0 : i32
      %dma_start3A_2723 = arith.constant 0 : i32
      %dma_start3A_2724 = tpu.memref_slice %arg7[%dma_start3A_2722, %dma_start3A_2723] : memref<200x64xf32, #tpu.memory_space<vmem>> -> memref<50x64xf32, #tpu.memory_space<vmem>>
      %dma_start3A_2725 = arith.constant 0 : i32
      %dma_start3A_2726 = arith.constant 0 : i32
      %dma_start3A_2727 = tpu.memref_slice %arg4[%add3A_2721, %dma_start3A_2725, %dma_start3A_2726] : memref<4096x50x64xf32, #tpu.memory_space<hbm>> -> memref<1x50x64xf32, #tpu.memory_space<hbm>>
      %dma_start3A_2728 = tpu.memref_squeeze %dma_start3A_2727 : memref<1x50x64xf32, #tpu.memory_space<hbm>> -> memref<50x64xf32, #tpu.memory_space<hbm>>
      %dma_start3A_2729 = arith.constant 0 : i32
      %dma_start3A_2730 = arith.constant 0 : i32
      %dma_start3A_2731 = tpu.memref_slice %arg4[%add3A_2721, %dma_start3A_2729, %dma_start3A_2730] : memref<4096x50x64xf32, #tpu.memory_space<hbm>> -> memref<1x50x64xf32, #tpu.memory_space<hbm>>
      %dma_start3A_2732 = tpu.memref_squeeze %dma_start3A_2731 : memref<1x50x64xf32, #tpu.memory_space<hbm>> -> memref<50x64xf32, #tpu.memory_space<hbm>>
      %dma_start3A_2733 = arith.constant 0 : i32
      %dma_start3A_2734 = arith.constant 0 : i32
      %dma_start3A_2735 = tpu.memref_slice %arg7[%dma_start3A_2733, %dma_start3A_2734] : memref<200x64xf32, #tpu.memory_space<vmem>> -> memref<50x64xf32, #tpu.memory_space<vmem>>
      tpu.enqueue_dma source(%dma_start3A_2735 : memref<50x64xf32, #tpu.memory_space<vmem>>) target(%dma_start3A_2732 : memref<50x64xf32, #tpu.memory_space<hbm>>) target_semaphore(%arg23 : memref<!tpu.dma_semaphore, #tpu.memory_space<semaphore_mem>>)
      %mul3A_2736 = arith.constant 4 : i32
      %mul3A_2737 = arith.muli %add3A_2710, %mul3A_2736 : i32
      %add3A_2738 = arith.addi %mul3A_2, %mul3A_2737 : i32
      %add3A_2739 = arith.constant 1 : i32
      %add3A_2740 = arith.addi %add3A_2738, %add3A_2739 : i32
      %dma_start3A_2741 = arith.constant 50 : i32
      %dma_start3A_2742 = arith.constant 0 : i32
      %dma_start3A_2743 = tpu.memref_slice %arg7[%dma_start3A_2741, %dma_start3A_2742] : memref<200x64xf32, #tpu.memory_space<vmem>> -> memref<50x64xf32, #tpu.memory_space<vmem>>
      %dma_start3A_2744 = arith.constant 0 : i32
      %dma_start3A_2745 = arith.constant 0 : i32
      %dma_start3A_2746 = tpu.memref_slice %arg4[%add3A_2740, %dma_start3A_2744, %dma_start3A_2745] : memref<4096x50x64xf32, #tpu.memory_space<hbm>> -> memref<1x50x64xf32, #tpu.memory_space<hbm>>
      %dma_start3A_2747 = tpu.memref_squeeze %dma_start3A_2746 : memref<1x50x64xf32, #tpu.memory_space<hbm>> -> memref<50x64xf32, #tpu.memory_space<hbm>>
      %dma_start3A_2748 = arith.constant 0 : i32
      %dma_start3A_2749 = arith.constant 0 : i32
      %dma_start3A_2750 = tpu.memref_slice %arg4[%add3A_2740, %dma_start3A_2748, %dma_start3A_2749] : memref<4096x50x64xf32, #tpu.memory_space<hbm>> -> memref<1x50x64xf32, #tpu.memory_space<hbm>>
      %dma_start3A_2751 = tpu.memref_squeeze %dma_start3A_2750 : memref<1x50x64xf32, #tpu.memory_space<hbm>> -> memref<50x64xf32, #tpu.memory_space<hbm>>
      %dma_start3A_2752 = arith.constant 50 : i32
      %dma_start3A_2753 = arith.constant 0 : i32
      %dma_start3A_2754 = tpu.memref_slice %arg7[%dma_start3A_2752, %dma_start3A_2753] : memref<200x64xf32, #tpu.memory_space<vmem>> -> memref<50x64xf32, #tpu.memory_space<vmem>>
      tpu.enqueue_dma source(%dma_start3A_2754 : memref<50x64xf32, #tpu.memory_space<vmem>>) target(%dma_start3A_2751 : memref<50x64xf32, #tpu.memory_space<hbm>>) target_semaphore(%arg23 : memref<!tpu.dma_semaphore, #tpu.memory_space<semaphore_mem>>)
      %mul3A_2755 = arith.constant 4 : i32
      %mul3A_2756 = arith.muli %add3A_2710, %mul3A_2755 : i32
      %add3A_2757 = arith.addi %mul3A_2, %mul3A_2756 : i32
      %add3A_2758 = arith.constant 2 : i32
      %add3A_2759 = arith.addi %add3A_2757, %add3A_2758 : i32
      %dma_start3A_2760 = arith.constant 100 : i32
      %dma_start3A_2761 = arith.constant 0 : i32
      %dma_start3A_2762 = tpu.memref_slice %arg7[%dma_start3A_2760, %dma_start3A_2761] : memref<200x64xf32, #tpu.memory_space<vmem>> -> memref<50x64xf32, #tpu.memory_space<vmem>>
      %dma_start3A_2763 = arith.constant 0 : i32
      %dma_start3A_2764 = arith.constant 0 : i32
      %dma_start3A_2765 = tpu.memref_slice %arg4[%add3A_2759, %dma_start3A_2763, %dma_start3A_2764] : memref<4096x50x64xf32, #tpu.memory_space<hbm>> -> memref<1x50x64xf32, #tpu.memory_space<hbm>>
      %dma_start3A_2766 = tpu.memref_squeeze %dma_start3A_2765 : memref<1x50x64xf32, #tpu.memory_space<hbm>> -> memref<50x64xf32, #tpu.memory_space<hbm>>
      %dma_start3A_2767 = arith.constant 0 : i32
      %dma_start3A_2768 = arith.constant 0 : i32
      %dma_start3A_2769 = tpu.memref_slice %arg4[%add3A_2759, %dma_start3A_2767, %dma_start3A_2768] : memref<4096x50x64xf32, #tpu.memory_space<hbm>> -> memref<1x50x64xf32, #tpu.memory_space<hbm>>
      %dma_start3A_2770 = tpu.memref_squeeze %dma_start3A_2769 : memref<1x50x64xf32, #tpu.memory_space<hbm>> -> memref<50x64xf32, #tpu.memory_space<hbm>>
      %dma_start3A_2771 = arith.constant 100 : i32
      %dma_start3A_2772 = arith.constant 0 : i32
      %dma_start3A_2773 = tpu.memref_slice %arg7[%dma_start3A_2771, %dma_start3A_2772] : memref<200x64xf32, #tpu.memory_space<vmem>> -> memref<50x64xf32, #tpu.memory_space<vmem>>
      tpu.enqueue_dma source(%dma_start3A_2773 : memref<50x64xf32, #tpu.memory_space<vmem>>) target(%dma_start3A_2770 : memref<50x64xf32, #tpu.memory_space<hbm>>) target_semaphore(%arg23 : memref<!tpu.dma_semaphore, #tpu.memory_space<semaphore_mem>>)
      %mul3A_2774 = arith.constant 4 : i32
      %mul3A_2775 = arith.muli %add3A_2710, %mul3A_2774 : i32
      %add3A_2776 = arith.addi %mul3A_2, %mul3A_2775 : i32
      %add3A_2777 = arith.constant 3 : i32
      %add3A_2778 = arith.addi %add3A_2776, %add3A_2777 : i32
      %dma_start3A_2779 = arith.constant 150 : i32
      %dma_start3A_2780 = arith.constant 0 : i32
      %dma_start3A_2781 = tpu.memref_slice %arg7[%dma_start3A_2779, %dma_start3A_2780] : memref<200x64xf32, #tpu.memory_space<vmem>> -> memref<50x64xf32, #tpu.memory_space<vmem>>
      %dma_start3A_2782 = arith.constant 0 : i32
      %dma_start3A_2783 = arith.constant 0 : i32
      %dma_start3A_2784 = tpu.memref_slice %arg4[%add3A_2778, %dma_start3A_2782, %dma_start3A_2783] : memref<4096x50x64xf32, #tpu.memory_space<hbm>> -> memref<1x50x64xf32, #tpu.memory_space<hbm>>
      %dma_start3A_2785 = tpu.memref_squeeze %dma_start3A_2784 : memref<1x50x64xf32, #tpu.memory_space<hbm>> -> memref<50x64xf32, #tpu.memory_space<hbm>>
      %dma_start3A_2786 = arith.constant 0 : i32
      %dma_start3A_2787 = arith.constant 0 : i32
      %dma_start3A_2788 = tpu.memref_slice %arg4[%add3A_2778, %dma_start3A_2786, %dma_start3A_2787] : memref<4096x50x64xf32, #tpu.memory_space<hbm>> -> memref<1x50x64xf32, #tpu.memory_space<hbm>>
      %dma_start3A_2789 = tpu.memref_squeeze %dma_start3A_2788 : memref<1x50x64xf32, #tpu.memory_space<hbm>> -> memref<50x64xf32, #tpu.memory_space<hbm>>
      %dma_start3A_2790 = arith.constant 150 : i32
      %dma_start3A_2791 = arith.constant 0 : i32
      %dma_start3A_2792 = tpu.memref_slice %arg7[%dma_start3A_2790, %dma_start3A_2791] : memref<200x64xf32, #tpu.memory_space<vmem>> -> memref<50x64xf32, #tpu.memory_space<vmem>>
      tpu.enqueue_dma source(%dma_start3A_2792 : memref<50x64xf32, #tpu.memory_space<vmem>>) target(%dma_start3A_2789 : memref<50x64xf32, #tpu.memory_space<hbm>>) target_semaphore(%arg23 : memref<!tpu.dma_semaphore, #tpu.memory_space<semaphore_mem>>)
      %add3A_2793 = arith.constant 4 : i32
      %add3A_2794 = arith.addi %add3A_2710, %add3A_2793 : i32
      %sub3A_2795 = arith.constant 8 : i32
      %sub3A_2796 = arith.subi %add3A_2794, %sub3A_2795 : i32
      %mul3A_2797 = arith.constant 4 : i32
      %mul3A_2798 = arith.muli %sub3A_2796, %mul3A_2797 : i32
      %add3A_2799 = arith.addi %mul3A_2, %mul3A_2798 : i32
      %add3A_2800 = arith.constant 0 : i32
      %add3A_2801 = arith.addi %add3A_2799, %add3A_2800 : i32
      %dma_wait3A_2802 = arith.constant 0 : i32
      %dma_wait3A_2803 = arith.constant 0 : i32
      %dma_wait3A_2804 = tpu.memref_slice %arg11[%dma_wait3A_2802, %dma_wait3A_2803] : memref<200x64xf32, #tpu.memory_space<vmem>> -> memref<50x64xf32, #tpu.memory_space<vmem>>
      %dma_wait3A_2805 = arith.constant 0 : i32
      %dma_wait3A_2806 = arith.constant 0 : i32
      %dma_wait3A_2807 = tpu.memref_slice %arg4[%add3A_2801, %dma_wait3A_2805, %dma_wait3A_2806] : memref<4096x50x64xf32, #tpu.memory_space<hbm>> -> memref<1x50x64xf32, #tpu.memory_space<hbm>>
      %dma_wait3A_2808 = tpu.memref_squeeze %dma_wait3A_2807 : memref<1x50x64xf32, #tpu.memory_space<hbm>> -> memref<50x64xf32, #tpu.memory_space<hbm>>
      %dma_wait3A_2809 = arith.constant 0 : i32
      %dma_wait3A_2810 = arith.constant 0 : i32
      %dma_wait3A_2811 = tpu.memref_slice %arg4[%add3A_2801, %dma_wait3A_2809, %dma_wait3A_2810] : memref<4096x50x64xf32, #tpu.memory_space<hbm>> -> memref<1x50x64xf32, #tpu.memory_space<hbm>>
      %dma_wait3A_2812 = tpu.memref_squeeze %dma_wait3A_2811 : memref<1x50x64xf32, #tpu.memory_space<hbm>> -> memref<50x64xf32, #tpu.memory_space<hbm>>
      %dma_wait3A_2813 = arith.constant 0 : i32
      %dma_wait3A_2814 = arith.constant 0 : i32
      %dma_wait3A_2815 = tpu.memref_slice %arg11[%dma_wait3A_2813, %dma_wait3A_2814] : memref<200x64xf32, #tpu.memory_space<vmem>> -> memref<50x64xf32, #tpu.memory_space<vmem>>
      tpu.wait_dma2 semaphore(%arg27 : memref<!tpu.dma_semaphore, #tpu.memory_space<semaphore_mem>>) src(%dma_wait3A_2815 : memref<50x64xf32, #tpu.memory_space<vmem>>) dst(%dma_wait3A_2812 : memref<50x64xf32, #tpu.memory_space<hbm>>)
      %mul3A_2816 = arith.constant 4 : i32
      %mul3A_2817 = arith.muli %sub3A_2796, %mul3A_2816 : i32
      %add3A_2818 = arith.addi %mul3A_2, %mul3A_2817 : i32
      %add3A_2819 = arith.constant 1 : i32
      %add3A_2820 = arith.addi %add3A_2818, %add3A_2819 : i32
      %dma_wait3A_2821 = arith.constant 50 : i32
      %dma_wait3A_2822 = arith.constant 0 : i32
      %dma_wait3A_2823 = tpu.memref_slice %arg11[%dma_wait3A_2821, %dma_wait3A_2822] : memref<200x64xf32, #tpu.memory_space<vmem>> -> memref<50x64xf32, #tpu.memory_space<vmem>>
      %dma_wait3A_2824 = arith.constant 0 : i32
      %dma_wait3A_2825 = arith.constant 0 : i32
      %dma_wait3A_2826 = tpu.memref_slice %arg4[%add3A_2820, %dma_wait3A_2824, %dma_wait3A_2825] : memref<4096x50x64xf32, #tpu.memory_space<hbm>> -> memref<1x50x64xf32, #tpu.memory_space<hbm>>
      %dma_wait3A_2827 = tpu.memref_squeeze %dma_wait3A_2826 : memref<1x50x64xf32, #tpu.memory_space<hbm>> -> memref<50x64xf32, #tpu.memory_space<hbm>>
      %dma_wait3A_2828 = arith.constant 0 : i32
      %dma_wait3A_2829 = arith.constant 0 : i32
      %dma_wait3A_2830 = tpu.memref_slice %arg4[%add3A_2820, %dma_wait3A_2828, %dma_wait3A_2829] : memref<4096x50x64xf32, #tpu.memory_space<hbm>> -> memref<1x50x64xf32, #tpu.memory_space<hbm>>
      %dma_wait3A_2831 = tpu.memref_squeeze %dma_wait3A_2830 : memref<1x50x64xf32, #tpu.memory_space<hbm>> -> memref<50x64xf32, #tpu.memory_space<hbm>>
      %dma_wait3A_2832 = arith.constant 50 : i32
      %dma_wait3A_2833 = arith.constant 0 : i32
      %dma_wait3A_2834 = tpu.memref_slice %arg11[%dma_wait3A_2832, %dma_wait3A_2833] : memref<200x64xf32, #tpu.memory_space<vmem>> -> memref<50x64xf32, #tpu.memory_space<vmem>>
      tpu.wait_dma2 semaphore(%arg27 : memref<!tpu.dma_semaphore, #tpu.memory_space<semaphore_mem>>) src(%dma_wait3A_2834 : memref<50x64xf32, #tpu.memory_space<vmem>>) dst(%dma_wait3A_2831 : memref<50x64xf32, #tpu.memory_space<hbm>>)
      %mul3A_2835 = arith.constant 4 : i32
      %mul3A_2836 = arith.muli %sub3A_2796, %mul3A_2835 : i32
      %add3A_2837 = arith.addi %mul3A_2, %mul3A_2836 : i32
      %add3A_2838 = arith.constant 2 : i32
      %add3A_2839 = arith.addi %add3A_2837, %add3A_2838 : i32
      %dma_wait3A_2840 = arith.constant 100 : i32
      %dma_wait3A_2841 = arith.constant 0 : i32
      %dma_wait3A_2842 = tpu.memref_slice %arg11[%dma_wait3A_2840, %dma_wait3A_2841] : memref<200x64xf32, #tpu.memory_space<vmem>> -> memref<50x64xf32, #tpu.memory_space<vmem>>
      %dma_wait3A_2843 = arith.constant 0 : i32
      %dma_wait3A_2844 = arith.constant 0 : i32
      %dma_wait3A_2845 = tpu.memref_slice %arg4[%add3A_2839, %dma_wait3A_2843, %dma_wait3A_2844] : memref<4096x50x64xf32, #tpu.memory_space<hbm>> -> memref<1x50x64xf32, #tpu.memory_space<hbm>>
      %dma_wait3A_2846 = tpu.memref_squeeze %dma_wait3A_2845 : memref<1x50x64xf32, #tpu.memory_space<hbm>> -> memref<50x64xf32, #tpu.memory_space<hbm>>
      %dma_wait3A_2847 = arith.constant 0 : i32
      %dma_wait3A_2848 = arith.constant 0 : i32
      %dma_wait3A_2849 = tpu.memref_slice %arg4[%add3A_2839, %dma_wait3A_2847, %dma_wait3A_2848] : memref<4096x50x64xf32, #tpu.memory_space<hbm>> -> memref<1x50x64xf32, #tpu.memory_space<hbm>>
      %dma_wait3A_2850 = tpu.memref_squeeze %dma_wait3A_2849 : memref<1x50x64xf32, #tpu.memory_space<hbm>> -> memref<50x64xf32, #tpu.memory_space<hbm>>
      %dma_wait3A_2851 = arith.constant 100 : i32
      %dma_wait3A_2852 = arith.constant 0 : i32
      %dma_wait3A_2853 = tpu.memref_slice %arg11[%dma_wait3A_2851, %dma_wait3A_2852] : memref<200x64xf32, #tpu.memory_space<vmem>> -> memref<50x64xf32, #tpu.memory_space<vmem>>
      tpu.wait_dma2 semaphore(%arg27 : memref<!tpu.dma_semaphore, #tpu.memory_space<semaphore_mem>>) src(%dma_wait3A_2853 : memref<50x64xf32, #tpu.memory_space<vmem>>) dst(%dma_wait3A_2850 : memref<50x64xf32, #tpu.memory_space<hbm>>)
      %mul3A_2854 = arith.constant 4 : i32
      %mul3A_2855 = arith.muli %sub3A_2796, %mul3A_2854 : i32
      %add3A_2856 = arith.addi %mul3A_2, %mul3A_2855 : i32
      %add3A_2857 = arith.constant 3 : i32
      %add3A_2858 = arith.addi %add3A_2856, %add3A_2857 : i32
      %dma_wait3A_2859 = arith.constant 150 : i32
      %dma_wait3A_2860 = arith.constant 0 : i32
      %dma_wait3A_2861 = tpu.memref_slice %arg11[%dma_wait3A_2859, %dma_wait3A_2860] : memref<200x64xf32, #tpu.memory_space<vmem>> -> memref<50x64xf32, #tpu.memory_space<vmem>>
      %dma_wait3A_2862 = arith.constant 0 : i32
      %dma_wait3A_2863 = arith.constant 0 : i32
      %dma_wait3A_2864 = tpu.memref_slice %arg4[%add3A_2858, %dma_wait3A_2862, %dma_wait3A_2863] : memref<4096x50x64xf32, #tpu.memory_space<hbm>> -> memref<1x50x64xf32, #tpu.memory_space<hbm>>
      %dma_wait3A_2865 = tpu.memref_squeeze %dma_wait3A_2864 : memref<1x50x64xf32, #tpu.memory_space<hbm>> -> memref<50x64xf32, #tpu.memory_space<hbm>>
      %dma_wait3A_2866 = arith.constant 0 : i32
      %dma_wait3A_2867 = arith.constant 0 : i32
      %dma_wait3A_2868 = tpu.memref_slice %arg4[%add3A_2858, %dma_wait3A_2866, %dma_wait3A_2867] : memref<4096x50x64xf32, #tpu.memory_space<hbm>> -> memref<1x50x64xf32, #tpu.memory_space<hbm>>
      %dma_wait3A_2869 = tpu.memref_squeeze %dma_wait3A_2868 : memref<1x50x64xf32, #tpu.memory_space<hbm>> -> memref<50x64xf32, #tpu.memory_space<hbm>>
      %dma_wait3A_2870 = arith.constant 150 : i32
      %dma_wait3A_2871 = arith.constant 0 : i32
      %dma_wait3A_2872 = tpu.memref_slice %arg11[%dma_wait3A_2870, %dma_wait3A_2871] : memref<200x64xf32, #tpu.memory_space<vmem>> -> memref<50x64xf32, #tpu.memory_space<vmem>>
      tpu.wait_dma2 semaphore(%arg27 : memref<!tpu.dma_semaphore, #tpu.memory_space<semaphore_mem>>) src(%dma_wait3A_2872 : memref<50x64xf32, #tpu.memory_space<vmem>>) dst(%dma_wait3A_2869 : memref<50x64xf32, #tpu.memory_space<hbm>>)
      %add3A_2873 = arith.constant 4 : i32
      %add3A_2874 = arith.addi %add3A_2710, %add3A_2873 : i32
      %dma_start3A_2875 = arith.constant 0 : i32
      %dma_start3A_2876 = tpu.memref_slice %arg5[%add3A_2874, %dma_start3A_2875] : memref<32x200xi32, #tpu.memory_space<vmem>> -> memref<1x200xi32, #tpu.memory_space<vmem>>
      %dma_start3A_2877 = tpu.memref_squeeze %dma_start3A_2876 : memref<1x200xi32, #tpu.memory_space<vmem>> -> memref<200xi32, #tpu.memory_space<vmem>>
      %dma_start3A_2878 = arith.constant 0 : i32
      %dma_start3A_2879 = arith.constant 0 : i32
      %dma_start3A_2880 = tpu.memref_slice %arg2[%dma_start3A_2878, %dma_start3A_2879] : memref<100000x64xf32, #tpu.memory_space<hbm>> -> memref<100000x64xf32, #tpu.memory_space<hbm>>
      tpu.enqueue_indirect_dma source(%dma_start3A_2880 : memref<100000x64xf32, #tpu.memory_space<hbm>>) target(%arg11 : memref<200x64xf32, #tpu.memory_space<vmem>>) offsets(%dma_start3A_2877 : memref<200xi32, #tpu.memory_space<vmem>>) semaphore(%arg19 : memref<!tpu.dma_semaphore, #tpu.memory_space<semaphore_mem>>)
      %add3A_2881 = arith.constant 2 : i32
      %add3A_2882 = arith.addi %add3A_2537, %add3A_2881 : i32
      %dma_wait3A_2883 = arith.constant 0 : i32
      %dma_wait3A_2884 = tpu.memref_slice %arg5[%add3A_2882, %dma_wait3A_2883] : memref<32x200xi32, #tpu.memory_space<vmem>> -> memref<1x200xi32, #tpu.memory_space<vmem>>
      %dma_wait3A_2885 = tpu.memref_squeeze %dma_wait3A_2884 : memref<1x200xi32, #tpu.memory_space<vmem>> -> memref<200xi32, #tpu.memory_space<vmem>>
      %dma_wait3A_2886 = arith.constant 0 : i32
      %dma_wait3A_2887 = arith.constant 0 : i32
      %dma_wait3A_2888 = tpu.memref_slice %arg2[%dma_wait3A_2886, %dma_wait3A_2887] : memref<100000x64xf32, #tpu.memory_space<hbm>> -> memref<100000x64xf32, #tpu.memory_space<hbm>>
      tpu.wait_indirect_dma semaphore(%arg16 : memref<!tpu.dma_semaphore, #tpu.memory_space<semaphore_mem>>) src(%dma_wait3A_2888 : memref<100000x64xf32, #tpu.memory_space<hbm>>) dst(%arg8 : memref<200x64xf32, #tpu.memory_space<vmem>>)
      %mul3A_2889 = arith.constant 4 : i32
      %mul3A_2890 = arith.muli %add3A_2882, %mul3A_2889 : i32
      %add3A_2891 = arith.addi %mul3A_2, %mul3A_2890 : i32
      %add3A_2892 = arith.constant 0 : i32
      %add3A_2893 = arith.addi %add3A_2891, %add3A_2892 : i32
      %dma_start3A_2894 = arith.constant 0 : i32
      %dma_start3A_2895 = arith.constant 0 : i32
      %dma_start3A_2896 = tpu.memref_slice %arg8[%dma_start3A_2894, %dma_start3A_2895] : memref<200x64xf32, #tpu.memory_space<vmem>> -> memref<50x64xf32, #tpu.memory_space<vmem>>
      %dma_start3A_2897 = arith.constant 0 : i32
      %dma_start3A_2898 = arith.constant 0 : i32
      %dma_start3A_2899 = tpu.memref_slice %arg4[%add3A_2893, %dma_start3A_2897, %dma_start3A_2898] : memref<4096x50x64xf32, #tpu.memory_space<hbm>> -> memref<1x50x64xf32, #tpu.memory_space<hbm>>
      %dma_start3A_2900 = tpu.memref_squeeze %dma_start3A_2899 : memref<1x50x64xf32, #tpu.memory_space<hbm>> -> memref<50x64xf32, #tpu.memory_space<hbm>>
      %dma_start3A_2901 = arith.constant 0 : i32
      %dma_start3A_2902 = arith.constant 0 : i32
      %dma_start3A_2903 = tpu.memref_slice %arg4[%add3A_2893, %dma_start3A_2901, %dma_start3A_2902] : memref<4096x50x64xf32, #tpu.memory_space<hbm>> -> memref<1x50x64xf32, #tpu.memory_space<hbm>>
      %dma_start3A_2904 = tpu.memref_squeeze %dma_start3A_2903 : memref<1x50x64xf32, #tpu.memory_space<hbm>> -> memref<50x64xf32, #tpu.memory_space<hbm>>
      %dma_start3A_2905 = arith.constant 0 : i32
      %dma_start3A_2906 = arith.constant 0 : i32
      %dma_start3A_2907 = tpu.memref_slice %arg8[%dma_start3A_2905, %dma_start3A_2906] : memref<200x64xf32, #tpu.memory_space<vmem>> -> memref<50x64xf32, #tpu.memory_space<vmem>>
      tpu.enqueue_dma source(%dma_start3A_2907 : memref<50x64xf32, #tpu.memory_space<vmem>>) target(%dma_start3A_2904 : memref<50x64xf32, #tpu.memory_space<hbm>>) target_semaphore(%arg24 : memref<!tpu.dma_semaphore, #tpu.memory_space<semaphore_mem>>)
      %mul3A_2908 = arith.constant 4 : i32
      %mul3A_2909 = arith.muli %add3A_2882, %mul3A_2908 : i32
      %add3A_2910 = arith.addi %mul3A_2, %mul3A_2909 : i32
      %add3A_2911 = arith.constant 1 : i32
      %add3A_2912 = arith.addi %add3A_2910, %add3A_2911 : i32
      %dma_start3A_2913 = arith.constant 50 : i32
      %dma_start3A_2914 = arith.constant 0 : i32
      %dma_start3A_2915 = tpu.memref_slice %arg8[%dma_start3A_2913, %dma_start3A_2914] : memref<200x64xf32, #tpu.memory_space<vmem>> -> memref<50x64xf32, #tpu.memory_space<vmem>>
      %dma_start3A_2916 = arith.constant 0 : i32
      %dma_start3A_2917 = arith.constant 0 : i32
      %dma_start3A_2918 = tpu.memref_slice %arg4[%add3A_2912, %dma_start3A_2916, %dma_start3A_2917] : memref<4096x50x64xf32, #tpu.memory_space<hbm>> -> memref<1x50x64xf32, #tpu.memory_space<hbm>>
      %dma_start3A_2919 = tpu.memref_squeeze %dma_start3A_2918 : memref<1x50x64xf32, #tpu.memory_space<hbm>> -> memref<50x64xf32, #tpu.memory_space<hbm>>
      %dma_start3A_2920 = arith.constant 0 : i32
      %dma_start3A_2921 = arith.constant 0 : i32
      %dma_start3A_2922 = tpu.memref_slice %arg4[%add3A_2912, %dma_start3A_2920, %dma_start3A_2921] : memref<4096x50x64xf32, #tpu.memory_space<hbm>> -> memref<1x50x64xf32, #tpu.memory_space<hbm>>
      %dma_start3A_2923 = tpu.memref_squeeze %dma_start3A_2922 : memref<1x50x64xf32, #tpu.memory_space<hbm>> -> memref<50x64xf32, #tpu.memory_space<hbm>>
      %dma_start3A_2924 = arith.constant 50 : i32
      %dma_start3A_2925 = arith.constant 0 : i32
      %dma_start3A_2926 = tpu.memref_slice %arg8[%dma_start3A_2924, %dma_start3A_2925] : memref<200x64xf32, #tpu.memory_space<vmem>> -> memref<50x64xf32, #tpu.memory_space<vmem>>
      tpu.enqueue_dma source(%dma_start3A_2926 : memref<50x64xf32, #tpu.memory_space<vmem>>) target(%dma_start3A_2923 : memref<50x64xf32, #tpu.memory_space<hbm>>) target_semaphore(%arg24 : memref<!tpu.dma_semaphore, #tpu.memory_space<semaphore_mem>>)
      %mul3A_2927 = arith.constant 4 : i32
      %mul3A_2928 = arith.muli %add3A_2882, %mul3A_2927 : i32
      %add3A_2929 = arith.addi %mul3A_2, %mul3A_2928 : i32
      %add3A_2930 = arith.constant 2 : i32
      %add3A_2931 = arith.addi %add3A_2929, %add3A_2930 : i32
      %dma_start3A_2932 = arith.constant 100 : i32
      %dma_start3A_2933 = arith.constant 0 : i32
      %dma_start3A_2934 = tpu.memref_slice %arg8[%dma_start3A_2932, %dma_start3A_2933] : memref<200x64xf32, #tpu.memory_space<vmem>> -> memref<50x64xf32, #tpu.memory_space<vmem>>
      %dma_start3A_2935 = arith.constant 0 : i32
      %dma_start3A_2936 = arith.constant 0 : i32
      %dma_start3A_2937 = tpu.memref_slice %arg4[%add3A_2931, %dma_start3A_2935, %dma_start3A_2936] : memref<4096x50x64xf32, #tpu.memory_space<hbm>> -> memref<1x50x64xf32, #tpu.memory_space<hbm>>
      %dma_start3A_2938 = tpu.memref_squeeze %dma_start3A_2937 : memref<1x50x64xf32, #tpu.memory_space<hbm>> -> memref<50x64xf32, #tpu.memory_space<hbm>>
      %dma_start3A_2939 = arith.constant 0 : i32
      %dma_start3A_2940 = arith.constant 0 : i32
      %dma_start3A_2941 = tpu.memref_slice %arg4[%add3A_2931, %dma_start3A_2939, %dma_start3A_2940] : memref<4096x50x64xf32, #tpu.memory_space<hbm>> -> memref<1x50x64xf32, #tpu.memory_space<hbm>>
      %dma_start3A_2942 = tpu.memref_squeeze %dma_start3A_2941 : memref<1x50x64xf32, #tpu.memory_space<hbm>> -> memref<50x64xf32, #tpu.memory_space<hbm>>
      %dma_start3A_2943 = arith.constant 100 : i32
      %dma_start3A_2944 = arith.constant 0 : i32
      %dma_start3A_2945 = tpu.memref_slice %arg8[%dma_start3A_2943, %dma_start3A_2944] : memref<200x64xf32, #tpu.memory_space<vmem>> -> memref<50x64xf32, #tpu.memory_space<vmem>>
      tpu.enqueue_dma source(%dma_start3A_2945 : memref<50x64xf32, #tpu.memory_space<vmem>>) target(%dma_start3A_2942 : memref<50x64xf32, #tpu.memory_space<hbm>>) target_semaphore(%arg24 : memref<!tpu.dma_semaphore, #tpu.memory_space<semaphore_mem>>)
      %mul3A_2946 = arith.constant 4 : i32
      %mul3A_2947 = arith.muli %add3A_2882, %mul3A_2946 : i32
      %add3A_2948 = arith.addi %mul3A_2, %mul3A_2947 : i32
      %add3A_2949 = arith.constant 3 : i32
      %add3A_2950 = arith.addi %add3A_2948, %add3A_2949 : i32
      %dma_start3A_2951 = arith.constant 150 : i32
      %dma_start3A_2952 = arith.constant 0 : i32
      %dma_start3A_2953 = tpu.memref_slice %arg8[%dma_start3A_2951, %dma_start3A_2952] : memref<200x64xf32, #tpu.memory_space<vmem>> -> memref<50x64xf32, #tpu.memory_space<vmem>>
      %dma_start3A_2954 = arith.constant 0 : i32
      %dma_start3A_2955 = arith.constant 0 : i32
      %dma_start3A_2956 = tpu.memref_slice %arg4[%add3A_2950, %dma_start3A_2954, %dma_start3A_2955] : memref<4096x50x64xf32, #tpu.memory_space<hbm>> -> memref<1x50x64xf32, #tpu.memory_space<hbm>>
      %dma_start3A_2957 = tpu.memref_squeeze %dma_start3A_2956 : memref<1x50x64xf32, #tpu.memory_space<hbm>> -> memref<50x64xf32, #tpu.memory_space<hbm>>
      %dma_start3A_2958 = arith.constant 0 : i32
      %dma_start3A_2959 = arith.constant 0 : i32
      %dma_start3A_2960 = tpu.memref_slice %arg4[%add3A_2950, %dma_start3A_2958, %dma_start3A_2959] : memref<4096x50x64xf32, #tpu.memory_space<hbm>> -> memref<1x50x64xf32, #tpu.memory_space<hbm>>
      %dma_start3A_2961 = tpu.memref_squeeze %dma_start3A_2960 : memref<1x50x64xf32, #tpu.memory_space<hbm>> -> memref<50x64xf32, #tpu.memory_space<hbm>>
      %dma_start3A_2962 = arith.constant 150 : i32
      %dma_start3A_2963 = arith.constant 0 : i32
      %dma_start3A_2964 = tpu.memref_slice %arg8[%dma_start3A_2962, %dma_start3A_2963] : memref<200x64xf32, #tpu.memory_space<vmem>> -> memref<50x64xf32, #tpu.memory_space<vmem>>
      tpu.enqueue_dma source(%dma_start3A_2964 : memref<50x64xf32, #tpu.memory_space<vmem>>) target(%dma_start3A_2961 : memref<50x64xf32, #tpu.memory_space<hbm>>) target_semaphore(%arg24 : memref<!tpu.dma_semaphore, #tpu.memory_space<semaphore_mem>>)
      %add3A_2965 = arith.constant 4 : i32
      %add3A_2966 = arith.addi %add3A_2882, %add3A_2965 : i32
      %sub3A_2967 = arith.constant 8 : i32
      %sub3A_2968 = arith.subi %add3A_2966, %sub3A_2967 : i32
      %mul3A_2969 = arith.constant 4 : i32
      %mul3A_2970 = arith.muli %sub3A_2968, %mul3A_2969 : i32
      %add3A_2971 = arith.addi %mul3A_2, %mul3A_2970 : i32
      %add3A_2972 = arith.constant 0 : i32
      %add3A_2973 = arith.addi %add3A_2971, %add3A_2972 : i32
      %dma_wait3A_2974 = arith.constant 0 : i32
      %dma_wait3A_2975 = arith.constant 0 : i32
      %dma_wait3A_2976 = tpu.memref_slice %arg12[%dma_wait3A_2974, %dma_wait3A_2975] : memref<200x64xf32, #tpu.memory_space<vmem>> -> memref<50x64xf32, #tpu.memory_space<vmem>>
      %dma_wait3A_2977 = arith.constant 0 : i32
      %dma_wait3A_2978 = arith.constant 0 : i32
      %dma_wait3A_2979 = tpu.memref_slice %arg4[%add3A_2973, %dma_wait3A_2977, %dma_wait3A_2978] : memref<4096x50x64xf32, #tpu.memory_space<hbm>> -> memref<1x50x64xf32, #tpu.memory_space<hbm>>
      %dma_wait3A_2980 = tpu.memref_squeeze %dma_wait3A_2979 : memref<1x50x64xf32, #tpu.memory_space<hbm>> -> memref<50x64xf32, #tpu.memory_space<hbm>>
      %dma_wait3A_2981 = arith.constant 0 : i32
      %dma_wait3A_2982 = arith.constant 0 : i32
      %dma_wait3A_2983 = tpu.memref_slice %arg4[%add3A_2973, %dma_wait3A_2981, %dma_wait3A_2982] : memref<4096x50x64xf32, #tpu.memory_space<hbm>> -> memref<1x50x64xf32, #tpu.memory_space<hbm>>
      %dma_wait3A_2984 = tpu.memref_squeeze %dma_wait3A_2983 : memref<1x50x64xf32, #tpu.memory_space<hbm>> -> memref<50x64xf32, #tpu.memory_space<hbm>>
      %dma_wait3A_2985 = arith.constant 0 : i32
      %dma_wait3A_2986 = arith.constant 0 : i32
      %dma_wait3A_2987 = tpu.memref_slice %arg12[%dma_wait3A_2985, %dma_wait3A_2986] : memref<200x64xf32, #tpu.memory_space<vmem>> -> memref<50x64xf32, #tpu.memory_space<vmem>>
      tpu.wait_dma2 semaphore(%arg28 : memref<!tpu.dma_semaphore, #tpu.memory_space<semaphore_mem>>) src(%dma_wait3A_2987 : memref<50x64xf32, #tpu.memory_space<vmem>>) dst(%dma_wait3A_2984 : memref<50x64xf32, #tpu.memory_space<hbm>>)
      %mul3A_2988 = arith.constant 4 : i32
      %mul3A_2989 = arith.muli %sub3A_2968, %mul3A_2988 : i32
      %add3A_2990 = arith.addi %mul3A_2, %mul3A_2989 : i32
      %add3A_2991 = arith.constant 1 : i32
      %add3A_2992 = arith.addi %add3A_2990, %add3A_2991 : i32
      %dma_wait3A_2993 = arith.constant 50 : i32
      %dma_wait3A_2994 = arith.constant 0 : i32
      %dma_wait3A_2995 = tpu.memref_slice %arg12[%dma_wait3A_2993, %dma_wait3A_2994] : memref<200x64xf32, #tpu.memory_space<vmem>> -> memref<50x64xf32, #tpu.memory_space<vmem>>
      %dma_wait3A_2996 = arith.constant 0 : i32
      %dma_wait3A_2997 = arith.constant 0 : i32
      %dma_wait3A_2998 = tpu.memref_slice %arg4[%add3A_2992, %dma_wait3A_2996, %dma_wait3A_2997] : memref<4096x50x64xf32, #tpu.memory_space<hbm>> -> memref<1x50x64xf32, #tpu.memory_space<hbm>>
      %dma_wait3A_2999 = tpu.memref_squeeze %dma_wait3A_2998 : memref<1x50x64xf32, #tpu.memory_space<hbm>> -> memref<50x64xf32, #tpu.memory_space<hbm>>
      %dma_wait3A_3000 = arith.constant 0 : i32
      %dma_wait3A_3001 = arith.constant 0 : i32
      %dma_wait3A_3002 = tpu.memref_slice %arg4[%add3A_2992, %dma_wait3A_3000, %dma_wait3A_3001] : memref<4096x50x64xf32, #tpu.memory_space<hbm>> -> memref<1x50x64xf32, #tpu.memory_space<hbm>>
      %dma_wait3A_3003 = tpu.memref_squeeze %dma_wait3A_3002 : memref<1x50x64xf32, #tpu.memory_space<hbm>> -> memref<50x64xf32, #tpu.memory_space<hbm>>
      %dma_wait3A_3004 = arith.constant 50 : i32
      %dma_wait3A_3005 = arith.constant 0 : i32
      %dma_wait3A_3006 = tpu.memref_slice %arg12[%dma_wait3A_3004, %dma_wait3A_3005] : memref<200x64xf32, #tpu.memory_space<vmem>> -> memref<50x64xf32, #tpu.memory_space<vmem>>
      tpu.wait_dma2 semaphore(%arg28 : memref<!tpu.dma_semaphore, #tpu.memory_space<semaphore_mem>>) src(%dma_wait3A_3006 : memref<50x64xf32, #tpu.memory_space<vmem>>) dst(%dma_wait3A_3003 : memref<50x64xf32, #tpu.memory_space<hbm>>)
      %mul3A_3007 = arith.constant 4 : i32
      %mul3A_3008 = arith.muli %sub3A_2968, %mul3A_3007 : i32
      %add3A_3009 = arith.addi %mul3A_2, %mul3A_3008 : i32
      %add3A_3010 = arith.constant 2 : i32
      %add3A_3011 = arith.addi %add3A_3009, %add3A_3010 : i32
      %dma_wait3A_3012 = arith.constant 100 : i32
      %dma_wait3A_3013 = arith.constant 0 : i32
      %dma_wait3A_3014 = tpu.memref_slice %arg12[%dma_wait3A_3012, %dma_wait3A_3013] : memref<200x64xf32, #tpu.memory_space<vmem>> -> memref<50x64xf32, #tpu.memory_space<vmem>>
      %dma_wait3A_3015 = arith.constant 0 : i32
      %dma_wait3A_3016 = arith.constant 0 : i32
      %dma_wait3A_3017 = tpu.memref_slice %arg4[%add3A_3011, %dma_wait3A_3015, %dma_wait3A_3016] : memref<4096x50x64xf32, #tpu.memory_space<hbm>> -> memref<1x50x64xf32, #tpu.memory_space<hbm>>
      %dma_wait3A_3018 = tpu.memref_squeeze %dma_wait3A_3017 : memref<1x50x64xf32, #tpu.memory_space<hbm>> -> memref<50x64xf32, #tpu.memory_space<hbm>>
      %dma_wait3A_3019 = arith.constant 0 : i32
      %dma_wait3A_3020 = arith.constant 0 : i32
      %dma_wait3A_3021 = tpu.memref_slice %arg4[%add3A_3011, %dma_wait3A_3019, %dma_wait3A_3020] : memref<4096x50x64xf32, #tpu.memory_space<hbm>> -> memref<1x50x64xf32, #tpu.memory_space<hbm>>
      %dma_wait3A_3022 = tpu.memref_squeeze %dma_wait3A_3021 : memref<1x50x64xf32, #tpu.memory_space<hbm>> -> memref<50x64xf32, #tpu.memory_space<hbm>>
      %dma_wait3A_3023 = arith.constant 100 : i32
      %dma_wait3A_3024 = arith.constant 0 : i32
      %dma_wait3A_3025 = tpu.memref_slice %arg12[%dma_wait3A_3023, %dma_wait3A_3024] : memref<200x64xf32, #tpu.memory_space<vmem>> -> memref<50x64xf32, #tpu.memory_space<vmem>>
      tpu.wait_dma2 semaphore(%arg28 : memref<!tpu.dma_semaphore, #tpu.memory_space<semaphore_mem>>) src(%dma_wait3A_3025 : memref<50x64xf32, #tpu.memory_space<vmem>>) dst(%dma_wait3A_3022 : memref<50x64xf32, #tpu.memory_space<hbm>>)
      %mul3A_3026 = arith.constant 4 : i32
      %mul3A_3027 = arith.muli %sub3A_2968, %mul3A_3026 : i32
      %add3A_3028 = arith.addi %mul3A_2, %mul3A_3027 : i32
      %add3A_3029 = arith.constant 3 : i32
      %add3A_3030 = arith.addi %add3A_3028, %add3A_3029 : i32
      %dma_wait3A_3031 = arith.constant 150 : i32
      %dma_wait3A_3032 = arith.constant 0 : i32
      %dma_wait3A_3033 = tpu.memref_slice %arg12[%dma_wait3A_3031, %dma_wait3A_3032] : memref<200x64xf32, #tpu.memory_space<vmem>> -> memref<50x64xf32, #tpu.memory_space<vmem>>
      %dma_wait3A_3034 = arith.constant 0 : i32
      %dma_wait3A_3035 = arith.constant 0 : i32
      %dma_wait3A_3036 = tpu.memref_slice %arg4[%add3A_3030, %dma_wait3A_3034, %dma_wait3A_3035] : memref<4096x50x64xf32, #tpu.memory_space<hbm>> -> memref<1x50x64xf32, #tpu.memory_space<hbm>>
      %dma_wait3A_3037 = tpu.memref_squeeze %dma_wait3A_3036 : memref<1x50x64xf32, #tpu.memory_space<hbm>> -> memref<50x64xf32, #tpu.memory_space<hbm>>
      %dma_wait3A_3038 = arith.constant 0 : i32
      %dma_wait3A_3039 = arith.constant 0 : i32
      %dma_wait3A_3040 = tpu.memref_slice %arg4[%add3A_3030, %dma_wait3A_3038, %dma_wait3A_3039] : memref<4096x50x64xf32, #tpu.memory_space<hbm>> -> memref<1x50x64xf32, #tpu.memory_space<hbm>>
      %dma_wait3A_3041 = tpu.memref_squeeze %dma_wait3A_3040 : memref<1x50x64xf32, #tpu.memory_space<hbm>> -> memref<50x64xf32, #tpu.memory_space<hbm>>
      %dma_wait3A_3042 = arith.constant 150 : i32
      %dma_wait3A_3043 = arith.constant 0 : i32
      %dma_wait3A_3044 = tpu.memref_slice %arg12[%dma_wait3A_3042, %dma_wait3A_3043] : memref<200x64xf32, #tpu.memory_space<vmem>> -> memref<50x64xf32, #tpu.memory_space<vmem>>
      tpu.wait_dma2 semaphore(%arg28 : memref<!tpu.dma_semaphore, #tpu.memory_space<semaphore_mem>>) src(%dma_wait3A_3044 : memref<50x64xf32, #tpu.memory_space<vmem>>) dst(%dma_wait3A_3041 : memref<50x64xf32, #tpu.memory_space<hbm>>)
      %add3A_3045 = arith.constant 4 : i32
      %add3A_3046 = arith.addi %add3A_2882, %add3A_3045 : i32
      %dma_start3A_3047 = arith.constant 0 : i32
      %dma_start3A_3048 = tpu.memref_slice %arg5[%add3A_3046, %dma_start3A_3047] : memref<32x200xi32, #tpu.memory_space<vmem>> -> memref<1x200xi32, #tpu.memory_space<vmem>>
      %dma_start3A_3049 = tpu.memref_squeeze %dma_start3A_3048 : memref<1x200xi32, #tpu.memory_space<vmem>> -> memref<200xi32, #tpu.memory_space<vmem>>
      %dma_start3A_3050 = arith.constant 0 : i32
      %dma_start3A_3051 = arith.constant 0 : i32
      %dma_start3A_3052 = tpu.memref_slice %arg2[%dma_start3A_3050, %dma_start3A_3051] : memref<100000x64xf32, #tpu.memory_space<hbm>> -> memref<100000x64xf32, #tpu.memory_space<hbm>>
      tpu.enqueue_indirect_dma source(%dma_start3A_3052 : memref<100000x64xf32, #tpu.memory_space<hbm>>) target(%arg12 : memref<200x64xf32, #tpu.memory_space<vmem>>) offsets(%dma_start3A_3049 : memref<200xi32, #tpu.memory_space<vmem>>) semaphore(%arg20 : memref<!tpu.dma_semaphore, #tpu.memory_space<semaphore_mem>>)
      %add3A_3053 = arith.constant 3 : i32
      %add3A_3054 = arith.addi %add3A_2537, %add3A_3053 : i32
      %dma_wait3A_3055 = arith.constant 0 : i32
      %dma_wait3A_3056 = tpu.memref_slice %arg5[%add3A_3054, %dma_wait3A_3055] : memref<32x200xi32, #tpu.memory_space<vmem>> -> memref<1x200xi32, #tpu.memory_space<vmem>>
      %dma_wait3A_3057 = tpu.memref_squeeze %dma_wait3A_3056 : memref<1x200xi32, #tpu.memory_space<vmem>> -> memref<200xi32, #tpu.memory_space<vmem>>
      %dma_wait3A_3058 = arith.constant 0 : i32
      %dma_wait3A_3059 = arith.constant 0 : i32
      %dma_wait3A_3060 = tpu.memref_slice %arg2[%dma_wait3A_3058, %dma_wait3A_3059] : memref<100000x64xf32, #tpu.memory_space<hbm>> -> memref<100000x64xf32, #tpu.memory_space<hbm>>
      tpu.wait_indirect_dma semaphore(%arg17 : memref<!tpu.dma_semaphore, #tpu.memory_space<semaphore_mem>>) src(%dma_wait3A_3060 : memref<100000x64xf32, #tpu.memory_space<hbm>>) dst(%arg9 : memref<200x64xf32, #tpu.memory_space<vmem>>)
      %mul3A_3061 = arith.constant 4 : i32
      %mul3A_3062 = arith.muli %add3A_3054, %mul3A_3061 : i32
      %add3A_3063 = arith.addi %mul3A_2, %mul3A_3062 : i32
      %add3A_3064 = arith.constant 0 : i32
      %add3A_3065 = arith.addi %add3A_3063, %add3A_3064 : i32
      %dma_start3A_3066 = arith.constant 0 : i32
      %dma_start3A_3067 = arith.constant 0 : i32
      %dma_start3A_3068 = tpu.memref_slice %arg9[%dma_start3A_3066, %dma_start3A_3067] : memref<200x64xf32, #tpu.memory_space<vmem>> -> memref<50x64xf32, #tpu.memory_space<vmem>>
      %dma_start3A_3069 = arith.constant 0 : i32
      %dma_start3A_3070 = arith.constant 0 : i32
      %dma_start3A_3071 = tpu.memref_slice %arg4[%add3A_3065, %dma_start3A_3069, %dma_start3A_3070] : memref<4096x50x64xf32, #tpu.memory_space<hbm>> -> memref<1x50x64xf32, #tpu.memory_space<hbm>>
      %dma_start3A_3072 = tpu.memref_squeeze %dma_start3A_3071 : memref<1x50x64xf32, #tpu.memory_space<hbm>> -> memref<50x64xf32, #tpu.memory_space<hbm>>
      %dma_start3A_3073 = arith.constant 0 : i32
      %dma_start3A_3074 = arith.constant 0 : i32
      %dma_start3A_3075 = tpu.memref_slice %arg4[%add3A_3065, %dma_start3A_3073, %dma_start3A_3074] : memref<4096x50x64xf32, #tpu.memory_space<hbm>> -> memref<1x50x64xf32, #tpu.memory_space<hbm>>
      %dma_start3A_3076 = tpu.memref_squeeze %dma_start3A_3075 : memref<1x50x64xf32, #tpu.memory_space<hbm>> -> memref<50x64xf32, #tpu.memory_space<hbm>>
      %dma_start3A_3077 = arith.constant 0 : i32
      %dma_start3A_3078 = arith.constant 0 : i32
      %dma_start3A_3079 = tpu.memref_slice %arg9[%dma_start3A_3077, %dma_start3A_3078] : memref<200x64xf32, #tpu.memory_space<vmem>> -> memref<50x64xf32, #tpu.memory_space<vmem>>
      tpu.enqueue_dma source(%dma_start3A_3079 : memref<50x64xf32, #tpu.memory_space<vmem>>) target(%dma_start3A_3076 : memref<50x64xf32, #tpu.memory_space<hbm>>) target_semaphore(%arg25 : memref<!tpu.dma_semaphore, #tpu.memory_space<semaphore_mem>>)
      %mul3A_3080 = arith.constant 4 : i32
      %mul3A_3081 = arith.muli %add3A_3054, %mul3A_3080 : i32
      %add3A_3082 = arith.addi %mul3A_2, %mul3A_3081 : i32
      %add3A_3083 = arith.constant 1 : i32
      %add3A_3084 = arith.addi %add3A_3082, %add3A_3083 : i32
      %dma_start3A_3085 = arith.constant 50 : i32
      %dma_start3A_3086 = arith.constant 0 : i32
      %dma_start3A_3087 = tpu.memref_slice %arg9[%dma_start3A_3085, %dma_start3A_3086] : memref<200x64xf32, #tpu.memory_space<vmem>> -> memref<50x64xf32, #tpu.memory_space<vmem>>
      %dma_start3A_3088 = arith.constant 0 : i32
      %dma_start3A_3089 = arith.constant 0 : i32
      %dma_start3A_3090 = tpu.memref_slice %arg4[%add3A_3084, %dma_start3A_3088, %dma_start3A_3089] : memref<4096x50x64xf32, #tpu.memory_space<hbm>> -> memref<1x50x64xf32, #tpu.memory_space<hbm>>
      %dma_start3A_3091 = tpu.memref_squeeze %dma_start3A_3090 : memref<1x50x64xf32, #tpu.memory_space<hbm>> -> memref<50x64xf32, #tpu.memory_space<hbm>>
      %dma_start3A_3092 = arith.constant 0 : i32
      %dma_start3A_3093 = arith.constant 0 : i32
      %dma_start3A_3094 = tpu.memref_slice %arg4[%add3A_3084, %dma_start3A_3092, %dma_start3A_3093] : memref<4096x50x64xf32, #tpu.memory_space<hbm>> -> memref<1x50x64xf32, #tpu.memory_space<hbm>>
      %dma_start3A_3095 = tpu.memref_squeeze %dma_start3A_3094 : memref<1x50x64xf32, #tpu.memory_space<hbm>> -> memref<50x64xf32, #tpu.memory_space<hbm>>
      %dma_start3A_3096 = arith.constant 50 : i32
      %dma_start3A_3097 = arith.constant 0 : i32
      %dma_start3A_3098 = tpu.memref_slice %arg9[%dma_start3A_3096, %dma_start3A_3097] : memref<200x64xf32, #tpu.memory_space<vmem>> -> memref<50x64xf32, #tpu.memory_space<vmem>>
      tpu.enqueue_dma source(%dma_start3A_3098 : memref<50x64xf32, #tpu.memory_space<vmem>>) target(%dma_start3A_3095 : memref<50x64xf32, #tpu.memory_space<hbm>>) target_semaphore(%arg25 : memref<!tpu.dma_semaphore, #tpu.memory_space<semaphore_mem>>)
      %mul3A_3099 = arith.constant 4 : i32
      %mul3A_3100 = arith.muli %add3A_3054, %mul3A_3099 : i32
      %add3A_3101 = arith.addi %mul3A_2, %mul3A_3100 : i32
      %add3A_3102 = arith.constant 2 : i32
      %add3A_3103 = arith.addi %add3A_3101, %add3A_3102 : i32
      %dma_start3A_3104 = arith.constant 100 : i32
      %dma_start3A_3105 = arith.constant 0 : i32
      %dma_start3A_3106 = tpu.memref_slice %arg9[%dma_start3A_3104, %dma_start3A_3105] : memref<200x64xf32, #tpu.memory_space<vmem>> -> memref<50x64xf32, #tpu.memory_space<vmem>>
      %dma_start3A_3107 = arith.constant 0 : i32
      %dma_start3A_3108 = arith.constant 0 : i32
      %dma_start3A_3109 = tpu.memref_slice %arg4[%add3A_3103, %dma_start3A_3107, %dma_start3A_3108] : memref<4096x50x64xf32, #tpu.memory_space<hbm>> -> memref<1x50x64xf32, #tpu.memory_space<hbm>>
      %dma_start3A_3110 = tpu.memref_squeeze %dma_start3A_3109 : memref<1x50x64xf32, #tpu.memory_space<hbm>> -> memref<50x64xf32, #tpu.memory_space<hbm>>
      %dma_start3A_3111 = arith.constant 0 : i32
      %dma_start3A_3112 = arith.constant 0 : i32
      %dma_start3A_3113 = tpu.memref_slice %arg4[%add3A_3103, %dma_start3A_3111, %dma_start3A_3112] : memref<4096x50x64xf32, #tpu.memory_space<hbm>> -> memref<1x50x64xf32, #tpu.memory_space<hbm>>
      %dma_start3A_3114 = tpu.memref_squeeze %dma_start3A_3113 : memref<1x50x64xf32, #tpu.memory_space<hbm>> -> memref<50x64xf32, #tpu.memory_space<hbm>>
      %dma_start3A_3115 = arith.constant 100 : i32
      %dma_start3A_3116 = arith.constant 0 : i32
      %dma_start3A_3117 = tpu.memref_slice %arg9[%dma_start3A_3115, %dma_start3A_3116] : memref<200x64xf32, #tpu.memory_space<vmem>> -> memref<50x64xf32, #tpu.memory_space<vmem>>
      tpu.enqueue_dma source(%dma_start3A_3117 : memref<50x64xf32, #tpu.memory_space<vmem>>) target(%dma_start3A_3114 : memref<50x64xf32, #tpu.memory_space<hbm>>) target_semaphore(%arg25 : memref<!tpu.dma_semaphore, #tpu.memory_space<semaphore_mem>>)
      %mul3A_3118 = arith.constant 4 : i32
      %mul3A_3119 = arith.muli %add3A_3054, %mul3A_3118 : i32
      %add3A_3120 = arith.addi %mul3A_2, %mul3A_3119 : i32
      %add3A_3121 = arith.constant 3 : i32
      %add3A_3122 = arith.addi %add3A_3120, %add3A_3121 : i32
      %dma_start3A_3123 = arith.constant 150 : i32
      %dma_start3A_3124 = arith.constant 0 : i32
      %dma_start3A_3125 = tpu.memref_slice %arg9[%dma_start3A_3123, %dma_start3A_3124] : memref<200x64xf32, #tpu.memory_space<vmem>> -> memref<50x64xf32, #tpu.memory_space<vmem>>
      %dma_start3A_3126 = arith.constant 0 : i32
      %dma_start3A_3127 = arith.constant 0 : i32
      %dma_start3A_3128 = tpu.memref_slice %arg4[%add3A_3122, %dma_start3A_3126, %dma_start3A_3127] : memref<4096x50x64xf32, #tpu.memory_space<hbm>> -> memref<1x50x64xf32, #tpu.memory_space<hbm>>
      %dma_start3A_3129 = tpu.memref_squeeze %dma_start3A_3128 : memref<1x50x64xf32, #tpu.memory_space<hbm>> -> memref<50x64xf32, #tpu.memory_space<hbm>>
      %dma_start3A_3130 = arith.constant 0 : i32
      %dma_start3A_3131 = arith.constant 0 : i32
      %dma_start3A_3132 = tpu.memref_slice %arg4[%add3A_3122, %dma_start3A_3130, %dma_start3A_3131] : memref<4096x50x64xf32, #tpu.memory_space<hbm>> -> memref<1x50x64xf32, #tpu.memory_space<hbm>>
      %dma_start3A_3133 = tpu.memref_squeeze %dma_start3A_3132 : memref<1x50x64xf32, #tpu.memory_space<hbm>> -> memref<50x64xf32, #tpu.memory_space<hbm>>
      %dma_start3A_3134 = arith.constant 150 : i32
      %dma_start3A_3135 = arith.constant 0 : i32
      %dma_start3A_3136 = tpu.memref_slice %arg9[%dma_start3A_3134, %dma_start3A_3135] : memref<200x64xf32, #tpu.memory_space<vmem>> -> memref<50x64xf32, #tpu.memory_space<vmem>>
      tpu.enqueue_dma source(%dma_start3A_3136 : memref<50x64xf32, #tpu.memory_space<vmem>>) target(%dma_start3A_3133 : memref<50x64xf32, #tpu.memory_space<hbm>>) target_semaphore(%arg25 : memref<!tpu.dma_semaphore, #tpu.memory_space<semaphore_mem>>)
      %add3A_3137 = arith.constant 4 : i32
      %add3A_3138 = arith.addi %add3A_3054, %add3A_3137 : i32
      %sub3A_3139 = arith.constant 8 : i32
      %sub3A_3140 = arith.subi %add3A_3138, %sub3A_3139 : i32
      %mul3A_3141 = arith.constant 4 : i32
      %mul3A_3142 = arith.muli %sub3A_3140, %mul3A_3141 : i32
      %add3A_3143 = arith.addi %mul3A_2, %mul3A_3142 : i32
      %add3A_3144 = arith.constant 0 : i32
      %add3A_3145 = arith.addi %add3A_3143, %add3A_3144 : i32
      %dma_wait3A_3146 = arith.constant 0 : i32
      %dma_wait3A_3147 = arith.constant 0 : i32
      %dma_wait3A_3148 = tpu.memref_slice %arg13[%dma_wait3A_3146, %dma_wait3A_3147] : memref<200x64xf32, #tpu.memory_space<vmem>> -> memref<50x64xf32, #tpu.memory_space<vmem>>
      %dma_wait3A_3149 = arith.constant 0 : i32
      %dma_wait3A_3150 = arith.constant 0 : i32
      %dma_wait3A_3151 = tpu.memref_slice %arg4[%add3A_3145, %dma_wait3A_3149, %dma_wait3A_3150] : memref<4096x50x64xf32, #tpu.memory_space<hbm>> -> memref<1x50x64xf32, #tpu.memory_space<hbm>>
      %dma_wait3A_3152 = tpu.memref_squeeze %dma_wait3A_3151 : memref<1x50x64xf32, #tpu.memory_space<hbm>> -> memref<50x64xf32, #tpu.memory_space<hbm>>
      %dma_wait3A_3153 = arith.constant 0 : i32
      %dma_wait3A_3154 = arith.constant 0 : i32
      %dma_wait3A_3155 = tpu.memref_slice %arg4[%add3A_3145, %dma_wait3A_3153, %dma_wait3A_3154] : memref<4096x50x64xf32, #tpu.memory_space<hbm>> -> memref<1x50x64xf32, #tpu.memory_space<hbm>>
      %dma_wait3A_3156 = tpu.memref_squeeze %dma_wait3A_3155 : memref<1x50x64xf32, #tpu.memory_space<hbm>> -> memref<50x64xf32, #tpu.memory_space<hbm>>
      %dma_wait3A_3157 = arith.constant 0 : i32
      %dma_wait3A_3158 = arith.constant 0 : i32
      %dma_wait3A_3159 = tpu.memref_slice %arg13[%dma_wait3A_3157, %dma_wait3A_3158] : memref<200x64xf32, #tpu.memory_space<vmem>> -> memref<50x64xf32, #tpu.memory_space<vmem>>
      tpu.wait_dma2 semaphore(%arg29 : memref<!tpu.dma_semaphore, #tpu.memory_space<semaphore_mem>>) src(%dma_wait3A_3159 : memref<50x64xf32, #tpu.memory_space<vmem>>) dst(%dma_wait3A_3156 : memref<50x64xf32, #tpu.memory_space<hbm>>)
      %mul3A_3160 = arith.constant 4 : i32
      %mul3A_3161 = arith.muli %sub3A_3140, %mul3A_3160 : i32
      %add3A_3162 = arith.addi %mul3A_2, %mul3A_3161 : i32
      %add3A_3163 = arith.constant 1 : i32
      %add3A_3164 = arith.addi %add3A_3162, %add3A_3163 : i32
      %dma_wait3A_3165 = arith.constant 50 : i32
      %dma_wait3A_3166 = arith.constant 0 : i32
      %dma_wait3A_3167 = tpu.memref_slice %arg13[%dma_wait3A_3165, %dma_wait3A_3166] : memref<200x64xf32, #tpu.memory_space<vmem>> -> memref<50x64xf32, #tpu.memory_space<vmem>>
      %dma_wait3A_3168 = arith.constant 0 : i32
      %dma_wait3A_3169 = arith.constant 0 : i32
      %dma_wait3A_3170 = tpu.memref_slice %arg4[%add3A_3164, %dma_wait3A_3168, %dma_wait3A_3169] : memref<4096x50x64xf32, #tpu.memory_space<hbm>> -> memref<1x50x64xf32, #tpu.memory_space<hbm>>
      %dma_wait3A_3171 = tpu.memref_squeeze %dma_wait3A_3170 : memref<1x50x64xf32, #tpu.memory_space<hbm>> -> memref<50x64xf32, #tpu.memory_space<hbm>>
      %dma_wait3A_3172 = arith.constant 0 : i32
      %dma_wait3A_3173 = arith.constant 0 : i32
      %dma_wait3A_3174 = tpu.memref_slice %arg4[%add3A_3164, %dma_wait3A_3172, %dma_wait3A_3173] : memref<4096x50x64xf32, #tpu.memory_space<hbm>> -> memref<1x50x64xf32, #tpu.memory_space<hbm>>
      %dma_wait3A_3175 = tpu.memref_squeeze %dma_wait3A_3174 : memref<1x50x64xf32, #tpu.memory_space<hbm>> -> memref<50x64xf32, #tpu.memory_space<hbm>>
      %dma_wait3A_3176 = arith.constant 50 : i32
      %dma_wait3A_3177 = arith.constant 0 : i32
      %dma_wait3A_3178 = tpu.memref_slice %arg13[%dma_wait3A_3176, %dma_wait3A_3177] : memref<200x64xf32, #tpu.memory_space<vmem>> -> memref<50x64xf32, #tpu.memory_space<vmem>>
      tpu.wait_dma2 semaphore(%arg29 : memref<!tpu.dma_semaphore, #tpu.memory_space<semaphore_mem>>) src(%dma_wait3A_3178 : memref<50x64xf32, #tpu.memory_space<vmem>>) dst(%dma_wait3A_3175 : memref<50x64xf32, #tpu.memory_space<hbm>>)
      %mul3A_3179 = arith.constant 4 : i32
      %mul3A_3180 = arith.muli %sub3A_3140, %mul3A_3179 : i32
      %add3A_3181 = arith.addi %mul3A_2, %mul3A_3180 : i32
      %add3A_3182 = arith.constant 2 : i32
      %add3A_3183 = arith.addi %add3A_3181, %add3A_3182 : i32
      %dma_wait3A_3184 = arith.constant 100 : i32
      %dma_wait3A_3185 = arith.constant 0 : i32
      %dma_wait3A_3186 = tpu.memref_slice %arg13[%dma_wait3A_3184, %dma_wait3A_3185] : memref<200x64xf32, #tpu.memory_space<vmem>> -> memref<50x64xf32, #tpu.memory_space<vmem>>
      %dma_wait3A_3187 = arith.constant 0 : i32
      %dma_wait3A_3188 = arith.constant 0 : i32
      %dma_wait3A_3189 = tpu.memref_slice %arg4[%add3A_3183, %dma_wait3A_3187, %dma_wait3A_3188] : memref<4096x50x64xf32, #tpu.memory_space<hbm>> -> memref<1x50x64xf32, #tpu.memory_space<hbm>>
      %dma_wait3A_3190 = tpu.memref_squeeze %dma_wait3A_3189 : memref<1x50x64xf32, #tpu.memory_space<hbm>> -> memref<50x64xf32, #tpu.memory_space<hbm>>
      %dma_wait3A_3191 = arith.constant 0 : i32
      %dma_wait3A_3192 = arith.constant 0 : i32
      %dma_wait3A_3193 = tpu.memref_slice %arg4[%add3A_3183, %dma_wait3A_3191, %dma_wait3A_3192] : memref<4096x50x64xf32, #tpu.memory_space<hbm>> -> memref<1x50x64xf32, #tpu.memory_space<hbm>>
      %dma_wait3A_3194 = tpu.memref_squeeze %dma_wait3A_3193 : memref<1x50x64xf32, #tpu.memory_space<hbm>> -> memref<50x64xf32, #tpu.memory_space<hbm>>
      %dma_wait3A_3195 = arith.constant 100 : i32
      %dma_wait3A_3196 = arith.constant 0 : i32
      %dma_wait3A_3197 = tpu.memref_slice %arg13[%dma_wait3A_3195, %dma_wait3A_3196] : memref<200x64xf32, #tpu.memory_space<vmem>> -> memref<50x64xf32, #tpu.memory_space<vmem>>
      tpu.wait_dma2 semaphore(%arg29 : memref<!tpu.dma_semaphore, #tpu.memory_space<semaphore_mem>>) src(%dma_wait3A_3197 : memref<50x64xf32, #tpu.memory_space<vmem>>) dst(%dma_wait3A_3194 : memref<50x64xf32, #tpu.memory_space<hbm>>)
      %mul3A_3198 = arith.constant 4 : i32
      %mul3A_3199 = arith.muli %sub3A_3140, %mul3A_3198 : i32
      %add3A_3200 = arith.addi %mul3A_2, %mul3A_3199 : i32
      %add3A_3201 = arith.constant 3 : i32
      %add3A_3202 = arith.addi %add3A_3200, %add3A_3201 : i32
      %dma_wait3A_3203 = arith.constant 150 : i32
      %dma_wait3A_3204 = arith.constant 0 : i32
      %dma_wait3A_3205 = tpu.memref_slice %arg13[%dma_wait3A_3203, %dma_wait3A_3204] : memref<200x64xf32, #tpu.memory_space<vmem>> -> memref<50x64xf32, #tpu.memory_space<vmem>>
      %dma_wait3A_3206 = arith.constant 0 : i32
      %dma_wait3A_3207 = arith.constant 0 : i32
      %dma_wait3A_3208 = tpu.memref_slice %arg4[%add3A_3202, %dma_wait3A_3206, %dma_wait3A_3207] : memref<4096x50x64xf32, #tpu.memory_space<hbm>> -> memref<1x50x64xf32, #tpu.memory_space<hbm>>
      %dma_wait3A_3209 = tpu.memref_squeeze %dma_wait3A_3208 : memref<1x50x64xf32, #tpu.memory_space<hbm>> -> memref<50x64xf32, #tpu.memory_space<hbm>>
      %dma_wait3A_3210 = arith.constant 0 : i32
      %dma_wait3A_3211 = arith.constant 0 : i32
      %dma_wait3A_3212 = tpu.memref_slice %arg4[%add3A_3202, %dma_wait3A_3210, %dma_wait3A_3211] : memref<4096x50x64xf32, #tpu.memory_space<hbm>> -> memref<1x50x64xf32, #tpu.memory_space<hbm>>
      %dma_wait3A_3213 = tpu.memref_squeeze %dma_wait3A_3212 : memref<1x50x64xf32, #tpu.memory_space<hbm>> -> memref<50x64xf32, #tpu.memory_space<hbm>>
      %dma_wait3A_3214 = arith.constant 150 : i32
      %dma_wait3A_3215 = arith.constant 0 : i32
      %dma_wait3A_3216 = tpu.memref_slice %arg13[%dma_wait3A_3214, %dma_wait3A_3215] : memref<200x64xf32, #tpu.memory_space<vmem>> -> memref<50x64xf32, #tpu.memory_space<vmem>>
      tpu.wait_dma2 semaphore(%arg29 : memref<!tpu.dma_semaphore, #tpu.memory_space<semaphore_mem>>) src(%dma_wait3A_3216 : memref<50x64xf32, #tpu.memory_space<vmem>>) dst(%dma_wait3A_3213 : memref<50x64xf32, #tpu.memory_space<hbm>>)
      %add3A_3217 = arith.constant 4 : i32
      %add3A_3218 = arith.addi %add3A_3054, %add3A_3217 : i32
      %dma_start3A_3219 = arith.constant 0 : i32
      %dma_start3A_3220 = tpu.memref_slice %arg5[%add3A_3218, %dma_start3A_3219] : memref<32x200xi32, #tpu.memory_space<vmem>> -> memref<1x200xi32, #tpu.memory_space<vmem>>
      %dma_start3A_3221 = tpu.memref_squeeze %dma_start3A_3220 : memref<1x200xi32, #tpu.memory_space<vmem>> -> memref<200xi32, #tpu.memory_space<vmem>>
      %dma_start3A_3222 = arith.constant 0 : i32
      %dma_start3A_3223 = arith.constant 0 : i32
      %dma_start3A_3224 = tpu.memref_slice %arg2[%dma_start3A_3222, %dma_start3A_3223] : memref<100000x64xf32, #tpu.memory_space<hbm>> -> memref<100000x64xf32, #tpu.memory_space<hbm>>
      tpu.enqueue_indirect_dma source(%dma_start3A_3224 : memref<100000x64xf32, #tpu.memory_space<hbm>>) target(%arg13 : memref<200x64xf32, #tpu.memory_space<vmem>>) offsets(%dma_start3A_3221 : memref<200xi32, #tpu.memory_space<vmem>>) semaphore(%arg21 : memref<!tpu.dma_semaphore, #tpu.memory_space<semaphore_mem>>)
      %add3A_3225 = arith.constant 4 : i32
      %add3A_3226 = arith.addi %add3A_2537, %add3A_3225 : i32
      %dma_wait3A_3227 = arith.constant 0 : i32
      %dma_wait3A_3228 = tpu.memref_slice %arg5[%add3A_3226, %dma_wait3A_3227] : memref<32x200xi32, #tpu.memory_space<vmem>> -> memref<1x200xi32, #tpu.memory_space<vmem>>
      %dma_wait3A_3229 = tpu.memref_squeeze %dma_wait3A_3228 : memref<1x200xi32, #tpu.memory_space<vmem>> -> memref<200xi32, #tpu.memory_space<vmem>>
      %dma_wait3A_3230 = arith.constant 0 : i32
      %dma_wait3A_3231 = arith.constant 0 : i32
      %dma_wait3A_3232 = tpu.memref_slice %arg2[%dma_wait3A_3230, %dma_wait3A_3231] : memref<100000x64xf32, #tpu.memory_space<hbm>> -> memref<100000x64xf32, #tpu.memory_space<hbm>>
      tpu.wait_indirect_dma semaphore(%arg18 : memref<!tpu.dma_semaphore, #tpu.memory_space<semaphore_mem>>) src(%dma_wait3A_3232 : memref<100000x64xf32, #tpu.memory_space<hbm>>) dst(%arg10 : memref<200x64xf32, #tpu.memory_space<vmem>>)
      %mul3A_3233 = arith.constant 4 : i32
      %mul3A_3234 = arith.muli %add3A_3226, %mul3A_3233 : i32
      %add3A_3235 = arith.addi %mul3A_2, %mul3A_3234 : i32
      %add3A_3236 = arith.constant 0 : i32
      %add3A_3237 = arith.addi %add3A_3235, %add3A_3236 : i32
      %dma_start3A_3238 = arith.constant 0 : i32
      %dma_start3A_3239 = arith.constant 0 : i32
      %dma_start3A_3240 = tpu.memref_slice %arg10[%dma_start3A_3238, %dma_start3A_3239] : memref<200x64xf32, #tpu.memory_space<vmem>> -> memref<50x64xf32, #tpu.memory_space<vmem>>
      %dma_start3A_3241 = arith.constant 0 : i32
      %dma_start3A_3242 = arith.constant 0 : i32
      %dma_start3A_3243 = tpu.memref_slice %arg4[%add3A_3237, %dma_start3A_3241, %dma_start3A_3242] : memref<4096x50x64xf32, #tpu.memory_space<hbm>> -> memref<1x50x64xf32, #tpu.memory_space<hbm>>
      %dma_start3A_3244 = tpu.memref_squeeze %dma_start3A_3243 : memref<1x50x64xf32, #tpu.memory_space<hbm>> -> memref<50x64xf32, #tpu.memory_space<hbm>>
      %dma_start3A_3245 = arith.constant 0 : i32
      %dma_start3A_3246 = arith.constant 0 : i32
      %dma_start3A_3247 = tpu.memref_slice %arg4[%add3A_3237, %dma_start3A_3245, %dma_start3A_3246] : memref<4096x50x64xf32, #tpu.memory_space<hbm>> -> memref<1x50x64xf32, #tpu.memory_space<hbm>>
      %dma_start3A_3248 = tpu.memref_squeeze %dma_start3A_3247 : memref<1x50x64xf32, #tpu.memory_space<hbm>> -> memref<50x64xf32, #tpu.memory_space<hbm>>
      %dma_start3A_3249 = arith.constant 0 : i32
      %dma_start3A_3250 = arith.constant 0 : i32
      %dma_start3A_3251 = tpu.memref_slice %arg10[%dma_start3A_3249, %dma_start3A_3250] : memref<200x64xf32, #tpu.memory_space<vmem>> -> memref<50x64xf32, #tpu.memory_space<vmem>>
      tpu.enqueue_dma source(%dma_start3A_3251 : memref<50x64xf32, #tpu.memory_space<vmem>>) target(%dma_start3A_3248 : memref<50x64xf32, #tpu.memory_space<hbm>>) target_semaphore(%arg26 : memref<!tpu.dma_semaphore, #tpu.memory_space<semaphore_mem>>)
      %mul3A_3252 = arith.constant 4 : i32
      %mul3A_3253 = arith.muli %add3A_3226, %mul3A_3252 : i32
      %add3A_3254 = arith.addi %mul3A_2, %mul3A_3253 : i32
      %add3A_3255 = arith.constant 1 : i32
      %add3A_3256 = arith.addi %add3A_3254, %add3A_3255 : i32
      %dma_start3A_3257 = arith.constant 50 : i32
      %dma_start3A_3258 = arith.constant 0 : i32
      %dma_start3A_3259 = tpu.memref_slice %arg10[%dma_start3A_3257, %dma_start3A_3258] : memref<200x64xf32, #tpu.memory_space<vmem>> -> memref<50x64xf32, #tpu.memory_space<vmem>>
      %dma_start3A_3260 = arith.constant 0 : i32
      %dma_start3A_3261 = arith.constant 0 : i32
      %dma_start3A_3262 = tpu.memref_slice %arg4[%add3A_3256, %dma_start3A_3260, %dma_start3A_3261] : memref<4096x50x64xf32, #tpu.memory_space<hbm>> -> memref<1x50x64xf32, #tpu.memory_space<hbm>>
      %dma_start3A_3263 = tpu.memref_squeeze %dma_start3A_3262 : memref<1x50x64xf32, #tpu.memory_space<hbm>> -> memref<50x64xf32, #tpu.memory_space<hbm>>
      %dma_start3A_3264 = arith.constant 0 : i32
      %dma_start3A_3265 = arith.constant 0 : i32
      %dma_start3A_3266 = tpu.memref_slice %arg4[%add3A_3256, %dma_start3A_3264, %dma_start3A_3265] : memref<4096x50x64xf32, #tpu.memory_space<hbm>> -> memref<1x50x64xf32, #tpu.memory_space<hbm>>
      %dma_start3A_3267 = tpu.memref_squeeze %dma_start3A_3266 : memref<1x50x64xf32, #tpu.memory_space<hbm>> -> memref<50x64xf32, #tpu.memory_space<hbm>>
      %dma_start3A_3268 = arith.constant 50 : i32
      %dma_start3A_3269 = arith.constant 0 : i32
      %dma_start3A_3270 = tpu.memref_slice %arg10[%dma_start3A_3268, %dma_start3A_3269] : memref<200x64xf32, #tpu.memory_space<vmem>> -> memref<50x64xf32, #tpu.memory_space<vmem>>
      tpu.enqueue_dma source(%dma_start3A_3270 : memref<50x64xf32, #tpu.memory_space<vmem>>) target(%dma_start3A_3267 : memref<50x64xf32, #tpu.memory_space<hbm>>) target_semaphore(%arg26 : memref<!tpu.dma_semaphore, #tpu.memory_space<semaphore_mem>>)
      %mul3A_3271 = arith.constant 4 : i32
      %mul3A_3272 = arith.muli %add3A_3226, %mul3A_3271 : i32
      %add3A_3273 = arith.addi %mul3A_2, %mul3A_3272 : i32
      %add3A_3274 = arith.constant 2 : i32
      %add3A_3275 = arith.addi %add3A_3273, %add3A_3274 : i32
      %dma_start3A_3276 = arith.constant 100 : i32
      %dma_start3A_3277 = arith.constant 0 : i32
      %dma_start3A_3278 = tpu.memref_slice %arg10[%dma_start3A_3276, %dma_start3A_3277] : memref<200x64xf32, #tpu.memory_space<vmem>> -> memref<50x64xf32, #tpu.memory_space<vmem>>
      %dma_start3A_3279 = arith.constant 0 : i32
      %dma_start3A_3280 = arith.constant 0 : i32
      %dma_start3A_3281 = tpu.memref_slice %arg4[%add3A_3275, %dma_start3A_3279, %dma_start3A_3280] : memref<4096x50x64xf32, #tpu.memory_space<hbm>> -> memref<1x50x64xf32, #tpu.memory_space<hbm>>
      %dma_start3A_3282 = tpu.memref_squeeze %dma_start3A_3281 : memref<1x50x64xf32, #tpu.memory_space<hbm>> -> memref<50x64xf32, #tpu.memory_space<hbm>>
      %dma_start3A_3283 = arith.constant 0 : i32
      %dma_start3A_3284 = arith.constant 0 : i32
      %dma_start3A_3285 = tpu.memref_slice %arg4[%add3A_3275, %dma_start3A_3283, %dma_start3A_3284] : memref<4096x50x64xf32, #tpu.memory_space<hbm>> -> memref<1x50x64xf32, #tpu.memory_space<hbm>>
      %dma_start3A_3286 = tpu.memref_squeeze %dma_start3A_3285 : memref<1x50x64xf32, #tpu.memory_space<hbm>> -> memref<50x64xf32, #tpu.memory_space<hbm>>
      %dma_start3A_3287 = arith.constant 100 : i32
      %dma_start3A_3288 = arith.constant 0 : i32
      %dma_start3A_3289 = tpu.memref_slice %arg10[%dma_start3A_3287, %dma_start3A_3288] : memref<200x64xf32, #tpu.memory_space<vmem>> -> memref<50x64xf32, #tpu.memory_space<vmem>>
      tpu.enqueue_dma source(%dma_start3A_3289 : memref<50x64xf32, #tpu.memory_space<vmem>>) target(%dma_start3A_3286 : memref<50x64xf32, #tpu.memory_space<hbm>>) target_semaphore(%arg26 : memref<!tpu.dma_semaphore, #tpu.memory_space<semaphore_mem>>)
      %mul3A_3290 = arith.constant 4 : i32
      %mul3A_3291 = arith.muli %add3A_3226, %mul3A_3290 : i32
      %add3A_3292 = arith.addi %mul3A_2, %mul3A_3291 : i32
      %add3A_3293 = arith.constant 3 : i32
      %add3A_3294 = arith.addi %add3A_3292, %add3A_3293 : i32
      %dma_start3A_3295 = arith.constant 150 : i32
      %dma_start3A_3296 = arith.constant 0 : i32
      %dma_start3A_3297 = tpu.memref_slice %arg10[%dma_start3A_3295, %dma_start3A_3296] : memref<200x64xf32, #tpu.memory_space<vmem>> -> memref<50x64xf32, #tpu.memory_space<vmem>>
      %dma_start3A_3298 = arith.constant 0 : i32
      %dma_start3A_3299 = arith.constant 0 : i32
      %dma_start3A_3300 = tpu.memref_slice %arg4[%add3A_3294, %dma_start3A_3298, %dma_start3A_3299] : memref<4096x50x64xf32, #tpu.memory_space<hbm>> -> memref<1x50x64xf32, #tpu.memory_space<hbm>>
      %dma_start3A_3301 = tpu.memref_squeeze %dma_start3A_3300 : memref<1x50x64xf32, #tpu.memory_space<hbm>> -> memref<50x64xf32, #tpu.memory_space<hbm>>
      %dma_start3A_3302 = arith.constant 0 : i32
      %dma_start3A_3303 = arith.constant 0 : i32
      %dma_start3A_3304 = tpu.memref_slice %arg4[%add3A_3294, %dma_start3A_3302, %dma_start3A_3303] : memref<4096x50x64xf32, #tpu.memory_space<hbm>> -> memref<1x50x64xf32, #tpu.memory_space<hbm>>
      %dma_start3A_3305 = tpu.memref_squeeze %dma_start3A_3304 : memref<1x50x64xf32, #tpu.memory_space<hbm>> -> memref<50x64xf32, #tpu.memory_space<hbm>>
      %dma_start3A_3306 = arith.constant 150 : i32
      %dma_start3A_3307 = arith.constant 0 : i32
      %dma_start3A_3308 = tpu.memref_slice %arg10[%dma_start3A_3306, %dma_start3A_3307] : memref<200x64xf32, #tpu.memory_space<vmem>> -> memref<50x64xf32, #tpu.memory_space<vmem>>
      tpu.enqueue_dma source(%dma_start3A_3308 : memref<50x64xf32, #tpu.memory_space<vmem>>) target(%dma_start3A_3305 : memref<50x64xf32, #tpu.memory_space<hbm>>) target_semaphore(%arg26 : memref<!tpu.dma_semaphore, #tpu.memory_space<semaphore_mem>>)
      %add3A_3309 = arith.constant 4 : i32
      %add3A_3310 = arith.addi %add3A_3226, %add3A_3309 : i32
      %sub3A_3311 = arith.constant 8 : i32
      %sub3A_3312 = arith.subi %add3A_3310, %sub3A_3311 : i32
      %mul3A_3313 = arith.constant 4 : i32
      %mul3A_3314 = arith.muli %sub3A_3312, %mul3A_3313 : i32
      %add3A_3315 = arith.addi %mul3A_2, %mul3A_3314 : i32
      %add3A_3316 = arith.constant 0 : i32
      %add3A_3317 = arith.addi %add3A_3315, %add3A_3316 : i32
      %dma_wait3A_3318 = arith.constant 0 : i32
      %dma_wait3A_3319 = arith.constant 0 : i32
      %dma_wait3A_3320 = tpu.memref_slice %arg6[%dma_wait3A_3318, %dma_wait3A_3319] : memref<200x64xf32, #tpu.memory_space<vmem>> -> memref<50x64xf32, #tpu.memory_space<vmem>>
      %dma_wait3A_3321 = arith.constant 0 : i32
      %dma_wait3A_3322 = arith.constant 0 : i32
      %dma_wait3A_3323 = tpu.memref_slice %arg4[%add3A_3317, %dma_wait3A_3321, %dma_wait3A_3322] : memref<4096x50x64xf32, #tpu.memory_space<hbm>> -> memref<1x50x64xf32, #tpu.memory_space<hbm>>
      %dma_wait3A_3324 = tpu.memref_squeeze %dma_wait3A_3323 : memref<1x50x64xf32, #tpu.memory_space<hbm>> -> memref<50x64xf32, #tpu.memory_space<hbm>>
      %dma_wait3A_3325 = arith.constant 0 : i32
      %dma_wait3A_3326 = arith.constant 0 : i32
      %dma_wait3A_3327 = tpu.memref_slice %arg4[%add3A_3317, %dma_wait3A_3325, %dma_wait3A_3326] : memref<4096x50x64xf32, #tpu.memory_space<hbm>> -> memref<1x50x64xf32, #tpu.memory_space<hbm>>
      %dma_wait3A_3328 = tpu.memref_squeeze %dma_wait3A_3327 : memref<1x50x64xf32, #tpu.memory_space<hbm>> -> memref<50x64xf32, #tpu.memory_space<hbm>>
      %dma_wait3A_3329 = arith.constant 0 : i32
      %dma_wait3A_3330 = arith.constant 0 : i32
      %dma_wait3A_3331 = tpu.memref_slice %arg6[%dma_wait3A_3329, %dma_wait3A_3330] : memref<200x64xf32, #tpu.memory_space<vmem>> -> memref<50x64xf32, #tpu.memory_space<vmem>>
      tpu.wait_dma2 semaphore(%arg22 : memref<!tpu.dma_semaphore, #tpu.memory_space<semaphore_mem>>) src(%dma_wait3A_3331 : memref<50x64xf32, #tpu.memory_space<vmem>>) dst(%dma_wait3A_3328 : memref<50x64xf32, #tpu.memory_space<hbm>>)
      %mul3A_3332 = arith.constant 4 : i32
      %mul3A_3333 = arith.muli %sub3A_3312, %mul3A_3332 : i32
      %add3A_3334 = arith.addi %mul3A_2, %mul3A_3333 : i32
      %add3A_3335 = arith.constant 1 : i32
      %add3A_3336 = arith.addi %add3A_3334, %add3A_3335 : i32
      %dma_wait3A_3337 = arith.constant 50 : i32
      %dma_wait3A_3338 = arith.constant 0 : i32
      %dma_wait3A_3339 = tpu.memref_slice %arg6[%dma_wait3A_3337, %dma_wait3A_3338] : memref<200x64xf32, #tpu.memory_space<vmem>> -> memref<50x64xf32, #tpu.memory_space<vmem>>
      %dma_wait3A_3340 = arith.constant 0 : i32
      %dma_wait3A_3341 = arith.constant 0 : i32
      %dma_wait3A_3342 = tpu.memref_slice %arg4[%add3A_3336, %dma_wait3A_3340, %dma_wait3A_3341] : memref<4096x50x64xf32, #tpu.memory_space<hbm>> -> memref<1x50x64xf32, #tpu.memory_space<hbm>>
      %dma_wait3A_3343 = tpu.memref_squeeze %dma_wait3A_3342 : memref<1x50x64xf32, #tpu.memory_space<hbm>> -> memref<50x64xf32, #tpu.memory_space<hbm>>
      %dma_wait3A_3344 = arith.constant 0 : i32
      %dma_wait3A_3345 = arith.constant 0 : i32
      %dma_wait3A_3346 = tpu.memref_slice %arg4[%add3A_3336, %dma_wait3A_3344, %dma_wait3A_3345] : memref<4096x50x64xf32, #tpu.memory_space<hbm>> -> memref<1x50x64xf32, #tpu.memory_space<hbm>>
      %dma_wait3A_3347 = tpu.memref_squeeze %dma_wait3A_3346 : memref<1x50x64xf32, #tpu.memory_space<hbm>> -> memref<50x64xf32, #tpu.memory_space<hbm>>
      %dma_wait3A_3348 = arith.constant 50 : i32
      %dma_wait3A_3349 = arith.constant 0 : i32
      %dma_wait3A_3350 = tpu.memref_slice %arg6[%dma_wait3A_3348, %dma_wait3A_3349] : memref<200x64xf32, #tpu.memory_space<vmem>> -> memref<50x64xf32, #tpu.memory_space<vmem>>
      tpu.wait_dma2 semaphore(%arg22 : memref<!tpu.dma_semaphore, #tpu.memory_space<semaphore_mem>>) src(%dma_wait3A_3350 : memref<50x64xf32, #tpu.memory_space<vmem>>) dst(%dma_wait3A_3347 : memref<50x64xf32, #tpu.memory_space<hbm>>)
      %mul3A_3351 = arith.constant 4 : i32
      %mul3A_3352 = arith.muli %sub3A_3312, %mul3A_3351 : i32
      %add3A_3353 = arith.addi %mul3A_2, %mul3A_3352 : i32
      %add3A_3354 = arith.constant 2 : i32
      %add3A_3355 = arith.addi %add3A_3353, %add3A_3354 : i32
      %dma_wait3A_3356 = arith.constant 100 : i32
      %dma_wait3A_3357 = arith.constant 0 : i32
      %dma_wait3A_3358 = tpu.memref_slice %arg6[%dma_wait3A_3356, %dma_wait3A_3357] : memref<200x64xf32, #tpu.memory_space<vmem>> -> memref<50x64xf32, #tpu.memory_space<vmem>>
      %dma_wait3A_3359 = arith.constant 0 : i32
      %dma_wait3A_3360 = arith.constant 0 : i32
      %dma_wait3A_3361 = tpu.memref_slice %arg4[%add3A_3355, %dma_wait3A_3359, %dma_wait3A_3360] : memref<4096x50x64xf32, #tpu.memory_space<hbm>> -> memref<1x50x64xf32, #tpu.memory_space<hbm>>
      %dma_wait3A_3362 = tpu.memref_squeeze %dma_wait3A_3361 : memref<1x50x64xf32, #tpu.memory_space<hbm>> -> memref<50x64xf32, #tpu.memory_space<hbm>>
      %dma_wait3A_3363 = arith.constant 0 : i32
      %dma_wait3A_3364 = arith.constant 0 : i32
      %dma_wait3A_3365 = tpu.memref_slice %arg4[%add3A_3355, %dma_wait3A_3363, %dma_wait3A_3364] : memref<4096x50x64xf32, #tpu.memory_space<hbm>> -> memref<1x50x64xf32, #tpu.memory_space<hbm>>
      %dma_wait3A_3366 = tpu.memref_squeeze %dma_wait3A_3365 : memref<1x50x64xf32, #tpu.memory_space<hbm>> -> memref<50x64xf32, #tpu.memory_space<hbm>>
      %dma_wait3A_3367 = arith.constant 100 : i32
      %dma_wait3A_3368 = arith.constant 0 : i32
      %dma_wait3A_3369 = tpu.memref_slice %arg6[%dma_wait3A_3367, %dma_wait3A_3368] : memref<200x64xf32, #tpu.memory_space<vmem>> -> memref<50x64xf32, #tpu.memory_space<vmem>>
      tpu.wait_dma2 semaphore(%arg22 : memref<!tpu.dma_semaphore, #tpu.memory_space<semaphore_mem>>) src(%dma_wait3A_3369 : memref<50x64xf32, #tpu.memory_space<vmem>>) dst(%dma_wait3A_3366 : memref<50x64xf32, #tpu.memory_space<hbm>>)
      %mul3A_3370 = arith.constant 4 : i32
      %mul3A_3371 = arith.muli %sub3A_3312, %mul3A_3370 : i32
      %add3A_3372 = arith.addi %mul3A_2, %mul3A_3371 : i32
      %add3A_3373 = arith.constant 3 : i32
      %add3A_3374 = arith.addi %add3A_3372, %add3A_3373 : i32
      %dma_wait3A_3375 = arith.constant 150 : i32
      %dma_wait3A_3376 = arith.constant 0 : i32
      %dma_wait3A_3377 = tpu.memref_slice %arg6[%dma_wait3A_3375, %dma_wait3A_3376] : memref<200x64xf32, #tpu.memory_space<vmem>> -> memref<50x64xf32, #tpu.memory_space<vmem>>
      %dma_wait3A_3378 = arith.constant 0 : i32
      %dma_wait3A_3379 = arith.constant 0 : i32
      %dma_wait3A_3380 = tpu.memref_slice %arg4[%add3A_3374, %dma_wait3A_3378, %dma_wait3A_3379] : memref<4096x50x64xf32, #tpu.memory_space<hbm>> -> memref<1x50x64xf32, #tpu.memory_space<hbm>>
      %dma_wait3A_3381 = tpu.memref_squeeze %dma_wait3A_3380 : memref<1x50x64xf32, #tpu.memory_space<hbm>> -> memref<50x64xf32, #tpu.memory_space<hbm>>
      %dma_wait3A_3382 = arith.constant 0 : i32
      %dma_wait3A_3383 = arith.constant 0 : i32
      %dma_wait3A_3384 = tpu.memref_slice %arg4[%add3A_3374, %dma_wait3A_3382, %dma_wait3A_3383] : memref<4096x50x64xf32, #tpu.memory_space<hbm>> -> memref<1x50x64xf32, #tpu.memory_space<hbm>>
      %dma_wait3A_3385 = tpu.memref_squeeze %dma_wait3A_3384 : memref<1x50x64xf32, #tpu.memory_space<hbm>> -> memref<50x64xf32, #tpu.memory_space<hbm>>
      %dma_wait3A_3386 = arith.constant 150 : i32
      %dma_wait3A_3387 = arith.constant 0 : i32
      %dma_wait3A_3388 = tpu.memref_slice %arg6[%dma_wait3A_3386, %dma_wait3A_3387] : memref<200x64xf32, #tpu.memory_space<vmem>> -> memref<50x64xf32, #tpu.memory_space<vmem>>
      tpu.wait_dma2 semaphore(%arg22 : memref<!tpu.dma_semaphore, #tpu.memory_space<semaphore_mem>>) src(%dma_wait3A_3388 : memref<50x64xf32, #tpu.memory_space<vmem>>) dst(%dma_wait3A_3385 : memref<50x64xf32, #tpu.memory_space<hbm>>)
      %add3A_3389 = arith.constant 4 : i32
      %add3A_3390 = arith.addi %add3A_3226, %add3A_3389 : i32
      %dma_start3A_3391 = arith.constant 0 : i32
      %dma_start3A_3392 = tpu.memref_slice %arg5[%add3A_3390, %dma_start3A_3391] : memref<32x200xi32, #tpu.memory_space<vmem>> -> memref<1x200xi32, #tpu.memory_space<vmem>>
      %dma_start3A_3393 = tpu.memref_squeeze %dma_start3A_3392 : memref<1x200xi32, #tpu.memory_space<vmem>> -> memref<200xi32, #tpu.memory_space<vmem>>
      %dma_start3A_3394 = arith.constant 0 : i32
      %dma_start3A_3395 = arith.constant 0 : i32
      %dma_start3A_3396 = tpu.memref_slice %arg2[%dma_start3A_3394, %dma_start3A_3395] : memref<100000x64xf32, #tpu.memory_space<hbm>> -> memref<100000x64xf32, #tpu.memory_space<hbm>>
      tpu.enqueue_indirect_dma source(%dma_start3A_3396 : memref<100000x64xf32, #tpu.memory_space<hbm>>) target(%arg6 : memref<200x64xf32, #tpu.memory_space<vmem>>) offsets(%dma_start3A_3393 : memref<200xi32, #tpu.memory_space<vmem>>) semaphore(%arg14 : memref<!tpu.dma_semaphore, #tpu.memory_space<semaphore_mem>>)
      %add3A_3397 = arith.constant 5 : i32
      %add3A_3398 = arith.addi %add3A_2537, %add3A_3397 : i32
      %dma_wait3A_3399 = arith.constant 0 : i32
      %dma_wait3A_3400 = tpu.memref_slice %arg5[%add3A_3398, %dma_wait3A_3399] : memref<32x200xi32, #tpu.memory_space<vmem>> -> memref<1x200xi32, #tpu.memory_space<vmem>>
      %dma_wait3A_3401 = tpu.memref_squeeze %dma_wait3A_3400 : memref<1x200xi32, #tpu.memory_space<vmem>> -> memref<200xi32, #tpu.memory_space<vmem>>
      %dma_wait3A_3402 = arith.constant 0 : i32
      %dma_wait3A_3403 = arith.constant 0 : i32
      %dma_wait3A_3404 = tpu.memref_slice %arg2[%dma_wait3A_3402, %dma_wait3A_3403] : memref<100000x64xf32, #tpu.memory_space<hbm>> -> memref<100000x64xf32, #tpu.memory_space<hbm>>
      tpu.wait_indirect_dma semaphore(%arg19 : memref<!tpu.dma_semaphore, #tpu.memory_space<semaphore_mem>>) src(%dma_wait3A_3404 : memref<100000x64xf32, #tpu.memory_space<hbm>>) dst(%arg11 : memref<200x64xf32, #tpu.memory_space<vmem>>)
      %mul3A_3405 = arith.constant 4 : i32
      %mul3A_3406 = arith.muli %add3A_3398, %mul3A_3405 : i32
      %add3A_3407 = arith.addi %mul3A_2, %mul3A_3406 : i32
      %add3A_3408 = arith.constant 0 : i32
      %add3A_3409 = arith.addi %add3A_3407, %add3A_3408 : i32
      %dma_start3A_3410 = arith.constant 0 : i32
      %dma_start3A_3411 = arith.constant 0 : i32
      %dma_start3A_3412 = tpu.memref_slice %arg11[%dma_start3A_3410, %dma_start3A_3411] : memref<200x64xf32, #tpu.memory_space<vmem>> -> memref<50x64xf32, #tpu.memory_space<vmem>>
      %dma_start3A_3413 = arith.constant 0 : i32
      %dma_start3A_3414 = arith.constant 0 : i32
      %dma_start3A_3415 = tpu.memref_slice %arg4[%add3A_3409, %dma_start3A_3413, %dma_start3A_3414] : memref<4096x50x64xf32, #tpu.memory_space<hbm>> -> memref<1x50x64xf32, #tpu.memory_space<hbm>>
      %dma_start3A_3416 = tpu.memref_squeeze %dma_start3A_3415 : memref<1x50x64xf32, #tpu.memory_space<hbm>> -> memref<50x64xf32, #tpu.memory_space<hbm>>
      %dma_start3A_3417 = arith.constant 0 : i32
      %dma_start3A_3418 = arith.constant 0 : i32
      %dma_start3A_3419 = tpu.memref_slice %arg4[%add3A_3409, %dma_start3A_3417, %dma_start3A_3418] : memref<4096x50x64xf32, #tpu.memory_space<hbm>> -> memref<1x50x64xf32, #tpu.memory_space<hbm>>
      %dma_start3A_3420 = tpu.memref_squeeze %dma_start3A_3419 : memref<1x50x64xf32, #tpu.memory_space<hbm>> -> memref<50x64xf32, #tpu.memory_space<hbm>>
      %dma_start3A_3421 = arith.constant 0 : i32
      %dma_start3A_3422 = arith.constant 0 : i32
      %dma_start3A_3423 = tpu.memref_slice %arg11[%dma_start3A_3421, %dma_start3A_3422] : memref<200x64xf32, #tpu.memory_space<vmem>> -> memref<50x64xf32, #tpu.memory_space<vmem>>
      tpu.enqueue_dma source(%dma_start3A_3423 : memref<50x64xf32, #tpu.memory_space<vmem>>) target(%dma_start3A_3420 : memref<50x64xf32, #tpu.memory_space<hbm>>) target_semaphore(%arg27 : memref<!tpu.dma_semaphore, #tpu.memory_space<semaphore_mem>>)
      %mul3A_3424 = arith.constant 4 : i32
      %mul3A_3425 = arith.muli %add3A_3398, %mul3A_3424 : i32
      %add3A_3426 = arith.addi %mul3A_2, %mul3A_3425 : i32
      %add3A_3427 = arith.constant 1 : i32
      %add3A_3428 = arith.addi %add3A_3426, %add3A_3427 : i32
      %dma_start3A_3429 = arith.constant 50 : i32
      %dma_start3A_3430 = arith.constant 0 : i32
      %dma_start3A_3431 = tpu.memref_slice %arg11[%dma_start3A_3429, %dma_start3A_3430] : memref<200x64xf32, #tpu.memory_space<vmem>> -> memref<50x64xf32, #tpu.memory_space<vmem>>
      %dma_start3A_3432 = arith.constant 0 : i32
      %dma_start3A_3433 = arith.constant 0 : i32
      %dma_start3A_3434 = tpu.memref_slice %arg4[%add3A_3428, %dma_start3A_3432, %dma_start3A_3433] : memref<4096x50x64xf32, #tpu.memory_space<hbm>> -> memref<1x50x64xf32, #tpu.memory_space<hbm>>
      %dma_start3A_3435 = tpu.memref_squeeze %dma_start3A_3434 : memref<1x50x64xf32, #tpu.memory_space<hbm>> -> memref<50x64xf32, #tpu.memory_space<hbm>>
      %dma_start3A_3436 = arith.constant 0 : i32
      %dma_start3A_3437 = arith.constant 0 : i32
      %dma_start3A_3438 = tpu.memref_slice %arg4[%add3A_3428, %dma_start3A_3436, %dma_start3A_3437] : memref<4096x50x64xf32, #tpu.memory_space<hbm>> -> memref<1x50x64xf32, #tpu.memory_space<hbm>>
      %dma_start3A_3439 = tpu.memref_squeeze %dma_start3A_3438 : memref<1x50x64xf32, #tpu.memory_space<hbm>> -> memref<50x64xf32, #tpu.memory_space<hbm>>
      %dma_start3A_3440 = arith.constant 50 : i32
      %dma_start3A_3441 = arith.constant 0 : i32
      %dma_start3A_3442 = tpu.memref_slice %arg11[%dma_start3A_3440, %dma_start3A_3441] : memref<200x64xf32, #tpu.memory_space<vmem>> -> memref<50x64xf32, #tpu.memory_space<vmem>>
      tpu.enqueue_dma source(%dma_start3A_3442 : memref<50x64xf32, #tpu.memory_space<vmem>>) target(%dma_start3A_3439 : memref<50x64xf32, #tpu.memory_space<hbm>>) target_semaphore(%arg27 : memref<!tpu.dma_semaphore, #tpu.memory_space<semaphore_mem>>)
      %mul3A_3443 = arith.constant 4 : i32
      %mul3A_3444 = arith.muli %add3A_3398, %mul3A_3443 : i32
      %add3A_3445 = arith.addi %mul3A_2, %mul3A_3444 : i32
      %add3A_3446 = arith.constant 2 : i32
      %add3A_3447 = arith.addi %add3A_3445, %add3A_3446 : i32
      %dma_start3A_3448 = arith.constant 100 : i32
      %dma_start3A_3449 = arith.constant 0 : i32
      %dma_start3A_3450 = tpu.memref_slice %arg11[%dma_start3A_3448, %dma_start3A_3449] : memref<200x64xf32, #tpu.memory_space<vmem>> -> memref<50x64xf32, #tpu.memory_space<vmem>>
      %dma_start3A_3451 = arith.constant 0 : i32
      %dma_start3A_3452 = arith.constant 0 : i32
      %dma_start3A_3453 = tpu.memref_slice %arg4[%add3A_3447, %dma_start3A_3451, %dma_start3A_3452] : memref<4096x50x64xf32, #tpu.memory_space<hbm>> -> memref<1x50x64xf32, #tpu.memory_space<hbm>>
      %dma_start3A_3454 = tpu.memref_squeeze %dma_start3A_3453 : memref<1x50x64xf32, #tpu.memory_space<hbm>> -> memref<50x64xf32, #tpu.memory_space<hbm>>
      %dma_start3A_3455 = arith.constant 0 : i32
      %dma_start3A_3456 = arith.constant 0 : i32
      %dma_start3A_3457 = tpu.memref_slice %arg4[%add3A_3447, %dma_start3A_3455, %dma_start3A_3456] : memref<4096x50x64xf32, #tpu.memory_space<hbm>> -> memref<1x50x64xf32, #tpu.memory_space<hbm>>
      %dma_start3A_3458 = tpu.memref_squeeze %dma_start3A_3457 : memref<1x50x64xf32, #tpu.memory_space<hbm>> -> memref<50x64xf32, #tpu.memory_space<hbm>>
      %dma_start3A_3459 = arith.constant 100 : i32
      %dma_start3A_3460 = arith.constant 0 : i32
      %dma_start3A_3461 = tpu.memref_slice %arg11[%dma_start3A_3459, %dma_start3A_3460] : memref<200x64xf32, #tpu.memory_space<vmem>> -> memref<50x64xf32, #tpu.memory_space<vmem>>
      tpu.enqueue_dma source(%dma_start3A_3461 : memref<50x64xf32, #tpu.memory_space<vmem>>) target(%dma_start3A_3458 : memref<50x64xf32, #tpu.memory_space<hbm>>) target_semaphore(%arg27 : memref<!tpu.dma_semaphore, #tpu.memory_space<semaphore_mem>>)
      %mul3A_3462 = arith.constant 4 : i32
      %mul3A_3463 = arith.muli %add3A_3398, %mul3A_3462 : i32
      %add3A_3464 = arith.addi %mul3A_2, %mul3A_3463 : i32
      %add3A_3465 = arith.constant 3 : i32
      %add3A_3466 = arith.addi %add3A_3464, %add3A_3465 : i32
      %dma_start3A_3467 = arith.constant 150 : i32
      %dma_start3A_3468 = arith.constant 0 : i32
      %dma_start3A_3469 = tpu.memref_slice %arg11[%dma_start3A_3467, %dma_start3A_3468] : memref<200x64xf32, #tpu.memory_space<vmem>> -> memref<50x64xf32, #tpu.memory_space<vmem>>
      %dma_start3A_3470 = arith.constant 0 : i32
      %dma_start3A_3471 = arith.constant 0 : i32
      %dma_start3A_3472 = tpu.memref_slice %arg4[%add3A_3466, %dma_start3A_3470, %dma_start3A_3471] : memref<4096x50x64xf32, #tpu.memory_space<hbm>> -> memref<1x50x64xf32, #tpu.memory_space<hbm>>
      %dma_start3A_3473 = tpu.memref_squeeze %dma_start3A_3472 : memref<1x50x64xf32, #tpu.memory_space<hbm>> -> memref<50x64xf32, #tpu.memory_space<hbm>>
      %dma_start3A_3474 = arith.constant 0 : i32
      %dma_start3A_3475 = arith.constant 0 : i32
      %dma_start3A_3476 = tpu.memref_slice %arg4[%add3A_3466, %dma_start3A_3474, %dma_start3A_3475] : memref<4096x50x64xf32, #tpu.memory_space<hbm>> -> memref<1x50x64xf32, #tpu.memory_space<hbm>>
      %dma_start3A_3477 = tpu.memref_squeeze %dma_start3A_3476 : memref<1x50x64xf32, #tpu.memory_space<hbm>> -> memref<50x64xf32, #tpu.memory_space<hbm>>
      %dma_start3A_3478 = arith.constant 150 : i32
      %dma_start3A_3479 = arith.constant 0 : i32
      %dma_start3A_3480 = tpu.memref_slice %arg11[%dma_start3A_3478, %dma_start3A_3479] : memref<200x64xf32, #tpu.memory_space<vmem>> -> memref<50x64xf32, #tpu.memory_space<vmem>>
      tpu.enqueue_dma source(%dma_start3A_3480 : memref<50x64xf32, #tpu.memory_space<vmem>>) target(%dma_start3A_3477 : memref<50x64xf32, #tpu.memory_space<hbm>>) target_semaphore(%arg27 : memref<!tpu.dma_semaphore, #tpu.memory_space<semaphore_mem>>)
      %add3A_3481 = arith.constant 4 : i32
      %add3A_3482 = arith.addi %add3A_3398, %add3A_3481 : i32
      %sub3A_3483 = arith.constant 8 : i32
      %sub3A_3484 = arith.subi %add3A_3482, %sub3A_3483 : i32
      %mul3A_3485 = arith.constant 4 : i32
      %mul3A_3486 = arith.muli %sub3A_3484, %mul3A_3485 : i32
      %add3A_3487 = arith.addi %mul3A_2, %mul3A_3486 : i32
      %add3A_3488 = arith.constant 0 : i32
      %add3A_3489 = arith.addi %add3A_3487, %add3A_3488 : i32
      %dma_wait3A_3490 = arith.constant 0 : i32
      %dma_wait3A_3491 = arith.constant 0 : i32
      %dma_wait3A_3492 = tpu.memref_slice %arg7[%dma_wait3A_3490, %dma_wait3A_3491] : memref<200x64xf32, #tpu.memory_space<vmem>> -> memref<50x64xf32, #tpu.memory_space<vmem>>
      %dma_wait3A_3493 = arith.constant 0 : i32
      %dma_wait3A_3494 = arith.constant 0 : i32
      %dma_wait3A_3495 = tpu.memref_slice %arg4[%add3A_3489, %dma_wait3A_3493, %dma_wait3A_3494] : memref<4096x50x64xf32, #tpu.memory_space<hbm>> -> memref<1x50x64xf32, #tpu.memory_space<hbm>>
      %dma_wait3A_3496 = tpu.memref_squeeze %dma_wait3A_3495 : memref<1x50x64xf32, #tpu.memory_space<hbm>> -> memref<50x64xf32, #tpu.memory_space<hbm>>
      %dma_wait3A_3497 = arith.constant 0 : i32
      %dma_wait3A_3498 = arith.constant 0 : i32
      %dma_wait3A_3499 = tpu.memref_slice %arg4[%add3A_3489, %dma_wait3A_3497, %dma_wait3A_3498] : memref<4096x50x64xf32, #tpu.memory_space<hbm>> -> memref<1x50x64xf32, #tpu.memory_space<hbm>>
      %dma_wait3A_3500 = tpu.memref_squeeze %dma_wait3A_3499 : memref<1x50x64xf32, #tpu.memory_space<hbm>> -> memref<50x64xf32, #tpu.memory_space<hbm>>
      %dma_wait3A_3501 = arith.constant 0 : i32
      %dma_wait3A_3502 = arith.constant 0 : i32
      %dma_wait3A_3503 = tpu.memref_slice %arg7[%dma_wait3A_3501, %dma_wait3A_3502] : memref<200x64xf32, #tpu.memory_space<vmem>> -> memref<50x64xf32, #tpu.memory_space<vmem>>
      tpu.wait_dma2 semaphore(%arg23 : memref<!tpu.dma_semaphore, #tpu.memory_space<semaphore_mem>>) src(%dma_wait3A_3503 : memref<50x64xf32, #tpu.memory_space<vmem>>) dst(%dma_wait3A_3500 : memref<50x64xf32, #tpu.memory_space<hbm>>)
      %mul3A_3504 = arith.constant 4 : i32
      %mul3A_3505 = arith.muli %sub3A_3484, %mul3A_3504 : i32
      %add3A_3506 = arith.addi %mul3A_2, %mul3A_3505 : i32
      %add3A_3507 = arith.constant 1 : i32
      %add3A_3508 = arith.addi %add3A_3506, %add3A_3507 : i32
      %dma_wait3A_3509 = arith.constant 50 : i32
      %dma_wait3A_3510 = arith.constant 0 : i32
      %dma_wait3A_3511 = tpu.memref_slice %arg7[%dma_wait3A_3509, %dma_wait3A_3510] : memref<200x64xf32, #tpu.memory_space<vmem>> -> memref<50x64xf32, #tpu.memory_space<vmem>>
      %dma_wait3A_3512 = arith.constant 0 : i32
      %dma_wait3A_3513 = arith.constant 0 : i32
      %dma_wait3A_3514 = tpu.memref_slice %arg4[%add3A_3508, %dma_wait3A_3512, %dma_wait3A_3513] : memref<4096x50x64xf32, #tpu.memory_space<hbm>> -> memref<1x50x64xf32, #tpu.memory_space<hbm>>
      %dma_wait3A_3515 = tpu.memref_squeeze %dma_wait3A_3514 : memref<1x50x64xf32, #tpu.memory_space<hbm>> -> memref<50x64xf32, #tpu.memory_space<hbm>>
      %dma_wait3A_3516 = arith.constant 0 : i32
      %dma_wait3A_3517 = arith.constant 0 : i32
      %dma_wait3A_3518 = tpu.memref_slice %arg4[%add3A_3508, %dma_wait3A_3516, %dma_wait3A_3517] : memref<4096x50x64xf32, #tpu.memory_space<hbm>> -> memref<1x50x64xf32, #tpu.memory_space<hbm>>
      %dma_wait3A_3519 = tpu.memref_squeeze %dma_wait3A_3518 : memref<1x50x64xf32, #tpu.memory_space<hbm>> -> memref<50x64xf32, #tpu.memory_space<hbm>>
      %dma_wait3A_3520 = arith.constant 50 : i32
      %dma_wait3A_3521 = arith.constant 0 : i32
      %dma_wait3A_3522 = tpu.memref_slice %arg7[%dma_wait3A_3520, %dma_wait3A_3521] : memref<200x64xf32, #tpu.memory_space<vmem>> -> memref<50x64xf32, #tpu.memory_space<vmem>>
      tpu.wait_dma2 semaphore(%arg23 : memref<!tpu.dma_semaphore, #tpu.memory_space<semaphore_mem>>) src(%dma_wait3A_3522 : memref<50x64xf32, #tpu.memory_space<vmem>>) dst(%dma_wait3A_3519 : memref<50x64xf32, #tpu.memory_space<hbm>>)
      %mul3A_3523 = arith.constant 4 : i32
      %mul3A_3524 = arith.muli %sub3A_3484, %mul3A_3523 : i32
      %add3A_3525 = arith.addi %mul3A_2, %mul3A_3524 : i32
      %add3A_3526 = arith.constant 2 : i32
      %add3A_3527 = arith.addi %add3A_3525, %add3A_3526 : i32
      %dma_wait3A_3528 = arith.constant 100 : i32
      %dma_wait3A_3529 = arith.constant 0 : i32
      %dma_wait3A_3530 = tpu.memref_slice %arg7[%dma_wait3A_3528, %dma_wait3A_3529] : memref<200x64xf32, #tpu.memory_space<vmem>> -> memref<50x64xf32, #tpu.memory_space<vmem>>
      %dma_wait3A_3531 = arith.constant 0 : i32
      %dma_wait3A_3532 = arith.constant 0 : i32
      %dma_wait3A_3533 = tpu.memref_slice %arg4[%add3A_3527, %dma_wait3A_3531, %dma_wait3A_3532] : memref<4096x50x64xf32, #tpu.memory_space<hbm>> -> memref<1x50x64xf32, #tpu.memory_space<hbm>>
      %dma_wait3A_3534 = tpu.memref_squeeze %dma_wait3A_3533 : memref<1x50x64xf32, #tpu.memory_space<hbm>> -> memref<50x64xf32, #tpu.memory_space<hbm>>
      %dma_wait3A_3535 = arith.constant 0 : i32
      %dma_wait3A_3536 = arith.constant 0 : i32
      %dma_wait3A_3537 = tpu.memref_slice %arg4[%add3A_3527, %dma_wait3A_3535, %dma_wait3A_3536] : memref<4096x50x64xf32, #tpu.memory_space<hbm>> -> memref<1x50x64xf32, #tpu.memory_space<hbm>>
      %dma_wait3A_3538 = tpu.memref_squeeze %dma_wait3A_3537 : memref<1x50x64xf32, #tpu.memory_space<hbm>> -> memref<50x64xf32, #tpu.memory_space<hbm>>
      %dma_wait3A_3539 = arith.constant 100 : i32
      %dma_wait3A_3540 = arith.constant 0 : i32
      %dma_wait3A_3541 = tpu.memref_slice %arg7[%dma_wait3A_3539, %dma_wait3A_3540] : memref<200x64xf32, #tpu.memory_space<vmem>> -> memref<50x64xf32, #tpu.memory_space<vmem>>
      tpu.wait_dma2 semaphore(%arg23 : memref<!tpu.dma_semaphore, #tpu.memory_space<semaphore_mem>>) src(%dma_wait3A_3541 : memref<50x64xf32, #tpu.memory_space<vmem>>) dst(%dma_wait3A_3538 : memref<50x64xf32, #tpu.memory_space<hbm>>)
      %mul3A_3542 = arith.constant 4 : i32
      %mul3A_3543 = arith.muli %sub3A_3484, %mul3A_3542 : i32
      %add3A_3544 = arith.addi %mul3A_2, %mul3A_3543 : i32
      %add3A_3545 = arith.constant 3 : i32
      %add3A_3546 = arith.addi %add3A_3544, %add3A_3545 : i32
      %dma_wait3A_3547 = arith.constant 150 : i32
      %dma_wait3A_3548 = arith.constant 0 : i32
      %dma_wait3A_3549 = tpu.memref_slice %arg7[%dma_wait3A_3547, %dma_wait3A_3548] : memref<200x64xf32, #tpu.memory_space<vmem>> -> memref<50x64xf32, #tpu.memory_space<vmem>>
      %dma_wait3A_3550 = arith.constant 0 : i32
      %dma_wait3A_3551 = arith.constant 0 : i32
      %dma_wait3A_3552 = tpu.memref_slice %arg4[%add3A_3546, %dma_wait3A_3550, %dma_wait3A_3551] : memref<4096x50x64xf32, #tpu.memory_space<hbm>> -> memref<1x50x64xf32, #tpu.memory_space<hbm>>
      %dma_wait3A_3553 = tpu.memref_squeeze %dma_wait3A_3552 : memref<1x50x64xf32, #tpu.memory_space<hbm>> -> memref<50x64xf32, #tpu.memory_space<hbm>>
      %dma_wait3A_3554 = arith.constant 0 : i32
      %dma_wait3A_3555 = arith.constant 0 : i32
      %dma_wait3A_3556 = tpu.memref_slice %arg4[%add3A_3546, %dma_wait3A_3554, %dma_wait3A_3555] : memref<4096x50x64xf32, #tpu.memory_space<hbm>> -> memref<1x50x64xf32, #tpu.memory_space<hbm>>
      %dma_wait3A_3557 = tpu.memref_squeeze %dma_wait3A_3556 : memref<1x50x64xf32, #tpu.memory_space<hbm>> -> memref<50x64xf32, #tpu.memory_space<hbm>>
      %dma_wait3A_3558 = arith.constant 150 : i32
      %dma_wait3A_3559 = arith.constant 0 : i32
      %dma_wait3A_3560 = tpu.memref_slice %arg7[%dma_wait3A_3558, %dma_wait3A_3559] : memref<200x64xf32, #tpu.memory_space<vmem>> -> memref<50x64xf32, #tpu.memory_space<vmem>>
      tpu.wait_dma2 semaphore(%arg23 : memref<!tpu.dma_semaphore, #tpu.memory_space<semaphore_mem>>) src(%dma_wait3A_3560 : memref<50x64xf32, #tpu.memory_space<vmem>>) dst(%dma_wait3A_3557 : memref<50x64xf32, #tpu.memory_space<hbm>>)
      %add3A_3561 = arith.constant 4 : i32
      %add3A_3562 = arith.addi %add3A_3398, %add3A_3561 : i32
      %dma_start3A_3563 = arith.constant 0 : i32
      %dma_start3A_3564 = tpu.memref_slice %arg5[%add3A_3562, %dma_start3A_3563] : memref<32x200xi32, #tpu.memory_space<vmem>> -> memref<1x200xi32, #tpu.memory_space<vmem>>
      %dma_start3A_3565 = tpu.memref_squeeze %dma_start3A_3564 : memref<1x200xi32, #tpu.memory_space<vmem>> -> memref<200xi32, #tpu.memory_space<vmem>>
      %dma_start3A_3566 = arith.constant 0 : i32
      %dma_start3A_3567 = arith.constant 0 : i32
      %dma_start3A_3568 = tpu.memref_slice %arg2[%dma_start3A_3566, %dma_start3A_3567] : memref<100000x64xf32, #tpu.memory_space<hbm>> -> memref<100000x64xf32, #tpu.memory_space<hbm>>
      tpu.enqueue_indirect_dma source(%dma_start3A_3568 : memref<100000x64xf32, #tpu.memory_space<hbm>>) target(%arg7 : memref<200x64xf32, #tpu.memory_space<vmem>>) offsets(%dma_start3A_3565 : memref<200xi32, #tpu.memory_space<vmem>>) semaphore(%arg15 : memref<!tpu.dma_semaphore, #tpu.memory_space<semaphore_mem>>)
      %add3A_3569 = arith.constant 6 : i32
      %add3A_3570 = arith.addi %add3A_2537, %add3A_3569 : i32
      %dma_wait3A_3571 = arith.constant 0 : i32
      %dma_wait3A_3572 = tpu.memref_slice %arg5[%add3A_3570, %dma_wait3A_3571] : memref<32x200xi32, #tpu.memory_space<vmem>> -> memref<1x200xi32, #tpu.memory_space<vmem>>
      %dma_wait3A_3573 = tpu.memref_squeeze %dma_wait3A_3572 : memref<1x200xi32, #tpu.memory_space<vmem>> -> memref<200xi32, #tpu.memory_space<vmem>>
      %dma_wait3A_3574 = arith.constant 0 : i32
      %dma_wait3A_3575 = arith.constant 0 : i32
      %dma_wait3A_3576 = tpu.memref_slice %arg2[%dma_wait3A_3574, %dma_wait3A_3575] : memref<100000x64xf32, #tpu.memory_space<hbm>> -> memref<100000x64xf32, #tpu.memory_space<hbm>>
      tpu.wait_indirect_dma semaphore(%arg20 : memref<!tpu.dma_semaphore, #tpu.memory_space<semaphore_mem>>) src(%dma_wait3A_3576 : memref<100000x64xf32, #tpu.memory_space<hbm>>) dst(%arg12 : memref<200x64xf32, #tpu.memory_space<vmem>>)
      %mul3A_3577 = arith.constant 4 : i32
      %mul3A_3578 = arith.muli %add3A_3570, %mul3A_3577 : i32
      %add3A_3579 = arith.addi %mul3A_2, %mul3A_3578 : i32
      %add3A_3580 = arith.constant 0 : i32
      %add3A_3581 = arith.addi %add3A_3579, %add3A_3580 : i32
      %dma_start3A_3582 = arith.constant 0 : i32
      %dma_start3A_3583 = arith.constant 0 : i32
      %dma_start3A_3584 = tpu.memref_slice %arg12[%dma_start3A_3582, %dma_start3A_3583] : memref<200x64xf32, #tpu.memory_space<vmem>> -> memref<50x64xf32, #tpu.memory_space<vmem>>
      %dma_start3A_3585 = arith.constant 0 : i32
      %dma_start3A_3586 = arith.constant 0 : i32
      %dma_start3A_3587 = tpu.memref_slice %arg4[%add3A_3581, %dma_start3A_3585, %dma_start3A_3586] : memref<4096x50x64xf32, #tpu.memory_space<hbm>> -> memref<1x50x64xf32, #tpu.memory_space<hbm>>
      %dma_start3A_3588 = tpu.memref_squeeze %dma_start3A_3587 : memref<1x50x64xf32, #tpu.memory_space<hbm>> -> memref<50x64xf32, #tpu.memory_space<hbm>>
      %dma_start3A_3589 = arith.constant 0 : i32
      %dma_start3A_3590 = arith.constant 0 : i32
      %dma_start3A_3591 = tpu.memref_slice %arg4[%add3A_3581, %dma_start3A_3589, %dma_start3A_3590] : memref<4096x50x64xf32, #tpu.memory_space<hbm>> -> memref<1x50x64xf32, #tpu.memory_space<hbm>>
      %dma_start3A_3592 = tpu.memref_squeeze %dma_start3A_3591 : memref<1x50x64xf32, #tpu.memory_space<hbm>> -> memref<50x64xf32, #tpu.memory_space<hbm>>
      %dma_start3A_3593 = arith.constant 0 : i32
      %dma_start3A_3594 = arith.constant 0 : i32
      %dma_start3A_3595 = tpu.memref_slice %arg12[%dma_start3A_3593, %dma_start3A_3594] : memref<200x64xf32, #tpu.memory_space<vmem>> -> memref<50x64xf32, #tpu.memory_space<vmem>>
      tpu.enqueue_dma source(%dma_start3A_3595 : memref<50x64xf32, #tpu.memory_space<vmem>>) target(%dma_start3A_3592 : memref<50x64xf32, #tpu.memory_space<hbm>>) target_semaphore(%arg28 : memref<!tpu.dma_semaphore, #tpu.memory_space<semaphore_mem>>)
      %mul3A_3596 = arith.constant 4 : i32
      %mul3A_3597 = arith.muli %add3A_3570, %mul3A_3596 : i32
      %add3A_3598 = arith.addi %mul3A_2, %mul3A_3597 : i32
      %add3A_3599 = arith.constant 1 : i32
      %add3A_3600 = arith.addi %add3A_3598, %add3A_3599 : i32
      %dma_start3A_3601 = arith.constant 50 : i32
      %dma_start3A_3602 = arith.constant 0 : i32
      %dma_start3A_3603 = tpu.memref_slice %arg12[%dma_start3A_3601, %dma_start3A_3602] : memref<200x64xf32, #tpu.memory_space<vmem>> -> memref<50x64xf32, #tpu.memory_space<vmem>>
      %dma_start3A_3604 = arith.constant 0 : i32
      %dma_start3A_3605 = arith.constant 0 : i32
      %dma_start3A_3606 = tpu.memref_slice %arg4[%add3A_3600, %dma_start3A_3604, %dma_start3A_3605] : memref<4096x50x64xf32, #tpu.memory_space<hbm>> -> memref<1x50x64xf32, #tpu.memory_space<hbm>>
      %dma_start3A_3607 = tpu.memref_squeeze %dma_start3A_3606 : memref<1x50x64xf32, #tpu.memory_space<hbm>> -> memref<50x64xf32, #tpu.memory_space<hbm>>
      %dma_start3A_3608 = arith.constant 0 : i32
      %dma_start3A_3609 = arith.constant 0 : i32
      %dma_start3A_3610 = tpu.memref_slice %arg4[%add3A_3600, %dma_start3A_3608, %dma_start3A_3609] : memref<4096x50x64xf32, #tpu.memory_space<hbm>> -> memref<1x50x64xf32, #tpu.memory_space<hbm>>
      %dma_start3A_3611 = tpu.memref_squeeze %dma_start3A_3610 : memref<1x50x64xf32, #tpu.memory_space<hbm>> -> memref<50x64xf32, #tpu.memory_space<hbm>>
      %dma_start3A_3612 = arith.constant 50 : i32
      %dma_start3A_3613 = arith.constant 0 : i32
      %dma_start3A_3614 = tpu.memref_slice %arg12[%dma_start3A_3612, %dma_start3A_3613] : memref<200x64xf32, #tpu.memory_space<vmem>> -> memref<50x64xf32, #tpu.memory_space<vmem>>
      tpu.enqueue_dma source(%dma_start3A_3614 : memref<50x64xf32, #tpu.memory_space<vmem>>) target(%dma_start3A_3611 : memref<50x64xf32, #tpu.memory_space<hbm>>) target_semaphore(%arg28 : memref<!tpu.dma_semaphore, #tpu.memory_space<semaphore_mem>>)
      %mul3A_3615 = arith.constant 4 : i32
      %mul3A_3616 = arith.muli %add3A_3570, %mul3A_3615 : i32
      %add3A_3617 = arith.addi %mul3A_2, %mul3A_3616 : i32
      %add3A_3618 = arith.constant 2 : i32
      %add3A_3619 = arith.addi %add3A_3617, %add3A_3618 : i32
      %dma_start3A_3620 = arith.constant 100 : i32
      %dma_start3A_3621 = arith.constant 0 : i32
      %dma_start3A_3622 = tpu.memref_slice %arg12[%dma_start3A_3620, %dma_start3A_3621] : memref<200x64xf32, #tpu.memory_space<vmem>> -> memref<50x64xf32, #tpu.memory_space<vmem>>
      %dma_start3A_3623 = arith.constant 0 : i32
      %dma_start3A_3624 = arith.constant 0 : i32
      %dma_start3A_3625 = tpu.memref_slice %arg4[%add3A_3619, %dma_start3A_3623, %dma_start3A_3624] : memref<4096x50x64xf32, #tpu.memory_space<hbm>> -> memref<1x50x64xf32, #tpu.memory_space<hbm>>
      %dma_start3A_3626 = tpu.memref_squeeze %dma_start3A_3625 : memref<1x50x64xf32, #tpu.memory_space<hbm>> -> memref<50x64xf32, #tpu.memory_space<hbm>>
      %dma_start3A_3627 = arith.constant 0 : i32
      %dma_start3A_3628 = arith.constant 0 : i32
      %dma_start3A_3629 = tpu.memref_slice %arg4[%add3A_3619, %dma_start3A_3627, %dma_start3A_3628] : memref<4096x50x64xf32, #tpu.memory_space<hbm>> -> memref<1x50x64xf32, #tpu.memory_space<hbm>>
      %dma_start3A_3630 = tpu.memref_squeeze %dma_start3A_3629 : memref<1x50x64xf32, #tpu.memory_space<hbm>> -> memref<50x64xf32, #tpu.memory_space<hbm>>
      %dma_start3A_3631 = arith.constant 100 : i32
      %dma_start3A_3632 = arith.constant 0 : i32
      %dma_start3A_3633 = tpu.memref_slice %arg12[%dma_start3A_3631, %dma_start3A_3632] : memref<200x64xf32, #tpu.memory_space<vmem>> -> memref<50x64xf32, #tpu.memory_space<vmem>>
      tpu.enqueue_dma source(%dma_start3A_3633 : memref<50x64xf32, #tpu.memory_space<vmem>>) target(%dma_start3A_3630 : memref<50x64xf32, #tpu.memory_space<hbm>>) target_semaphore(%arg28 : memref<!tpu.dma_semaphore, #tpu.memory_space<semaphore_mem>>)
      %mul3A_3634 = arith.constant 4 : i32
      %mul3A_3635 = arith.muli %add3A_3570, %mul3A_3634 : i32
      %add3A_3636 = arith.addi %mul3A_2, %mul3A_3635 : i32
      %add3A_3637 = arith.constant 3 : i32
      %add3A_3638 = arith.addi %add3A_3636, %add3A_3637 : i32
      %dma_start3A_3639 = arith.constant 150 : i32
      %dma_start3A_3640 = arith.constant 0 : i32
      %dma_start3A_3641 = tpu.memref_slice %arg12[%dma_start3A_3639, %dma_start3A_3640] : memref<200x64xf32, #tpu.memory_space<vmem>> -> memref<50x64xf32, #tpu.memory_space<vmem>>
      %dma_start3A_3642 = arith.constant 0 : i32
      %dma_start3A_3643 = arith.constant 0 : i32
      %dma_start3A_3644 = tpu.memref_slice %arg4[%add3A_3638, %dma_start3A_3642, %dma_start3A_3643] : memref<4096x50x64xf32, #tpu.memory_space<hbm>> -> memref<1x50x64xf32, #tpu.memory_space<hbm>>
      %dma_start3A_3645 = tpu.memref_squeeze %dma_start3A_3644 : memref<1x50x64xf32, #tpu.memory_space<hbm>> -> memref<50x64xf32, #tpu.memory_space<hbm>>
      %dma_start3A_3646 = arith.constant 0 : i32
      %dma_start3A_3647 = arith.constant 0 : i32
      %dma_start3A_3648 = tpu.memref_slice %arg4[%add3A_3638, %dma_start3A_3646, %dma_start3A_3647] : memref<4096x50x64xf32, #tpu.memory_space<hbm>> -> memref<1x50x64xf32, #tpu.memory_space<hbm>>
      %dma_start3A_3649 = tpu.memref_squeeze %dma_start3A_3648 : memref<1x50x64xf32, #tpu.memory_space<hbm>> -> memref<50x64xf32, #tpu.memory_space<hbm>>
      %dma_start3A_3650 = arith.constant 150 : i32
      %dma_start3A_3651 = arith.constant 0 : i32
      %dma_start3A_3652 = tpu.memref_slice %arg12[%dma_start3A_3650, %dma_start3A_3651] : memref<200x64xf32, #tpu.memory_space<vmem>> -> memref<50x64xf32, #tpu.memory_space<vmem>>
      tpu.enqueue_dma source(%dma_start3A_3652 : memref<50x64xf32, #tpu.memory_space<vmem>>) target(%dma_start3A_3649 : memref<50x64xf32, #tpu.memory_space<hbm>>) target_semaphore(%arg28 : memref<!tpu.dma_semaphore, #tpu.memory_space<semaphore_mem>>)
      %add3A_3653 = arith.constant 4 : i32
      %add3A_3654 = arith.addi %add3A_3570, %add3A_3653 : i32
      %sub3A_3655 = arith.constant 8 : i32
      %sub3A_3656 = arith.subi %add3A_3654, %sub3A_3655 : i32
      %mul3A_3657 = arith.constant 4 : i32
      %mul3A_3658 = arith.muli %sub3A_3656, %mul3A_3657 : i32
      %add3A_3659 = arith.addi %mul3A_2, %mul3A_3658 : i32
      %add3A_3660 = arith.constant 0 : i32
      %add3A_3661 = arith.addi %add3A_3659, %add3A_3660 : i32
      %dma_wait3A_3662 = arith.constant 0 : i32
      %dma_wait3A_3663 = arith.constant 0 : i32
      %dma_wait3A_3664 = tpu.memref_slice %arg8[%dma_wait3A_3662, %dma_wait3A_3663] : memref<200x64xf32, #tpu.memory_space<vmem>> -> memref<50x64xf32, #tpu.memory_space<vmem>>
      %dma_wait3A_3665 = arith.constant 0 : i32
      %dma_wait3A_3666 = arith.constant 0 : i32
      %dma_wait3A_3667 = tpu.memref_slice %arg4[%add3A_3661, %dma_wait3A_3665, %dma_wait3A_3666] : memref<4096x50x64xf32, #tpu.memory_space<hbm>> -> memref<1x50x64xf32, #tpu.memory_space<hbm>>
      %dma_wait3A_3668 = tpu.memref_squeeze %dma_wait3A_3667 : memref<1x50x64xf32, #tpu.memory_space<hbm>> -> memref<50x64xf32, #tpu.memory_space<hbm>>
      %dma_wait3A_3669 = arith.constant 0 : i32
      %dma_wait3A_3670 = arith.constant 0 : i32
      %dma_wait3A_3671 = tpu.memref_slice %arg4[%add3A_3661, %dma_wait3A_3669, %dma_wait3A_3670] : memref<4096x50x64xf32, #tpu.memory_space<hbm>> -> memref<1x50x64xf32, #tpu.memory_space<hbm>>
      %dma_wait3A_3672 = tpu.memref_squeeze %dma_wait3A_3671 : memref<1x50x64xf32, #tpu.memory_space<hbm>> -> memref<50x64xf32, #tpu.memory_space<hbm>>
      %dma_wait3A_3673 = arith.constant 0 : i32
      %dma_wait3A_3674 = arith.constant 0 : i32
      %dma_wait3A_3675 = tpu.memref_slice %arg8[%dma_wait3A_3673, %dma_wait3A_3674] : memref<200x64xf32, #tpu.memory_space<vmem>> -> memref<50x64xf32, #tpu.memory_space<vmem>>
      tpu.wait_dma2 semaphore(%arg24 : memref<!tpu.dma_semaphore, #tpu.memory_space<semaphore_mem>>) src(%dma_wait3A_3675 : memref<50x64xf32, #tpu.memory_space<vmem>>) dst(%dma_wait3A_3672 : memref<50x64xf32, #tpu.memory_space<hbm>>)
      %mul3A_3676 = arith.constant 4 : i32
      %mul3A_3677 = arith.muli %sub3A_3656, %mul3A_3676 : i32
      %add3A_3678 = arith.addi %mul3A_2, %mul3A_3677 : i32
      %add3A_3679 = arith.constant 1 : i32
      %add3A_3680 = arith.addi %add3A_3678, %add3A_3679 : i32
      %dma_wait3A_3681 = arith.constant 50 : i32
      %dma_wait3A_3682 = arith.constant 0 : i32
      %dma_wait3A_3683 = tpu.memref_slice %arg8[%dma_wait3A_3681, %dma_wait3A_3682] : memref<200x64xf32, #tpu.memory_space<vmem>> -> memref<50x64xf32, #tpu.memory_space<vmem>>
      %dma_wait3A_3684 = arith.constant 0 : i32
      %dma_wait3A_3685 = arith.constant 0 : i32
      %dma_wait3A_3686 = tpu.memref_slice %arg4[%add3A_3680, %dma_wait3A_3684, %dma_wait3A_3685] : memref<4096x50x64xf32, #tpu.memory_space<hbm>> -> memref<1x50x64xf32, #tpu.memory_space<hbm>>
      %dma_wait3A_3687 = tpu.memref_squeeze %dma_wait3A_3686 : memref<1x50x64xf32, #tpu.memory_space<hbm>> -> memref<50x64xf32, #tpu.memory_space<hbm>>
      %dma_wait3A_3688 = arith.constant 0 : i32
      %dma_wait3A_3689 = arith.constant 0 : i32
      %dma_wait3A_3690 = tpu.memref_slice %arg4[%add3A_3680, %dma_wait3A_3688, %dma_wait3A_3689] : memref<4096x50x64xf32, #tpu.memory_space<hbm>> -> memref<1x50x64xf32, #tpu.memory_space<hbm>>
      %dma_wait3A_3691 = tpu.memref_squeeze %dma_wait3A_3690 : memref<1x50x64xf32, #tpu.memory_space<hbm>> -> memref<50x64xf32, #tpu.memory_space<hbm>>
      %dma_wait3A_3692 = arith.constant 50 : i32
      %dma_wait3A_3693 = arith.constant 0 : i32
      %dma_wait3A_3694 = tpu.memref_slice %arg8[%dma_wait3A_3692, %dma_wait3A_3693] : memref<200x64xf32, #tpu.memory_space<vmem>> -> memref<50x64xf32, #tpu.memory_space<vmem>>
      tpu.wait_dma2 semaphore(%arg24 : memref<!tpu.dma_semaphore, #tpu.memory_space<semaphore_mem>>) src(%dma_wait3A_3694 : memref<50x64xf32, #tpu.memory_space<vmem>>) dst(%dma_wait3A_3691 : memref<50x64xf32, #tpu.memory_space<hbm>>)
      %mul3A_3695 = arith.constant 4 : i32
      %mul3A_3696 = arith.muli %sub3A_3656, %mul3A_3695 : i32
      %add3A_3697 = arith.addi %mul3A_2, %mul3A_3696 : i32
      %add3A_3698 = arith.constant 2 : i32
      %add3A_3699 = arith.addi %add3A_3697, %add3A_3698 : i32
      %dma_wait3A_3700 = arith.constant 100 : i32
      %dma_wait3A_3701 = arith.constant 0 : i32
      %dma_wait3A_3702 = tpu.memref_slice %arg8[%dma_wait3A_3700, %dma_wait3A_3701] : memref<200x64xf32, #tpu.memory_space<vmem>> -> memref<50x64xf32, #tpu.memory_space<vmem>>
      %dma_wait3A_3703 = arith.constant 0 : i32
      %dma_wait3A_3704 = arith.constant 0 : i32
      %dma_wait3A_3705 = tpu.memref_slice %arg4[%add3A_3699, %dma_wait3A_3703, %dma_wait3A_3704] : memref<4096x50x64xf32, #tpu.memory_space<hbm>> -> memref<1x50x64xf32, #tpu.memory_space<hbm>>
      %dma_wait3A_3706 = tpu.memref_squeeze %dma_wait3A_3705 : memref<1x50x64xf32, #tpu.memory_space<hbm>> -> memref<50x64xf32, #tpu.memory_space<hbm>>
      %dma_wait3A_3707 = arith.constant 0 : i32
      %dma_wait3A_3708 = arith.constant 0 : i32
      %dma_wait3A_3709 = tpu.memref_slice %arg4[%add3A_3699, %dma_wait3A_3707, %dma_wait3A_3708] : memref<4096x50x64xf32, #tpu.memory_space<hbm>> -> memref<1x50x64xf32, #tpu.memory_space<hbm>>
      %dma_wait3A_3710 = tpu.memref_squeeze %dma_wait3A_3709 : memref<1x50x64xf32, #tpu.memory_space<hbm>> -> memref<50x64xf32, #tpu.memory_space<hbm>>
      %dma_wait3A_3711 = arith.constant 100 : i32
      %dma_wait3A_3712 = arith.constant 0 : i32
      %dma_wait3A_3713 = tpu.memref_slice %arg8[%dma_wait3A_3711, %dma_wait3A_3712] : memref<200x64xf32, #tpu.memory_space<vmem>> -> memref<50x64xf32, #tpu.memory_space<vmem>>
      tpu.wait_dma2 semaphore(%arg24 : memref<!tpu.dma_semaphore, #tpu.memory_space<semaphore_mem>>) src(%dma_wait3A_3713 : memref<50x64xf32, #tpu.memory_space<vmem>>) dst(%dma_wait3A_3710 : memref<50x64xf32, #tpu.memory_space<hbm>>)
      %mul3A_3714 = arith.constant 4 : i32
      %mul3A_3715 = arith.muli %sub3A_3656, %mul3A_3714 : i32
      %add3A_3716 = arith.addi %mul3A_2, %mul3A_3715 : i32
      %add3A_3717 = arith.constant 3 : i32
      %add3A_3718 = arith.addi %add3A_3716, %add3A_3717 : i32
      %dma_wait3A_3719 = arith.constant 150 : i32
      %dma_wait3A_3720 = arith.constant 0 : i32
      %dma_wait3A_3721 = tpu.memref_slice %arg8[%dma_wait3A_3719, %dma_wait3A_3720] : memref<200x64xf32, #tpu.memory_space<vmem>> -> memref<50x64xf32, #tpu.memory_space<vmem>>
      %dma_wait3A_3722 = arith.constant 0 : i32
      %dma_wait3A_3723 = arith.constant 0 : i32
      %dma_wait3A_3724 = tpu.memref_slice %arg4[%add3A_3718, %dma_wait3A_3722, %dma_wait3A_3723] : memref<4096x50x64xf32, #tpu.memory_space<hbm>> -> memref<1x50x64xf32, #tpu.memory_space<hbm>>
      %dma_wait3A_3725 = tpu.memref_squeeze %dma_wait3A_3724 : memref<1x50x64xf32, #tpu.memory_space<hbm>> -> memref<50x64xf32, #tpu.memory_space<hbm>>
      %dma_wait3A_3726 = arith.constant 0 : i32
      %dma_wait3A_3727 = arith.constant 0 : i32
      %dma_wait3A_3728 = tpu.memref_slice %arg4[%add3A_3718, %dma_wait3A_3726, %dma_wait3A_3727] : memref<4096x50x64xf32, #tpu.memory_space<hbm>> -> memref<1x50x64xf32, #tpu.memory_space<hbm>>
      %dma_wait3A_3729 = tpu.memref_squeeze %dma_wait3A_3728 : memref<1x50x64xf32, #tpu.memory_space<hbm>> -> memref<50x64xf32, #tpu.memory_space<hbm>>
      %dma_wait3A_3730 = arith.constant 150 : i32
      %dma_wait3A_3731 = arith.constant 0 : i32
      %dma_wait3A_3732 = tpu.memref_slice %arg8[%dma_wait3A_3730, %dma_wait3A_3731] : memref<200x64xf32, #tpu.memory_space<vmem>> -> memref<50x64xf32, #tpu.memory_space<vmem>>
      tpu.wait_dma2 semaphore(%arg24 : memref<!tpu.dma_semaphore, #tpu.memory_space<semaphore_mem>>) src(%dma_wait3A_3732 : memref<50x64xf32, #tpu.memory_space<vmem>>) dst(%dma_wait3A_3729 : memref<50x64xf32, #tpu.memory_space<hbm>>)
      %add3A_3733 = arith.constant 4 : i32
      %add3A_3734 = arith.addi %add3A_3570, %add3A_3733 : i32
      %dma_start3A_3735 = arith.constant 0 : i32
      %dma_start3A_3736 = tpu.memref_slice %arg5[%add3A_3734, %dma_start3A_3735] : memref<32x200xi32, #tpu.memory_space<vmem>> -> memref<1x200xi32, #tpu.memory_space<vmem>>
      %dma_start3A_3737 = tpu.memref_squeeze %dma_start3A_3736 : memref<1x200xi32, #tpu.memory_space<vmem>> -> memref<200xi32, #tpu.memory_space<vmem>>
      %dma_start3A_3738 = arith.constant 0 : i32
      %dma_start3A_3739 = arith.constant 0 : i32
      %dma_start3A_3740 = tpu.memref_slice %arg2[%dma_start3A_3738, %dma_start3A_3739] : memref<100000x64xf32, #tpu.memory_space<hbm>> -> memref<100000x64xf32, #tpu.memory_space<hbm>>
      tpu.enqueue_indirect_dma source(%dma_start3A_3740 : memref<100000x64xf32, #tpu.memory_space<hbm>>) target(%arg8 : memref<200x64xf32, #tpu.memory_space<vmem>>) offsets(%dma_start3A_3737 : memref<200xi32, #tpu.memory_space<vmem>>) semaphore(%arg16 : memref<!tpu.dma_semaphore, #tpu.memory_space<semaphore_mem>>)
      %add3A_3741 = arith.constant 7 : i32
      %add3A_3742 = arith.addi %add3A_2537, %add3A_3741 : i32
      %dma_wait3A_3743 = arith.constant 0 : i32
      %dma_wait3A_3744 = tpu.memref_slice %arg5[%add3A_3742, %dma_wait3A_3743] : memref<32x200xi32, #tpu.memory_space<vmem>> -> memref<1x200xi32, #tpu.memory_space<vmem>>
      %dma_wait3A_3745 = tpu.memref_squeeze %dma_wait3A_3744 : memref<1x200xi32, #tpu.memory_space<vmem>> -> memref<200xi32, #tpu.memory_space<vmem>>
      %dma_wait3A_3746 = arith.constant 0 : i32
      %dma_wait3A_3747 = arith.constant 0 : i32
      %dma_wait3A_3748 = tpu.memref_slice %arg2[%dma_wait3A_3746, %dma_wait3A_3747] : memref<100000x64xf32, #tpu.memory_space<hbm>> -> memref<100000x64xf32, #tpu.memory_space<hbm>>
      tpu.wait_indirect_dma semaphore(%arg21 : memref<!tpu.dma_semaphore, #tpu.memory_space<semaphore_mem>>) src(%dma_wait3A_3748 : memref<100000x64xf32, #tpu.memory_space<hbm>>) dst(%arg13 : memref<200x64xf32, #tpu.memory_space<vmem>>)
      %mul3A_3749 = arith.constant 4 : i32
      %mul3A_3750 = arith.muli %add3A_3742, %mul3A_3749 : i32
      %add3A_3751 = arith.addi %mul3A_2, %mul3A_3750 : i32
      %add3A_3752 = arith.constant 0 : i32
      %add3A_3753 = arith.addi %add3A_3751, %add3A_3752 : i32
      %dma_start3A_3754 = arith.constant 0 : i32
      %dma_start3A_3755 = arith.constant 0 : i32
      %dma_start3A_3756 = tpu.memref_slice %arg13[%dma_start3A_3754, %dma_start3A_3755] : memref<200x64xf32, #tpu.memory_space<vmem>> -> memref<50x64xf32, #tpu.memory_space<vmem>>
      %dma_start3A_3757 = arith.constant 0 : i32
      %dma_start3A_3758 = arith.constant 0 : i32
      %dma_start3A_3759 = tpu.memref_slice %arg4[%add3A_3753, %dma_start3A_3757, %dma_start3A_3758] : memref<4096x50x64xf32, #tpu.memory_space<hbm>> -> memref<1x50x64xf32, #tpu.memory_space<hbm>>
      %dma_start3A_3760 = tpu.memref_squeeze %dma_start3A_3759 : memref<1x50x64xf32, #tpu.memory_space<hbm>> -> memref<50x64xf32, #tpu.memory_space<hbm>>
      %dma_start3A_3761 = arith.constant 0 : i32
      %dma_start3A_3762 = arith.constant 0 : i32
      %dma_start3A_3763 = tpu.memref_slice %arg4[%add3A_3753, %dma_start3A_3761, %dma_start3A_3762] : memref<4096x50x64xf32, #tpu.memory_space<hbm>> -> memref<1x50x64xf32, #tpu.memory_space<hbm>>
      %dma_start3A_3764 = tpu.memref_squeeze %dma_start3A_3763 : memref<1x50x64xf32, #tpu.memory_space<hbm>> -> memref<50x64xf32, #tpu.memory_space<hbm>>
      %dma_start3A_3765 = arith.constant 0 : i32
      %dma_start3A_3766 = arith.constant 0 : i32
      %dma_start3A_3767 = tpu.memref_slice %arg13[%dma_start3A_3765, %dma_start3A_3766] : memref<200x64xf32, #tpu.memory_space<vmem>> -> memref<50x64xf32, #tpu.memory_space<vmem>>
      tpu.enqueue_dma source(%dma_start3A_3767 : memref<50x64xf32, #tpu.memory_space<vmem>>) target(%dma_start3A_3764 : memref<50x64xf32, #tpu.memory_space<hbm>>) target_semaphore(%arg29 : memref<!tpu.dma_semaphore, #tpu.memory_space<semaphore_mem>>)
      %mul3A_3768 = arith.constant 4 : i32
      %mul3A_3769 = arith.muli %add3A_3742, %mul3A_3768 : i32
      %add3A_3770 = arith.addi %mul3A_2, %mul3A_3769 : i32
      %add3A_3771 = arith.constant 1 : i32
      %add3A_3772 = arith.addi %add3A_3770, %add3A_3771 : i32
      %dma_start3A_3773 = arith.constant 50 : i32
      %dma_start3A_3774 = arith.constant 0 : i32
      %dma_start3A_3775 = tpu.memref_slice %arg13[%dma_start3A_3773, %dma_start3A_3774] : memref<200x64xf32, #tpu.memory_space<vmem>> -> memref<50x64xf32, #tpu.memory_space<vmem>>
      %dma_start3A_3776 = arith.constant 0 : i32
      %dma_start3A_3777 = arith.constant 0 : i32
      %dma_start3A_3778 = tpu.memref_slice %arg4[%add3A_3772, %dma_start3A_3776, %dma_start3A_3777] : memref<4096x50x64xf32, #tpu.memory_space<hbm>> -> memref<1x50x64xf32, #tpu.memory_space<hbm>>
      %dma_start3A_3779 = tpu.memref_squeeze %dma_start3A_3778 : memref<1x50x64xf32, #tpu.memory_space<hbm>> -> memref<50x64xf32, #tpu.memory_space<hbm>>
      %dma_start3A_3780 = arith.constant 0 : i32
      %dma_start3A_3781 = arith.constant 0 : i32
      %dma_start3A_3782 = tpu.memref_slice %arg4[%add3A_3772, %dma_start3A_3780, %dma_start3A_3781] : memref<4096x50x64xf32, #tpu.memory_space<hbm>> -> memref<1x50x64xf32, #tpu.memory_space<hbm>>
      %dma_start3A_3783 = tpu.memref_squeeze %dma_start3A_3782 : memref<1x50x64xf32, #tpu.memory_space<hbm>> -> memref<50x64xf32, #tpu.memory_space<hbm>>
      %dma_start3A_3784 = arith.constant 50 : i32
      %dma_start3A_3785 = arith.constant 0 : i32
      %dma_start3A_3786 = tpu.memref_slice %arg13[%dma_start3A_3784, %dma_start3A_3785] : memref<200x64xf32, #tpu.memory_space<vmem>> -> memref<50x64xf32, #tpu.memory_space<vmem>>
      tpu.enqueue_dma source(%dma_start3A_3786 : memref<50x64xf32, #tpu.memory_space<vmem>>) target(%dma_start3A_3783 : memref<50x64xf32, #tpu.memory_space<hbm>>) target_semaphore(%arg29 : memref<!tpu.dma_semaphore, #tpu.memory_space<semaphore_mem>>)
      %mul3A_3787 = arith.constant 4 : i32
      %mul3A_3788 = arith.muli %add3A_3742, %mul3A_3787 : i32
      %add3A_3789 = arith.addi %mul3A_2, %mul3A_3788 : i32
      %add3A_3790 = arith.constant 2 : i32
      %add3A_3791 = arith.addi %add3A_3789, %add3A_3790 : i32
      %dma_start3A_3792 = arith.constant 100 : i32
      %dma_start3A_3793 = arith.constant 0 : i32
      %dma_start3A_3794 = tpu.memref_slice %arg13[%dma_start3A_3792, %dma_start3A_3793] : memref<200x64xf32, #tpu.memory_space<vmem>> -> memref<50x64xf32, #tpu.memory_space<vmem>>
      %dma_start3A_3795 = arith.constant 0 : i32
      %dma_start3A_3796 = arith.constant 0 : i32
      %dma_start3A_3797 = tpu.memref_slice %arg4[%add3A_3791, %dma_start3A_3795, %dma_start3A_3796] : memref<4096x50x64xf32, #tpu.memory_space<hbm>> -> memref<1x50x64xf32, #tpu.memory_space<hbm>>
      %dma_start3A_3798 = tpu.memref_squeeze %dma_start3A_3797 : memref<1x50x64xf32, #tpu.memory_space<hbm>> -> memref<50x64xf32, #tpu.memory_space<hbm>>
      %dma_start3A_3799 = arith.constant 0 : i32
      %dma_start3A_3800 = arith.constant 0 : i32
      %dma_start3A_3801 = tpu.memref_slice %arg4[%add3A_3791, %dma_start3A_3799, %dma_start3A_3800] : memref<4096x50x64xf32, #tpu.memory_space<hbm>> -> memref<1x50x64xf32, #tpu.memory_space<hbm>>
      %dma_start3A_3802 = tpu.memref_squeeze %dma_start3A_3801 : memref<1x50x64xf32, #tpu.memory_space<hbm>> -> memref<50x64xf32, #tpu.memory_space<hbm>>
      %dma_start3A_3803 = arith.constant 100 : i32
      %dma_start3A_3804 = arith.constant 0 : i32
      %dma_start3A_3805 = tpu.memref_slice %arg13[%dma_start3A_3803, %dma_start3A_3804] : memref<200x64xf32, #tpu.memory_space<vmem>> -> memref<50x64xf32, #tpu.memory_space<vmem>>
      tpu.enqueue_dma source(%dma_start3A_3805 : memref<50x64xf32, #tpu.memory_space<vmem>>) target(%dma_start3A_3802 : memref<50x64xf32, #tpu.memory_space<hbm>>) target_semaphore(%arg29 : memref<!tpu.dma_semaphore, #tpu.memory_space<semaphore_mem>>)
      %mul3A_3806 = arith.constant 4 : i32
      %mul3A_3807 = arith.muli %add3A_3742, %mul3A_3806 : i32
      %add3A_3808 = arith.addi %mul3A_2, %mul3A_3807 : i32
      %add3A_3809 = arith.constant 3 : i32
      %add3A_3810 = arith.addi %add3A_3808, %add3A_3809 : i32
      %dma_start3A_3811 = arith.constant 150 : i32
      %dma_start3A_3812 = arith.constant 0 : i32
      %dma_start3A_3813 = tpu.memref_slice %arg13[%dma_start3A_3811, %dma_start3A_3812] : memref<200x64xf32, #tpu.memory_space<vmem>> -> memref<50x64xf32, #tpu.memory_space<vmem>>
      %dma_start3A_3814 = arith.constant 0 : i32
      %dma_start3A_3815 = arith.constant 0 : i32
      %dma_start3A_3816 = tpu.memref_slice %arg4[%add3A_3810, %dma_start3A_3814, %dma_start3A_3815] : memref<4096x50x64xf32, #tpu.memory_space<hbm>> -> memref<1x50x64xf32, #tpu.memory_space<hbm>>
      %dma_start3A_3817 = tpu.memref_squeeze %dma_start3A_3816 : memref<1x50x64xf32, #tpu.memory_space<hbm>> -> memref<50x64xf32, #tpu.memory_space<hbm>>
      %dma_start3A_3818 = arith.constant 0 : i32
      %dma_start3A_3819 = arith.constant 0 : i32
      %dma_start3A_3820 = tpu.memref_slice %arg4[%add3A_3810, %dma_start3A_3818, %dma_start3A_3819] : memref<4096x50x64xf32, #tpu.memory_space<hbm>> -> memref<1x50x64xf32, #tpu.memory_space<hbm>>
      %dma_start3A_3821 = tpu.memref_squeeze %dma_start3A_3820 : memref<1x50x64xf32, #tpu.memory_space<hbm>> -> memref<50x64xf32, #tpu.memory_space<hbm>>
      %dma_start3A_3822 = arith.constant 150 : i32
      %dma_start3A_3823 = arith.constant 0 : i32
      %dma_start3A_3824 = tpu.memref_slice %arg13[%dma_start3A_3822, %dma_start3A_3823] : memref<200x64xf32, #tpu.memory_space<vmem>> -> memref<50x64xf32, #tpu.memory_space<vmem>>
      tpu.enqueue_dma source(%dma_start3A_3824 : memref<50x64xf32, #tpu.memory_space<vmem>>) target(%dma_start3A_3821 : memref<50x64xf32, #tpu.memory_space<hbm>>) target_semaphore(%arg29 : memref<!tpu.dma_semaphore, #tpu.memory_space<semaphore_mem>>)
      %add3A_3825 = arith.constant 4 : i32
      %add3A_3826 = arith.addi %add3A_3742, %add3A_3825 : i32
      %sub3A_3827 = arith.constant 8 : i32
      %sub3A_3828 = arith.subi %add3A_3826, %sub3A_3827 : i32
      %mul3A_3829 = arith.constant 4 : i32
      %mul3A_3830 = arith.muli %sub3A_3828, %mul3A_3829 : i32
      %add3A_3831 = arith.addi %mul3A_2, %mul3A_3830 : i32
      %add3A_3832 = arith.constant 0 : i32
      %add3A_3833 = arith.addi %add3A_3831, %add3A_3832 : i32
      %dma_wait3A_3834 = arith.constant 0 : i32
      %dma_wait3A_3835 = arith.constant 0 : i32
      %dma_wait3A_3836 = tpu.memref_slice %arg9[%dma_wait3A_3834, %dma_wait3A_3835] : memref<200x64xf32, #tpu.memory_space<vmem>> -> memref<50x64xf32, #tpu.memory_space<vmem>>
      %dma_wait3A_3837 = arith.constant 0 : i32
      %dma_wait3A_3838 = arith.constant 0 : i32
      %dma_wait3A_3839 = tpu.memref_slice %arg4[%add3A_3833, %dma_wait3A_3837, %dma_wait3A_3838] : memref<4096x50x64xf32, #tpu.memory_space<hbm>> -> memref<1x50x64xf32, #tpu.memory_space<hbm>>
      %dma_wait3A_3840 = tpu.memref_squeeze %dma_wait3A_3839 : memref<1x50x64xf32, #tpu.memory_space<hbm>> -> memref<50x64xf32, #tpu.memory_space<hbm>>
      %dma_wait3A_3841 = arith.constant 0 : i32
      %dma_wait3A_3842 = arith.constant 0 : i32
      %dma_wait3A_3843 = tpu.memref_slice %arg4[%add3A_3833, %dma_wait3A_3841, %dma_wait3A_3842] : memref<4096x50x64xf32, #tpu.memory_space<hbm>> -> memref<1x50x64xf32, #tpu.memory_space<hbm>>
      %dma_wait3A_3844 = tpu.memref_squeeze %dma_wait3A_3843 : memref<1x50x64xf32, #tpu.memory_space<hbm>> -> memref<50x64xf32, #tpu.memory_space<hbm>>
      %dma_wait3A_3845 = arith.constant 0 : i32
      %dma_wait3A_3846 = arith.constant 0 : i32
      %dma_wait3A_3847 = tpu.memref_slice %arg9[%dma_wait3A_3845, %dma_wait3A_3846] : memref<200x64xf32, #tpu.memory_space<vmem>> -> memref<50x64xf32, #tpu.memory_space<vmem>>
      tpu.wait_dma2 semaphore(%arg25 : memref<!tpu.dma_semaphore, #tpu.memory_space<semaphore_mem>>) src(%dma_wait3A_3847 : memref<50x64xf32, #tpu.memory_space<vmem>>) dst(%dma_wait3A_3844 : memref<50x64xf32, #tpu.memory_space<hbm>>)
      %mul3A_3848 = arith.constant 4 : i32
      %mul3A_3849 = arith.muli %sub3A_3828, %mul3A_3848 : i32
      %add3A_3850 = arith.addi %mul3A_2, %mul3A_3849 : i32
      %add3A_3851 = arith.constant 1 : i32
      %add3A_3852 = arith.addi %add3A_3850, %add3A_3851 : i32
      %dma_wait3A_3853 = arith.constant 50 : i32
      %dma_wait3A_3854 = arith.constant 0 : i32
      %dma_wait3A_3855 = tpu.memref_slice %arg9[%dma_wait3A_3853, %dma_wait3A_3854] : memref<200x64xf32, #tpu.memory_space<vmem>> -> memref<50x64xf32, #tpu.memory_space<vmem>>
      %dma_wait3A_3856 = arith.constant 0 : i32
      %dma_wait3A_3857 = arith.constant 0 : i32
      %dma_wait3A_3858 = tpu.memref_slice %arg4[%add3A_3852, %dma_wait3A_3856, %dma_wait3A_3857] : memref<4096x50x64xf32, #tpu.memory_space<hbm>> -> memref<1x50x64xf32, #tpu.memory_space<hbm>>
      %dma_wait3A_3859 = tpu.memref_squeeze %dma_wait3A_3858 : memref<1x50x64xf32, #tpu.memory_space<hbm>> -> memref<50x64xf32, #tpu.memory_space<hbm>>
      %dma_wait3A_3860 = arith.constant 0 : i32
      %dma_wait3A_3861 = arith.constant 0 : i32
      %dma_wait3A_3862 = tpu.memref_slice %arg4[%add3A_3852, %dma_wait3A_3860, %dma_wait3A_3861] : memref<4096x50x64xf32, #tpu.memory_space<hbm>> -> memref<1x50x64xf32, #tpu.memory_space<hbm>>
      %dma_wait3A_3863 = tpu.memref_squeeze %dma_wait3A_3862 : memref<1x50x64xf32, #tpu.memory_space<hbm>> -> memref<50x64xf32, #tpu.memory_space<hbm>>
      %dma_wait3A_3864 = arith.constant 50 : i32
      %dma_wait3A_3865 = arith.constant 0 : i32
      %dma_wait3A_3866 = tpu.memref_slice %arg9[%dma_wait3A_3864, %dma_wait3A_3865] : memref<200x64xf32, #tpu.memory_space<vmem>> -> memref<50x64xf32, #tpu.memory_space<vmem>>
      tpu.wait_dma2 semaphore(%arg25 : memref<!tpu.dma_semaphore, #tpu.memory_space<semaphore_mem>>) src(%dma_wait3A_3866 : memref<50x64xf32, #tpu.memory_space<vmem>>) dst(%dma_wait3A_3863 : memref<50x64xf32, #tpu.memory_space<hbm>>)
      %mul3A_3867 = arith.constant 4 : i32
      %mul3A_3868 = arith.muli %sub3A_3828, %mul3A_3867 : i32
      %add3A_3869 = arith.addi %mul3A_2, %mul3A_3868 : i32
      %add3A_3870 = arith.constant 2 : i32
      %add3A_3871 = arith.addi %add3A_3869, %add3A_3870 : i32
      %dma_wait3A_3872 = arith.constant 100 : i32
      %dma_wait3A_3873 = arith.constant 0 : i32
      %dma_wait3A_3874 = tpu.memref_slice %arg9[%dma_wait3A_3872, %dma_wait3A_3873] : memref<200x64xf32, #tpu.memory_space<vmem>> -> memref<50x64xf32, #tpu.memory_space<vmem>>
      %dma_wait3A_3875 = arith.constant 0 : i32
      %dma_wait3A_3876 = arith.constant 0 : i32
      %dma_wait3A_3877 = tpu.memref_slice %arg4[%add3A_3871, %dma_wait3A_3875, %dma_wait3A_3876] : memref<4096x50x64xf32, #tpu.memory_space<hbm>> -> memref<1x50x64xf32, #tpu.memory_space<hbm>>
      %dma_wait3A_3878 = tpu.memref_squeeze %dma_wait3A_3877 : memref<1x50x64xf32, #tpu.memory_space<hbm>> -> memref<50x64xf32, #tpu.memory_space<hbm>>
      %dma_wait3A_3879 = arith.constant 0 : i32
      %dma_wait3A_3880 = arith.constant 0 : i32
      %dma_wait3A_3881 = tpu.memref_slice %arg4[%add3A_3871, %dma_wait3A_3879, %dma_wait3A_3880] : memref<4096x50x64xf32, #tpu.memory_space<hbm>> -> memref<1x50x64xf32, #tpu.memory_space<hbm>>
      %dma_wait3A_3882 = tpu.memref_squeeze %dma_wait3A_3881 : memref<1x50x64xf32, #tpu.memory_space<hbm>> -> memref<50x64xf32, #tpu.memory_space<hbm>>
      %dma_wait3A_3883 = arith.constant 100 : i32
      %dma_wait3A_3884 = arith.constant 0 : i32
      %dma_wait3A_3885 = tpu.memref_slice %arg9[%dma_wait3A_3883, %dma_wait3A_3884] : memref<200x64xf32, #tpu.memory_space<vmem>> -> memref<50x64xf32, #tpu.memory_space<vmem>>
      tpu.wait_dma2 semaphore(%arg25 : memref<!tpu.dma_semaphore, #tpu.memory_space<semaphore_mem>>) src(%dma_wait3A_3885 : memref<50x64xf32, #tpu.memory_space<vmem>>) dst(%dma_wait3A_3882 : memref<50x64xf32, #tpu.memory_space<hbm>>)
      %mul3A_3886 = arith.constant 4 : i32
      %mul3A_3887 = arith.muli %sub3A_3828, %mul3A_3886 : i32
      %add3A_3888 = arith.addi %mul3A_2, %mul3A_3887 : i32
      %add3A_3889 = arith.constant 3 : i32
      %add3A_3890 = arith.addi %add3A_3888, %add3A_3889 : i32
      %dma_wait3A_3891 = arith.constant 150 : i32
      %dma_wait3A_3892 = arith.constant 0 : i32
      %dma_wait3A_3893 = tpu.memref_slice %arg9[%dma_wait3A_3891, %dma_wait3A_3892] : memref<200x64xf32, #tpu.memory_space<vmem>> -> memref<50x64xf32, #tpu.memory_space<vmem>>
      %dma_wait3A_3894 = arith.constant 0 : i32
      %dma_wait3A_3895 = arith.constant 0 : i32
      %dma_wait3A_3896 = tpu.memref_slice %arg4[%add3A_3890, %dma_wait3A_3894, %dma_wait3A_3895] : memref<4096x50x64xf32, #tpu.memory_space<hbm>> -> memref<1x50x64xf32, #tpu.memory_space<hbm>>
      %dma_wait3A_3897 = tpu.memref_squeeze %dma_wait3A_3896 : memref<1x50x64xf32, #tpu.memory_space<hbm>> -> memref<50x64xf32, #tpu.memory_space<hbm>>
      %dma_wait3A_3898 = arith.constant 0 : i32
      %dma_wait3A_3899 = arith.constant 0 : i32
      %dma_wait3A_3900 = tpu.memref_slice %arg4[%add3A_3890, %dma_wait3A_3898, %dma_wait3A_3899] : memref<4096x50x64xf32, #tpu.memory_space<hbm>> -> memref<1x50x64xf32, #tpu.memory_space<hbm>>
      %dma_wait3A_3901 = tpu.memref_squeeze %dma_wait3A_3900 : memref<1x50x64xf32, #tpu.memory_space<hbm>> -> memref<50x64xf32, #tpu.memory_space<hbm>>
      %dma_wait3A_3902 = arith.constant 150 : i32
      %dma_wait3A_3903 = arith.constant 0 : i32
      %dma_wait3A_3904 = tpu.memref_slice %arg9[%dma_wait3A_3902, %dma_wait3A_3903] : memref<200x64xf32, #tpu.memory_space<vmem>> -> memref<50x64xf32, #tpu.memory_space<vmem>>
      tpu.wait_dma2 semaphore(%arg25 : memref<!tpu.dma_semaphore, #tpu.memory_space<semaphore_mem>>) src(%dma_wait3A_3904 : memref<50x64xf32, #tpu.memory_space<vmem>>) dst(%dma_wait3A_3901 : memref<50x64xf32, #tpu.memory_space<hbm>>)
      %add3A_3905 = arith.constant 4 : i32
      %add3A_3906 = arith.addi %add3A_3742, %add3A_3905 : i32
      %dma_start3A_3907 = arith.constant 0 : i32
      %dma_start3A_3908 = tpu.memref_slice %arg5[%add3A_3906, %dma_start3A_3907] : memref<32x200xi32, #tpu.memory_space<vmem>> -> memref<1x200xi32, #tpu.memory_space<vmem>>
      %dma_start3A_3909 = tpu.memref_squeeze %dma_start3A_3908 : memref<1x200xi32, #tpu.memory_space<vmem>> -> memref<200xi32, #tpu.memory_space<vmem>>
      %dma_start3A_3910 = arith.constant 0 : i32
      %dma_start3A_3911 = arith.constant 0 : i32
      %dma_start3A_3912 = tpu.memref_slice %arg2[%dma_start3A_3910, %dma_start3A_3911] : memref<100000x64xf32, #tpu.memory_space<hbm>> -> memref<100000x64xf32, #tpu.memory_space<hbm>>
      tpu.enqueue_indirect_dma source(%dma_start3A_3912 : memref<100000x64xf32, #tpu.memory_space<hbm>>) target(%arg9 : memref<200x64xf32, #tpu.memory_space<vmem>>) offsets(%dma_start3A_3909 : memref<200xi32, #tpu.memory_space<vmem>>) semaphore(%arg17 : memref<!tpu.dma_semaphore, #tpu.memory_space<semaphore_mem>>)
    }
    %scan3A_1008 = arith.constant 2 : i32
    %dma_wait3A_1009 = arith.constant 24 : i32
    %dma_wait3A_1010 = arith.constant 0 : i32
    %dma_wait3A_1011 = tpu.memref_slice %arg5[%dma_wait3A_1009, %dma_wait3A_1010] : memref<32x200xi32, #tpu.memory_space<vmem>> -> memref<1x200xi32, #tpu.memory_space<vmem>>
    %dma_wait3A_1012 = tpu.memref_squeeze %dma_wait3A_1011 : memref<1x200xi32, #tpu.memory_space<vmem>> -> memref<200xi32, #tpu.memory_space<vmem>>
    %dma_wait3A_1013 = arith.constant 0 : i32
    %dma_wait3A_1014 = arith.constant 0 : i32
    %dma_wait3A_1015 = tpu.memref_slice %arg2[%dma_wait3A_1013, %dma_wait3A_1014] : memref<100000x64xf32, #tpu.memory_space<hbm>> -> memref<100000x64xf32, #tpu.memory_space<hbm>>
    tpu.wait_indirect_dma semaphore(%arg14 : memref<!tpu.dma_semaphore, #tpu.memory_space<semaphore_mem>>) src(%dma_wait3A_1015 : memref<100000x64xf32, #tpu.memory_space<hbm>>) dst(%arg6 : memref<200x64xf32, #tpu.memory_space<vmem>>)
    %add3A_1016 = arith.constant 96 : i32
    %add3A_1017 = arith.addi %mul3A_2, %add3A_1016 : i32
    %add3A_1018 = arith.constant 0 : i32
    %add3A_1019 = arith.addi %add3A_1017, %add3A_1018 : i32
    %dma_start3A_1020 = arith.constant 0 : i32
    %dma_start3A_1021 = arith.constant 0 : i32
    %dma_start3A_1022 = tpu.memref_slice %arg6[%dma_start3A_1020, %dma_start3A_1021] : memref<200x64xf32, #tpu.memory_space<vmem>> -> memref<50x64xf32, #tpu.memory_space<vmem>>
    %dma_start3A_1023 = arith.constant 0 : i32
    %dma_start3A_1024 = arith.constant 0 : i32
    %dma_start3A_1025 = tpu.memref_slice %arg4[%add3A_1019, %dma_start3A_1023, %dma_start3A_1024] : memref<4096x50x64xf32, #tpu.memory_space<hbm>> -> memref<1x50x64xf32, #tpu.memory_space<hbm>>
    %dma_start3A_1026 = tpu.memref_squeeze %dma_start3A_1025 : memref<1x50x64xf32, #tpu.memory_space<hbm>> -> memref<50x64xf32, #tpu.memory_space<hbm>>
    %dma_start3A_1027 = arith.constant 0 : i32
    %dma_start3A_1028 = arith.constant 0 : i32
    %dma_start3A_1029 = tpu.memref_slice %arg4[%add3A_1019, %dma_start3A_1027, %dma_start3A_1028] : memref<4096x50x64xf32, #tpu.memory_space<hbm>> -> memref<1x50x64xf32, #tpu.memory_space<hbm>>
    %dma_start3A_1030 = tpu.memref_squeeze %dma_start3A_1029 : memref<1x50x64xf32, #tpu.memory_space<hbm>> -> memref<50x64xf32, #tpu.memory_space<hbm>>
    %dma_start3A_1031 = arith.constant 0 : i32
    %dma_start3A_1032 = arith.constant 0 : i32
    %dma_start3A_1033 = tpu.memref_slice %arg6[%dma_start3A_1031, %dma_start3A_1032] : memref<200x64xf32, #tpu.memory_space<vmem>> -> memref<50x64xf32, #tpu.memory_space<vmem>>
    tpu.enqueue_dma source(%dma_start3A_1033 : memref<50x64xf32, #tpu.memory_space<vmem>>) target(%dma_start3A_1030 : memref<50x64xf32, #tpu.memory_space<hbm>>) target_semaphore(%arg22 : memref<!tpu.dma_semaphore, #tpu.memory_space<semaphore_mem>>)
    %add3A_1034 = arith.constant 96 : i32
    %add3A_1035 = arith.addi %mul3A_2, %add3A_1034 : i32
    %add3A_1036 = arith.constant 1 : i32
    %add3A_1037 = arith.addi %add3A_1035, %add3A_1036 : i32
    %dma_start3A_1038 = arith.constant 50 : i32
    %dma_start3A_1039 = arith.constant 0 : i32
    %dma_start3A_1040 = tpu.memref_slice %arg6[%dma_start3A_1038, %dma_start3A_1039] : memref<200x64xf32, #tpu.memory_space<vmem>> -> memref<50x64xf32, #tpu.memory_space<vmem>>
    %dma_start3A_1041 = arith.constant 0 : i32
    %dma_start3A_1042 = arith.constant 0 : i32
    %dma_start3A_1043 = tpu.memref_slice %arg4[%add3A_1037, %dma_start3A_1041, %dma_start3A_1042] : memref<4096x50x64xf32, #tpu.memory_space<hbm>> -> memref<1x50x64xf32, #tpu.memory_space<hbm>>
    %dma_start3A_1044 = tpu.memref_squeeze %dma_start3A_1043 : memref<1x50x64xf32, #tpu.memory_space<hbm>> -> memref<50x64xf32, #tpu.memory_space<hbm>>
    %dma_start3A_1045 = arith.constant 0 : i32
    %dma_start3A_1046 = arith.constant 0 : i32
    %dma_start3A_1047 = tpu.memref_slice %arg4[%add3A_1037, %dma_start3A_1045, %dma_start3A_1046] : memref<4096x50x64xf32, #tpu.memory_space<hbm>> -> memref<1x50x64xf32, #tpu.memory_space<hbm>>
    %dma_start3A_1048 = tpu.memref_squeeze %dma_start3A_1047 : memref<1x50x64xf32, #tpu.memory_space<hbm>> -> memref<50x64xf32, #tpu.memory_space<hbm>>
    %dma_start3A_1049 = arith.constant 50 : i32
    %dma_start3A_1050 = arith.constant 0 : i32
    %dma_start3A_1051 = tpu.memref_slice %arg6[%dma_start3A_1049, %dma_start3A_1050] : memref<200x64xf32, #tpu.memory_space<vmem>> -> memref<50x64xf32, #tpu.memory_space<vmem>>
    tpu.enqueue_dma source(%dma_start3A_1051 : memref<50x64xf32, #tpu.memory_space<vmem>>) target(%dma_start3A_1048 : memref<50x64xf32, #tpu.memory_space<hbm>>) target_semaphore(%arg22 : memref<!tpu.dma_semaphore, #tpu.memory_space<semaphore_mem>>)
    %add3A_1052 = arith.constant 96 : i32
    %add3A_1053 = arith.addi %mul3A_2, %add3A_1052 : i32
    %add3A_1054 = arith.constant 2 : i32
    %add3A_1055 = arith.addi %add3A_1053, %add3A_1054 : i32
    %dma_start3A_1056 = arith.constant 100 : i32
    %dma_start3A_1057 = arith.constant 0 : i32
    %dma_start3A_1058 = tpu.memref_slice %arg6[%dma_start3A_1056, %dma_start3A_1057] : memref<200x64xf32, #tpu.memory_space<vmem>> -> memref<50x64xf32, #tpu.memory_space<vmem>>
    %dma_start3A_1059 = arith.constant 0 : i32
    %dma_start3A_1060 = arith.constant 0 : i32
    %dma_start3A_1061 = tpu.memref_slice %arg4[%add3A_1055, %dma_start3A_1059, %dma_start3A_1060] : memref<4096x50x64xf32, #tpu.memory_space<hbm>> -> memref<1x50x64xf32, #tpu.memory_space<hbm>>
    %dma_start3A_1062 = tpu.memref_squeeze %dma_start3A_1061 : memref<1x50x64xf32, #tpu.memory_space<hbm>> -> memref<50x64xf32, #tpu.memory_space<hbm>>
    %dma_start3A_1063 = arith.constant 0 : i32
    %dma_start3A_1064 = arith.constant 0 : i32
    %dma_start3A_1065 = tpu.memref_slice %arg4[%add3A_1055, %dma_start3A_1063, %dma_start3A_1064] : memref<4096x50x64xf32, #tpu.memory_space<hbm>> -> memref<1x50x64xf32, #tpu.memory_space<hbm>>
    %dma_start3A_1066 = tpu.memref_squeeze %dma_start3A_1065 : memref<1x50x64xf32, #tpu.memory_space<hbm>> -> memref<50x64xf32, #tpu.memory_space<hbm>>
    %dma_start3A_1067 = arith.constant 100 : i32
    %dma_start3A_1068 = arith.constant 0 : i32
    %dma_start3A_1069 = tpu.memref_slice %arg6[%dma_start3A_1067, %dma_start3A_1068] : memref<200x64xf32, #tpu.memory_space<vmem>> -> memref<50x64xf32, #tpu.memory_space<vmem>>
    tpu.enqueue_dma source(%dma_start3A_1069 : memref<50x64xf32, #tpu.memory_space<vmem>>) target(%dma_start3A_1066 : memref<50x64xf32, #tpu.memory_space<hbm>>) target_semaphore(%arg22 : memref<!tpu.dma_semaphore, #tpu.memory_space<semaphore_mem>>)
    %add3A_1070 = arith.constant 96 : i32
    %add3A_1071 = arith.addi %mul3A_2, %add3A_1070 : i32
    %add3A_1072 = arith.constant 3 : i32
    %add3A_1073 = arith.addi %add3A_1071, %add3A_1072 : i32
    %dma_start3A_1074 = arith.constant 150 : i32
    %dma_start3A_1075 = arith.constant 0 : i32
    %dma_start3A_1076 = tpu.memref_slice %arg6[%dma_start3A_1074, %dma_start3A_1075] : memref<200x64xf32, #tpu.memory_space<vmem>> -> memref<50x64xf32, #tpu.memory_space<vmem>>
    %dma_start3A_1077 = arith.constant 0 : i32
    %dma_start3A_1078 = arith.constant 0 : i32
    %dma_start3A_1079 = tpu.memref_slice %arg4[%add3A_1073, %dma_start3A_1077, %dma_start3A_1078] : memref<4096x50x64xf32, #tpu.memory_space<hbm>> -> memref<1x50x64xf32, #tpu.memory_space<hbm>>
    %dma_start3A_1080 = tpu.memref_squeeze %dma_start3A_1079 : memref<1x50x64xf32, #tpu.memory_space<hbm>> -> memref<50x64xf32, #tpu.memory_space<hbm>>
    %dma_start3A_1081 = arith.constant 0 : i32
    %dma_start3A_1082 = arith.constant 0 : i32
    %dma_start3A_1083 = tpu.memref_slice %arg4[%add3A_1073, %dma_start3A_1081, %dma_start3A_1082] : memref<4096x50x64xf32, #tpu.memory_space<hbm>> -> memref<1x50x64xf32, #tpu.memory_space<hbm>>
    %dma_start3A_1084 = tpu.memref_squeeze %dma_start3A_1083 : memref<1x50x64xf32, #tpu.memory_space<hbm>> -> memref<50x64xf32, #tpu.memory_space<hbm>>
    %dma_start3A_1085 = arith.constant 150 : i32
    %dma_start3A_1086 = arith.constant 0 : i32
    %dma_start3A_1087 = tpu.memref_slice %arg6[%dma_start3A_1085, %dma_start3A_1086] : memref<200x64xf32, #tpu.memory_space<vmem>> -> memref<50x64xf32, #tpu.memory_space<vmem>>
    tpu.enqueue_dma source(%dma_start3A_1087 : memref<50x64xf32, #tpu.memory_space<vmem>>) target(%dma_start3A_1084 : memref<50x64xf32, #tpu.memory_space<hbm>>) target_semaphore(%arg22 : memref<!tpu.dma_semaphore, #tpu.memory_space<semaphore_mem>>)
    %add3A_1088 = arith.constant 80 : i32
    %add3A_1089 = arith.addi %mul3A_2, %add3A_1088 : i32
    %add3A_1090 = arith.constant 0 : i32
    %add3A_1091 = arith.addi %add3A_1089, %add3A_1090 : i32
    %dma_wait3A_1092 = arith.constant 0 : i32
    %dma_wait3A_1093 = arith.constant 0 : i32
    %dma_wait3A_1094 = tpu.memref_slice %arg10[%dma_wait3A_1092, %dma_wait3A_1093] : memref<200x64xf32, #tpu.memory_space<vmem>> -> memref<50x64xf32, #tpu.memory_space<vmem>>
    %dma_wait3A_1095 = arith.constant 0 : i32
    %dma_wait3A_1096 = arith.constant 0 : i32
    %dma_wait3A_1097 = tpu.memref_slice %arg4[%add3A_1091, %dma_wait3A_1095, %dma_wait3A_1096] : memref<4096x50x64xf32, #tpu.memory_space<hbm>> -> memref<1x50x64xf32, #tpu.memory_space<hbm>>
    %dma_wait3A_1098 = tpu.memref_squeeze %dma_wait3A_1097 : memref<1x50x64xf32, #tpu.memory_space<hbm>> -> memref<50x64xf32, #tpu.memory_space<hbm>>
    %dma_wait3A_1099 = arith.constant 0 : i32
    %dma_wait3A_1100 = arith.constant 0 : i32
    %dma_wait3A_1101 = tpu.memref_slice %arg4[%add3A_1091, %dma_wait3A_1099, %dma_wait3A_1100] : memref<4096x50x64xf32, #tpu.memory_space<hbm>> -> memref<1x50x64xf32, #tpu.memory_space<hbm>>
    %dma_wait3A_1102 = tpu.memref_squeeze %dma_wait3A_1101 : memref<1x50x64xf32, #tpu.memory_space<hbm>> -> memref<50x64xf32, #tpu.memory_space<hbm>>
    %dma_wait3A_1103 = arith.constant 0 : i32
    %dma_wait3A_1104 = arith.constant 0 : i32
    %dma_wait3A_1105 = tpu.memref_slice %arg10[%dma_wait3A_1103, %dma_wait3A_1104] : memref<200x64xf32, #tpu.memory_space<vmem>> -> memref<50x64xf32, #tpu.memory_space<vmem>>
    tpu.wait_dma2 semaphore(%arg26 : memref<!tpu.dma_semaphore, #tpu.memory_space<semaphore_mem>>) src(%dma_wait3A_1105 : memref<50x64xf32, #tpu.memory_space<vmem>>) dst(%dma_wait3A_1102 : memref<50x64xf32, #tpu.memory_space<hbm>>)
    %add3A_1106 = arith.constant 80 : i32
    %add3A_1107 = arith.addi %mul3A_2, %add3A_1106 : i32
    %add3A_1108 = arith.constant 1 : i32
    %add3A_1109 = arith.addi %add3A_1107, %add3A_1108 : i32
    %dma_wait3A_1110 = arith.constant 50 : i32
    %dma_wait3A_1111 = arith.constant 0 : i32
    %dma_wait3A_1112 = tpu.memref_slice %arg10[%dma_wait3A_1110, %dma_wait3A_1111] : memref<200x64xf32, #tpu.memory_space<vmem>> -> memref<50x64xf32, #tpu.memory_space<vmem>>
    %dma_wait3A_1113 = arith.constant 0 : i32
    %dma_wait3A_1114 = arith.constant 0 : i32
    %dma_wait3A_1115 = tpu.memref_slice %arg4[%add3A_1109, %dma_wait3A_1113, %dma_wait3A_1114] : memref<4096x50x64xf32, #tpu.memory_space<hbm>> -> memref<1x50x64xf32, #tpu.memory_space<hbm>>
    %dma_wait3A_1116 = tpu.memref_squeeze %dma_wait3A_1115 : memref<1x50x64xf32, #tpu.memory_space<hbm>> -> memref<50x64xf32, #tpu.memory_space<hbm>>
    %dma_wait3A_1117 = arith.constant 0 : i32
    %dma_wait3A_1118 = arith.constant 0 : i32
    %dma_wait3A_1119 = tpu.memref_slice %arg4[%add3A_1109, %dma_wait3A_1117, %dma_wait3A_1118] : memref<4096x50x64xf32, #tpu.memory_space<hbm>> -> memref<1x50x64xf32, #tpu.memory_space<hbm>>
    %dma_wait3A_1120 = tpu.memref_squeeze %dma_wait3A_1119 : memref<1x50x64xf32, #tpu.memory_space<hbm>> -> memref<50x64xf32, #tpu.memory_space<hbm>>
    %dma_wait3A_1121 = arith.constant 50 : i32
    %dma_wait3A_1122 = arith.constant 0 : i32
    %dma_wait3A_1123 = tpu.memref_slice %arg10[%dma_wait3A_1121, %dma_wait3A_1122] : memref<200x64xf32, #tpu.memory_space<vmem>> -> memref<50x64xf32, #tpu.memory_space<vmem>>
    tpu.wait_dma2 semaphore(%arg26 : memref<!tpu.dma_semaphore, #tpu.memory_space<semaphore_mem>>) src(%dma_wait3A_1123 : memref<50x64xf32, #tpu.memory_space<vmem>>) dst(%dma_wait3A_1120 : memref<50x64xf32, #tpu.memory_space<hbm>>)
    %add3A_1124 = arith.constant 80 : i32
    %add3A_1125 = arith.addi %mul3A_2, %add3A_1124 : i32
    %add3A_1126 = arith.constant 2 : i32
    %add3A_1127 = arith.addi %add3A_1125, %add3A_1126 : i32
    %dma_wait3A_1128 = arith.constant 100 : i32
    %dma_wait3A_1129 = arith.constant 0 : i32
    %dma_wait3A_1130 = tpu.memref_slice %arg10[%dma_wait3A_1128, %dma_wait3A_1129] : memref<200x64xf32, #tpu.memory_space<vmem>> -> memref<50x64xf32, #tpu.memory_space<vmem>>
    %dma_wait3A_1131 = arith.constant 0 : i32
    %dma_wait3A_1132 = arith.constant 0 : i32
    %dma_wait3A_1133 = tpu.memref_slice %arg4[%add3A_1127, %dma_wait3A_1131, %dma_wait3A_1132] : memref<4096x50x64xf32, #tpu.memory_space<hbm>> -> memref<1x50x64xf32, #tpu.memory_space<hbm>>
    %dma_wait3A_1134 = tpu.memref_squeeze %dma_wait3A_1133 : memref<1x50x64xf32, #tpu.memory_space<hbm>> -> memref<50x64xf32, #tpu.memory_space<hbm>>
    %dma_wait3A_1135 = arith.constant 0 : i32
    %dma_wait3A_1136 = arith.constant 0 : i32
    %dma_wait3A_1137 = tpu.memref_slice %arg4[%add3A_1127, %dma_wait3A_1135, %dma_wait3A_1136] : memref<4096x50x64xf32, #tpu.memory_space<hbm>> -> memref<1x50x64xf32, #tpu.memory_space<hbm>>
    %dma_wait3A_1138 = tpu.memref_squeeze %dma_wait3A_1137 : memref<1x50x64xf32, #tpu.memory_space<hbm>> -> memref<50x64xf32, #tpu.memory_space<hbm>>
    %dma_wait3A_1139 = arith.constant 100 : i32
    %dma_wait3A_1140 = arith.constant 0 : i32
    %dma_wait3A_1141 = tpu.memref_slice %arg10[%dma_wait3A_1139, %dma_wait3A_1140] : memref<200x64xf32, #tpu.memory_space<vmem>> -> memref<50x64xf32, #tpu.memory_space<vmem>>
    tpu.wait_dma2 semaphore(%arg26 : memref<!tpu.dma_semaphore, #tpu.memory_space<semaphore_mem>>) src(%dma_wait3A_1141 : memref<50x64xf32, #tpu.memory_space<vmem>>) dst(%dma_wait3A_1138 : memref<50x64xf32, #tpu.memory_space<hbm>>)
    %add3A_1142 = arith.constant 80 : i32
    %add3A_1143 = arith.addi %mul3A_2, %add3A_1142 : i32
    %add3A_1144 = arith.constant 3 : i32
    %add3A_1145 = arith.addi %add3A_1143, %add3A_1144 : i32
    %dma_wait3A_1146 = arith.constant 150 : i32
    %dma_wait3A_1147 = arith.constant 0 : i32
    %dma_wait3A_1148 = tpu.memref_slice %arg10[%dma_wait3A_1146, %dma_wait3A_1147] : memref<200x64xf32, #tpu.memory_space<vmem>> -> memref<50x64xf32, #tpu.memory_space<vmem>>
    %dma_wait3A_1149 = arith.constant 0 : i32
    %dma_wait3A_1150 = arith.constant 0 : i32
    %dma_wait3A_1151 = tpu.memref_slice %arg4[%add3A_1145, %dma_wait3A_1149, %dma_wait3A_1150] : memref<4096x50x64xf32, #tpu.memory_space<hbm>> -> memref<1x50x64xf32, #tpu.memory_space<hbm>>
    %dma_wait3A_1152 = tpu.memref_squeeze %dma_wait3A_1151 : memref<1x50x64xf32, #tpu.memory_space<hbm>> -> memref<50x64xf32, #tpu.memory_space<hbm>>
    %dma_wait3A_1153 = arith.constant 0 : i32
    %dma_wait3A_1154 = arith.constant 0 : i32
    %dma_wait3A_1155 = tpu.memref_slice %arg4[%add3A_1145, %dma_wait3A_1153, %dma_wait3A_1154] : memref<4096x50x64xf32, #tpu.memory_space<hbm>> -> memref<1x50x64xf32, #tpu.memory_space<hbm>>
    %dma_wait3A_1156 = tpu.memref_squeeze %dma_wait3A_1155 : memref<1x50x64xf32, #tpu.memory_space<hbm>> -> memref<50x64xf32, #tpu.memory_space<hbm>>
    %dma_wait3A_1157 = arith.constant 150 : i32
    %dma_wait3A_1158 = arith.constant 0 : i32
    %dma_wait3A_1159 = tpu.memref_slice %arg10[%dma_wait3A_1157, %dma_wait3A_1158] : memref<200x64xf32, #tpu.memory_space<vmem>> -> memref<50x64xf32, #tpu.memory_space<vmem>>
    tpu.wait_dma2 semaphore(%arg26 : memref<!tpu.dma_semaphore, #tpu.memory_space<semaphore_mem>>) src(%dma_wait3A_1159 : memref<50x64xf32, #tpu.memory_space<vmem>>) dst(%dma_wait3A_1156 : memref<50x64xf32, #tpu.memory_space<hbm>>)
    %dma_start3A_1160 = arith.constant 28 : i32
    %dma_start3A_1161 = arith.constant 0 : i32
    %dma_start3A_1162 = tpu.memref_slice %arg5[%dma_start3A_1160, %dma_start3A_1161] : memref<32x200xi32, #tpu.memory_space<vmem>> -> memref<1x200xi32, #tpu.memory_space<vmem>>
    %dma_start3A_1163 = tpu.memref_squeeze %dma_start3A_1162 : memref<1x200xi32, #tpu.memory_space<vmem>> -> memref<200xi32, #tpu.memory_space<vmem>>
    %dma_start3A_1164 = arith.constant 0 : i32
    %dma_start3A_1165 = arith.constant 0 : i32
    %dma_start3A_1166 = tpu.memref_slice %arg2[%dma_start3A_1164, %dma_start3A_1165] : memref<100000x64xf32, #tpu.memory_space<hbm>> -> memref<100000x64xf32, #tpu.memory_space<hbm>>
    tpu.enqueue_indirect_dma source(%dma_start3A_1166 : memref<100000x64xf32, #tpu.memory_space<hbm>>) target(%arg10 : memref<200x64xf32, #tpu.memory_space<vmem>>) offsets(%dma_start3A_1163 : memref<200xi32, #tpu.memory_space<vmem>>) semaphore(%arg18 : memref<!tpu.dma_semaphore, #tpu.memory_space<semaphore_mem>>)
    %dma_wait3A_1167 = arith.constant 25 : i32
    %dma_wait3A_1168 = arith.constant 0 : i32
    %dma_wait3A_1169 = tpu.memref_slice %arg5[%dma_wait3A_1167, %dma_wait3A_1168] : memref<32x200xi32, #tpu.memory_space<vmem>> -> memref<1x200xi32, #tpu.memory_space<vmem>>
    %dma_wait3A_1170 = tpu.memref_squeeze %dma_wait3A_1169 : memref<1x200xi32, #tpu.memory_space<vmem>> -> memref<200xi32, #tpu.memory_space<vmem>>
    %dma_wait3A_1171 = arith.constant 0 : i32
    %dma_wait3A_1172 = arith.constant 0 : i32
    %dma_wait3A_1173 = tpu.memref_slice %arg2[%dma_wait3A_1171, %dma_wait3A_1172] : memref<100000x64xf32, #tpu.memory_space<hbm>> -> memref<100000x64xf32, #tpu.memory_space<hbm>>
    tpu.wait_indirect_dma semaphore(%arg15 : memref<!tpu.dma_semaphore, #tpu.memory_space<semaphore_mem>>) src(%dma_wait3A_1173 : memref<100000x64xf32, #tpu.memory_space<hbm>>) dst(%arg7 : memref<200x64xf32, #tpu.memory_space<vmem>>)
    %add3A_1174 = arith.constant 100 : i32
    %add3A_1175 = arith.addi %mul3A_2, %add3A_1174 : i32
    %add3A_1176 = arith.constant 0 : i32
    %add3A_1177 = arith.addi %add3A_1175, %add3A_1176 : i32
    %dma_start3A_1178 = arith.constant 0 : i32
    %dma_start3A_1179 = arith.constant 0 : i32
    %dma_start3A_1180 = tpu.memref_slice %arg7[%dma_start3A_1178, %dma_start3A_1179] : memref<200x64xf32, #tpu.memory_space<vmem>> -> memref<50x64xf32, #tpu.memory_space<vmem>>
    %dma_start3A_1181 = arith.constant 0 : i32
    %dma_start3A_1182 = arith.constant 0 : i32
    %dma_start3A_1183 = tpu.memref_slice %arg4[%add3A_1177, %dma_start3A_1181, %dma_start3A_1182] : memref<4096x50x64xf32, #tpu.memory_space<hbm>> -> memref<1x50x64xf32, #tpu.memory_space<hbm>>
    %dma_start3A_1184 = tpu.memref_squeeze %dma_start3A_1183 : memref<1x50x64xf32, #tpu.memory_space<hbm>> -> memref<50x64xf32, #tpu.memory_space<hbm>>
    %dma_start3A_1185 = arith.constant 0 : i32
    %dma_start3A_1186 = arith.constant 0 : i32
    %dma_start3A_1187 = tpu.memref_slice %arg4[%add3A_1177, %dma_start3A_1185, %dma_start3A_1186] : memref<4096x50x64xf32, #tpu.memory_space<hbm>> -> memref<1x50x64xf32, #tpu.memory_space<hbm>>
    %dma_start3A_1188 = tpu.memref_squeeze %dma_start3A_1187 : memref<1x50x64xf32, #tpu.memory_space<hbm>> -> memref<50x64xf32, #tpu.memory_space<hbm>>
    %dma_start3A_1189 = arith.constant 0 : i32
    %dma_start3A_1190 = arith.constant 0 : i32
    %dma_start3A_1191 = tpu.memref_slice %arg7[%dma_start3A_1189, %dma_start3A_1190] : memref<200x64xf32, #tpu.memory_space<vmem>> -> memref<50x64xf32, #tpu.memory_space<vmem>>
    tpu.enqueue_dma source(%dma_start3A_1191 : memref<50x64xf32, #tpu.memory_space<vmem>>) target(%dma_start3A_1188 : memref<50x64xf32, #tpu.memory_space<hbm>>) target_semaphore(%arg23 : memref<!tpu.dma_semaphore, #tpu.memory_space<semaphore_mem>>)
    %add3A_1192 = arith.constant 100 : i32
    %add3A_1193 = arith.addi %mul3A_2, %add3A_1192 : i32
    %add3A_1194 = arith.constant 1 : i32
    %add3A_1195 = arith.addi %add3A_1193, %add3A_1194 : i32
    %dma_start3A_1196 = arith.constant 50 : i32
    %dma_start3A_1197 = arith.constant 0 : i32
    %dma_start3A_1198 = tpu.memref_slice %arg7[%dma_start3A_1196, %dma_start3A_1197] : memref<200x64xf32, #tpu.memory_space<vmem>> -> memref<50x64xf32, #tpu.memory_space<vmem>>
    %dma_start3A_1199 = arith.constant 0 : i32
    %dma_start3A_1200 = arith.constant 0 : i32
    %dma_start3A_1201 = tpu.memref_slice %arg4[%add3A_1195, %dma_start3A_1199, %dma_start3A_1200] : memref<4096x50x64xf32, #tpu.memory_space<hbm>> -> memref<1x50x64xf32, #tpu.memory_space<hbm>>
    %dma_start3A_1202 = tpu.memref_squeeze %dma_start3A_1201 : memref<1x50x64xf32, #tpu.memory_space<hbm>> -> memref<50x64xf32, #tpu.memory_space<hbm>>
    %dma_start3A_1203 = arith.constant 0 : i32
    %dma_start3A_1204 = arith.constant 0 : i32
    %dma_start3A_1205 = tpu.memref_slice %arg4[%add3A_1195, %dma_start3A_1203, %dma_start3A_1204] : memref<4096x50x64xf32, #tpu.memory_space<hbm>> -> memref<1x50x64xf32, #tpu.memory_space<hbm>>
    %dma_start3A_1206 = tpu.memref_squeeze %dma_start3A_1205 : memref<1x50x64xf32, #tpu.memory_space<hbm>> -> memref<50x64xf32, #tpu.memory_space<hbm>>
    %dma_start3A_1207 = arith.constant 50 : i32
    %dma_start3A_1208 = arith.constant 0 : i32
    %dma_start3A_1209 = tpu.memref_slice %arg7[%dma_start3A_1207, %dma_start3A_1208] : memref<200x64xf32, #tpu.memory_space<vmem>> -> memref<50x64xf32, #tpu.memory_space<vmem>>
    tpu.enqueue_dma source(%dma_start3A_1209 : memref<50x64xf32, #tpu.memory_space<vmem>>) target(%dma_start3A_1206 : memref<50x64xf32, #tpu.memory_space<hbm>>) target_semaphore(%arg23 : memref<!tpu.dma_semaphore, #tpu.memory_space<semaphore_mem>>)
    %add3A_1210 = arith.constant 100 : i32
    %add3A_1211 = arith.addi %mul3A_2, %add3A_1210 : i32
    %add3A_1212 = arith.constant 2 : i32
    %add3A_1213 = arith.addi %add3A_1211, %add3A_1212 : i32
    %dma_start3A_1214 = arith.constant 100 : i32
    %dma_start3A_1215 = arith.constant 0 : i32
    %dma_start3A_1216 = tpu.memref_slice %arg7[%dma_start3A_1214, %dma_start3A_1215] : memref<200x64xf32, #tpu.memory_space<vmem>> -> memref<50x64xf32, #tpu.memory_space<vmem>>
    %dma_start3A_1217 = arith.constant 0 : i32
    %dma_start3A_1218 = arith.constant 0 : i32
    %dma_start3A_1219 = tpu.memref_slice %arg4[%add3A_1213, %dma_start3A_1217, %dma_start3A_1218] : memref<4096x50x64xf32, #tpu.memory_space<hbm>> -> memref<1x50x64xf32, #tpu.memory_space<hbm>>
    %dma_start3A_1220 = tpu.memref_squeeze %dma_start3A_1219 : memref<1x50x64xf32, #tpu.memory_space<hbm>> -> memref<50x64xf32, #tpu.memory_space<hbm>>
    %dma_start3A_1221 = arith.constant 0 : i32
    %dma_start3A_1222 = arith.constant 0 : i32
    %dma_start3A_1223 = tpu.memref_slice %arg4[%add3A_1213, %dma_start3A_1221, %dma_start3A_1222] : memref<4096x50x64xf32, #tpu.memory_space<hbm>> -> memref<1x50x64xf32, #tpu.memory_space<hbm>>
    %dma_start3A_1224 = tpu.memref_squeeze %dma_start3A_1223 : memref<1x50x64xf32, #tpu.memory_space<hbm>> -> memref<50x64xf32, #tpu.memory_space<hbm>>
    %dma_start3A_1225 = arith.constant 100 : i32
    %dma_start3A_1226 = arith.constant 0 : i32
    %dma_start3A_1227 = tpu.memref_slice %arg7[%dma_start3A_1225, %dma_start3A_1226] : memref<200x64xf32, #tpu.memory_space<vmem>> -> memref<50x64xf32, #tpu.memory_space<vmem>>
    tpu.enqueue_dma source(%dma_start3A_1227 : memref<50x64xf32, #tpu.memory_space<vmem>>) target(%dma_start3A_1224 : memref<50x64xf32, #tpu.memory_space<hbm>>) target_semaphore(%arg23 : memref<!tpu.dma_semaphore, #tpu.memory_space<semaphore_mem>>)
    %add3A_1228 = arith.constant 100 : i32
    %add3A_1229 = arith.addi %mul3A_2, %add3A_1228 : i32
    %add3A_1230 = arith.constant 3 : i32
    %add3A_1231 = arith.addi %add3A_1229, %add3A_1230 : i32
    %dma_start3A_1232 = arith.constant 150 : i32
    %dma_start3A_1233 = arith.constant 0 : i32
    %dma_start3A_1234 = tpu.memref_slice %arg7[%dma_start3A_1232, %dma_start3A_1233] : memref<200x64xf32, #tpu.memory_space<vmem>> -> memref<50x64xf32, #tpu.memory_space<vmem>>
    %dma_start3A_1235 = arith.constant 0 : i32
    %dma_start3A_1236 = arith.constant 0 : i32
    %dma_start3A_1237 = tpu.memref_slice %arg4[%add3A_1231, %dma_start3A_1235, %dma_start3A_1236] : memref<4096x50x64xf32, #tpu.memory_space<hbm>> -> memref<1x50x64xf32, #tpu.memory_space<hbm>>
    %dma_start3A_1238 = tpu.memref_squeeze %dma_start3A_1237 : memref<1x50x64xf32, #tpu.memory_space<hbm>> -> memref<50x64xf32, #tpu.memory_space<hbm>>
    %dma_start3A_1239 = arith.constant 0 : i32
    %dma_start3A_1240 = arith.constant 0 : i32
    %dma_start3A_1241 = tpu.memref_slice %arg4[%add3A_1231, %dma_start3A_1239, %dma_start3A_1240] : memref<4096x50x64xf32, #tpu.memory_space<hbm>> -> memref<1x50x64xf32, #tpu.memory_space<hbm>>
    %dma_start3A_1242 = tpu.memref_squeeze %dma_start3A_1241 : memref<1x50x64xf32, #tpu.memory_space<hbm>> -> memref<50x64xf32, #tpu.memory_space<hbm>>
    %dma_start3A_1243 = arith.constant 150 : i32
    %dma_start3A_1244 = arith.constant 0 : i32
    %dma_start3A_1245 = tpu.memref_slice %arg7[%dma_start3A_1243, %dma_start3A_1244] : memref<200x64xf32, #tpu.memory_space<vmem>> -> memref<50x64xf32, #tpu.memory_space<vmem>>
    tpu.enqueue_dma source(%dma_start3A_1245 : memref<50x64xf32, #tpu.memory_space<vmem>>) target(%dma_start3A_1242 : memref<50x64xf32, #tpu.memory_space<hbm>>) target_semaphore(%arg23 : memref<!tpu.dma_semaphore, #tpu.memory_space<semaphore_mem>>)
    %add3A_1246 = arith.constant 84 : i32
    %add3A_1247 = arith.addi %mul3A_2, %add3A_1246 : i32
    %add3A_1248 = arith.constant 0 : i32
    %add3A_1249 = arith.addi %add3A_1247, %add3A_1248 : i32
    %dma_wait3A_1250 = arith.constant 0 : i32
    %dma_wait3A_1251 = arith.constant 0 : i32
    %dma_wait3A_1252 = tpu.memref_slice %arg11[%dma_wait3A_1250, %dma_wait3A_1251] : memref<200x64xf32, #tpu.memory_space<vmem>> -> memref<50x64xf32, #tpu.memory_space<vmem>>
    %dma_wait3A_1253 = arith.constant 0 : i32
    %dma_wait3A_1254 = arith.constant 0 : i32
    %dma_wait3A_1255 = tpu.memref_slice %arg4[%add3A_1249, %dma_wait3A_1253, %dma_wait3A_1254] : memref<4096x50x64xf32, #tpu.memory_space<hbm>> -> memref<1x50x64xf32, #tpu.memory_space<hbm>>
    %dma_wait3A_1256 = tpu.memref_squeeze %dma_wait3A_1255 : memref<1x50x64xf32, #tpu.memory_space<hbm>> -> memref<50x64xf32, #tpu.memory_space<hbm>>
    %dma_wait3A_1257 = arith.constant 0 : i32
    %dma_wait3A_1258 = arith.constant 0 : i32
    %dma_wait3A_1259 = tpu.memref_slice %arg4[%add3A_1249, %dma_wait3A_1257, %dma_wait3A_1258] : memref<4096x50x64xf32, #tpu.memory_space<hbm>> -> memref<1x50x64xf32, #tpu.memory_space<hbm>>
    %dma_wait3A_1260 = tpu.memref_squeeze %dma_wait3A_1259 : memref<1x50x64xf32, #tpu.memory_space<hbm>> -> memref<50x64xf32, #tpu.memory_space<hbm>>
    %dma_wait3A_1261 = arith.constant 0 : i32
    %dma_wait3A_1262 = arith.constant 0 : i32
    %dma_wait3A_1263 = tpu.memref_slice %arg11[%dma_wait3A_1261, %dma_wait3A_1262] : memref<200x64xf32, #tpu.memory_space<vmem>> -> memref<50x64xf32, #tpu.memory_space<vmem>>
    tpu.wait_dma2 semaphore(%arg27 : memref<!tpu.dma_semaphore, #tpu.memory_space<semaphore_mem>>) src(%dma_wait3A_1263 : memref<50x64xf32, #tpu.memory_space<vmem>>) dst(%dma_wait3A_1260 : memref<50x64xf32, #tpu.memory_space<hbm>>)
    %add3A_1264 = arith.constant 84 : i32
    %add3A_1265 = arith.addi %mul3A_2, %add3A_1264 : i32
    %add3A_1266 = arith.constant 1 : i32
    %add3A_1267 = arith.addi %add3A_1265, %add3A_1266 : i32
    %dma_wait3A_1268 = arith.constant 50 : i32
    %dma_wait3A_1269 = arith.constant 0 : i32
    %dma_wait3A_1270 = tpu.memref_slice %arg11[%dma_wait3A_1268, %dma_wait3A_1269] : memref<200x64xf32, #tpu.memory_space<vmem>> -> memref<50x64xf32, #tpu.memory_space<vmem>>
    %dma_wait3A_1271 = arith.constant 0 : i32
    %dma_wait3A_1272 = arith.constant 0 : i32
    %dma_wait3A_1273 = tpu.memref_slice %arg4[%add3A_1267, %dma_wait3A_1271, %dma_wait3A_1272] : memref<4096x50x64xf32, #tpu.memory_space<hbm>> -> memref<1x50x64xf32, #tpu.memory_space<hbm>>
    %dma_wait3A_1274 = tpu.memref_squeeze %dma_wait3A_1273 : memref<1x50x64xf32, #tpu.memory_space<hbm>> -> memref<50x64xf32, #tpu.memory_space<hbm>>
    %dma_wait3A_1275 = arith.constant 0 : i32
    %dma_wait3A_1276 = arith.constant 0 : i32
    %dma_wait3A_1277 = tpu.memref_slice %arg4[%add3A_1267, %dma_wait3A_1275, %dma_wait3A_1276] : memref<4096x50x64xf32, #tpu.memory_space<hbm>> -> memref<1x50x64xf32, #tpu.memory_space<hbm>>
    %dma_wait3A_1278 = tpu.memref_squeeze %dma_wait3A_1277 : memref<1x50x64xf32, #tpu.memory_space<hbm>> -> memref<50x64xf32, #tpu.memory_space<hbm>>
    %dma_wait3A_1279 = arith.constant 50 : i32
    %dma_wait3A_1280 = arith.constant 0 : i32
    %dma_wait3A_1281 = tpu.memref_slice %arg11[%dma_wait3A_1279, %dma_wait3A_1280] : memref<200x64xf32, #tpu.memory_space<vmem>> -> memref<50x64xf32, #tpu.memory_space<vmem>>
    tpu.wait_dma2 semaphore(%arg27 : memref<!tpu.dma_semaphore, #tpu.memory_space<semaphore_mem>>) src(%dma_wait3A_1281 : memref<50x64xf32, #tpu.memory_space<vmem>>) dst(%dma_wait3A_1278 : memref<50x64xf32, #tpu.memory_space<hbm>>)
    %add3A_1282 = arith.constant 84 : i32
    %add3A_1283 = arith.addi %mul3A_2, %add3A_1282 : i32
    %add3A_1284 = arith.constant 2 : i32
    %add3A_1285 = arith.addi %add3A_1283, %add3A_1284 : i32
    %dma_wait3A_1286 = arith.constant 100 : i32
    %dma_wait3A_1287 = arith.constant 0 : i32
    %dma_wait3A_1288 = tpu.memref_slice %arg11[%dma_wait3A_1286, %dma_wait3A_1287] : memref<200x64xf32, #tpu.memory_space<vmem>> -> memref<50x64xf32, #tpu.memory_space<vmem>>
    %dma_wait3A_1289 = arith.constant 0 : i32
    %dma_wait3A_1290 = arith.constant 0 : i32
    %dma_wait3A_1291 = tpu.memref_slice %arg4[%add3A_1285, %dma_wait3A_1289, %dma_wait3A_1290] : memref<4096x50x64xf32, #tpu.memory_space<hbm>> -> memref<1x50x64xf32, #tpu.memory_space<hbm>>
    %dma_wait3A_1292 = tpu.memref_squeeze %dma_wait3A_1291 : memref<1x50x64xf32, #tpu.memory_space<hbm>> -> memref<50x64xf32, #tpu.memory_space<hbm>>
    %dma_wait3A_1293 = arith.constant 0 : i32
    %dma_wait3A_1294 = arith.constant 0 : i32
    %dma_wait3A_1295 = tpu.memref_slice %arg4[%add3A_1285, %dma_wait3A_1293, %dma_wait3A_1294] : memref<4096x50x64xf32, #tpu.memory_space<hbm>> -> memref<1x50x64xf32, #tpu.memory_space<hbm>>
    %dma_wait3A_1296 = tpu.memref_squeeze %dma_wait3A_1295 : memref<1x50x64xf32, #tpu.memory_space<hbm>> -> memref<50x64xf32, #tpu.memory_space<hbm>>
    %dma_wait3A_1297 = arith.constant 100 : i32
    %dma_wait3A_1298 = arith.constant 0 : i32
    %dma_wait3A_1299 = tpu.memref_slice %arg11[%dma_wait3A_1297, %dma_wait3A_1298] : memref<200x64xf32, #tpu.memory_space<vmem>> -> memref<50x64xf32, #tpu.memory_space<vmem>>
    tpu.wait_dma2 semaphore(%arg27 : memref<!tpu.dma_semaphore, #tpu.memory_space<semaphore_mem>>) src(%dma_wait3A_1299 : memref<50x64xf32, #tpu.memory_space<vmem>>) dst(%dma_wait3A_1296 : memref<50x64xf32, #tpu.memory_space<hbm>>)
    %add3A_1300 = arith.constant 84 : i32
    %add3A_1301 = arith.addi %mul3A_2, %add3A_1300 : i32
    %add3A_1302 = arith.constant 3 : i32
    %add3A_1303 = arith.addi %add3A_1301, %add3A_1302 : i32
    %dma_wait3A_1304 = arith.constant 150 : i32
    %dma_wait3A_1305 = arith.constant 0 : i32
    %dma_wait3A_1306 = tpu.memref_slice %arg11[%dma_wait3A_1304, %dma_wait3A_1305] : memref<200x64xf32, #tpu.memory_space<vmem>> -> memref<50x64xf32, #tpu.memory_space<vmem>>
    %dma_wait3A_1307 = arith.constant 0 : i32
    %dma_wait3A_1308 = arith.constant 0 : i32
    %dma_wait3A_1309 = tpu.memref_slice %arg4[%add3A_1303, %dma_wait3A_1307, %dma_wait3A_1308] : memref<4096x50x64xf32, #tpu.memory_space<hbm>> -> memref<1x50x64xf32, #tpu.memory_space<hbm>>
    %dma_wait3A_1310 = tpu.memref_squeeze %dma_wait3A_1309 : memref<1x50x64xf32, #tpu.memory_space<hbm>> -> memref<50x64xf32, #tpu.memory_space<hbm>>
    %dma_wait3A_1311 = arith.constant 0 : i32
    %dma_wait3A_1312 = arith.constant 0 : i32
    %dma_wait3A_1313 = tpu.memref_slice %arg4[%add3A_1303, %dma_wait3A_1311, %dma_wait3A_1312] : memref<4096x50x64xf32, #tpu.memory_space<hbm>> -> memref<1x50x64xf32, #tpu.memory_space<hbm>>
    %dma_wait3A_1314 = tpu.memref_squeeze %dma_wait3A_1313 : memref<1x50x64xf32, #tpu.memory_space<hbm>> -> memref<50x64xf32, #tpu.memory_space<hbm>>
    %dma_wait3A_1315 = arith.constant 150 : i32
    %dma_wait3A_1316 = arith.constant 0 : i32
    %dma_wait3A_1317 = tpu.memref_slice %arg11[%dma_wait3A_1315, %dma_wait3A_1316] : memref<200x64xf32, #tpu.memory_space<vmem>> -> memref<50x64xf32, #tpu.memory_space<vmem>>
    tpu.wait_dma2 semaphore(%arg27 : memref<!tpu.dma_semaphore, #tpu.memory_space<semaphore_mem>>) src(%dma_wait3A_1317 : memref<50x64xf32, #tpu.memory_space<vmem>>) dst(%dma_wait3A_1314 : memref<50x64xf32, #tpu.memory_space<hbm>>)
    %dma_start3A_1318 = arith.constant 29 : i32
    %dma_start3A_1319 = arith.constant 0 : i32
    %dma_start3A_1320 = tpu.memref_slice %arg5[%dma_start3A_1318, %dma_start3A_1319] : memref<32x200xi32, #tpu.memory_space<vmem>> -> memref<1x200xi32, #tpu.memory_space<vmem>>
    %dma_start3A_1321 = tpu.memref_squeeze %dma_start3A_1320 : memref<1x200xi32, #tpu.memory_space<vmem>> -> memref<200xi32, #tpu.memory_space<vmem>>
    %dma_start3A_1322 = arith.constant 0 : i32
    %dma_start3A_1323 = arith.constant 0 : i32
    %dma_start3A_1324 = tpu.memref_slice %arg2[%dma_start3A_1322, %dma_start3A_1323] : memref<100000x64xf32, #tpu.memory_space<hbm>> -> memref<100000x64xf32, #tpu.memory_space<hbm>>
    tpu.enqueue_indirect_dma source(%dma_start3A_1324 : memref<100000x64xf32, #tpu.memory_space<hbm>>) target(%arg11 : memref<200x64xf32, #tpu.memory_space<vmem>>) offsets(%dma_start3A_1321 : memref<200xi32, #tpu.memory_space<vmem>>) semaphore(%arg19 : memref<!tpu.dma_semaphore, #tpu.memory_space<semaphore_mem>>)
    %dma_wait3A_1325 = arith.constant 26 : i32
    %dma_wait3A_1326 = arith.constant 0 : i32
    %dma_wait3A_1327 = tpu.memref_slice %arg5[%dma_wait3A_1325, %dma_wait3A_1326] : memref<32x200xi32, #tpu.memory_space<vmem>> -> memref<1x200xi32, #tpu.memory_space<vmem>>
    %dma_wait3A_1328 = tpu.memref_squeeze %dma_wait3A_1327 : memref<1x200xi32, #tpu.memory_space<vmem>> -> memref<200xi32, #tpu.memory_space<vmem>>
    %dma_wait3A_1329 = arith.constant 0 : i32
    %dma_wait3A_1330 = arith.constant 0 : i32
    %dma_wait3A_1331 = tpu.memref_slice %arg2[%dma_wait3A_1329, %dma_wait3A_1330] : memref<100000x64xf32, #tpu.memory_space<hbm>> -> memref<100000x64xf32, #tpu.memory_space<hbm>>
    tpu.wait_indirect_dma semaphore(%arg16 : memref<!tpu.dma_semaphore, #tpu.memory_space<semaphore_mem>>) src(%dma_wait3A_1331 : memref<100000x64xf32, #tpu.memory_space<hbm>>) dst(%arg8 : memref<200x64xf32, #tpu.memory_space<vmem>>)
    %add3A_1332 = arith.constant 104 : i32
    %add3A_1333 = arith.addi %mul3A_2, %add3A_1332 : i32
    %add3A_1334 = arith.constant 0 : i32
    %add3A_1335 = arith.addi %add3A_1333, %add3A_1334 : i32
    %dma_start3A_1336 = arith.constant 0 : i32
    %dma_start3A_1337 = arith.constant 0 : i32
    %dma_start3A_1338 = tpu.memref_slice %arg8[%dma_start3A_1336, %dma_start3A_1337] : memref<200x64xf32, #tpu.memory_space<vmem>> -> memref<50x64xf32, #tpu.memory_space<vmem>>
    %dma_start3A_1339 = arith.constant 0 : i32
    %dma_start3A_1340 = arith.constant 0 : i32
    %dma_start3A_1341 = tpu.memref_slice %arg4[%add3A_1335, %dma_start3A_1339, %dma_start3A_1340] : memref<4096x50x64xf32, #tpu.memory_space<hbm>> -> memref<1x50x64xf32, #tpu.memory_space<hbm>>
    %dma_start3A_1342 = tpu.memref_squeeze %dma_start3A_1341 : memref<1x50x64xf32, #tpu.memory_space<hbm>> -> memref<50x64xf32, #tpu.memory_space<hbm>>
    %dma_start3A_1343 = arith.constant 0 : i32
    %dma_start3A_1344 = arith.constant 0 : i32
    %dma_start3A_1345 = tpu.memref_slice %arg4[%add3A_1335, %dma_start3A_1343, %dma_start3A_1344] : memref<4096x50x64xf32, #tpu.memory_space<hbm>> -> memref<1x50x64xf32, #tpu.memory_space<hbm>>
    %dma_start3A_1346 = tpu.memref_squeeze %dma_start3A_1345 : memref<1x50x64xf32, #tpu.memory_space<hbm>> -> memref<50x64xf32, #tpu.memory_space<hbm>>
    %dma_start3A_1347 = arith.constant 0 : i32
    %dma_start3A_1348 = arith.constant 0 : i32
    %dma_start3A_1349 = tpu.memref_slice %arg8[%dma_start3A_1347, %dma_start3A_1348] : memref<200x64xf32, #tpu.memory_space<vmem>> -> memref<50x64xf32, #tpu.memory_space<vmem>>
    tpu.enqueue_dma source(%dma_start3A_1349 : memref<50x64xf32, #tpu.memory_space<vmem>>) target(%dma_start3A_1346 : memref<50x64xf32, #tpu.memory_space<hbm>>) target_semaphore(%arg24 : memref<!tpu.dma_semaphore, #tpu.memory_space<semaphore_mem>>)
    %add3A_1350 = arith.constant 104 : i32
    %add3A_1351 = arith.addi %mul3A_2, %add3A_1350 : i32
    %add3A_1352 = arith.constant 1 : i32
    %add3A_1353 = arith.addi %add3A_1351, %add3A_1352 : i32
    %dma_start3A_1354 = arith.constant 50 : i32
    %dma_start3A_1355 = arith.constant 0 : i32
    %dma_start3A_1356 = tpu.memref_slice %arg8[%dma_start3A_1354, %dma_start3A_1355] : memref<200x64xf32, #tpu.memory_space<vmem>> -> memref<50x64xf32, #tpu.memory_space<vmem>>
    %dma_start3A_1357 = arith.constant 0 : i32
    %dma_start3A_1358 = arith.constant 0 : i32
    %dma_start3A_1359 = tpu.memref_slice %arg4[%add3A_1353, %dma_start3A_1357, %dma_start3A_1358] : memref<4096x50x64xf32, #tpu.memory_space<hbm>> -> memref<1x50x64xf32, #tpu.memory_space<hbm>>
    %dma_start3A_1360 = tpu.memref_squeeze %dma_start3A_1359 : memref<1x50x64xf32, #tpu.memory_space<hbm>> -> memref<50x64xf32, #tpu.memory_space<hbm>>
    %dma_start3A_1361 = arith.constant 0 : i32
    %dma_start3A_1362 = arith.constant 0 : i32
    %dma_start3A_1363 = tpu.memref_slice %arg4[%add3A_1353, %dma_start3A_1361, %dma_start3A_1362] : memref<4096x50x64xf32, #tpu.memory_space<hbm>> -> memref<1x50x64xf32, #tpu.memory_space<hbm>>
    %dma_start3A_1364 = tpu.memref_squeeze %dma_start3A_1363 : memref<1x50x64xf32, #tpu.memory_space<hbm>> -> memref<50x64xf32, #tpu.memory_space<hbm>>
    %dma_start3A_1365 = arith.constant 50 : i32
    %dma_start3A_1366 = arith.constant 0 : i32
    %dma_start3A_1367 = tpu.memref_slice %arg8[%dma_start3A_1365, %dma_start3A_1366] : memref<200x64xf32, #tpu.memory_space<vmem>> -> memref<50x64xf32, #tpu.memory_space<vmem>>
    tpu.enqueue_dma source(%dma_start3A_1367 : memref<50x64xf32, #tpu.memory_space<vmem>>) target(%dma_start3A_1364 : memref<50x64xf32, #tpu.memory_space<hbm>>) target_semaphore(%arg24 : memref<!tpu.dma_semaphore, #tpu.memory_space<semaphore_mem>>)
    %add3A_1368 = arith.constant 104 : i32
    %add3A_1369 = arith.addi %mul3A_2, %add3A_1368 : i32
    %add3A_1370 = arith.constant 2 : i32
    %add3A_1371 = arith.addi %add3A_1369, %add3A_1370 : i32
    %dma_start3A_1372 = arith.constant 100 : i32
    %dma_start3A_1373 = arith.constant 0 : i32
    %dma_start3A_1374 = tpu.memref_slice %arg8[%dma_start3A_1372, %dma_start3A_1373] : memref<200x64xf32, #tpu.memory_space<vmem>> -> memref<50x64xf32, #tpu.memory_space<vmem>>
    %dma_start3A_1375 = arith.constant 0 : i32
    %dma_start3A_1376 = arith.constant 0 : i32
    %dma_start3A_1377 = tpu.memref_slice %arg4[%add3A_1371, %dma_start3A_1375, %dma_start3A_1376] : memref<4096x50x64xf32, #tpu.memory_space<hbm>> -> memref<1x50x64xf32, #tpu.memory_space<hbm>>
    %dma_start3A_1378 = tpu.memref_squeeze %dma_start3A_1377 : memref<1x50x64xf32, #tpu.memory_space<hbm>> -> memref<50x64xf32, #tpu.memory_space<hbm>>
    %dma_start3A_1379 = arith.constant 0 : i32
    %dma_start3A_1380 = arith.constant 0 : i32
    %dma_start3A_1381 = tpu.memref_slice %arg4[%add3A_1371, %dma_start3A_1379, %dma_start3A_1380] : memref<4096x50x64xf32, #tpu.memory_space<hbm>> -> memref<1x50x64xf32, #tpu.memory_space<hbm>>
    %dma_start3A_1382 = tpu.memref_squeeze %dma_start3A_1381 : memref<1x50x64xf32, #tpu.memory_space<hbm>> -> memref<50x64xf32, #tpu.memory_space<hbm>>
    %dma_start3A_1383 = arith.constant 100 : i32
    %dma_start3A_1384 = arith.constant 0 : i32
    %dma_start3A_1385 = tpu.memref_slice %arg8[%dma_start3A_1383, %dma_start3A_1384] : memref<200x64xf32, #tpu.memory_space<vmem>> -> memref<50x64xf32, #tpu.memory_space<vmem>>
    tpu.enqueue_dma source(%dma_start3A_1385 : memref<50x64xf32, #tpu.memory_space<vmem>>) target(%dma_start3A_1382 : memref<50x64xf32, #tpu.memory_space<hbm>>) target_semaphore(%arg24 : memref<!tpu.dma_semaphore, #tpu.memory_space<semaphore_mem>>)
    %add3A_1386 = arith.constant 104 : i32
    %add3A_1387 = arith.addi %mul3A_2, %add3A_1386 : i32
    %add3A_1388 = arith.constant 3 : i32
    %add3A_1389 = arith.addi %add3A_1387, %add3A_1388 : i32
    %dma_start3A_1390 = arith.constant 150 : i32
    %dma_start3A_1391 = arith.constant 0 : i32
    %dma_start3A_1392 = tpu.memref_slice %arg8[%dma_start3A_1390, %dma_start3A_1391] : memref<200x64xf32, #tpu.memory_space<vmem>> -> memref<50x64xf32, #tpu.memory_space<vmem>>
    %dma_start3A_1393 = arith.constant 0 : i32
    %dma_start3A_1394 = arith.constant 0 : i32
    %dma_start3A_1395 = tpu.memref_slice %arg4[%add3A_1389, %dma_start3A_1393, %dma_start3A_1394] : memref<4096x50x64xf32, #tpu.memory_space<hbm>> -> memref<1x50x64xf32, #tpu.memory_space<hbm>>
    %dma_start3A_1396 = tpu.memref_squeeze %dma_start3A_1395 : memref<1x50x64xf32, #tpu.memory_space<hbm>> -> memref<50x64xf32, #tpu.memory_space<hbm>>
    %dma_start3A_1397 = arith.constant 0 : i32
    %dma_start3A_1398 = arith.constant 0 : i32
    %dma_start3A_1399 = tpu.memref_slice %arg4[%add3A_1389, %dma_start3A_1397, %dma_start3A_1398] : memref<4096x50x64xf32, #tpu.memory_space<hbm>> -> memref<1x50x64xf32, #tpu.memory_space<hbm>>
    %dma_start3A_1400 = tpu.memref_squeeze %dma_start3A_1399 : memref<1x50x64xf32, #tpu.memory_space<hbm>> -> memref<50x64xf32, #tpu.memory_space<hbm>>
    %dma_start3A_1401 = arith.constant 150 : i32
    %dma_start3A_1402 = arith.constant 0 : i32
    %dma_start3A_1403 = tpu.memref_slice %arg8[%dma_start3A_1401, %dma_start3A_1402] : memref<200x64xf32, #tpu.memory_space<vmem>> -> memref<50x64xf32, #tpu.memory_space<vmem>>
    tpu.enqueue_dma source(%dma_start3A_1403 : memref<50x64xf32, #tpu.memory_space<vmem>>) target(%dma_start3A_1400 : memref<50x64xf32, #tpu.memory_space<hbm>>) target_semaphore(%arg24 : memref<!tpu.dma_semaphore, #tpu.memory_space<semaphore_mem>>)
    %add3A_1404 = arith.constant 88 : i32
    %add3A_1405 = arith.addi %mul3A_2, %add3A_1404 : i32
    %add3A_1406 = arith.constant 0 : i32
    %add3A_1407 = arith.addi %add3A_1405, %add3A_1406 : i32
    %dma_wait3A_1408 = arith.constant 0 : i32
    %dma_wait3A_1409 = arith.constant 0 : i32
    %dma_wait3A_1410 = tpu.memref_slice %arg12[%dma_wait3A_1408, %dma_wait3A_1409] : memref<200x64xf32, #tpu.memory_space<vmem>> -> memref<50x64xf32, #tpu.memory_space<vmem>>
    %dma_wait3A_1411 = arith.constant 0 : i32
    %dma_wait3A_1412 = arith.constant 0 : i32
    %dma_wait3A_1413 = tpu.memref_slice %arg4[%add3A_1407, %dma_wait3A_1411, %dma_wait3A_1412] : memref<4096x50x64xf32, #tpu.memory_space<hbm>> -> memref<1x50x64xf32, #tpu.memory_space<hbm>>
    %dma_wait3A_1414 = tpu.memref_squeeze %dma_wait3A_1413 : memref<1x50x64xf32, #tpu.memory_space<hbm>> -> memref<50x64xf32, #tpu.memory_space<hbm>>
    %dma_wait3A_1415 = arith.constant 0 : i32
    %dma_wait3A_1416 = arith.constant 0 : i32
    %dma_wait3A_1417 = tpu.memref_slice %arg4[%add3A_1407, %dma_wait3A_1415, %dma_wait3A_1416] : memref<4096x50x64xf32, #tpu.memory_space<hbm>> -> memref<1x50x64xf32, #tpu.memory_space<hbm>>
    %dma_wait3A_1418 = tpu.memref_squeeze %dma_wait3A_1417 : memref<1x50x64xf32, #tpu.memory_space<hbm>> -> memref<50x64xf32, #tpu.memory_space<hbm>>
    %dma_wait3A_1419 = arith.constant 0 : i32
    %dma_wait3A_1420 = arith.constant 0 : i32
    %dma_wait3A_1421 = tpu.memref_slice %arg12[%dma_wait3A_1419, %dma_wait3A_1420] : memref<200x64xf32, #tpu.memory_space<vmem>> -> memref<50x64xf32, #tpu.memory_space<vmem>>
    tpu.wait_dma2 semaphore(%arg28 : memref<!tpu.dma_semaphore, #tpu.memory_space<semaphore_mem>>) src(%dma_wait3A_1421 : memref<50x64xf32, #tpu.memory_space<vmem>>) dst(%dma_wait3A_1418 : memref<50x64xf32, #tpu.memory_space<hbm>>)
    %add3A_1422 = arith.constant 88 : i32
    %add3A_1423 = arith.addi %mul3A_2, %add3A_1422 : i32
    %add3A_1424 = arith.constant 1 : i32
    %add3A_1425 = arith.addi %add3A_1423, %add3A_1424 : i32
    %dma_wait3A_1426 = arith.constant 50 : i32
    %dma_wait3A_1427 = arith.constant 0 : i32
    %dma_wait3A_1428 = tpu.memref_slice %arg12[%dma_wait3A_1426, %dma_wait3A_1427] : memref<200x64xf32, #tpu.memory_space<vmem>> -> memref<50x64xf32, #tpu.memory_space<vmem>>
    %dma_wait3A_1429 = arith.constant 0 : i32
    %dma_wait3A_1430 = arith.constant 0 : i32
    %dma_wait3A_1431 = tpu.memref_slice %arg4[%add3A_1425, %dma_wait3A_1429, %dma_wait3A_1430] : memref<4096x50x64xf32, #tpu.memory_space<hbm>> -> memref<1x50x64xf32, #tpu.memory_space<hbm>>
    %dma_wait3A_1432 = tpu.memref_squeeze %dma_wait3A_1431 : memref<1x50x64xf32, #tpu.memory_space<hbm>> -> memref<50x64xf32, #tpu.memory_space<hbm>>
    %dma_wait3A_1433 = arith.constant 0 : i32
    %dma_wait3A_1434 = arith.constant 0 : i32
    %dma_wait3A_1435 = tpu.memref_slice %arg4[%add3A_1425, %dma_wait3A_1433, %dma_wait3A_1434] : memref<4096x50x64xf32, #tpu.memory_space<hbm>> -> memref<1x50x64xf32, #tpu.memory_space<hbm>>
    %dma_wait3A_1436 = tpu.memref_squeeze %dma_wait3A_1435 : memref<1x50x64xf32, #tpu.memory_space<hbm>> -> memref<50x64xf32, #tpu.memory_space<hbm>>
    %dma_wait3A_1437 = arith.constant 50 : i32
    %dma_wait3A_1438 = arith.constant 0 : i32
    %dma_wait3A_1439 = tpu.memref_slice %arg12[%dma_wait3A_1437, %dma_wait3A_1438] : memref<200x64xf32, #tpu.memory_space<vmem>> -> memref<50x64xf32, #tpu.memory_space<vmem>>
    tpu.wait_dma2 semaphore(%arg28 : memref<!tpu.dma_semaphore, #tpu.memory_space<semaphore_mem>>) src(%dma_wait3A_1439 : memref<50x64xf32, #tpu.memory_space<vmem>>) dst(%dma_wait3A_1436 : memref<50x64xf32, #tpu.memory_space<hbm>>)
    %add3A_1440 = arith.constant 88 : i32
    %add3A_1441 = arith.addi %mul3A_2, %add3A_1440 : i32
    %add3A_1442 = arith.constant 2 : i32
    %add3A_1443 = arith.addi %add3A_1441, %add3A_1442 : i32
    %dma_wait3A_1444 = arith.constant 100 : i32
    %dma_wait3A_1445 = arith.constant 0 : i32
    %dma_wait3A_1446 = tpu.memref_slice %arg12[%dma_wait3A_1444, %dma_wait3A_1445] : memref<200x64xf32, #tpu.memory_space<vmem>> -> memref<50x64xf32, #tpu.memory_space<vmem>>
    %dma_wait3A_1447 = arith.constant 0 : i32
    %dma_wait3A_1448 = arith.constant 0 : i32
    %dma_wait3A_1449 = tpu.memref_slice %arg4[%add3A_1443, %dma_wait3A_1447, %dma_wait3A_1448] : memref<4096x50x64xf32, #tpu.memory_space<hbm>> -> memref<1x50x64xf32, #tpu.memory_space<hbm>>
    %dma_wait3A_1450 = tpu.memref_squeeze %dma_wait3A_1449 : memref<1x50x64xf32, #tpu.memory_space<hbm>> -> memref<50x64xf32, #tpu.memory_space<hbm>>
    %dma_wait3A_1451 = arith.constant 0 : i32
    %dma_wait3A_1452 = arith.constant 0 : i32
    %dma_wait3A_1453 = tpu.memref_slice %arg4[%add3A_1443, %dma_wait3A_1451, %dma_wait3A_1452] : memref<4096x50x64xf32, #tpu.memory_space<hbm>> -> memref<1x50x64xf32, #tpu.memory_space<hbm>>
    %dma_wait3A_1454 = tpu.memref_squeeze %dma_wait3A_1453 : memref<1x50x64xf32, #tpu.memory_space<hbm>> -> memref<50x64xf32, #tpu.memory_space<hbm>>
    %dma_wait3A_1455 = arith.constant 100 : i32
    %dma_wait3A_1456 = arith.constant 0 : i32
    %dma_wait3A_1457 = tpu.memref_slice %arg12[%dma_wait3A_1455, %dma_wait3A_1456] : memref<200x64xf32, #tpu.memory_space<vmem>> -> memref<50x64xf32, #tpu.memory_space<vmem>>
    tpu.wait_dma2 semaphore(%arg28 : memref<!tpu.dma_semaphore, #tpu.memory_space<semaphore_mem>>) src(%dma_wait3A_1457 : memref<50x64xf32, #tpu.memory_space<vmem>>) dst(%dma_wait3A_1454 : memref<50x64xf32, #tpu.memory_space<hbm>>)
    %add3A_1458 = arith.constant 88 : i32
    %add3A_1459 = arith.addi %mul3A_2, %add3A_1458 : i32
    %add3A_1460 = arith.constant 3 : i32
    %add3A_1461 = arith.addi %add3A_1459, %add3A_1460 : i32
    %dma_wait3A_1462 = arith.constant 150 : i32
    %dma_wait3A_1463 = arith.constant 0 : i32
    %dma_wait3A_1464 = tpu.memref_slice %arg12[%dma_wait3A_1462, %dma_wait3A_1463] : memref<200x64xf32, #tpu.memory_space<vmem>> -> memref<50x64xf32, #tpu.memory_space<vmem>>
    %dma_wait3A_1465 = arith.constant 0 : i32
    %dma_wait3A_1466 = arith.constant 0 : i32
    %dma_wait3A_1467 = tpu.memref_slice %arg4[%add3A_1461, %dma_wait3A_1465, %dma_wait3A_1466] : memref<4096x50x64xf32, #tpu.memory_space<hbm>> -> memref<1x50x64xf32, #tpu.memory_space<hbm>>
    %dma_wait3A_1468 = tpu.memref_squeeze %dma_wait3A_1467 : memref<1x50x64xf32, #tpu.memory_space<hbm>> -> memref<50x64xf32, #tpu.memory_space<hbm>>
    %dma_wait3A_1469 = arith.constant 0 : i32
    %dma_wait3A_1470 = arith.constant 0 : i32
    %dma_wait3A_1471 = tpu.memref_slice %arg4[%add3A_1461, %dma_wait3A_1469, %dma_wait3A_1470] : memref<4096x50x64xf32, #tpu.memory_space<hbm>> -> memref<1x50x64xf32, #tpu.memory_space<hbm>>
    %dma_wait3A_1472 = tpu.memref_squeeze %dma_wait3A_1471 : memref<1x50x64xf32, #tpu.memory_space<hbm>> -> memref<50x64xf32, #tpu.memory_space<hbm>>
    %dma_wait3A_1473 = arith.constant 150 : i32
    %dma_wait3A_1474 = arith.constant 0 : i32
    %dma_wait3A_1475 = tpu.memref_slice %arg12[%dma_wait3A_1473, %dma_wait3A_1474] : memref<200x64xf32, #tpu.memory_space<vmem>> -> memref<50x64xf32, #tpu.memory_space<vmem>>
    tpu.wait_dma2 semaphore(%arg28 : memref<!tpu.dma_semaphore, #tpu.memory_space<semaphore_mem>>) src(%dma_wait3A_1475 : memref<50x64xf32, #tpu.memory_space<vmem>>) dst(%dma_wait3A_1472 : memref<50x64xf32, #tpu.memory_space<hbm>>)
    %dma_start3A_1476 = arith.constant 30 : i32
    %dma_start3A_1477 = arith.constant 0 : i32
    %dma_start3A_1478 = tpu.memref_slice %arg5[%dma_start3A_1476, %dma_start3A_1477] : memref<32x200xi32, #tpu.memory_space<vmem>> -> memref<1x200xi32, #tpu.memory_space<vmem>>
    %dma_start3A_1479 = tpu.memref_squeeze %dma_start3A_1478 : memref<1x200xi32, #tpu.memory_space<vmem>> -> memref<200xi32, #tpu.memory_space<vmem>>
    %dma_start3A_1480 = arith.constant 0 : i32
    %dma_start3A_1481 = arith.constant 0 : i32
    %dma_start3A_1482 = tpu.memref_slice %arg2[%dma_start3A_1480, %dma_start3A_1481] : memref<100000x64xf32, #tpu.memory_space<hbm>> -> memref<100000x64xf32, #tpu.memory_space<hbm>>
    tpu.enqueue_indirect_dma source(%dma_start3A_1482 : memref<100000x64xf32, #tpu.memory_space<hbm>>) target(%arg12 : memref<200x64xf32, #tpu.memory_space<vmem>>) offsets(%dma_start3A_1479 : memref<200xi32, #tpu.memory_space<vmem>>) semaphore(%arg20 : memref<!tpu.dma_semaphore, #tpu.memory_space<semaphore_mem>>)
    %dma_wait3A_1483 = arith.constant 27 : i32
    %dma_wait3A_1484 = arith.constant 0 : i32
    %dma_wait3A_1485 = tpu.memref_slice %arg5[%dma_wait3A_1483, %dma_wait3A_1484] : memref<32x200xi32, #tpu.memory_space<vmem>> -> memref<1x200xi32, #tpu.memory_space<vmem>>
    %dma_wait3A_1486 = tpu.memref_squeeze %dma_wait3A_1485 : memref<1x200xi32, #tpu.memory_space<vmem>> -> memref<200xi32, #tpu.memory_space<vmem>>
    %dma_wait3A_1487 = arith.constant 0 : i32
    %dma_wait3A_1488 = arith.constant 0 : i32
    %dma_wait3A_1489 = tpu.memref_slice %arg2[%dma_wait3A_1487, %dma_wait3A_1488] : memref<100000x64xf32, #tpu.memory_space<hbm>> -> memref<100000x64xf32, #tpu.memory_space<hbm>>
    tpu.wait_indirect_dma semaphore(%arg17 : memref<!tpu.dma_semaphore, #tpu.memory_space<semaphore_mem>>) src(%dma_wait3A_1489 : memref<100000x64xf32, #tpu.memory_space<hbm>>) dst(%arg9 : memref<200x64xf32, #tpu.memory_space<vmem>>)
    %add3A_1490 = arith.constant 108 : i32
    %add3A_1491 = arith.addi %mul3A_2, %add3A_1490 : i32
    %add3A_1492 = arith.constant 0 : i32
    %add3A_1493 = arith.addi %add3A_1491, %add3A_1492 : i32
    %dma_start3A_1494 = arith.constant 0 : i32
    %dma_start3A_1495 = arith.constant 0 : i32
    %dma_start3A_1496 = tpu.memref_slice %arg9[%dma_start3A_1494, %dma_start3A_1495] : memref<200x64xf32, #tpu.memory_space<vmem>> -> memref<50x64xf32, #tpu.memory_space<vmem>>
    %dma_start3A_1497 = arith.constant 0 : i32
    %dma_start3A_1498 = arith.constant 0 : i32
    %dma_start3A_1499 = tpu.memref_slice %arg4[%add3A_1493, %dma_start3A_1497, %dma_start3A_1498] : memref<4096x50x64xf32, #tpu.memory_space<hbm>> -> memref<1x50x64xf32, #tpu.memory_space<hbm>>
    %dma_start3A_1500 = tpu.memref_squeeze %dma_start3A_1499 : memref<1x50x64xf32, #tpu.memory_space<hbm>> -> memref<50x64xf32, #tpu.memory_space<hbm>>
    %dma_start3A_1501 = arith.constant 0 : i32
    %dma_start3A_1502 = arith.constant 0 : i32
    %dma_start3A_1503 = tpu.memref_slice %arg4[%add3A_1493, %dma_start3A_1501, %dma_start3A_1502] : memref<4096x50x64xf32, #tpu.memory_space<hbm>> -> memref<1x50x64xf32, #tpu.memory_space<hbm>>
    %dma_start3A_1504 = tpu.memref_squeeze %dma_start3A_1503 : memref<1x50x64xf32, #tpu.memory_space<hbm>> -> memref<50x64xf32, #tpu.memory_space<hbm>>
    %dma_start3A_1505 = arith.constant 0 : i32
    %dma_start3A_1506 = arith.constant 0 : i32
    %dma_start3A_1507 = tpu.memref_slice %arg9[%dma_start3A_1505, %dma_start3A_1506] : memref<200x64xf32, #tpu.memory_space<vmem>> -> memref<50x64xf32, #tpu.memory_space<vmem>>
    tpu.enqueue_dma source(%dma_start3A_1507 : memref<50x64xf32, #tpu.memory_space<vmem>>) target(%dma_start3A_1504 : memref<50x64xf32, #tpu.memory_space<hbm>>) target_semaphore(%arg25 : memref<!tpu.dma_semaphore, #tpu.memory_space<semaphore_mem>>)
    %add3A_1508 = arith.constant 108 : i32
    %add3A_1509 = arith.addi %mul3A_2, %add3A_1508 : i32
    %add3A_1510 = arith.constant 1 : i32
    %add3A_1511 = arith.addi %add3A_1509, %add3A_1510 : i32
    %dma_start3A_1512 = arith.constant 50 : i32
    %dma_start3A_1513 = arith.constant 0 : i32
    %dma_start3A_1514 = tpu.memref_slice %arg9[%dma_start3A_1512, %dma_start3A_1513] : memref<200x64xf32, #tpu.memory_space<vmem>> -> memref<50x64xf32, #tpu.memory_space<vmem>>
    %dma_start3A_1515 = arith.constant 0 : i32
    %dma_start3A_1516 = arith.constant 0 : i32
    %dma_start3A_1517 = tpu.memref_slice %arg4[%add3A_1511, %dma_start3A_1515, %dma_start3A_1516] : memref<4096x50x64xf32, #tpu.memory_space<hbm>> -> memref<1x50x64xf32, #tpu.memory_space<hbm>>
    %dma_start3A_1518 = tpu.memref_squeeze %dma_start3A_1517 : memref<1x50x64xf32, #tpu.memory_space<hbm>> -> memref<50x64xf32, #tpu.memory_space<hbm>>
    %dma_start3A_1519 = arith.constant 0 : i32
    %dma_start3A_1520 = arith.constant 0 : i32
    %dma_start3A_1521 = tpu.memref_slice %arg4[%add3A_1511, %dma_start3A_1519, %dma_start3A_1520] : memref<4096x50x64xf32, #tpu.memory_space<hbm>> -> memref<1x50x64xf32, #tpu.memory_space<hbm>>
    %dma_start3A_1522 = tpu.memref_squeeze %dma_start3A_1521 : memref<1x50x64xf32, #tpu.memory_space<hbm>> -> memref<50x64xf32, #tpu.memory_space<hbm>>
    %dma_start3A_1523 = arith.constant 50 : i32
    %dma_start3A_1524 = arith.constant 0 : i32
    %dma_start3A_1525 = tpu.memref_slice %arg9[%dma_start3A_1523, %dma_start3A_1524] : memref<200x64xf32, #tpu.memory_space<vmem>> -> memref<50x64xf32, #tpu.memory_space<vmem>>
    tpu.enqueue_dma source(%dma_start3A_1525 : memref<50x64xf32, #tpu.memory_space<vmem>>) target(%dma_start3A_1522 : memref<50x64xf32, #tpu.memory_space<hbm>>) target_semaphore(%arg25 : memref<!tpu.dma_semaphore, #tpu.memory_space<semaphore_mem>>)
    %add3A_1526 = arith.constant 108 : i32
    %add3A_1527 = arith.addi %mul3A_2, %add3A_1526 : i32
    %add3A_1528 = arith.constant 2 : i32
    %add3A_1529 = arith.addi %add3A_1527, %add3A_1528 : i32
    %dma_start3A_1530 = arith.constant 100 : i32
    %dma_start3A_1531 = arith.constant 0 : i32
    %dma_start3A_1532 = tpu.memref_slice %arg9[%dma_start3A_1530, %dma_start3A_1531] : memref<200x64xf32, #tpu.memory_space<vmem>> -> memref<50x64xf32, #tpu.memory_space<vmem>>
    %dma_start3A_1533 = arith.constant 0 : i32
    %dma_start3A_1534 = arith.constant 0 : i32
    %dma_start3A_1535 = tpu.memref_slice %arg4[%add3A_1529, %dma_start3A_1533, %dma_start3A_1534] : memref<4096x50x64xf32, #tpu.memory_space<hbm>> -> memref<1x50x64xf32, #tpu.memory_space<hbm>>
    %dma_start3A_1536 = tpu.memref_squeeze %dma_start3A_1535 : memref<1x50x64xf32, #tpu.memory_space<hbm>> -> memref<50x64xf32, #tpu.memory_space<hbm>>
    %dma_start3A_1537 = arith.constant 0 : i32
    %dma_start3A_1538 = arith.constant 0 : i32
    %dma_start3A_1539 = tpu.memref_slice %arg4[%add3A_1529, %dma_start3A_1537, %dma_start3A_1538] : memref<4096x50x64xf32, #tpu.memory_space<hbm>> -> memref<1x50x64xf32, #tpu.memory_space<hbm>>
    %dma_start3A_1540 = tpu.memref_squeeze %dma_start3A_1539 : memref<1x50x64xf32, #tpu.memory_space<hbm>> -> memref<50x64xf32, #tpu.memory_space<hbm>>
    %dma_start3A_1541 = arith.constant 100 : i32
    %dma_start3A_1542 = arith.constant 0 : i32
    %dma_start3A_1543 = tpu.memref_slice %arg9[%dma_start3A_1541, %dma_start3A_1542] : memref<200x64xf32, #tpu.memory_space<vmem>> -> memref<50x64xf32, #tpu.memory_space<vmem>>
    tpu.enqueue_dma source(%dma_start3A_1543 : memref<50x64xf32, #tpu.memory_space<vmem>>) target(%dma_start3A_1540 : memref<50x64xf32, #tpu.memory_space<hbm>>) target_semaphore(%arg25 : memref<!tpu.dma_semaphore, #tpu.memory_space<semaphore_mem>>)
    %add3A_1544 = arith.constant 108 : i32
    %add3A_1545 = arith.addi %mul3A_2, %add3A_1544 : i32
    %add3A_1546 = arith.constant 3 : i32
    %add3A_1547 = arith.addi %add3A_1545, %add3A_1546 : i32
    %dma_start3A_1548 = arith.constant 150 : i32
    %dma_start3A_1549 = arith.constant 0 : i32
    %dma_start3A_1550 = tpu.memref_slice %arg9[%dma_start3A_1548, %dma_start3A_1549] : memref<200x64xf32, #tpu.memory_space<vmem>> -> memref<50x64xf32, #tpu.memory_space<vmem>>
    %dma_start3A_1551 = arith.constant 0 : i32
    %dma_start3A_1552 = arith.constant 0 : i32
    %dma_start3A_1553 = tpu.memref_slice %arg4[%add3A_1547, %dma_start3A_1551, %dma_start3A_1552] : memref<4096x50x64xf32, #tpu.memory_space<hbm>> -> memref<1x50x64xf32, #tpu.memory_space<hbm>>
    %dma_start3A_1554 = tpu.memref_squeeze %dma_start3A_1553 : memref<1x50x64xf32, #tpu.memory_space<hbm>> -> memref<50x64xf32, #tpu.memory_space<hbm>>
    %dma_start3A_1555 = arith.constant 0 : i32
    %dma_start3A_1556 = arith.constant 0 : i32
    %dma_start3A_1557 = tpu.memref_slice %arg4[%add3A_1547, %dma_start3A_1555, %dma_start3A_1556] : memref<4096x50x64xf32, #tpu.memory_space<hbm>> -> memref<1x50x64xf32, #tpu.memory_space<hbm>>
    %dma_start3A_1558 = tpu.memref_squeeze %dma_start3A_1557 : memref<1x50x64xf32, #tpu.memory_space<hbm>> -> memref<50x64xf32, #tpu.memory_space<hbm>>
    %dma_start3A_1559 = arith.constant 150 : i32
    %dma_start3A_1560 = arith.constant 0 : i32
    %dma_start3A_1561 = tpu.memref_slice %arg9[%dma_start3A_1559, %dma_start3A_1560] : memref<200x64xf32, #tpu.memory_space<vmem>> -> memref<50x64xf32, #tpu.memory_space<vmem>>
    tpu.enqueue_dma source(%dma_start3A_1561 : memref<50x64xf32, #tpu.memory_space<vmem>>) target(%dma_start3A_1558 : memref<50x64xf32, #tpu.memory_space<hbm>>) target_semaphore(%arg25 : memref<!tpu.dma_semaphore, #tpu.memory_space<semaphore_mem>>)
    %add3A_1562 = arith.constant 92 : i32
    %add3A_1563 = arith.addi %mul3A_2, %add3A_1562 : i32
    %add3A_1564 = arith.constant 0 : i32
    %add3A_1565 = arith.addi %add3A_1563, %add3A_1564 : i32
    %dma_wait3A_1566 = arith.constant 0 : i32
    %dma_wait3A_1567 = arith.constant 0 : i32
    %dma_wait3A_1568 = tpu.memref_slice %arg13[%dma_wait3A_1566, %dma_wait3A_1567] : memref<200x64xf32, #tpu.memory_space<vmem>> -> memref<50x64xf32, #tpu.memory_space<vmem>>
    %dma_wait3A_1569 = arith.constant 0 : i32
    %dma_wait3A_1570 = arith.constant 0 : i32
    %dma_wait3A_1571 = tpu.memref_slice %arg4[%add3A_1565, %dma_wait3A_1569, %dma_wait3A_1570] : memref<4096x50x64xf32, #tpu.memory_space<hbm>> -> memref<1x50x64xf32, #tpu.memory_space<hbm>>
    %dma_wait3A_1572 = tpu.memref_squeeze %dma_wait3A_1571 : memref<1x50x64xf32, #tpu.memory_space<hbm>> -> memref<50x64xf32, #tpu.memory_space<hbm>>
    %dma_wait3A_1573 = arith.constant 0 : i32
    %dma_wait3A_1574 = arith.constant 0 : i32
    %dma_wait3A_1575 = tpu.memref_slice %arg4[%add3A_1565, %dma_wait3A_1573, %dma_wait3A_1574] : memref<4096x50x64xf32, #tpu.memory_space<hbm>> -> memref<1x50x64xf32, #tpu.memory_space<hbm>>
    %dma_wait3A_1576 = tpu.memref_squeeze %dma_wait3A_1575 : memref<1x50x64xf32, #tpu.memory_space<hbm>> -> memref<50x64xf32, #tpu.memory_space<hbm>>
    %dma_wait3A_1577 = arith.constant 0 : i32
    %dma_wait3A_1578 = arith.constant 0 : i32
    %dma_wait3A_1579 = tpu.memref_slice %arg13[%dma_wait3A_1577, %dma_wait3A_1578] : memref<200x64xf32, #tpu.memory_space<vmem>> -> memref<50x64xf32, #tpu.memory_space<vmem>>
    tpu.wait_dma2 semaphore(%arg29 : memref<!tpu.dma_semaphore, #tpu.memory_space<semaphore_mem>>) src(%dma_wait3A_1579 : memref<50x64xf32, #tpu.memory_space<vmem>>) dst(%dma_wait3A_1576 : memref<50x64xf32, #tpu.memory_space<hbm>>)
    %add3A_1580 = arith.constant 92 : i32
    %add3A_1581 = arith.addi %mul3A_2, %add3A_1580 : i32
    %add3A_1582 = arith.constant 1 : i32
    %add3A_1583 = arith.addi %add3A_1581, %add3A_1582 : i32
    %dma_wait3A_1584 = arith.constant 50 : i32
    %dma_wait3A_1585 = arith.constant 0 : i32
    %dma_wait3A_1586 = tpu.memref_slice %arg13[%dma_wait3A_1584, %dma_wait3A_1585] : memref<200x64xf32, #tpu.memory_space<vmem>> -> memref<50x64xf32, #tpu.memory_space<vmem>>
    %dma_wait3A_1587 = arith.constant 0 : i32
    %dma_wait3A_1588 = arith.constant 0 : i32
    %dma_wait3A_1589 = tpu.memref_slice %arg4[%add3A_1583, %dma_wait3A_1587, %dma_wait3A_1588] : memref<4096x50x64xf32, #tpu.memory_space<hbm>> -> memref<1x50x64xf32, #tpu.memory_space<hbm>>
    %dma_wait3A_1590 = tpu.memref_squeeze %dma_wait3A_1589 : memref<1x50x64xf32, #tpu.memory_space<hbm>> -> memref<50x64xf32, #tpu.memory_space<hbm>>
    %dma_wait3A_1591 = arith.constant 0 : i32
    %dma_wait3A_1592 = arith.constant 0 : i32
    %dma_wait3A_1593 = tpu.memref_slice %arg4[%add3A_1583, %dma_wait3A_1591, %dma_wait3A_1592] : memref<4096x50x64xf32, #tpu.memory_space<hbm>> -> memref<1x50x64xf32, #tpu.memory_space<hbm>>
    %dma_wait3A_1594 = tpu.memref_squeeze %dma_wait3A_1593 : memref<1x50x64xf32, #tpu.memory_space<hbm>> -> memref<50x64xf32, #tpu.memory_space<hbm>>
    %dma_wait3A_1595 = arith.constant 50 : i32
    %dma_wait3A_1596 = arith.constant 0 : i32
    %dma_wait3A_1597 = tpu.memref_slice %arg13[%dma_wait3A_1595, %dma_wait3A_1596] : memref<200x64xf32, #tpu.memory_space<vmem>> -> memref<50x64xf32, #tpu.memory_space<vmem>>
    tpu.wait_dma2 semaphore(%arg29 : memref<!tpu.dma_semaphore, #tpu.memory_space<semaphore_mem>>) src(%dma_wait3A_1597 : memref<50x64xf32, #tpu.memory_space<vmem>>) dst(%dma_wait3A_1594 : memref<50x64xf32, #tpu.memory_space<hbm>>)
    %add3A_1598 = arith.constant 92 : i32
    %add3A_1599 = arith.addi %mul3A_2, %add3A_1598 : i32
    %add3A_1600 = arith.constant 2 : i32
    %add3A_1601 = arith.addi %add3A_1599, %add3A_1600 : i32
    %dma_wait3A_1602 = arith.constant 100 : i32
    %dma_wait3A_1603 = arith.constant 0 : i32
    %dma_wait3A_1604 = tpu.memref_slice %arg13[%dma_wait3A_1602, %dma_wait3A_1603] : memref<200x64xf32, #tpu.memory_space<vmem>> -> memref<50x64xf32, #tpu.memory_space<vmem>>
    %dma_wait3A_1605 = arith.constant 0 : i32
    %dma_wait3A_1606 = arith.constant 0 : i32
    %dma_wait3A_1607 = tpu.memref_slice %arg4[%add3A_1601, %dma_wait3A_1605, %dma_wait3A_1606] : memref<4096x50x64xf32, #tpu.memory_space<hbm>> -> memref<1x50x64xf32, #tpu.memory_space<hbm>>
    %dma_wait3A_1608 = tpu.memref_squeeze %dma_wait3A_1607 : memref<1x50x64xf32, #tpu.memory_space<hbm>> -> memref<50x64xf32, #tpu.memory_space<hbm>>
    %dma_wait3A_1609 = arith.constant 0 : i32
    %dma_wait3A_1610 = arith.constant 0 : i32
    %dma_wait3A_1611 = tpu.memref_slice %arg4[%add3A_1601, %dma_wait3A_1609, %dma_wait3A_1610] : memref<4096x50x64xf32, #tpu.memory_space<hbm>> -> memref<1x50x64xf32, #tpu.memory_space<hbm>>
    %dma_wait3A_1612 = tpu.memref_squeeze %dma_wait3A_1611 : memref<1x50x64xf32, #tpu.memory_space<hbm>> -> memref<50x64xf32, #tpu.memory_space<hbm>>
    %dma_wait3A_1613 = arith.constant 100 : i32
    %dma_wait3A_1614 = arith.constant 0 : i32
    %dma_wait3A_1615 = tpu.memref_slice %arg13[%dma_wait3A_1613, %dma_wait3A_1614] : memref<200x64xf32, #tpu.memory_space<vmem>> -> memref<50x64xf32, #tpu.memory_space<vmem>>
    tpu.wait_dma2 semaphore(%arg29 : memref<!tpu.dma_semaphore, #tpu.memory_space<semaphore_mem>>) src(%dma_wait3A_1615 : memref<50x64xf32, #tpu.memory_space<vmem>>) dst(%dma_wait3A_1612 : memref<50x64xf32, #tpu.memory_space<hbm>>)
    %add3A_1616 = arith.constant 92 : i32
    %add3A_1617 = arith.addi %mul3A_2, %add3A_1616 : i32
    %add3A_1618 = arith.constant 3 : i32
    %add3A_1619 = arith.addi %add3A_1617, %add3A_1618 : i32
    %dma_wait3A_1620 = arith.constant 150 : i32
    %dma_wait3A_1621 = arith.constant 0 : i32
    %dma_wait3A_1622 = tpu.memref_slice %arg13[%dma_wait3A_1620, %dma_wait3A_1621] : memref<200x64xf32, #tpu.memory_space<vmem>> -> memref<50x64xf32, #tpu.memory_space<vmem>>
    %dma_wait3A_1623 = arith.constant 0 : i32
    %dma_wait3A_1624 = arith.constant 0 : i32
    %dma_wait3A_1625 = tpu.memref_slice %arg4[%add3A_1619, %dma_wait3A_1623, %dma_wait3A_1624] : memref<4096x50x64xf32, #tpu.memory_space<hbm>> -> memref<1x50x64xf32, #tpu.memory_space<hbm>>
    %dma_wait3A_1626 = tpu.memref_squeeze %dma_wait3A_1625 : memref<1x50x64xf32, #tpu.memory_space<hbm>> -> memref<50x64xf32, #tpu.memory_space<hbm>>
    %dma_wait3A_1627 = arith.constant 0 : i32
    %dma_wait3A_1628 = arith.constant 0 : i32
    %dma_wait3A_1629 = tpu.memref_slice %arg4[%add3A_1619, %dma_wait3A_1627, %dma_wait3A_1628] : memref<4096x50x64xf32, #tpu.memory_space<hbm>> -> memref<1x50x64xf32, #tpu.memory_space<hbm>>
    %dma_wait3A_1630 = tpu.memref_squeeze %dma_wait3A_1629 : memref<1x50x64xf32, #tpu.memory_space<hbm>> -> memref<50x64xf32, #tpu.memory_space<hbm>>
    %dma_wait3A_1631 = arith.constant 150 : i32
    %dma_wait3A_1632 = arith.constant 0 : i32
    %dma_wait3A_1633 = tpu.memref_slice %arg13[%dma_wait3A_1631, %dma_wait3A_1632] : memref<200x64xf32, #tpu.memory_space<vmem>> -> memref<50x64xf32, #tpu.memory_space<vmem>>
    tpu.wait_dma2 semaphore(%arg29 : memref<!tpu.dma_semaphore, #tpu.memory_space<semaphore_mem>>) src(%dma_wait3A_1633 : memref<50x64xf32, #tpu.memory_space<vmem>>) dst(%dma_wait3A_1630 : memref<50x64xf32, #tpu.memory_space<hbm>>)
    %dma_start3A_1634 = arith.constant 31 : i32
    %dma_start3A_1635 = arith.constant 0 : i32
    %dma_start3A_1636 = tpu.memref_slice %arg5[%dma_start3A_1634, %dma_start3A_1635] : memref<32x200xi32, #tpu.memory_space<vmem>> -> memref<1x200xi32, #tpu.memory_space<vmem>>
    %dma_start3A_1637 = tpu.memref_squeeze %dma_start3A_1636 : memref<1x200xi32, #tpu.memory_space<vmem>> -> memref<200xi32, #tpu.memory_space<vmem>>
    %dma_start3A_1638 = arith.constant 0 : i32
    %dma_start3A_1639 = arith.constant 0 : i32
    %dma_start3A_1640 = tpu.memref_slice %arg2[%dma_start3A_1638, %dma_start3A_1639] : memref<100000x64xf32, #tpu.memory_space<hbm>> -> memref<100000x64xf32, #tpu.memory_space<hbm>>
    tpu.enqueue_indirect_dma source(%dma_start3A_1640 : memref<100000x64xf32, #tpu.memory_space<hbm>>) target(%arg13 : memref<200x64xf32, #tpu.memory_space<vmem>>) offsets(%dma_start3A_1637 : memref<200xi32, #tpu.memory_space<vmem>>) semaphore(%arg21 : memref<!tpu.dma_semaphore, #tpu.memory_space<semaphore_mem>>)
    %dma_wait3A_1641 = arith.constant 28 : i32
    %dma_wait3A_1642 = arith.constant 0 : i32
    %dma_wait3A_1643 = tpu.memref_slice %arg5[%dma_wait3A_1641, %dma_wait3A_1642] : memref<32x200xi32, #tpu.memory_space<vmem>> -> memref<1x200xi32, #tpu.memory_space<vmem>>
    %dma_wait3A_1644 = tpu.memref_squeeze %dma_wait3A_1643 : memref<1x200xi32, #tpu.memory_space<vmem>> -> memref<200xi32, #tpu.memory_space<vmem>>
    %dma_wait3A_1645 = arith.constant 0 : i32
    %dma_wait3A_1646 = arith.constant 0 : i32
    %dma_wait3A_1647 = tpu.memref_slice %arg2[%dma_wait3A_1645, %dma_wait3A_1646] : memref<100000x64xf32, #tpu.memory_space<hbm>> -> memref<100000x64xf32, #tpu.memory_space<hbm>>
    tpu.wait_indirect_dma semaphore(%arg18 : memref<!tpu.dma_semaphore, #tpu.memory_space<semaphore_mem>>) src(%dma_wait3A_1647 : memref<100000x64xf32, #tpu.memory_space<hbm>>) dst(%arg10 : memref<200x64xf32, #tpu.memory_space<vmem>>)
    %add3A_1648 = arith.constant 112 : i32
    %add3A_1649 = arith.addi %mul3A_2, %add3A_1648 : i32
    %add3A_1650 = arith.constant 0 : i32
    %add3A_1651 = arith.addi %add3A_1649, %add3A_1650 : i32
    %dma_start3A_1652 = arith.constant 0 : i32
    %dma_start3A_1653 = arith.constant 0 : i32
    %dma_start3A_1654 = tpu.memref_slice %arg10[%dma_start3A_1652, %dma_start3A_1653] : memref<200x64xf32, #tpu.memory_space<vmem>> -> memref<50x64xf32, #tpu.memory_space<vmem>>
    %dma_start3A_1655 = arith.constant 0 : i32
    %dma_start3A_1656 = arith.constant 0 : i32
    %dma_start3A_1657 = tpu.memref_slice %arg4[%add3A_1651, %dma_start3A_1655, %dma_start3A_1656] : memref<4096x50x64xf32, #tpu.memory_space<hbm>> -> memref<1x50x64xf32, #tpu.memory_space<hbm>>
    %dma_start3A_1658 = tpu.memref_squeeze %dma_start3A_1657 : memref<1x50x64xf32, #tpu.memory_space<hbm>> -> memref<50x64xf32, #tpu.memory_space<hbm>>
    %dma_start3A_1659 = arith.constant 0 : i32
    %dma_start3A_1660 = arith.constant 0 : i32
    %dma_start3A_1661 = tpu.memref_slice %arg4[%add3A_1651, %dma_start3A_1659, %dma_start3A_1660] : memref<4096x50x64xf32, #tpu.memory_space<hbm>> -> memref<1x50x64xf32, #tpu.memory_space<hbm>>
    %dma_start3A_1662 = tpu.memref_squeeze %dma_start3A_1661 : memref<1x50x64xf32, #tpu.memory_space<hbm>> -> memref<50x64xf32, #tpu.memory_space<hbm>>
    %dma_start3A_1663 = arith.constant 0 : i32
    %dma_start3A_1664 = arith.constant 0 : i32
    %dma_start3A_1665 = tpu.memref_slice %arg10[%dma_start3A_1663, %dma_start3A_1664] : memref<200x64xf32, #tpu.memory_space<vmem>> -> memref<50x64xf32, #tpu.memory_space<vmem>>
    tpu.enqueue_dma source(%dma_start3A_1665 : memref<50x64xf32, #tpu.memory_space<vmem>>) target(%dma_start3A_1662 : memref<50x64xf32, #tpu.memory_space<hbm>>) target_semaphore(%arg26 : memref<!tpu.dma_semaphore, #tpu.memory_space<semaphore_mem>>)
    %add3A_1666 = arith.constant 112 : i32
    %add3A_1667 = arith.addi %mul3A_2, %add3A_1666 : i32
    %add3A_1668 = arith.constant 1 : i32
    %add3A_1669 = arith.addi %add3A_1667, %add3A_1668 : i32
    %dma_start3A_1670 = arith.constant 50 : i32
    %dma_start3A_1671 = arith.constant 0 : i32
    %dma_start3A_1672 = tpu.memref_slice %arg10[%dma_start3A_1670, %dma_start3A_1671] : memref<200x64xf32, #tpu.memory_space<vmem>> -> memref<50x64xf32, #tpu.memory_space<vmem>>
    %dma_start3A_1673 = arith.constant 0 : i32
    %dma_start3A_1674 = arith.constant 0 : i32
    %dma_start3A_1675 = tpu.memref_slice %arg4[%add3A_1669, %dma_start3A_1673, %dma_start3A_1674] : memref<4096x50x64xf32, #tpu.memory_space<hbm>> -> memref<1x50x64xf32, #tpu.memory_space<hbm>>
    %dma_start3A_1676 = tpu.memref_squeeze %dma_start3A_1675 : memref<1x50x64xf32, #tpu.memory_space<hbm>> -> memref<50x64xf32, #tpu.memory_space<hbm>>
    %dma_start3A_1677 = arith.constant 0 : i32
    %dma_start3A_1678 = arith.constant 0 : i32
    %dma_start3A_1679 = tpu.memref_slice %arg4[%add3A_1669, %dma_start3A_1677, %dma_start3A_1678] : memref<4096x50x64xf32, #tpu.memory_space<hbm>> -> memref<1x50x64xf32, #tpu.memory_space<hbm>>
    %dma_start3A_1680 = tpu.memref_squeeze %dma_start3A_1679 : memref<1x50x64xf32, #tpu.memory_space<hbm>> -> memref<50x64xf32, #tpu.memory_space<hbm>>
    %dma_start3A_1681 = arith.constant 50 : i32
    %dma_start3A_1682 = arith.constant 0 : i32
    %dma_start3A_1683 = tpu.memref_slice %arg10[%dma_start3A_1681, %dma_start3A_1682] : memref<200x64xf32, #tpu.memory_space<vmem>> -> memref<50x64xf32, #tpu.memory_space<vmem>>
    tpu.enqueue_dma source(%dma_start3A_1683 : memref<50x64xf32, #tpu.memory_space<vmem>>) target(%dma_start3A_1680 : memref<50x64xf32, #tpu.memory_space<hbm>>) target_semaphore(%arg26 : memref<!tpu.dma_semaphore, #tpu.memory_space<semaphore_mem>>)
    %add3A_1684 = arith.constant 112 : i32
    %add3A_1685 = arith.addi %mul3A_2, %add3A_1684 : i32
    %add3A_1686 = arith.constant 2 : i32
    %add3A_1687 = arith.addi %add3A_1685, %add3A_1686 : i32
    %dma_start3A_1688 = arith.constant 100 : i32
    %dma_start3A_1689 = arith.constant 0 : i32
    %dma_start3A_1690 = tpu.memref_slice %arg10[%dma_start3A_1688, %dma_start3A_1689] : memref<200x64xf32, #tpu.memory_space<vmem>> -> memref<50x64xf32, #tpu.memory_space<vmem>>
    %dma_start3A_1691 = arith.constant 0 : i32
    %dma_start3A_1692 = arith.constant 0 : i32
    %dma_start3A_1693 = tpu.memref_slice %arg4[%add3A_1687, %dma_start3A_1691, %dma_start3A_1692] : memref<4096x50x64xf32, #tpu.memory_space<hbm>> -> memref<1x50x64xf32, #tpu.memory_space<hbm>>
    %dma_start3A_1694 = tpu.memref_squeeze %dma_start3A_1693 : memref<1x50x64xf32, #tpu.memory_space<hbm>> -> memref<50x64xf32, #tpu.memory_space<hbm>>
    %dma_start3A_1695 = arith.constant 0 : i32
    %dma_start3A_1696 = arith.constant 0 : i32
    %dma_start3A_1697 = tpu.memref_slice %arg4[%add3A_1687, %dma_start3A_1695, %dma_start3A_1696] : memref<4096x50x64xf32, #tpu.memory_space<hbm>> -> memref<1x50x64xf32, #tpu.memory_space<hbm>>
    %dma_start3A_1698 = tpu.memref_squeeze %dma_start3A_1697 : memref<1x50x64xf32, #tpu.memory_space<hbm>> -> memref<50x64xf32, #tpu.memory_space<hbm>>
    %dma_start3A_1699 = arith.constant 100 : i32
    %dma_start3A_1700 = arith.constant 0 : i32
    %dma_start3A_1701 = tpu.memref_slice %arg10[%dma_start3A_1699, %dma_start3A_1700] : memref<200x64xf32, #tpu.memory_space<vmem>> -> memref<50x64xf32, #tpu.memory_space<vmem>>
    tpu.enqueue_dma source(%dma_start3A_1701 : memref<50x64xf32, #tpu.memory_space<vmem>>) target(%dma_start3A_1698 : memref<50x64xf32, #tpu.memory_space<hbm>>) target_semaphore(%arg26 : memref<!tpu.dma_semaphore, #tpu.memory_space<semaphore_mem>>)
    %add3A_1702 = arith.constant 112 : i32
    %add3A_1703 = arith.addi %mul3A_2, %add3A_1702 : i32
    %add3A_1704 = arith.constant 3 : i32
    %add3A_1705 = arith.addi %add3A_1703, %add3A_1704 : i32
    %dma_start3A_1706 = arith.constant 150 : i32
    %dma_start3A_1707 = arith.constant 0 : i32
    %dma_start3A_1708 = tpu.memref_slice %arg10[%dma_start3A_1706, %dma_start3A_1707] : memref<200x64xf32, #tpu.memory_space<vmem>> -> memref<50x64xf32, #tpu.memory_space<vmem>>
    %dma_start3A_1709 = arith.constant 0 : i32
    %dma_start3A_1710 = arith.constant 0 : i32
    %dma_start3A_1711 = tpu.memref_slice %arg4[%add3A_1705, %dma_start3A_1709, %dma_start3A_1710] : memref<4096x50x64xf32, #tpu.memory_space<hbm>> -> memref<1x50x64xf32, #tpu.memory_space<hbm>>
    %dma_start3A_1712 = tpu.memref_squeeze %dma_start3A_1711 : memref<1x50x64xf32, #tpu.memory_space<hbm>> -> memref<50x64xf32, #tpu.memory_space<hbm>>
    %dma_start3A_1713 = arith.constant 0 : i32
    %dma_start3A_1714 = arith.constant 0 : i32
    %dma_start3A_1715 = tpu.memref_slice %arg4[%add3A_1705, %dma_start3A_1713, %dma_start3A_1714] : memref<4096x50x64xf32, #tpu.memory_space<hbm>> -> memref<1x50x64xf32, #tpu.memory_space<hbm>>
    %dma_start3A_1716 = tpu.memref_squeeze %dma_start3A_1715 : memref<1x50x64xf32, #tpu.memory_space<hbm>> -> memref<50x64xf32, #tpu.memory_space<hbm>>
    %dma_start3A_1717 = arith.constant 150 : i32
    %dma_start3A_1718 = arith.constant 0 : i32
    %dma_start3A_1719 = tpu.memref_slice %arg10[%dma_start3A_1717, %dma_start3A_1718] : memref<200x64xf32, #tpu.memory_space<vmem>> -> memref<50x64xf32, #tpu.memory_space<vmem>>
    tpu.enqueue_dma source(%dma_start3A_1719 : memref<50x64xf32, #tpu.memory_space<vmem>>) target(%dma_start3A_1716 : memref<50x64xf32, #tpu.memory_space<hbm>>) target_semaphore(%arg26 : memref<!tpu.dma_semaphore, #tpu.memory_space<semaphore_mem>>)
    %dma_wait3A_1720 = arith.constant 29 : i32
    %dma_wait3A_1721 = arith.constant 0 : i32
    %dma_wait3A_1722 = tpu.memref_slice %arg5[%dma_wait3A_1720, %dma_wait3A_1721] : memref<32x200xi32, #tpu.memory_space<vmem>> -> memref<1x200xi32, #tpu.memory_space<vmem>>
    %dma_wait3A_1723 = tpu.memref_squeeze %dma_wait3A_1722 : memref<1x200xi32, #tpu.memory_space<vmem>> -> memref<200xi32, #tpu.memory_space<vmem>>
    %dma_wait3A_1724 = arith.constant 0 : i32
    %dma_wait3A_1725 = arith.constant 0 : i32
    %dma_wait3A_1726 = tpu.memref_slice %arg2[%dma_wait3A_1724, %dma_wait3A_1725] : memref<100000x64xf32, #tpu.memory_space<hbm>> -> memref<100000x64xf32, #tpu.memory_space<hbm>>
    tpu.wait_indirect_dma semaphore(%arg19 : memref<!tpu.dma_semaphore, #tpu.memory_space<semaphore_mem>>) src(%dma_wait3A_1726 : memref<100000x64xf32, #tpu.memory_space<hbm>>) dst(%arg11 : memref<200x64xf32, #tpu.memory_space<vmem>>)
    %add3A_1727 = arith.constant 116 : i32
    %add3A_1728 = arith.addi %mul3A_2, %add3A_1727 : i32
    %add3A_1729 = arith.constant 0 : i32
    %add3A_1730 = arith.addi %add3A_1728, %add3A_1729 : i32
    %dma_start3A_1731 = arith.constant 0 : i32
    %dma_start3A_1732 = arith.constant 0 : i32
    %dma_start3A_1733 = tpu.memref_slice %arg11[%dma_start3A_1731, %dma_start3A_1732] : memref<200x64xf32, #tpu.memory_space<vmem>> -> memref<50x64xf32, #tpu.memory_space<vmem>>
    %dma_start3A_1734 = arith.constant 0 : i32
    %dma_start3A_1735 = arith.constant 0 : i32
    %dma_start3A_1736 = tpu.memref_slice %arg4[%add3A_1730, %dma_start3A_1734, %dma_start3A_1735] : memref<4096x50x64xf32, #tpu.memory_space<hbm>> -> memref<1x50x64xf32, #tpu.memory_space<hbm>>
    %dma_start3A_1737 = tpu.memref_squeeze %dma_start3A_1736 : memref<1x50x64xf32, #tpu.memory_space<hbm>> -> memref<50x64xf32, #tpu.memory_space<hbm>>
    %dma_start3A_1738 = arith.constant 0 : i32
    %dma_start3A_1739 = arith.constant 0 : i32
    %dma_start3A_1740 = tpu.memref_slice %arg4[%add3A_1730, %dma_start3A_1738, %dma_start3A_1739] : memref<4096x50x64xf32, #tpu.memory_space<hbm>> -> memref<1x50x64xf32, #tpu.memory_space<hbm>>
    %dma_start3A_1741 = tpu.memref_squeeze %dma_start3A_1740 : memref<1x50x64xf32, #tpu.memory_space<hbm>> -> memref<50x64xf32, #tpu.memory_space<hbm>>
    %dma_start3A_1742 = arith.constant 0 : i32
    %dma_start3A_1743 = arith.constant 0 : i32
    %dma_start3A_1744 = tpu.memref_slice %arg11[%dma_start3A_1742, %dma_start3A_1743] : memref<200x64xf32, #tpu.memory_space<vmem>> -> memref<50x64xf32, #tpu.memory_space<vmem>>
    tpu.enqueue_dma source(%dma_start3A_1744 : memref<50x64xf32, #tpu.memory_space<vmem>>) target(%dma_start3A_1741 : memref<50x64xf32, #tpu.memory_space<hbm>>) target_semaphore(%arg27 : memref<!tpu.dma_semaphore, #tpu.memory_space<semaphore_mem>>)
    %add3A_1745 = arith.constant 116 : i32
    %add3A_1746 = arith.addi %mul3A_2, %add3A_1745 : i32
    %add3A_1747 = arith.constant 1 : i32
    %add3A_1748 = arith.addi %add3A_1746, %add3A_1747 : i32
    %dma_start3A_1749 = arith.constant 50 : i32
    %dma_start3A_1750 = arith.constant 0 : i32
    %dma_start3A_1751 = tpu.memref_slice %arg11[%dma_start3A_1749, %dma_start3A_1750] : memref<200x64xf32, #tpu.memory_space<vmem>> -> memref<50x64xf32, #tpu.memory_space<vmem>>
    %dma_start3A_1752 = arith.constant 0 : i32
    %dma_start3A_1753 = arith.constant 0 : i32
    %dma_start3A_1754 = tpu.memref_slice %arg4[%add3A_1748, %dma_start3A_1752, %dma_start3A_1753] : memref<4096x50x64xf32, #tpu.memory_space<hbm>> -> memref<1x50x64xf32, #tpu.memory_space<hbm>>
    %dma_start3A_1755 = tpu.memref_squeeze %dma_start3A_1754 : memref<1x50x64xf32, #tpu.memory_space<hbm>> -> memref<50x64xf32, #tpu.memory_space<hbm>>
    %dma_start3A_1756 = arith.constant 0 : i32
    %dma_start3A_1757 = arith.constant 0 : i32
    %dma_start3A_1758 = tpu.memref_slice %arg4[%add3A_1748, %dma_start3A_1756, %dma_start3A_1757] : memref<4096x50x64xf32, #tpu.memory_space<hbm>> -> memref<1x50x64xf32, #tpu.memory_space<hbm>>
    %dma_start3A_1759 = tpu.memref_squeeze %dma_start3A_1758 : memref<1x50x64xf32, #tpu.memory_space<hbm>> -> memref<50x64xf32, #tpu.memory_space<hbm>>
    %dma_start3A_1760 = arith.constant 50 : i32
    %dma_start3A_1761 = arith.constant 0 : i32
    %dma_start3A_1762 = tpu.memref_slice %arg11[%dma_start3A_1760, %dma_start3A_1761] : memref<200x64xf32, #tpu.memory_space<vmem>> -> memref<50x64xf32, #tpu.memory_space<vmem>>
    tpu.enqueue_dma source(%dma_start3A_1762 : memref<50x64xf32, #tpu.memory_space<vmem>>) target(%dma_start3A_1759 : memref<50x64xf32, #tpu.memory_space<hbm>>) target_semaphore(%arg27 : memref<!tpu.dma_semaphore, #tpu.memory_space<semaphore_mem>>)
    %add3A_1763 = arith.constant 116 : i32
    %add3A_1764 = arith.addi %mul3A_2, %add3A_1763 : i32
    %add3A_1765 = arith.constant 2 : i32
    %add3A_1766 = arith.addi %add3A_1764, %add3A_1765 : i32
    %dma_start3A_1767 = arith.constant 100 : i32
    %dma_start3A_1768 = arith.constant 0 : i32
    %dma_start3A_1769 = tpu.memref_slice %arg11[%dma_start3A_1767, %dma_start3A_1768] : memref<200x64xf32, #tpu.memory_space<vmem>> -> memref<50x64xf32, #tpu.memory_space<vmem>>
    %dma_start3A_1770 = arith.constant 0 : i32
    %dma_start3A_1771 = arith.constant 0 : i32
    %dma_start3A_1772 = tpu.memref_slice %arg4[%add3A_1766, %dma_start3A_1770, %dma_start3A_1771] : memref<4096x50x64xf32, #tpu.memory_space<hbm>> -> memref<1x50x64xf32, #tpu.memory_space<hbm>>
    %dma_start3A_1773 = tpu.memref_squeeze %dma_start3A_1772 : memref<1x50x64xf32, #tpu.memory_space<hbm>> -> memref<50x64xf32, #tpu.memory_space<hbm>>
    %dma_start3A_1774 = arith.constant 0 : i32
    %dma_start3A_1775 = arith.constant 0 : i32
    %dma_start3A_1776 = tpu.memref_slice %arg4[%add3A_1766, %dma_start3A_1774, %dma_start3A_1775] : memref<4096x50x64xf32, #tpu.memory_space<hbm>> -> memref<1x50x64xf32, #tpu.memory_space<hbm>>
    %dma_start3A_1777 = tpu.memref_squeeze %dma_start3A_1776 : memref<1x50x64xf32, #tpu.memory_space<hbm>> -> memref<50x64xf32, #tpu.memory_space<hbm>>
    %dma_start3A_1778 = arith.constant 100 : i32
    %dma_start3A_1779 = arith.constant 0 : i32
    %dma_start3A_1780 = tpu.memref_slice %arg11[%dma_start3A_1778, %dma_start3A_1779] : memref<200x64xf32, #tpu.memory_space<vmem>> -> memref<50x64xf32, #tpu.memory_space<vmem>>
    tpu.enqueue_dma source(%dma_start3A_1780 : memref<50x64xf32, #tpu.memory_space<vmem>>) target(%dma_start3A_1777 : memref<50x64xf32, #tpu.memory_space<hbm>>) target_semaphore(%arg27 : memref<!tpu.dma_semaphore, #tpu.memory_space<semaphore_mem>>)
    %add3A_1781 = arith.constant 116 : i32
    %add3A_1782 = arith.addi %mul3A_2, %add3A_1781 : i32
    %add3A_1783 = arith.constant 3 : i32
    %add3A_1784 = arith.addi %add3A_1782, %add3A_1783 : i32
    %dma_start3A_1785 = arith.constant 150 : i32
    %dma_start3A_1786 = arith.constant 0 : i32
    %dma_start3A_1787 = tpu.memref_slice %arg11[%dma_start3A_1785, %dma_start3A_1786] : memref<200x64xf32, #tpu.memory_space<vmem>> -> memref<50x64xf32, #tpu.memory_space<vmem>>
    %dma_start3A_1788 = arith.constant 0 : i32
    %dma_start3A_1789 = arith.constant 0 : i32
    %dma_start3A_1790 = tpu.memref_slice %arg4[%add3A_1784, %dma_start3A_1788, %dma_start3A_1789] : memref<4096x50x64xf32, #tpu.memory_space<hbm>> -> memref<1x50x64xf32, #tpu.memory_space<hbm>>
    %dma_start3A_1791 = tpu.memref_squeeze %dma_start3A_1790 : memref<1x50x64xf32, #tpu.memory_space<hbm>> -> memref<50x64xf32, #tpu.memory_space<hbm>>
    %dma_start3A_1792 = arith.constant 0 : i32
    %dma_start3A_1793 = arith.constant 0 : i32
    %dma_start3A_1794 = tpu.memref_slice %arg4[%add3A_1784, %dma_start3A_1792, %dma_start3A_1793] : memref<4096x50x64xf32, #tpu.memory_space<hbm>> -> memref<1x50x64xf32, #tpu.memory_space<hbm>>
    %dma_start3A_1795 = tpu.memref_squeeze %dma_start3A_1794 : memref<1x50x64xf32, #tpu.memory_space<hbm>> -> memref<50x64xf32, #tpu.memory_space<hbm>>
    %dma_start3A_1796 = arith.constant 150 : i32
    %dma_start3A_1797 = arith.constant 0 : i32
    %dma_start3A_1798 = tpu.memref_slice %arg11[%dma_start3A_1796, %dma_start3A_1797] : memref<200x64xf32, #tpu.memory_space<vmem>> -> memref<50x64xf32, #tpu.memory_space<vmem>>
    tpu.enqueue_dma source(%dma_start3A_1798 : memref<50x64xf32, #tpu.memory_space<vmem>>) target(%dma_start3A_1795 : memref<50x64xf32, #tpu.memory_space<hbm>>) target_semaphore(%arg27 : memref<!tpu.dma_semaphore, #tpu.memory_space<semaphore_mem>>)
    %dma_wait3A_1799 = arith.constant 30 : i32
    %dma_wait3A_1800 = arith.constant 0 : i32
    %dma_wait3A_1801 = tpu.memref_slice %arg5[%dma_wait3A_1799, %dma_wait3A_1800] : memref<32x200xi32, #tpu.memory_space<vmem>> -> memref<1x200xi32, #tpu.memory_space<vmem>>
    %dma_wait3A_1802 = tpu.memref_squeeze %dma_wait3A_1801 : memref<1x200xi32, #tpu.memory_space<vmem>> -> memref<200xi32, #tpu.memory_space<vmem>>
    %dma_wait3A_1803 = arith.constant 0 : i32
    %dma_wait3A_1804 = arith.constant 0 : i32
    %dma_wait3A_1805 = tpu.memref_slice %arg2[%dma_wait3A_1803, %dma_wait3A_1804] : memref<100000x64xf32, #tpu.memory_space<hbm>> -> memref<100000x64xf32, #tpu.memory_space<hbm>>
    tpu.wait_indirect_dma semaphore(%arg20 : memref<!tpu.dma_semaphore, #tpu.memory_space<semaphore_mem>>) src(%dma_wait3A_1805 : memref<100000x64xf32, #tpu.memory_space<hbm>>) dst(%arg12 : memref<200x64xf32, #tpu.memory_space<vmem>>)
    %add3A_1806 = arith.constant 120 : i32
    %add3A_1807 = arith.addi %mul3A_2, %add3A_1806 : i32
    %add3A_1808 = arith.constant 0 : i32
    %add3A_1809 = arith.addi %add3A_1807, %add3A_1808 : i32
    %dma_start3A_1810 = arith.constant 0 : i32
    %dma_start3A_1811 = arith.constant 0 : i32
    %dma_start3A_1812 = tpu.memref_slice %arg12[%dma_start3A_1810, %dma_start3A_1811] : memref<200x64xf32, #tpu.memory_space<vmem>> -> memref<50x64xf32, #tpu.memory_space<vmem>>
    %dma_start3A_1813 = arith.constant 0 : i32
    %dma_start3A_1814 = arith.constant 0 : i32
    %dma_start3A_1815 = tpu.memref_slice %arg4[%add3A_1809, %dma_start3A_1813, %dma_start3A_1814] : memref<4096x50x64xf32, #tpu.memory_space<hbm>> -> memref<1x50x64xf32, #tpu.memory_space<hbm>>
    %dma_start3A_1816 = tpu.memref_squeeze %dma_start3A_1815 : memref<1x50x64xf32, #tpu.memory_space<hbm>> -> memref<50x64xf32, #tpu.memory_space<hbm>>
    %dma_start3A_1817 = arith.constant 0 : i32
    %dma_start3A_1818 = arith.constant 0 : i32
    %dma_start3A_1819 = tpu.memref_slice %arg4[%add3A_1809, %dma_start3A_1817, %dma_start3A_1818] : memref<4096x50x64xf32, #tpu.memory_space<hbm>> -> memref<1x50x64xf32, #tpu.memory_space<hbm>>
    %dma_start3A_1820 = tpu.memref_squeeze %dma_start3A_1819 : memref<1x50x64xf32, #tpu.memory_space<hbm>> -> memref<50x64xf32, #tpu.memory_space<hbm>>
    %dma_start3A_1821 = arith.constant 0 : i32
    %dma_start3A_1822 = arith.constant 0 : i32
    %dma_start3A_1823 = tpu.memref_slice %arg12[%dma_start3A_1821, %dma_start3A_1822] : memref<200x64xf32, #tpu.memory_space<vmem>> -> memref<50x64xf32, #tpu.memory_space<vmem>>
    tpu.enqueue_dma source(%dma_start3A_1823 : memref<50x64xf32, #tpu.memory_space<vmem>>) target(%dma_start3A_1820 : memref<50x64xf32, #tpu.memory_space<hbm>>) target_semaphore(%arg28 : memref<!tpu.dma_semaphore, #tpu.memory_space<semaphore_mem>>)
    %add3A_1824 = arith.constant 120 : i32
    %add3A_1825 = arith.addi %mul3A_2, %add3A_1824 : i32
    %add3A_1826 = arith.constant 1 : i32
    %add3A_1827 = arith.addi %add3A_1825, %add3A_1826 : i32
    %dma_start3A_1828 = arith.constant 50 : i32
    %dma_start3A_1829 = arith.constant 0 : i32
    %dma_start3A_1830 = tpu.memref_slice %arg12[%dma_start3A_1828, %dma_start3A_1829] : memref<200x64xf32, #tpu.memory_space<vmem>> -> memref<50x64xf32, #tpu.memory_space<vmem>>
    %dma_start3A_1831 = arith.constant 0 : i32
    %dma_start3A_1832 = arith.constant 0 : i32
    %dma_start3A_1833 = tpu.memref_slice %arg4[%add3A_1827, %dma_start3A_1831, %dma_start3A_1832] : memref<4096x50x64xf32, #tpu.memory_space<hbm>> -> memref<1x50x64xf32, #tpu.memory_space<hbm>>
    %dma_start3A_1834 = tpu.memref_squeeze %dma_start3A_1833 : memref<1x50x64xf32, #tpu.memory_space<hbm>> -> memref<50x64xf32, #tpu.memory_space<hbm>>
    %dma_start3A_1835 = arith.constant 0 : i32
    %dma_start3A_1836 = arith.constant 0 : i32
    %dma_start3A_1837 = tpu.memref_slice %arg4[%add3A_1827, %dma_start3A_1835, %dma_start3A_1836] : memref<4096x50x64xf32, #tpu.memory_space<hbm>> -> memref<1x50x64xf32, #tpu.memory_space<hbm>>
    %dma_start3A_1838 = tpu.memref_squeeze %dma_start3A_1837 : memref<1x50x64xf32, #tpu.memory_space<hbm>> -> memref<50x64xf32, #tpu.memory_space<hbm>>
    %dma_start3A_1839 = arith.constant 50 : i32
    %dma_start3A_1840 = arith.constant 0 : i32
    %dma_start3A_1841 = tpu.memref_slice %arg12[%dma_start3A_1839, %dma_start3A_1840] : memref<200x64xf32, #tpu.memory_space<vmem>> -> memref<50x64xf32, #tpu.memory_space<vmem>>
    tpu.enqueue_dma source(%dma_start3A_1841 : memref<50x64xf32, #tpu.memory_space<vmem>>) target(%dma_start3A_1838 : memref<50x64xf32, #tpu.memory_space<hbm>>) target_semaphore(%arg28 : memref<!tpu.dma_semaphore, #tpu.memory_space<semaphore_mem>>)
    %add3A_1842 = arith.constant 120 : i32
    %add3A_1843 = arith.addi %mul3A_2, %add3A_1842 : i32
    %add3A_1844 = arith.constant 2 : i32
    %add3A_1845 = arith.addi %add3A_1843, %add3A_1844 : i32
    %dma_start3A_1846 = arith.constant 100 : i32
    %dma_start3A_1847 = arith.constant 0 : i32
    %dma_start3A_1848 = tpu.memref_slice %arg12[%dma_start3A_1846, %dma_start3A_1847] : memref<200x64xf32, #tpu.memory_space<vmem>> -> memref<50x64xf32, #tpu.memory_space<vmem>>
    %dma_start3A_1849 = arith.constant 0 : i32
    %dma_start3A_1850 = arith.constant 0 : i32
    %dma_start3A_1851 = tpu.memref_slice %arg4[%add3A_1845, %dma_start3A_1849, %dma_start3A_1850] : memref<4096x50x64xf32, #tpu.memory_space<hbm>> -> memref<1x50x64xf32, #tpu.memory_space<hbm>>
    %dma_start3A_1852 = tpu.memref_squeeze %dma_start3A_1851 : memref<1x50x64xf32, #tpu.memory_space<hbm>> -> memref<50x64xf32, #tpu.memory_space<hbm>>
    %dma_start3A_1853 = arith.constant 0 : i32
    %dma_start3A_1854 = arith.constant 0 : i32
    %dma_start3A_1855 = tpu.memref_slice %arg4[%add3A_1845, %dma_start3A_1853, %dma_start3A_1854] : memref<4096x50x64xf32, #tpu.memory_space<hbm>> -> memref<1x50x64xf32, #tpu.memory_space<hbm>>
    %dma_start3A_1856 = tpu.memref_squeeze %dma_start3A_1855 : memref<1x50x64xf32, #tpu.memory_space<hbm>> -> memref<50x64xf32, #tpu.memory_space<hbm>>
    %dma_start3A_1857 = arith.constant 100 : i32
    %dma_start3A_1858 = arith.constant 0 : i32
    %dma_start3A_1859 = tpu.memref_slice %arg12[%dma_start3A_1857, %dma_start3A_1858] : memref<200x64xf32, #tpu.memory_space<vmem>> -> memref<50x64xf32, #tpu.memory_space<vmem>>
    tpu.enqueue_dma source(%dma_start3A_1859 : memref<50x64xf32, #tpu.memory_space<vmem>>) target(%dma_start3A_1856 : memref<50x64xf32, #tpu.memory_space<hbm>>) target_semaphore(%arg28 : memref<!tpu.dma_semaphore, #tpu.memory_space<semaphore_mem>>)
    %add3A_1860 = arith.constant 120 : i32
    %add3A_1861 = arith.addi %mul3A_2, %add3A_1860 : i32
    %add3A_1862 = arith.constant 3 : i32
    %add3A_1863 = arith.addi %add3A_1861, %add3A_1862 : i32
    %dma_start3A_1864 = arith.constant 150 : i32
    %dma_start3A_1865 = arith.constant 0 : i32
    %dma_start3A_1866 = tpu.memref_slice %arg12[%dma_start3A_1864, %dma_start3A_1865] : memref<200x64xf32, #tpu.memory_space<vmem>> -> memref<50x64xf32, #tpu.memory_space<vmem>>
    %dma_start3A_1867 = arith.constant 0 : i32
    %dma_start3A_1868 = arith.constant 0 : i32
    %dma_start3A_1869 = tpu.memref_slice %arg4[%add3A_1863, %dma_start3A_1867, %dma_start3A_1868] : memref<4096x50x64xf32, #tpu.memory_space<hbm>> -> memref<1x50x64xf32, #tpu.memory_space<hbm>>
    %dma_start3A_1870 = tpu.memref_squeeze %dma_start3A_1869 : memref<1x50x64xf32, #tpu.memory_space<hbm>> -> memref<50x64xf32, #tpu.memory_space<hbm>>
    %dma_start3A_1871 = arith.constant 0 : i32
    %dma_start3A_1872 = arith.constant 0 : i32
    %dma_start3A_1873 = tpu.memref_slice %arg4[%add3A_1863, %dma_start3A_1871, %dma_start3A_1872] : memref<4096x50x64xf32, #tpu.memory_space<hbm>> -> memref<1x50x64xf32, #tpu.memory_space<hbm>>
    %dma_start3A_1874 = tpu.memref_squeeze %dma_start3A_1873 : memref<1x50x64xf32, #tpu.memory_space<hbm>> -> memref<50x64xf32, #tpu.memory_space<hbm>>
    %dma_start3A_1875 = arith.constant 150 : i32
    %dma_start3A_1876 = arith.constant 0 : i32
    %dma_start3A_1877 = tpu.memref_slice %arg12[%dma_start3A_1875, %dma_start3A_1876] : memref<200x64xf32, #tpu.memory_space<vmem>> -> memref<50x64xf32, #tpu.memory_space<vmem>>
    tpu.enqueue_dma source(%dma_start3A_1877 : memref<50x64xf32, #tpu.memory_space<vmem>>) target(%dma_start3A_1874 : memref<50x64xf32, #tpu.memory_space<hbm>>) target_semaphore(%arg28 : memref<!tpu.dma_semaphore, #tpu.memory_space<semaphore_mem>>)
    %dma_wait3A_1878 = arith.constant 31 : i32
    %dma_wait3A_1879 = arith.constant 0 : i32
    %dma_wait3A_1880 = tpu.memref_slice %arg5[%dma_wait3A_1878, %dma_wait3A_1879] : memref<32x200xi32, #tpu.memory_space<vmem>> -> memref<1x200xi32, #tpu.memory_space<vmem>>
    %dma_wait3A_1881 = tpu.memref_squeeze %dma_wait3A_1880 : memref<1x200xi32, #tpu.memory_space<vmem>> -> memref<200xi32, #tpu.memory_space<vmem>>
    %dma_wait3A_1882 = arith.constant 0 : i32
    %dma_wait3A_1883 = arith.constant 0 : i32
    %dma_wait3A_1884 = tpu.memref_slice %arg2[%dma_wait3A_1882, %dma_wait3A_1883] : memref<100000x64xf32, #tpu.memory_space<hbm>> -> memref<100000x64xf32, #tpu.memory_space<hbm>>
    tpu.wait_indirect_dma semaphore(%arg21 : memref<!tpu.dma_semaphore, #tpu.memory_space<semaphore_mem>>) src(%dma_wait3A_1884 : memref<100000x64xf32, #tpu.memory_space<hbm>>) dst(%arg13 : memref<200x64xf32, #tpu.memory_space<vmem>>)
    %add3A_1885 = arith.constant 124 : i32
    %add3A_1886 = arith.addi %mul3A_2, %add3A_1885 : i32
    %add3A_1887 = arith.constant 0 : i32
    %add3A_1888 = arith.addi %add3A_1886, %add3A_1887 : i32
    %dma_start3A_1889 = arith.constant 0 : i32
    %dma_start3A_1890 = arith.constant 0 : i32
    %dma_start3A_1891 = tpu.memref_slice %arg13[%dma_start3A_1889, %dma_start3A_1890] : memref<200x64xf32, #tpu.memory_space<vmem>> -> memref<50x64xf32, #tpu.memory_space<vmem>>
    %dma_start3A_1892 = arith.constant 0 : i32
    %dma_start3A_1893 = arith.constant 0 : i32
    %dma_start3A_1894 = tpu.memref_slice %arg4[%add3A_1888, %dma_start3A_1892, %dma_start3A_1893] : memref<4096x50x64xf32, #tpu.memory_space<hbm>> -> memref<1x50x64xf32, #tpu.memory_space<hbm>>
    %dma_start3A_1895 = tpu.memref_squeeze %dma_start3A_1894 : memref<1x50x64xf32, #tpu.memory_space<hbm>> -> memref<50x64xf32, #tpu.memory_space<hbm>>
    %dma_start3A_1896 = arith.constant 0 : i32
    %dma_start3A_1897 = arith.constant 0 : i32
    %dma_start3A_1898 = tpu.memref_slice %arg4[%add3A_1888, %dma_start3A_1896, %dma_start3A_1897] : memref<4096x50x64xf32, #tpu.memory_space<hbm>> -> memref<1x50x64xf32, #tpu.memory_space<hbm>>
    %dma_start3A_1899 = tpu.memref_squeeze %dma_start3A_1898 : memref<1x50x64xf32, #tpu.memory_space<hbm>> -> memref<50x64xf32, #tpu.memory_space<hbm>>
    %dma_start3A_1900 = arith.constant 0 : i32
    %dma_start3A_1901 = arith.constant 0 : i32
    %dma_start3A_1902 = tpu.memref_slice %arg13[%dma_start3A_1900, %dma_start3A_1901] : memref<200x64xf32, #tpu.memory_space<vmem>> -> memref<50x64xf32, #tpu.memory_space<vmem>>
    tpu.enqueue_dma source(%dma_start3A_1902 : memref<50x64xf32, #tpu.memory_space<vmem>>) target(%dma_start3A_1899 : memref<50x64xf32, #tpu.memory_space<hbm>>) target_semaphore(%arg29 : memref<!tpu.dma_semaphore, #tpu.memory_space<semaphore_mem>>)
    %add3A_1903 = arith.constant 124 : i32
    %add3A_1904 = arith.addi %mul3A_2, %add3A_1903 : i32
    %add3A_1905 = arith.constant 1 : i32
    %add3A_1906 = arith.addi %add3A_1904, %add3A_1905 : i32
    %dma_start3A_1907 = arith.constant 50 : i32
    %dma_start3A_1908 = arith.constant 0 : i32
    %dma_start3A_1909 = tpu.memref_slice %arg13[%dma_start3A_1907, %dma_start3A_1908] : memref<200x64xf32, #tpu.memory_space<vmem>> -> memref<50x64xf32, #tpu.memory_space<vmem>>
    %dma_start3A_1910 = arith.constant 0 : i32
    %dma_start3A_1911 = arith.constant 0 : i32
    %dma_start3A_1912 = tpu.memref_slice %arg4[%add3A_1906, %dma_start3A_1910, %dma_start3A_1911] : memref<4096x50x64xf32, #tpu.memory_space<hbm>> -> memref<1x50x64xf32, #tpu.memory_space<hbm>>
    %dma_start3A_1913 = tpu.memref_squeeze %dma_start3A_1912 : memref<1x50x64xf32, #tpu.memory_space<hbm>> -> memref<50x64xf32, #tpu.memory_space<hbm>>
    %dma_start3A_1914 = arith.constant 0 : i32
    %dma_start3A_1915 = arith.constant 0 : i32
    %dma_start3A_1916 = tpu.memref_slice %arg4[%add3A_1906, %dma_start3A_1914, %dma_start3A_1915] : memref<4096x50x64xf32, #tpu.memory_space<hbm>> -> memref<1x50x64xf32, #tpu.memory_space<hbm>>
    %dma_start3A_1917 = tpu.memref_squeeze %dma_start3A_1916 : memref<1x50x64xf32, #tpu.memory_space<hbm>> -> memref<50x64xf32, #tpu.memory_space<hbm>>
    %dma_start3A_1918 = arith.constant 50 : i32
    %dma_start3A_1919 = arith.constant 0 : i32
    %dma_start3A_1920 = tpu.memref_slice %arg13[%dma_start3A_1918, %dma_start3A_1919] : memref<200x64xf32, #tpu.memory_space<vmem>> -> memref<50x64xf32, #tpu.memory_space<vmem>>
    tpu.enqueue_dma source(%dma_start3A_1920 : memref<50x64xf32, #tpu.memory_space<vmem>>) target(%dma_start3A_1917 : memref<50x64xf32, #tpu.memory_space<hbm>>) target_semaphore(%arg29 : memref<!tpu.dma_semaphore, #tpu.memory_space<semaphore_mem>>)
    %add3A_1921 = arith.constant 124 : i32
    %add3A_1922 = arith.addi %mul3A_2, %add3A_1921 : i32
    %add3A_1923 = arith.constant 2 : i32
    %add3A_1924 = arith.addi %add3A_1922, %add3A_1923 : i32
    %dma_start3A_1925 = arith.constant 100 : i32
    %dma_start3A_1926 = arith.constant 0 : i32
    %dma_start3A_1927 = tpu.memref_slice %arg13[%dma_start3A_1925, %dma_start3A_1926] : memref<200x64xf32, #tpu.memory_space<vmem>> -> memref<50x64xf32, #tpu.memory_space<vmem>>
    %dma_start3A_1928 = arith.constant 0 : i32
    %dma_start3A_1929 = arith.constant 0 : i32
    %dma_start3A_1930 = tpu.memref_slice %arg4[%add3A_1924, %dma_start3A_1928, %dma_start3A_1929] : memref<4096x50x64xf32, #tpu.memory_space<hbm>> -> memref<1x50x64xf32, #tpu.memory_space<hbm>>
    %dma_start3A_1931 = tpu.memref_squeeze %dma_start3A_1930 : memref<1x50x64xf32, #tpu.memory_space<hbm>> -> memref<50x64xf32, #tpu.memory_space<hbm>>
    %dma_start3A_1932 = arith.constant 0 : i32
    %dma_start3A_1933 = arith.constant 0 : i32
    %dma_start3A_1934 = tpu.memref_slice %arg4[%add3A_1924, %dma_start3A_1932, %dma_start3A_1933] : memref<4096x50x64xf32, #tpu.memory_space<hbm>> -> memref<1x50x64xf32, #tpu.memory_space<hbm>>
    %dma_start3A_1935 = tpu.memref_squeeze %dma_start3A_1934 : memref<1x50x64xf32, #tpu.memory_space<hbm>> -> memref<50x64xf32, #tpu.memory_space<hbm>>
    %dma_start3A_1936 = arith.constant 100 : i32
    %dma_start3A_1937 = arith.constant 0 : i32
    %dma_start3A_1938 = tpu.memref_slice %arg13[%dma_start3A_1936, %dma_start3A_1937] : memref<200x64xf32, #tpu.memory_space<vmem>> -> memref<50x64xf32, #tpu.memory_space<vmem>>
    tpu.enqueue_dma source(%dma_start3A_1938 : memref<50x64xf32, #tpu.memory_space<vmem>>) target(%dma_start3A_1935 : memref<50x64xf32, #tpu.memory_space<hbm>>) target_semaphore(%arg29 : memref<!tpu.dma_semaphore, #tpu.memory_space<semaphore_mem>>)
    %add3A_1939 = arith.constant 124 : i32
    %add3A_1940 = arith.addi %mul3A_2, %add3A_1939 : i32
    %add3A_1941 = arith.constant 3 : i32
    %add3A_1942 = arith.addi %add3A_1940, %add3A_1941 : i32
    %dma_start3A_1943 = arith.constant 150 : i32
    %dma_start3A_1944 = arith.constant 0 : i32
    %dma_start3A_1945 = tpu.memref_slice %arg13[%dma_start3A_1943, %dma_start3A_1944] : memref<200x64xf32, #tpu.memory_space<vmem>> -> memref<50x64xf32, #tpu.memory_space<vmem>>
    %dma_start3A_1946 = arith.constant 0 : i32
    %dma_start3A_1947 = arith.constant 0 : i32
    %dma_start3A_1948 = tpu.memref_slice %arg4[%add3A_1942, %dma_start3A_1946, %dma_start3A_1947] : memref<4096x50x64xf32, #tpu.memory_space<hbm>> -> memref<1x50x64xf32, #tpu.memory_space<hbm>>
    %dma_start3A_1949 = tpu.memref_squeeze %dma_start3A_1948 : memref<1x50x64xf32, #tpu.memory_space<hbm>> -> memref<50x64xf32, #tpu.memory_space<hbm>>
    %dma_start3A_1950 = arith.constant 0 : i32
    %dma_start3A_1951 = arith.constant 0 : i32
    %dma_start3A_1952 = tpu.memref_slice %arg4[%add3A_1942, %dma_start3A_1950, %dma_start3A_1951] : memref<4096x50x64xf32, #tpu.memory_space<hbm>> -> memref<1x50x64xf32, #tpu.memory_space<hbm>>
    %dma_start3A_1953 = tpu.memref_squeeze %dma_start3A_1952 : memref<1x50x64xf32, #tpu.memory_space<hbm>> -> memref<50x64xf32, #tpu.memory_space<hbm>>
    %dma_start3A_1954 = arith.constant 150 : i32
    %dma_start3A_1955 = arith.constant 0 : i32
    %dma_start3A_1956 = tpu.memref_slice %arg13[%dma_start3A_1954, %dma_start3A_1955] : memref<200x64xf32, #tpu.memory_space<vmem>> -> memref<50x64xf32, #tpu.memory_space<vmem>>
    tpu.enqueue_dma source(%dma_start3A_1956 : memref<50x64xf32, #tpu.memory_space<vmem>>) target(%dma_start3A_1953 : memref<50x64xf32, #tpu.memory_space<hbm>>) target_semaphore(%arg29 : memref<!tpu.dma_semaphore, #tpu.memory_space<semaphore_mem>>)
    %add3A_1957 = arith.constant 96 : i32
    %add3A_1958 = arith.addi %mul3A_2, %add3A_1957 : i32
    %add3A_1959 = arith.constant 0 : i32
    %add3A_1960 = arith.addi %add3A_1958, %add3A_1959 : i32
    %dma_wait3A_1961 = arith.constant 0 : i32
    %dma_wait3A_1962 = arith.constant 0 : i32
    %dma_wait3A_1963 = tpu.memref_slice %arg6[%dma_wait3A_1961, %dma_wait3A_1962] : memref<200x64xf32, #tpu.memory_space<vmem>> -> memref<50x64xf32, #tpu.memory_space<vmem>>
    %dma_wait3A_1964 = arith.constant 0 : i32
    %dma_wait3A_1965 = arith.constant 0 : i32
    %dma_wait3A_1966 = tpu.memref_slice %arg4[%add3A_1960, %dma_wait3A_1964, %dma_wait3A_1965] : memref<4096x50x64xf32, #tpu.memory_space<hbm>> -> memref<1x50x64xf32, #tpu.memory_space<hbm>>
    %dma_wait3A_1967 = tpu.memref_squeeze %dma_wait3A_1966 : memref<1x50x64xf32, #tpu.memory_space<hbm>> -> memref<50x64xf32, #tpu.memory_space<hbm>>
    %dma_wait3A_1968 = arith.constant 0 : i32
    %dma_wait3A_1969 = arith.constant 0 : i32
    %dma_wait3A_1970 = tpu.memref_slice %arg4[%add3A_1960, %dma_wait3A_1968, %dma_wait3A_1969] : memref<4096x50x64xf32, #tpu.memory_space<hbm>> -> memref<1x50x64xf32, #tpu.memory_space<hbm>>
    %dma_wait3A_1971 = tpu.memref_squeeze %dma_wait3A_1970 : memref<1x50x64xf32, #tpu.memory_space<hbm>> -> memref<50x64xf32, #tpu.memory_space<hbm>>
    %dma_wait3A_1972 = arith.constant 0 : i32
    %dma_wait3A_1973 = arith.constant 0 : i32
    %dma_wait3A_1974 = tpu.memref_slice %arg6[%dma_wait3A_1972, %dma_wait3A_1973] : memref<200x64xf32, #tpu.memory_space<vmem>> -> memref<50x64xf32, #tpu.memory_space<vmem>>
    tpu.wait_dma2 semaphore(%arg22 : memref<!tpu.dma_semaphore, #tpu.memory_space<semaphore_mem>>) src(%dma_wait3A_1974 : memref<50x64xf32, #tpu.memory_space<vmem>>) dst(%dma_wait3A_1971 : memref<50x64xf32, #tpu.memory_space<hbm>>)
    %add3A_1975 = arith.constant 96 : i32
    %add3A_1976 = arith.addi %mul3A_2, %add3A_1975 : i32
    %add3A_1977 = arith.constant 1 : i32
    %add3A_1978 = arith.addi %add3A_1976, %add3A_1977 : i32
    %dma_wait3A_1979 = arith.constant 50 : i32
    %dma_wait3A_1980 = arith.constant 0 : i32
    %dma_wait3A_1981 = tpu.memref_slice %arg6[%dma_wait3A_1979, %dma_wait3A_1980] : memref<200x64xf32, #tpu.memory_space<vmem>> -> memref<50x64xf32, #tpu.memory_space<vmem>>
    %dma_wait3A_1982 = arith.constant 0 : i32
    %dma_wait3A_1983 = arith.constant 0 : i32
    %dma_wait3A_1984 = tpu.memref_slice %arg4[%add3A_1978, %dma_wait3A_1982, %dma_wait3A_1983] : memref<4096x50x64xf32, #tpu.memory_space<hbm>> -> memref<1x50x64xf32, #tpu.memory_space<hbm>>
    %dma_wait3A_1985 = tpu.memref_squeeze %dma_wait3A_1984 : memref<1x50x64xf32, #tpu.memory_space<hbm>> -> memref<50x64xf32, #tpu.memory_space<hbm>>
    %dma_wait3A_1986 = arith.constant 0 : i32
    %dma_wait3A_1987 = arith.constant 0 : i32
    %dma_wait3A_1988 = tpu.memref_slice %arg4[%add3A_1978, %dma_wait3A_1986, %dma_wait3A_1987] : memref<4096x50x64xf32, #tpu.memory_space<hbm>> -> memref<1x50x64xf32, #tpu.memory_space<hbm>>
    %dma_wait3A_1989 = tpu.memref_squeeze %dma_wait3A_1988 : memref<1x50x64xf32, #tpu.memory_space<hbm>> -> memref<50x64xf32, #tpu.memory_space<hbm>>
    %dma_wait3A_1990 = arith.constant 50 : i32
    %dma_wait3A_1991 = arith.constant 0 : i32
    %dma_wait3A_1992 = tpu.memref_slice %arg6[%dma_wait3A_1990, %dma_wait3A_1991] : memref<200x64xf32, #tpu.memory_space<vmem>> -> memref<50x64xf32, #tpu.memory_space<vmem>>
    tpu.wait_dma2 semaphore(%arg22 : memref<!tpu.dma_semaphore, #tpu.memory_space<semaphore_mem>>) src(%dma_wait3A_1992 : memref<50x64xf32, #tpu.memory_space<vmem>>) dst(%dma_wait3A_1989 : memref<50x64xf32, #tpu.memory_space<hbm>>)
    %add3A_1993 = arith.constant 96 : i32
    %add3A_1994 = arith.addi %mul3A_2, %add3A_1993 : i32
    %add3A_1995 = arith.constant 2 : i32
    %add3A_1996 = arith.addi %add3A_1994, %add3A_1995 : i32
    %dma_wait3A_1997 = arith.constant 100 : i32
    %dma_wait3A_1998 = arith.constant 0 : i32
    %dma_wait3A_1999 = tpu.memref_slice %arg6[%dma_wait3A_1997, %dma_wait3A_1998] : memref<200x64xf32, #tpu.memory_space<vmem>> -> memref<50x64xf32, #tpu.memory_space<vmem>>
    %dma_wait3A_2000 = arith.constant 0 : i32
    %dma_wait3A_2001 = arith.constant 0 : i32
    %dma_wait3A_2002 = tpu.memref_slice %arg4[%add3A_1996, %dma_wait3A_2000, %dma_wait3A_2001] : memref<4096x50x64xf32, #tpu.memory_space<hbm>> -> memref<1x50x64xf32, #tpu.memory_space<hbm>>
    %dma_wait3A_2003 = tpu.memref_squeeze %dma_wait3A_2002 : memref<1x50x64xf32, #tpu.memory_space<hbm>> -> memref<50x64xf32, #tpu.memory_space<hbm>>
    %dma_wait3A_2004 = arith.constant 0 : i32
    %dma_wait3A_2005 = arith.constant 0 : i32
    %dma_wait3A_2006 = tpu.memref_slice %arg4[%add3A_1996, %dma_wait3A_2004, %dma_wait3A_2005] : memref<4096x50x64xf32, #tpu.memory_space<hbm>> -> memref<1x50x64xf32, #tpu.memory_space<hbm>>
    %dma_wait3A_2007 = tpu.memref_squeeze %dma_wait3A_2006 : memref<1x50x64xf32, #tpu.memory_space<hbm>> -> memref<50x64xf32, #tpu.memory_space<hbm>>
    %dma_wait3A_2008 = arith.constant 100 : i32
    %dma_wait3A_2009 = arith.constant 0 : i32
    %dma_wait3A_2010 = tpu.memref_slice %arg6[%dma_wait3A_2008, %dma_wait3A_2009] : memref<200x64xf32, #tpu.memory_space<vmem>> -> memref<50x64xf32, #tpu.memory_space<vmem>>
    tpu.wait_dma2 semaphore(%arg22 : memref<!tpu.dma_semaphore, #tpu.memory_space<semaphore_mem>>) src(%dma_wait3A_2010 : memref<50x64xf32, #tpu.memory_space<vmem>>) dst(%dma_wait3A_2007 : memref<50x64xf32, #tpu.memory_space<hbm>>)
    %add3A_2011 = arith.constant 96 : i32
    %add3A_2012 = arith.addi %mul3A_2, %add3A_2011 : i32
    %add3A_2013 = arith.constant 3 : i32
    %add3A_2014 = arith.addi %add3A_2012, %add3A_2013 : i32
    %dma_wait3A_2015 = arith.constant 150 : i32
    %dma_wait3A_2016 = arith.constant 0 : i32
    %dma_wait3A_2017 = tpu.memref_slice %arg6[%dma_wait3A_2015, %dma_wait3A_2016] : memref<200x64xf32, #tpu.memory_space<vmem>> -> memref<50x64xf32, #tpu.memory_space<vmem>>
    %dma_wait3A_2018 = arith.constant 0 : i32
    %dma_wait3A_2019 = arith.constant 0 : i32
    %dma_wait3A_2020 = tpu.memref_slice %arg4[%add3A_2014, %dma_wait3A_2018, %dma_wait3A_2019] : memref<4096x50x64xf32, #tpu.memory_space<hbm>> -> memref<1x50x64xf32, #tpu.memory_space<hbm>>
    %dma_wait3A_2021 = tpu.memref_squeeze %dma_wait3A_2020 : memref<1x50x64xf32, #tpu.memory_space<hbm>> -> memref<50x64xf32, #tpu.memory_space<hbm>>
    %dma_wait3A_2022 = arith.constant 0 : i32
    %dma_wait3A_2023 = arith.constant 0 : i32
    %dma_wait3A_2024 = tpu.memref_slice %arg4[%add3A_2014, %dma_wait3A_2022, %dma_wait3A_2023] : memref<4096x50x64xf32, #tpu.memory_space<hbm>> -> memref<1x50x64xf32, #tpu.memory_space<hbm>>
    %dma_wait3A_2025 = tpu.memref_squeeze %dma_wait3A_2024 : memref<1x50x64xf32, #tpu.memory_space<hbm>> -> memref<50x64xf32, #tpu.memory_space<hbm>>
    %dma_wait3A_2026 = arith.constant 150 : i32
    %dma_wait3A_2027 = arith.constant 0 : i32
    %dma_wait3A_2028 = tpu.memref_slice %arg6[%dma_wait3A_2026, %dma_wait3A_2027] : memref<200x64xf32, #tpu.memory_space<vmem>> -> memref<50x64xf32, #tpu.memory_space<vmem>>
    tpu.wait_dma2 semaphore(%arg22 : memref<!tpu.dma_semaphore, #tpu.memory_space<semaphore_mem>>) src(%dma_wait3A_2028 : memref<50x64xf32, #tpu.memory_space<vmem>>) dst(%dma_wait3A_2025 : memref<50x64xf32, #tpu.memory_space<hbm>>)
    %add3A_2029 = arith.constant 100 : i32
    %add3A_2030 = arith.addi %mul3A_2, %add3A_2029 : i32
    %add3A_2031 = arith.constant 0 : i32
    %add3A_2032 = arith.addi %add3A_2030, %add3A_2031 : i32
    %dma_wait3A_2033 = arith.constant 0 : i32
    %dma_wait3A_2034 = arith.constant 0 : i32
    %dma_wait3A_2035 = tpu.memref_slice %arg7[%dma_wait3A_2033, %dma_wait3A_2034] : memref<200x64xf32, #tpu.memory_space<vmem>> -> memref<50x64xf32, #tpu.memory_space<vmem>>
    %dma_wait3A_2036 = arith.constant 0 : i32
    %dma_wait3A_2037 = arith.constant 0 : i32
    %dma_wait3A_2038 = tpu.memref_slice %arg4[%add3A_2032, %dma_wait3A_2036, %dma_wait3A_2037] : memref<4096x50x64xf32, #tpu.memory_space<hbm>> -> memref<1x50x64xf32, #tpu.memory_space<hbm>>
    %dma_wait3A_2039 = tpu.memref_squeeze %dma_wait3A_2038 : memref<1x50x64xf32, #tpu.memory_space<hbm>> -> memref<50x64xf32, #tpu.memory_space<hbm>>
    %dma_wait3A_2040 = arith.constant 0 : i32
    %dma_wait3A_2041 = arith.constant 0 : i32
    %dma_wait3A_2042 = tpu.memref_slice %arg4[%add3A_2032, %dma_wait3A_2040, %dma_wait3A_2041] : memref<4096x50x64xf32, #tpu.memory_space<hbm>> -> memref<1x50x64xf32, #tpu.memory_space<hbm>>
    %dma_wait3A_2043 = tpu.memref_squeeze %dma_wait3A_2042 : memref<1x50x64xf32, #tpu.memory_space<hbm>> -> memref<50x64xf32, #tpu.memory_space<hbm>>
    %dma_wait3A_2044 = arith.constant 0 : i32
    %dma_wait3A_2045 = arith.constant 0 : i32
    %dma_wait3A_2046 = tpu.memref_slice %arg7[%dma_wait3A_2044, %dma_wait3A_2045] : memref<200x64xf32, #tpu.memory_space<vmem>> -> memref<50x64xf32, #tpu.memory_space<vmem>>
    tpu.wait_dma2 semaphore(%arg23 : memref<!tpu.dma_semaphore, #tpu.memory_space<semaphore_mem>>) src(%dma_wait3A_2046 : memref<50x64xf32, #tpu.memory_space<vmem>>) dst(%dma_wait3A_2043 : memref<50x64xf32, #tpu.memory_space<hbm>>)
    %add3A_2047 = arith.constant 100 : i32
    %add3A_2048 = arith.addi %mul3A_2, %add3A_2047 : i32
    %add3A_2049 = arith.constant 1 : i32
    %add3A_2050 = arith.addi %add3A_2048, %add3A_2049 : i32
    %dma_wait3A_2051 = arith.constant 50 : i32
    %dma_wait3A_2052 = arith.constant 0 : i32
    %dma_wait3A_2053 = tpu.memref_slice %arg7[%dma_wait3A_2051, %dma_wait3A_2052] : memref<200x64xf32, #tpu.memory_space<vmem>> -> memref<50x64xf32, #tpu.memory_space<vmem>>
    %dma_wait3A_2054 = arith.constant 0 : i32
    %dma_wait3A_2055 = arith.constant 0 : i32
    %dma_wait3A_2056 = tpu.memref_slice %arg4[%add3A_2050, %dma_wait3A_2054, %dma_wait3A_2055] : memref<4096x50x64xf32, #tpu.memory_space<hbm>> -> memref<1x50x64xf32, #tpu.memory_space<hbm>>
    %dma_wait3A_2057 = tpu.memref_squeeze %dma_wait3A_2056 : memref<1x50x64xf32, #tpu.memory_space<hbm>> -> memref<50x64xf32, #tpu.memory_space<hbm>>
    %dma_wait3A_2058 = arith.constant 0 : i32
    %dma_wait3A_2059 = arith.constant 0 : i32
    %dma_wait3A_2060 = tpu.memref_slice %arg4[%add3A_2050, %dma_wait3A_2058, %dma_wait3A_2059] : memref<4096x50x64xf32, #tpu.memory_space<hbm>> -> memref<1x50x64xf32, #tpu.memory_space<hbm>>
    %dma_wait3A_2061 = tpu.memref_squeeze %dma_wait3A_2060 : memref<1x50x64xf32, #tpu.memory_space<hbm>> -> memref<50x64xf32, #tpu.memory_space<hbm>>
    %dma_wait3A_2062 = arith.constant 50 : i32
    %dma_wait3A_2063 = arith.constant 0 : i32
    %dma_wait3A_2064 = tpu.memref_slice %arg7[%dma_wait3A_2062, %dma_wait3A_2063] : memref<200x64xf32, #tpu.memory_space<vmem>> -> memref<50x64xf32, #tpu.memory_space<vmem>>
    tpu.wait_dma2 semaphore(%arg23 : memref<!tpu.dma_semaphore, #tpu.memory_space<semaphore_mem>>) src(%dma_wait3A_2064 : memref<50x64xf32, #tpu.memory_space<vmem>>) dst(%dma_wait3A_2061 : memref<50x64xf32, #tpu.memory_space<hbm>>)
    %add3A_2065 = arith.constant 100 : i32
    %add3A_2066 = arith.addi %mul3A_2, %add3A_2065 : i32
    %add3A_2067 = arith.constant 2 : i32
    %add3A_2068 = arith.addi %add3A_2066, %add3A_2067 : i32
    %dma_wait3A_2069 = arith.constant 100 : i32
    %dma_wait3A_2070 = arith.constant 0 : i32
    %dma_wait3A_2071 = tpu.memref_slice %arg7[%dma_wait3A_2069, %dma_wait3A_2070] : memref<200x64xf32, #tpu.memory_space<vmem>> -> memref<50x64xf32, #tpu.memory_space<vmem>>
    %dma_wait3A_2072 = arith.constant 0 : i32
    %dma_wait3A_2073 = arith.constant 0 : i32
    %dma_wait3A_2074 = tpu.memref_slice %arg4[%add3A_2068, %dma_wait3A_2072, %dma_wait3A_2073] : memref<4096x50x64xf32, #tpu.memory_space<hbm>> -> memref<1x50x64xf32, #tpu.memory_space<hbm>>
    %dma_wait3A_2075 = tpu.memref_squeeze %dma_wait3A_2074 : memref<1x50x64xf32, #tpu.memory_space<hbm>> -> memref<50x64xf32, #tpu.memory_space<hbm>>
    %dma_wait3A_2076 = arith.constant 0 : i32
    %dma_wait3A_2077 = arith.constant 0 : i32
    %dma_wait3A_2078 = tpu.memref_slice %arg4[%add3A_2068, %dma_wait3A_2076, %dma_wait3A_2077] : memref<4096x50x64xf32, #tpu.memory_space<hbm>> -> memref<1x50x64xf32, #tpu.memory_space<hbm>>
    %dma_wait3A_2079 = tpu.memref_squeeze %dma_wait3A_2078 : memref<1x50x64xf32, #tpu.memory_space<hbm>> -> memref<50x64xf32, #tpu.memory_space<hbm>>
    %dma_wait3A_2080 = arith.constant 100 : i32
    %dma_wait3A_2081 = arith.constant 0 : i32
    %dma_wait3A_2082 = tpu.memref_slice %arg7[%dma_wait3A_2080, %dma_wait3A_2081] : memref<200x64xf32, #tpu.memory_space<vmem>> -> memref<50x64xf32, #tpu.memory_space<vmem>>
    tpu.wait_dma2 semaphore(%arg23 : memref<!tpu.dma_semaphore, #tpu.memory_space<semaphore_mem>>) src(%dma_wait3A_2082 : memref<50x64xf32, #tpu.memory_space<vmem>>) dst(%dma_wait3A_2079 : memref<50x64xf32, #tpu.memory_space<hbm>>)
    %add3A_2083 = arith.constant 100 : i32
    %add3A_2084 = arith.addi %mul3A_2, %add3A_2083 : i32
    %add3A_2085 = arith.constant 3 : i32
    %add3A_2086 = arith.addi %add3A_2084, %add3A_2085 : i32
    %dma_wait3A_2087 = arith.constant 150 : i32
    %dma_wait3A_2088 = arith.constant 0 : i32
    %dma_wait3A_2089 = tpu.memref_slice %arg7[%dma_wait3A_2087, %dma_wait3A_2088] : memref<200x64xf32, #tpu.memory_space<vmem>> -> memref<50x64xf32, #tpu.memory_space<vmem>>
    %dma_wait3A_2090 = arith.constant 0 : i32
    %dma_wait3A_2091 = arith.constant 0 : i32
    %dma_wait3A_2092 = tpu.memref_slice %arg4[%add3A_2086, %dma_wait3A_2090, %dma_wait3A_2091] : memref<4096x50x64xf32, #tpu.memory_space<hbm>> -> memref<1x50x64xf32, #tpu.memory_space<hbm>>
    %dma_wait3A_2093 = tpu.memref_squeeze %dma_wait3A_2092 : memref<1x50x64xf32, #tpu.memory_space<hbm>> -> memref<50x64xf32, #tpu.memory_space<hbm>>
    %dma_wait3A_2094 = arith.constant 0 : i32
    %dma_wait3A_2095 = arith.constant 0 : i32
    %dma_wait3A_2096 = tpu.memref_slice %arg4[%add3A_2086, %dma_wait3A_2094, %dma_wait3A_2095] : memref<4096x50x64xf32, #tpu.memory_space<hbm>> -> memref<1x50x64xf32, #tpu.memory_space<hbm>>
    %dma_wait3A_2097 = tpu.memref_squeeze %dma_wait3A_2096 : memref<1x50x64xf32, #tpu.memory_space<hbm>> -> memref<50x64xf32, #tpu.memory_space<hbm>>
    %dma_wait3A_2098 = arith.constant 150 : i32
    %dma_wait3A_2099 = arith.constant 0 : i32
    %dma_wait3A_2100 = tpu.memref_slice %arg7[%dma_wait3A_2098, %dma_wait3A_2099] : memref<200x64xf32, #tpu.memory_space<vmem>> -> memref<50x64xf32, #tpu.memory_space<vmem>>
    tpu.wait_dma2 semaphore(%arg23 : memref<!tpu.dma_semaphore, #tpu.memory_space<semaphore_mem>>) src(%dma_wait3A_2100 : memref<50x64xf32, #tpu.memory_space<vmem>>) dst(%dma_wait3A_2097 : memref<50x64xf32, #tpu.memory_space<hbm>>)
    %add3A_2101 = arith.constant 104 : i32
    %add3A_2102 = arith.addi %mul3A_2, %add3A_2101 : i32
    %add3A_2103 = arith.constant 0 : i32
    %add3A_2104 = arith.addi %add3A_2102, %add3A_2103 : i32
    %dma_wait3A_2105 = arith.constant 0 : i32
    %dma_wait3A_2106 = arith.constant 0 : i32
    %dma_wait3A_2107 = tpu.memref_slice %arg8[%dma_wait3A_2105, %dma_wait3A_2106] : memref<200x64xf32, #tpu.memory_space<vmem>> -> memref<50x64xf32, #tpu.memory_space<vmem>>
    %dma_wait3A_2108 = arith.constant 0 : i32
    %dma_wait3A_2109 = arith.constant 0 : i32
    %dma_wait3A_2110 = tpu.memref_slice %arg4[%add3A_2104, %dma_wait3A_2108, %dma_wait3A_2109] : memref<4096x50x64xf32, #tpu.memory_space<hbm>> -> memref<1x50x64xf32, #tpu.memory_space<hbm>>
    %dma_wait3A_2111 = tpu.memref_squeeze %dma_wait3A_2110 : memref<1x50x64xf32, #tpu.memory_space<hbm>> -> memref<50x64xf32, #tpu.memory_space<hbm>>
    %dma_wait3A_2112 = arith.constant 0 : i32
    %dma_wait3A_2113 = arith.constant 0 : i32
    %dma_wait3A_2114 = tpu.memref_slice %arg4[%add3A_2104, %dma_wait3A_2112, %dma_wait3A_2113] : memref<4096x50x64xf32, #tpu.memory_space<hbm>> -> memref<1x50x64xf32, #tpu.memory_space<hbm>>
    %dma_wait3A_2115 = tpu.memref_squeeze %dma_wait3A_2114 : memref<1x50x64xf32, #tpu.memory_space<hbm>> -> memref<50x64xf32, #tpu.memory_space<hbm>>
    %dma_wait3A_2116 = arith.constant 0 : i32
    %dma_wait3A_2117 = arith.constant 0 : i32
    %dma_wait3A_2118 = tpu.memref_slice %arg8[%dma_wait3A_2116, %dma_wait3A_2117] : memref<200x64xf32, #tpu.memory_space<vmem>> -> memref<50x64xf32, #tpu.memory_space<vmem>>
    tpu.wait_dma2 semaphore(%arg24 : memref<!tpu.dma_semaphore, #tpu.memory_space<semaphore_mem>>) src(%dma_wait3A_2118 : memref<50x64xf32, #tpu.memory_space<vmem>>) dst(%dma_wait3A_2115 : memref<50x64xf32, #tpu.memory_space<hbm>>)
    %add3A_2119 = arith.constant 104 : i32
    %add3A_2120 = arith.addi %mul3A_2, %add3A_2119 : i32
    %add3A_2121 = arith.constant 1 : i32
    %add3A_2122 = arith.addi %add3A_2120, %add3A_2121 : i32
    %dma_wait3A_2123 = arith.constant 50 : i32
    %dma_wait3A_2124 = arith.constant 0 : i32
    %dma_wait3A_2125 = tpu.memref_slice %arg8[%dma_wait3A_2123, %dma_wait3A_2124] : memref<200x64xf32, #tpu.memory_space<vmem>> -> memref<50x64xf32, #tpu.memory_space<vmem>>
    %dma_wait3A_2126 = arith.constant 0 : i32
    %dma_wait3A_2127 = arith.constant 0 : i32
    %dma_wait3A_2128 = tpu.memref_slice %arg4[%add3A_2122, %dma_wait3A_2126, %dma_wait3A_2127] : memref<4096x50x64xf32, #tpu.memory_space<hbm>> -> memref<1x50x64xf32, #tpu.memory_space<hbm>>
    %dma_wait3A_2129 = tpu.memref_squeeze %dma_wait3A_2128 : memref<1x50x64xf32, #tpu.memory_space<hbm>> -> memref<50x64xf32, #tpu.memory_space<hbm>>
    %dma_wait3A_2130 = arith.constant 0 : i32
    %dma_wait3A_2131 = arith.constant 0 : i32
    %dma_wait3A_2132 = tpu.memref_slice %arg4[%add3A_2122, %dma_wait3A_2130, %dma_wait3A_2131] : memref<4096x50x64xf32, #tpu.memory_space<hbm>> -> memref<1x50x64xf32, #tpu.memory_space<hbm>>
    %dma_wait3A_2133 = tpu.memref_squeeze %dma_wait3A_2132 : memref<1x50x64xf32, #tpu.memory_space<hbm>> -> memref<50x64xf32, #tpu.memory_space<hbm>>
    %dma_wait3A_2134 = arith.constant 50 : i32
    %dma_wait3A_2135 = arith.constant 0 : i32
    %dma_wait3A_2136 = tpu.memref_slice %arg8[%dma_wait3A_2134, %dma_wait3A_2135] : memref<200x64xf32, #tpu.memory_space<vmem>> -> memref<50x64xf32, #tpu.memory_space<vmem>>
    tpu.wait_dma2 semaphore(%arg24 : memref<!tpu.dma_semaphore, #tpu.memory_space<semaphore_mem>>) src(%dma_wait3A_2136 : memref<50x64xf32, #tpu.memory_space<vmem>>) dst(%dma_wait3A_2133 : memref<50x64xf32, #tpu.memory_space<hbm>>)
    %add3A_2137 = arith.constant 104 : i32
    %add3A_2138 = arith.addi %mul3A_2, %add3A_2137 : i32
    %add3A_2139 = arith.constant 2 : i32
    %add3A_2140 = arith.addi %add3A_2138, %add3A_2139 : i32
    %dma_wait3A_2141 = arith.constant 100 : i32
    %dma_wait3A_2142 = arith.constant 0 : i32
    %dma_wait3A_2143 = tpu.memref_slice %arg8[%dma_wait3A_2141, %dma_wait3A_2142] : memref<200x64xf32, #tpu.memory_space<vmem>> -> memref<50x64xf32, #tpu.memory_space<vmem>>
    %dma_wait3A_2144 = arith.constant 0 : i32
    %dma_wait3A_2145 = arith.constant 0 : i32
    %dma_wait3A_2146 = tpu.memref_slice %arg4[%add3A_2140, %dma_wait3A_2144, %dma_wait3A_2145] : memref<4096x50x64xf32, #tpu.memory_space<hbm>> -> memref<1x50x64xf32, #tpu.memory_space<hbm>>
    %dma_wait3A_2147 = tpu.memref_squeeze %dma_wait3A_2146 : memref<1x50x64xf32, #tpu.memory_space<hbm>> -> memref<50x64xf32, #tpu.memory_space<hbm>>
    %dma_wait3A_2148 = arith.constant 0 : i32
    %dma_wait3A_2149 = arith.constant 0 : i32
    %dma_wait3A_2150 = tpu.memref_slice %arg4[%add3A_2140, %dma_wait3A_2148, %dma_wait3A_2149] : memref<4096x50x64xf32, #tpu.memory_space<hbm>> -> memref<1x50x64xf32, #tpu.memory_space<hbm>>
    %dma_wait3A_2151 = tpu.memref_squeeze %dma_wait3A_2150 : memref<1x50x64xf32, #tpu.memory_space<hbm>> -> memref<50x64xf32, #tpu.memory_space<hbm>>
    %dma_wait3A_2152 = arith.constant 100 : i32
    %dma_wait3A_2153 = arith.constant 0 : i32
    %dma_wait3A_2154 = tpu.memref_slice %arg8[%dma_wait3A_2152, %dma_wait3A_2153] : memref<200x64xf32, #tpu.memory_space<vmem>> -> memref<50x64xf32, #tpu.memory_space<vmem>>
    tpu.wait_dma2 semaphore(%arg24 : memref<!tpu.dma_semaphore, #tpu.memory_space<semaphore_mem>>) src(%dma_wait3A_2154 : memref<50x64xf32, #tpu.memory_space<vmem>>) dst(%dma_wait3A_2151 : memref<50x64xf32, #tpu.memory_space<hbm>>)
    %add3A_2155 = arith.constant 104 : i32
    %add3A_2156 = arith.addi %mul3A_2, %add3A_2155 : i32
    %add3A_2157 = arith.constant 3 : i32
    %add3A_2158 = arith.addi %add3A_2156, %add3A_2157 : i32
    %dma_wait3A_2159 = arith.constant 150 : i32
    %dma_wait3A_2160 = arith.constant 0 : i32
    %dma_wait3A_2161 = tpu.memref_slice %arg8[%dma_wait3A_2159, %dma_wait3A_2160] : memref<200x64xf32, #tpu.memory_space<vmem>> -> memref<50x64xf32, #tpu.memory_space<vmem>>
    %dma_wait3A_2162 = arith.constant 0 : i32
    %dma_wait3A_2163 = arith.constant 0 : i32
    %dma_wait3A_2164 = tpu.memref_slice %arg4[%add3A_2158, %dma_wait3A_2162, %dma_wait3A_2163] : memref<4096x50x64xf32, #tpu.memory_space<hbm>> -> memref<1x50x64xf32, #tpu.memory_space<hbm>>
    %dma_wait3A_2165 = tpu.memref_squeeze %dma_wait3A_2164 : memref<1x50x64xf32, #tpu.memory_space<hbm>> -> memref<50x64xf32, #tpu.memory_space<hbm>>
    %dma_wait3A_2166 = arith.constant 0 : i32
    %dma_wait3A_2167 = arith.constant 0 : i32
    %dma_wait3A_2168 = tpu.memref_slice %arg4[%add3A_2158, %dma_wait3A_2166, %dma_wait3A_2167] : memref<4096x50x64xf32, #tpu.memory_space<hbm>> -> memref<1x50x64xf32, #tpu.memory_space<hbm>>
    %dma_wait3A_2169 = tpu.memref_squeeze %dma_wait3A_2168 : memref<1x50x64xf32, #tpu.memory_space<hbm>> -> memref<50x64xf32, #tpu.memory_space<hbm>>
    %dma_wait3A_2170 = arith.constant 150 : i32
    %dma_wait3A_2171 = arith.constant 0 : i32
    %dma_wait3A_2172 = tpu.memref_slice %arg8[%dma_wait3A_2170, %dma_wait3A_2171] : memref<200x64xf32, #tpu.memory_space<vmem>> -> memref<50x64xf32, #tpu.memory_space<vmem>>
    tpu.wait_dma2 semaphore(%arg24 : memref<!tpu.dma_semaphore, #tpu.memory_space<semaphore_mem>>) src(%dma_wait3A_2172 : memref<50x64xf32, #tpu.memory_space<vmem>>) dst(%dma_wait3A_2169 : memref<50x64xf32, #tpu.memory_space<hbm>>)
    %add3A_2173 = arith.constant 108 : i32
    %add3A_2174 = arith.addi %mul3A_2, %add3A_2173 : i32
    %add3A_2175 = arith.constant 0 : i32
    %add3A_2176 = arith.addi %add3A_2174, %add3A_2175 : i32
    %dma_wait3A_2177 = arith.constant 0 : i32
    %dma_wait3A_2178 = arith.constant 0 : i32
    %dma_wait3A_2179 = tpu.memref_slice %arg9[%dma_wait3A_2177, %dma_wait3A_2178] : memref<200x64xf32, #tpu.memory_space<vmem>> -> memref<50x64xf32, #tpu.memory_space<vmem>>
    %dma_wait3A_2180 = arith.constant 0 : i32
    %dma_wait3A_2181 = arith.constant 0 : i32
    %dma_wait3A_2182 = tpu.memref_slice %arg4[%add3A_2176, %dma_wait3A_2180, %dma_wait3A_2181] : memref<4096x50x64xf32, #tpu.memory_space<hbm>> -> memref<1x50x64xf32, #tpu.memory_space<hbm>>
    %dma_wait3A_2183 = tpu.memref_squeeze %dma_wait3A_2182 : memref<1x50x64xf32, #tpu.memory_space<hbm>> -> memref<50x64xf32, #tpu.memory_space<hbm>>
    %dma_wait3A_2184 = arith.constant 0 : i32
    %dma_wait3A_2185 = arith.constant 0 : i32
    %dma_wait3A_2186 = tpu.memref_slice %arg4[%add3A_2176, %dma_wait3A_2184, %dma_wait3A_2185] : memref<4096x50x64xf32, #tpu.memory_space<hbm>> -> memref<1x50x64xf32, #tpu.memory_space<hbm>>
    %dma_wait3A_2187 = tpu.memref_squeeze %dma_wait3A_2186 : memref<1x50x64xf32, #tpu.memory_space<hbm>> -> memref<50x64xf32, #tpu.memory_space<hbm>>
    %dma_wait3A_2188 = arith.constant 0 : i32
    %dma_wait3A_2189 = arith.constant 0 : i32
    %dma_wait3A_2190 = tpu.memref_slice %arg9[%dma_wait3A_2188, %dma_wait3A_2189] : memref<200x64xf32, #tpu.memory_space<vmem>> -> memref<50x64xf32, #tpu.memory_space<vmem>>
    tpu.wait_dma2 semaphore(%arg25 : memref<!tpu.dma_semaphore, #tpu.memory_space<semaphore_mem>>) src(%dma_wait3A_2190 : memref<50x64xf32, #tpu.memory_space<vmem>>) dst(%dma_wait3A_2187 : memref<50x64xf32, #tpu.memory_space<hbm>>)
    %add3A_2191 = arith.constant 108 : i32
    %add3A_2192 = arith.addi %mul3A_2, %add3A_2191 : i32
    %add3A_2193 = arith.constant 1 : i32
    %add3A_2194 = arith.addi %add3A_2192, %add3A_2193 : i32
    %dma_wait3A_2195 = arith.constant 50 : i32
    %dma_wait3A_2196 = arith.constant 0 : i32
    %dma_wait3A_2197 = tpu.memref_slice %arg9[%dma_wait3A_2195, %dma_wait3A_2196] : memref<200x64xf32, #tpu.memory_space<vmem>> -> memref<50x64xf32, #tpu.memory_space<vmem>>
    %dma_wait3A_2198 = arith.constant 0 : i32
    %dma_wait3A_2199 = arith.constant 0 : i32
    %dma_wait3A_2200 = tpu.memref_slice %arg4[%add3A_2194, %dma_wait3A_2198, %dma_wait3A_2199] : memref<4096x50x64xf32, #tpu.memory_space<hbm>> -> memref<1x50x64xf32, #tpu.memory_space<hbm>>
    %dma_wait3A_2201 = tpu.memref_squeeze %dma_wait3A_2200 : memref<1x50x64xf32, #tpu.memory_space<hbm>> -> memref<50x64xf32, #tpu.memory_space<hbm>>
    %dma_wait3A_2202 = arith.constant 0 : i32
    %dma_wait3A_2203 = arith.constant 0 : i32
    %dma_wait3A_2204 = tpu.memref_slice %arg4[%add3A_2194, %dma_wait3A_2202, %dma_wait3A_2203] : memref<4096x50x64xf32, #tpu.memory_space<hbm>> -> memref<1x50x64xf32, #tpu.memory_space<hbm>>
    %dma_wait3A_2205 = tpu.memref_squeeze %dma_wait3A_2204 : memref<1x50x64xf32, #tpu.memory_space<hbm>> -> memref<50x64xf32, #tpu.memory_space<hbm>>
    %dma_wait3A_2206 = arith.constant 50 : i32
    %dma_wait3A_2207 = arith.constant 0 : i32
    %dma_wait3A_2208 = tpu.memref_slice %arg9[%dma_wait3A_2206, %dma_wait3A_2207] : memref<200x64xf32, #tpu.memory_space<vmem>> -> memref<50x64xf32, #tpu.memory_space<vmem>>
    tpu.wait_dma2 semaphore(%arg25 : memref<!tpu.dma_semaphore, #tpu.memory_space<semaphore_mem>>) src(%dma_wait3A_2208 : memref<50x64xf32, #tpu.memory_space<vmem>>) dst(%dma_wait3A_2205 : memref<50x64xf32, #tpu.memory_space<hbm>>)
    %add3A_2209 = arith.constant 108 : i32
    %add3A_2210 = arith.addi %mul3A_2, %add3A_2209 : i32
    %add3A_2211 = arith.constant 2 : i32
    %add3A_2212 = arith.addi %add3A_2210, %add3A_2211 : i32
    %dma_wait3A_2213 = arith.constant 100 : i32
    %dma_wait3A_2214 = arith.constant 0 : i32
    %dma_wait3A_2215 = tpu.memref_slice %arg9[%dma_wait3A_2213, %dma_wait3A_2214] : memref<200x64xf32, #tpu.memory_space<vmem>> -> memref<50x64xf32, #tpu.memory_space<vmem>>
    %dma_wait3A_2216 = arith.constant 0 : i32
    %dma_wait3A_2217 = arith.constant 0 : i32
    %dma_wait3A_2218 = tpu.memref_slice %arg4[%add3A_2212, %dma_wait3A_2216, %dma_wait3A_2217] : memref<4096x50x64xf32, #tpu.memory_space<hbm>> -> memref<1x50x64xf32, #tpu.memory_space<hbm>>
    %dma_wait3A_2219 = tpu.memref_squeeze %dma_wait3A_2218 : memref<1x50x64xf32, #tpu.memory_space<hbm>> -> memref<50x64xf32, #tpu.memory_space<hbm>>
    %dma_wait3A_2220 = arith.constant 0 : i32
    %dma_wait3A_2221 = arith.constant 0 : i32
    %dma_wait3A_2222 = tpu.memref_slice %arg4[%add3A_2212, %dma_wait3A_2220, %dma_wait3A_2221] : memref<4096x50x64xf32, #tpu.memory_space<hbm>> -> memref<1x50x64xf32, #tpu.memory_space<hbm>>
    %dma_wait3A_2223 = tpu.memref_squeeze %dma_wait3A_2222 : memref<1x50x64xf32, #tpu.memory_space<hbm>> -> memref<50x64xf32, #tpu.memory_space<hbm>>
    %dma_wait3A_2224 = arith.constant 100 : i32
    %dma_wait3A_2225 = arith.constant 0 : i32
    %dma_wait3A_2226 = tpu.memref_slice %arg9[%dma_wait3A_2224, %dma_wait3A_2225] : memref<200x64xf32, #tpu.memory_space<vmem>> -> memref<50x64xf32, #tpu.memory_space<vmem>>
    tpu.wait_dma2 semaphore(%arg25 : memref<!tpu.dma_semaphore, #tpu.memory_space<semaphore_mem>>) src(%dma_wait3A_2226 : memref<50x64xf32, #tpu.memory_space<vmem>>) dst(%dma_wait3A_2223 : memref<50x64xf32, #tpu.memory_space<hbm>>)
    %add3A_2227 = arith.constant 108 : i32
    %add3A_2228 = arith.addi %mul3A_2, %add3A_2227 : i32
    %add3A_2229 = arith.constant 3 : i32
    %add3A_2230 = arith.addi %add3A_2228, %add3A_2229 : i32
    %dma_wait3A_2231 = arith.constant 150 : i32
    %dma_wait3A_2232 = arith.constant 0 : i32
    %dma_wait3A_2233 = tpu.memref_slice %arg9[%dma_wait3A_2231, %dma_wait3A_2232] : memref<200x64xf32, #tpu.memory_space<vmem>> -> memref<50x64xf32, #tpu.memory_space<vmem>>
    %dma_wait3A_2234 = arith.constant 0 : i32
    %dma_wait3A_2235 = arith.constant 0 : i32
    %dma_wait3A_2236 = tpu.memref_slice %arg4[%add3A_2230, %dma_wait3A_2234, %dma_wait3A_2235] : memref<4096x50x64xf32, #tpu.memory_space<hbm>> -> memref<1x50x64xf32, #tpu.memory_space<hbm>>
    %dma_wait3A_2237 = tpu.memref_squeeze %dma_wait3A_2236 : memref<1x50x64xf32, #tpu.memory_space<hbm>> -> memref<50x64xf32, #tpu.memory_space<hbm>>
    %dma_wait3A_2238 = arith.constant 0 : i32
    %dma_wait3A_2239 = arith.constant 0 : i32
    %dma_wait3A_2240 = tpu.memref_slice %arg4[%add3A_2230, %dma_wait3A_2238, %dma_wait3A_2239] : memref<4096x50x64xf32, #tpu.memory_space<hbm>> -> memref<1x50x64xf32, #tpu.memory_space<hbm>>
    %dma_wait3A_2241 = tpu.memref_squeeze %dma_wait3A_2240 : memref<1x50x64xf32, #tpu.memory_space<hbm>> -> memref<50x64xf32, #tpu.memory_space<hbm>>
    %dma_wait3A_2242 = arith.constant 150 : i32
    %dma_wait3A_2243 = arith.constant 0 : i32
    %dma_wait3A_2244 = tpu.memref_slice %arg9[%dma_wait3A_2242, %dma_wait3A_2243] : memref<200x64xf32, #tpu.memory_space<vmem>> -> memref<50x64xf32, #tpu.memory_space<vmem>>
    tpu.wait_dma2 semaphore(%arg25 : memref<!tpu.dma_semaphore, #tpu.memory_space<semaphore_mem>>) src(%dma_wait3A_2244 : memref<50x64xf32, #tpu.memory_space<vmem>>) dst(%dma_wait3A_2241 : memref<50x64xf32, #tpu.memory_space<hbm>>)
    %add3A_2245 = arith.constant 112 : i32
    %add3A_2246 = arith.addi %mul3A_2, %add3A_2245 : i32
    %add3A_2247 = arith.constant 0 : i32
    %add3A_2248 = arith.addi %add3A_2246, %add3A_2247 : i32
    %dma_wait3A_2249 = arith.constant 0 : i32
    %dma_wait3A_2250 = arith.constant 0 : i32
    %dma_wait3A_2251 = tpu.memref_slice %arg10[%dma_wait3A_2249, %dma_wait3A_2250] : memref<200x64xf32, #tpu.memory_space<vmem>> -> memref<50x64xf32, #tpu.memory_space<vmem>>
    %dma_wait3A_2252 = arith.constant 0 : i32
    %dma_wait3A_2253 = arith.constant 0 : i32
    %dma_wait3A_2254 = tpu.memref_slice %arg4[%add3A_2248, %dma_wait3A_2252, %dma_wait3A_2253] : memref<4096x50x64xf32, #tpu.memory_space<hbm>> -> memref<1x50x64xf32, #tpu.memory_space<hbm>>
    %dma_wait3A_2255 = tpu.memref_squeeze %dma_wait3A_2254 : memref<1x50x64xf32, #tpu.memory_space<hbm>> -> memref<50x64xf32, #tpu.memory_space<hbm>>
    %dma_wait3A_2256 = arith.constant 0 : i32
    %dma_wait3A_2257 = arith.constant 0 : i32
    %dma_wait3A_2258 = tpu.memref_slice %arg4[%add3A_2248, %dma_wait3A_2256, %dma_wait3A_2257] : memref<4096x50x64xf32, #tpu.memory_space<hbm>> -> memref<1x50x64xf32, #tpu.memory_space<hbm>>
    %dma_wait3A_2259 = tpu.memref_squeeze %dma_wait3A_2258 : memref<1x50x64xf32, #tpu.memory_space<hbm>> -> memref<50x64xf32, #tpu.memory_space<hbm>>
    %dma_wait3A_2260 = arith.constant 0 : i32
    %dma_wait3A_2261 = arith.constant 0 : i32
    %dma_wait3A_2262 = tpu.memref_slice %arg10[%dma_wait3A_2260, %dma_wait3A_2261] : memref<200x64xf32, #tpu.memory_space<vmem>> -> memref<50x64xf32, #tpu.memory_space<vmem>>
    tpu.wait_dma2 semaphore(%arg26 : memref<!tpu.dma_semaphore, #tpu.memory_space<semaphore_mem>>) src(%dma_wait3A_2262 : memref<50x64xf32, #tpu.memory_space<vmem>>) dst(%dma_wait3A_2259 : memref<50x64xf32, #tpu.memory_space<hbm>>)
    %add3A_2263 = arith.constant 112 : i32
    %add3A_2264 = arith.addi %mul3A_2, %add3A_2263 : i32
    %add3A_2265 = arith.constant 1 : i32
    %add3A_2266 = arith.addi %add3A_2264, %add3A_2265 : i32
    %dma_wait3A_2267 = arith.constant 50 : i32
    %dma_wait3A_2268 = arith.constant 0 : i32
    %dma_wait3A_2269 = tpu.memref_slice %arg10[%dma_wait3A_2267, %dma_wait3A_2268] : memref<200x64xf32, #tpu.memory_space<vmem>> -> memref<50x64xf32, #tpu.memory_space<vmem>>
    %dma_wait3A_2270 = arith.constant 0 : i32
    %dma_wait3A_2271 = arith.constant 0 : i32
    %dma_wait3A_2272 = tpu.memref_slice %arg4[%add3A_2266, %dma_wait3A_2270, %dma_wait3A_2271] : memref<4096x50x64xf32, #tpu.memory_space<hbm>> -> memref<1x50x64xf32, #tpu.memory_space<hbm>>
    %dma_wait3A_2273 = tpu.memref_squeeze %dma_wait3A_2272 : memref<1x50x64xf32, #tpu.memory_space<hbm>> -> memref<50x64xf32, #tpu.memory_space<hbm>>
    %dma_wait3A_2274 = arith.constant 0 : i32
    %dma_wait3A_2275 = arith.constant 0 : i32
    %dma_wait3A_2276 = tpu.memref_slice %arg4[%add3A_2266, %dma_wait3A_2274, %dma_wait3A_2275] : memref<4096x50x64xf32, #tpu.memory_space<hbm>> -> memref<1x50x64xf32, #tpu.memory_space<hbm>>
    %dma_wait3A_2277 = tpu.memref_squeeze %dma_wait3A_2276 : memref<1x50x64xf32, #tpu.memory_space<hbm>> -> memref<50x64xf32, #tpu.memory_space<hbm>>
    %dma_wait3A_2278 = arith.constant 50 : i32
    %dma_wait3A_2279 = arith.constant 0 : i32
    %dma_wait3A_2280 = tpu.memref_slice %arg10[%dma_wait3A_2278, %dma_wait3A_2279] : memref<200x64xf32, #tpu.memory_space<vmem>> -> memref<50x64xf32, #tpu.memory_space<vmem>>
    tpu.wait_dma2 semaphore(%arg26 : memref<!tpu.dma_semaphore, #tpu.memory_space<semaphore_mem>>) src(%dma_wait3A_2280 : memref<50x64xf32, #tpu.memory_space<vmem>>) dst(%dma_wait3A_2277 : memref<50x64xf32, #tpu.memory_space<hbm>>)
    %add3A_2281 = arith.constant 112 : i32
    %add3A_2282 = arith.addi %mul3A_2, %add3A_2281 : i32
    %add3A_2283 = arith.constant 2 : i32
    %add3A_2284 = arith.addi %add3A_2282, %add3A_2283 : i32
    %dma_wait3A_2285 = arith.constant 100 : i32
    %dma_wait3A_2286 = arith.constant 0 : i32
    %dma_wait3A_2287 = tpu.memref_slice %arg10[%dma_wait3A_2285, %dma_wait3A_2286] : memref<200x64xf32, #tpu.memory_space<vmem>> -> memref<50x64xf32, #tpu.memory_space<vmem>>
    %dma_wait3A_2288 = arith.constant 0 : i32
    %dma_wait3A_2289 = arith.constant 0 : i32
    %dma_wait3A_2290 = tpu.memref_slice %arg4[%add3A_2284, %dma_wait3A_2288, %dma_wait3A_2289] : memref<4096x50x64xf32, #tpu.memory_space<hbm>> -> memref<1x50x64xf32, #tpu.memory_space<hbm>>
    %dma_wait3A_2291 = tpu.memref_squeeze %dma_wait3A_2290 : memref<1x50x64xf32, #tpu.memory_space<hbm>> -> memref<50x64xf32, #tpu.memory_space<hbm>>
    %dma_wait3A_2292 = arith.constant 0 : i32
    %dma_wait3A_2293 = arith.constant 0 : i32
    %dma_wait3A_2294 = tpu.memref_slice %arg4[%add3A_2284, %dma_wait3A_2292, %dma_wait3A_2293] : memref<4096x50x64xf32, #tpu.memory_space<hbm>> -> memref<1x50x64xf32, #tpu.memory_space<hbm>>
    %dma_wait3A_2295 = tpu.memref_squeeze %dma_wait3A_2294 : memref<1x50x64xf32, #tpu.memory_space<hbm>> -> memref<50x64xf32, #tpu.memory_space<hbm>>
    %dma_wait3A_2296 = arith.constant 100 : i32
    %dma_wait3A_2297 = arith.constant 0 : i32
    %dma_wait3A_2298 = tpu.memref_slice %arg10[%dma_wait3A_2296, %dma_wait3A_2297] : memref<200x64xf32, #tpu.memory_space<vmem>> -> memref<50x64xf32, #tpu.memory_space<vmem>>
    tpu.wait_dma2 semaphore(%arg26 : memref<!tpu.dma_semaphore, #tpu.memory_space<semaphore_mem>>) src(%dma_wait3A_2298 : memref<50x64xf32, #tpu.memory_space<vmem>>) dst(%dma_wait3A_2295 : memref<50x64xf32, #tpu.memory_space<hbm>>)
    %add3A_2299 = arith.constant 112 : i32
    %add3A_2300 = arith.addi %mul3A_2, %add3A_2299 : i32
    %add3A_2301 = arith.constant 3 : i32
    %add3A_2302 = arith.addi %add3A_2300, %add3A_2301 : i32
    %dma_wait3A_2303 = arith.constant 150 : i32
    %dma_wait3A_2304 = arith.constant 0 : i32
    %dma_wait3A_2305 = tpu.memref_slice %arg10[%dma_wait3A_2303, %dma_wait3A_2304] : memref<200x64xf32, #tpu.memory_space<vmem>> -> memref<50x64xf32, #tpu.memory_space<vmem>>
    %dma_wait3A_2306 = arith.constant 0 : i32
    %dma_wait3A_2307 = arith.constant 0 : i32
    %dma_wait3A_2308 = tpu.memref_slice %arg4[%add3A_2302, %dma_wait3A_2306, %dma_wait3A_2307] : memref<4096x50x64xf32, #tpu.memory_space<hbm>> -> memref<1x50x64xf32, #tpu.memory_space<hbm>>
    %dma_wait3A_2309 = tpu.memref_squeeze %dma_wait3A_2308 : memref<1x50x64xf32, #tpu.memory_space<hbm>> -> memref<50x64xf32, #tpu.memory_space<hbm>>
    %dma_wait3A_2310 = arith.constant 0 : i32
    %dma_wait3A_2311 = arith.constant 0 : i32
    %dma_wait3A_2312 = tpu.memref_slice %arg4[%add3A_2302, %dma_wait3A_2310, %dma_wait3A_2311] : memref<4096x50x64xf32, #tpu.memory_space<hbm>> -> memref<1x50x64xf32, #tpu.memory_space<hbm>>
    %dma_wait3A_2313 = tpu.memref_squeeze %dma_wait3A_2312 : memref<1x50x64xf32, #tpu.memory_space<hbm>> -> memref<50x64xf32, #tpu.memory_space<hbm>>
    %dma_wait3A_2314 = arith.constant 150 : i32
    %dma_wait3A_2315 = arith.constant 0 : i32
    %dma_wait3A_2316 = tpu.memref_slice %arg10[%dma_wait3A_2314, %dma_wait3A_2315] : memref<200x64xf32, #tpu.memory_space<vmem>> -> memref<50x64xf32, #tpu.memory_space<vmem>>
    tpu.wait_dma2 semaphore(%arg26 : memref<!tpu.dma_semaphore, #tpu.memory_space<semaphore_mem>>) src(%dma_wait3A_2316 : memref<50x64xf32, #tpu.memory_space<vmem>>) dst(%dma_wait3A_2313 : memref<50x64xf32, #tpu.memory_space<hbm>>)
    %add3A_2317 = arith.constant 116 : i32
    %add3A_2318 = arith.addi %mul3A_2, %add3A_2317 : i32
    %add3A_2319 = arith.constant 0 : i32
    %add3A_2320 = arith.addi %add3A_2318, %add3A_2319 : i32
    %dma_wait3A_2321 = arith.constant 0 : i32
    %dma_wait3A_2322 = arith.constant 0 : i32
    %dma_wait3A_2323 = tpu.memref_slice %arg11[%dma_wait3A_2321, %dma_wait3A_2322] : memref<200x64xf32, #tpu.memory_space<vmem>> -> memref<50x64xf32, #tpu.memory_space<vmem>>
    %dma_wait3A_2324 = arith.constant 0 : i32
    %dma_wait3A_2325 = arith.constant 0 : i32
    %dma_wait3A_2326 = tpu.memref_slice %arg4[%add3A_2320, %dma_wait3A_2324, %dma_wait3A_2325] : memref<4096x50x64xf32, #tpu.memory_space<hbm>> -> memref<1x50x64xf32, #tpu.memory_space<hbm>>
    %dma_wait3A_2327 = tpu.memref_squeeze %dma_wait3A_2326 : memref<1x50x64xf32, #tpu.memory_space<hbm>> -> memref<50x64xf32, #tpu.memory_space<hbm>>
    %dma_wait3A_2328 = arith.constant 0 : i32
    %dma_wait3A_2329 = arith.constant 0 : i32
    %dma_wait3A_2330 = tpu.memref_slice %arg4[%add3A_2320, %dma_wait3A_2328, %dma_wait3A_2329] : memref<4096x50x64xf32, #tpu.memory_space<hbm>> -> memref<1x50x64xf32, #tpu.memory_space<hbm>>
    %dma_wait3A_2331 = tpu.memref_squeeze %dma_wait3A_2330 : memref<1x50x64xf32, #tpu.memory_space<hbm>> -> memref<50x64xf32, #tpu.memory_space<hbm>>
    %dma_wait3A_2332 = arith.constant 0 : i32
    %dma_wait3A_2333 = arith.constant 0 : i32
    %dma_wait3A_2334 = tpu.memref_slice %arg11[%dma_wait3A_2332, %dma_wait3A_2333] : memref<200x64xf32, #tpu.memory_space<vmem>> -> memref<50x64xf32, #tpu.memory_space<vmem>>
    tpu.wait_dma2 semaphore(%arg27 : memref<!tpu.dma_semaphore, #tpu.memory_space<semaphore_mem>>) src(%dma_wait3A_2334 : memref<50x64xf32, #tpu.memory_space<vmem>>) dst(%dma_wait3A_2331 : memref<50x64xf32, #tpu.memory_space<hbm>>)
    %add3A_2335 = arith.constant 116 : i32
    %add3A_2336 = arith.addi %mul3A_2, %add3A_2335 : i32
    %add3A_2337 = arith.constant 1 : i32
    %add3A_2338 = arith.addi %add3A_2336, %add3A_2337 : i32
    %dma_wait3A_2339 = arith.constant 50 : i32
    %dma_wait3A_2340 = arith.constant 0 : i32
    %dma_wait3A_2341 = tpu.memref_slice %arg11[%dma_wait3A_2339, %dma_wait3A_2340] : memref<200x64xf32, #tpu.memory_space<vmem>> -> memref<50x64xf32, #tpu.memory_space<vmem>>
    %dma_wait3A_2342 = arith.constant 0 : i32
    %dma_wait3A_2343 = arith.constant 0 : i32
    %dma_wait3A_2344 = tpu.memref_slice %arg4[%add3A_2338, %dma_wait3A_2342, %dma_wait3A_2343] : memref<4096x50x64xf32, #tpu.memory_space<hbm>> -> memref<1x50x64xf32, #tpu.memory_space<hbm>>
    %dma_wait3A_2345 = tpu.memref_squeeze %dma_wait3A_2344 : memref<1x50x64xf32, #tpu.memory_space<hbm>> -> memref<50x64xf32, #tpu.memory_space<hbm>>
    %dma_wait3A_2346 = arith.constant 0 : i32
    %dma_wait3A_2347 = arith.constant 0 : i32
    %dma_wait3A_2348 = tpu.memref_slice %arg4[%add3A_2338, %dma_wait3A_2346, %dma_wait3A_2347] : memref<4096x50x64xf32, #tpu.memory_space<hbm>> -> memref<1x50x64xf32, #tpu.memory_space<hbm>>
    %dma_wait3A_2349 = tpu.memref_squeeze %dma_wait3A_2348 : memref<1x50x64xf32, #tpu.memory_space<hbm>> -> memref<50x64xf32, #tpu.memory_space<hbm>>
    %dma_wait3A_2350 = arith.constant 50 : i32
    %dma_wait3A_2351 = arith.constant 0 : i32
    %dma_wait3A_2352 = tpu.memref_slice %arg11[%dma_wait3A_2350, %dma_wait3A_2351] : memref<200x64xf32, #tpu.memory_space<vmem>> -> memref<50x64xf32, #tpu.memory_space<vmem>>
    tpu.wait_dma2 semaphore(%arg27 : memref<!tpu.dma_semaphore, #tpu.memory_space<semaphore_mem>>) src(%dma_wait3A_2352 : memref<50x64xf32, #tpu.memory_space<vmem>>) dst(%dma_wait3A_2349 : memref<50x64xf32, #tpu.memory_space<hbm>>)
    %add3A_2353 = arith.constant 116 : i32
    %add3A_2354 = arith.addi %mul3A_2, %add3A_2353 : i32
    %add3A_2355 = arith.constant 2 : i32
    %add3A_2356 = arith.addi %add3A_2354, %add3A_2355 : i32
    %dma_wait3A_2357 = arith.constant 100 : i32
    %dma_wait3A_2358 = arith.constant 0 : i32
    %dma_wait3A_2359 = tpu.memref_slice %arg11[%dma_wait3A_2357, %dma_wait3A_2358] : memref<200x64xf32, #tpu.memory_space<vmem>> -> memref<50x64xf32, #tpu.memory_space<vmem>>
    %dma_wait3A_2360 = arith.constant 0 : i32
    %dma_wait3A_2361 = arith.constant 0 : i32
    %dma_wait3A_2362 = tpu.memref_slice %arg4[%add3A_2356, %dma_wait3A_2360, %dma_wait3A_2361] : memref<4096x50x64xf32, #tpu.memory_space<hbm>> -> memref<1x50x64xf32, #tpu.memory_space<hbm>>
    %dma_wait3A_2363 = tpu.memref_squeeze %dma_wait3A_2362 : memref<1x50x64xf32, #tpu.memory_space<hbm>> -> memref<50x64xf32, #tpu.memory_space<hbm>>
    %dma_wait3A_2364 = arith.constant 0 : i32
    %dma_wait3A_2365 = arith.constant 0 : i32
    %dma_wait3A_2366 = tpu.memref_slice %arg4[%add3A_2356, %dma_wait3A_2364, %dma_wait3A_2365] : memref<4096x50x64xf32, #tpu.memory_space<hbm>> -> memref<1x50x64xf32, #tpu.memory_space<hbm>>
    %dma_wait3A_2367 = tpu.memref_squeeze %dma_wait3A_2366 : memref<1x50x64xf32, #tpu.memory_space<hbm>> -> memref<50x64xf32, #tpu.memory_space<hbm>>
    %dma_wait3A_2368 = arith.constant 100 : i32
    %dma_wait3A_2369 = arith.constant 0 : i32
    %dma_wait3A_2370 = tpu.memref_slice %arg11[%dma_wait3A_2368, %dma_wait3A_2369] : memref<200x64xf32, #tpu.memory_space<vmem>> -> memref<50x64xf32, #tpu.memory_space<vmem>>
    tpu.wait_dma2 semaphore(%arg27 : memref<!tpu.dma_semaphore, #tpu.memory_space<semaphore_mem>>) src(%dma_wait3A_2370 : memref<50x64xf32, #tpu.memory_space<vmem>>) dst(%dma_wait3A_2367 : memref<50x64xf32, #tpu.memory_space<hbm>>)
    %add3A_2371 = arith.constant 116 : i32
    %add3A_2372 = arith.addi %mul3A_2, %add3A_2371 : i32
    %add3A_2373 = arith.constant 3 : i32
    %add3A_2374 = arith.addi %add3A_2372, %add3A_2373 : i32
    %dma_wait3A_2375 = arith.constant 150 : i32
    %dma_wait3A_2376 = arith.constant 0 : i32
    %dma_wait3A_2377 = tpu.memref_slice %arg11[%dma_wait3A_2375, %dma_wait3A_2376] : memref<200x64xf32, #tpu.memory_space<vmem>> -> memref<50x64xf32, #tpu.memory_space<vmem>>
    %dma_wait3A_2378 = arith.constant 0 : i32
    %dma_wait3A_2379 = arith.constant 0 : i32
    %dma_wait3A_2380 = tpu.memref_slice %arg4[%add3A_2374, %dma_wait3A_2378, %dma_wait3A_2379] : memref<4096x50x64xf32, #tpu.memory_space<hbm>> -> memref<1x50x64xf32, #tpu.memory_space<hbm>>
    %dma_wait3A_2381 = tpu.memref_squeeze %dma_wait3A_2380 : memref<1x50x64xf32, #tpu.memory_space<hbm>> -> memref<50x64xf32, #tpu.memory_space<hbm>>
    %dma_wait3A_2382 = arith.constant 0 : i32
    %dma_wait3A_2383 = arith.constant 0 : i32
    %dma_wait3A_2384 = tpu.memref_slice %arg4[%add3A_2374, %dma_wait3A_2382, %dma_wait3A_2383] : memref<4096x50x64xf32, #tpu.memory_space<hbm>> -> memref<1x50x64xf32, #tpu.memory_space<hbm>>
    %dma_wait3A_2385 = tpu.memref_squeeze %dma_wait3A_2384 : memref<1x50x64xf32, #tpu.memory_space<hbm>> -> memref<50x64xf32, #tpu.memory_space<hbm>>
    %dma_wait3A_2386 = arith.constant 150 : i32
    %dma_wait3A_2387 = arith.constant 0 : i32
    %dma_wait3A_2388 = tpu.memref_slice %arg11[%dma_wait3A_2386, %dma_wait3A_2387] : memref<200x64xf32, #tpu.memory_space<vmem>> -> memref<50x64xf32, #tpu.memory_space<vmem>>
    tpu.wait_dma2 semaphore(%arg27 : memref<!tpu.dma_semaphore, #tpu.memory_space<semaphore_mem>>) src(%dma_wait3A_2388 : memref<50x64xf32, #tpu.memory_space<vmem>>) dst(%dma_wait3A_2385 : memref<50x64xf32, #tpu.memory_space<hbm>>)
    %add3A_2389 = arith.constant 120 : i32
    %add3A_2390 = arith.addi %mul3A_2, %add3A_2389 : i32
    %add3A_2391 = arith.constant 0 : i32
    %add3A_2392 = arith.addi %add3A_2390, %add3A_2391 : i32
    %dma_wait3A_2393 = arith.constant 0 : i32
    %dma_wait3A_2394 = arith.constant 0 : i32
    %dma_wait3A_2395 = tpu.memref_slice %arg12[%dma_wait3A_2393, %dma_wait3A_2394] : memref<200x64xf32, #tpu.memory_space<vmem>> -> memref<50x64xf32, #tpu.memory_space<vmem>>
    %dma_wait3A_2396 = arith.constant 0 : i32
    %dma_wait3A_2397 = arith.constant 0 : i32
    %dma_wait3A_2398 = tpu.memref_slice %arg4[%add3A_2392, %dma_wait3A_2396, %dma_wait3A_2397] : memref<4096x50x64xf32, #tpu.memory_space<hbm>> -> memref<1x50x64xf32, #tpu.memory_space<hbm>>
    %dma_wait3A_2399 = tpu.memref_squeeze %dma_wait3A_2398 : memref<1x50x64xf32, #tpu.memory_space<hbm>> -> memref<50x64xf32, #tpu.memory_space<hbm>>
    %dma_wait3A_2400 = arith.constant 0 : i32
    %dma_wait3A_2401 = arith.constant 0 : i32
    %dma_wait3A_2402 = tpu.memref_slice %arg4[%add3A_2392, %dma_wait3A_2400, %dma_wait3A_2401] : memref<4096x50x64xf32, #tpu.memory_space<hbm>> -> memref<1x50x64xf32, #tpu.memory_space<hbm>>
    %dma_wait3A_2403 = tpu.memref_squeeze %dma_wait3A_2402 : memref<1x50x64xf32, #tpu.memory_space<hbm>> -> memref<50x64xf32, #tpu.memory_space<hbm>>
    %dma_wait3A_2404 = arith.constant 0 : i32
    %dma_wait3A_2405 = arith.constant 0 : i32
    %dma_wait3A_2406 = tpu.memref_slice %arg12[%dma_wait3A_2404, %dma_wait3A_2405] : memref<200x64xf32, #tpu.memory_space<vmem>> -> memref<50x64xf32, #tpu.memory_space<vmem>>
    tpu.wait_dma2 semaphore(%arg28 : memref<!tpu.dma_semaphore, #tpu.memory_space<semaphore_mem>>) src(%dma_wait3A_2406 : memref<50x64xf32, #tpu.memory_space<vmem>>) dst(%dma_wait3A_2403 : memref<50x64xf32, #tpu.memory_space<hbm>>)
    %add3A_2407 = arith.constant 120 : i32
    %add3A_2408 = arith.addi %mul3A_2, %add3A_2407 : i32
    %add3A_2409 = arith.constant 1 : i32
    %add3A_2410 = arith.addi %add3A_2408, %add3A_2409 : i32
    %dma_wait3A_2411 = arith.constant 50 : i32
    %dma_wait3A_2412 = arith.constant 0 : i32
    %dma_wait3A_2413 = tpu.memref_slice %arg12[%dma_wait3A_2411, %dma_wait3A_2412] : memref<200x64xf32, #tpu.memory_space<vmem>> -> memref<50x64xf32, #tpu.memory_space<vmem>>
    %dma_wait3A_2414 = arith.constant 0 : i32
    %dma_wait3A_2415 = arith.constant 0 : i32
    %dma_wait3A_2416 = tpu.memref_slice %arg4[%add3A_2410, %dma_wait3A_2414, %dma_wait3A_2415] : memref<4096x50x64xf32, #tpu.memory_space<hbm>> -> memref<1x50x64xf32, #tpu.memory_space<hbm>>
    %dma_wait3A_2417 = tpu.memref_squeeze %dma_wait3A_2416 : memref<1x50x64xf32, #tpu.memory_space<hbm>> -> memref<50x64xf32, #tpu.memory_space<hbm>>
    %dma_wait3A_2418 = arith.constant 0 : i32
    %dma_wait3A_2419 = arith.constant 0 : i32
    %dma_wait3A_2420 = tpu.memref_slice %arg4[%add3A_2410, %dma_wait3A_2418, %dma_wait3A_2419] : memref<4096x50x64xf32, #tpu.memory_space<hbm>> -> memref<1x50x64xf32, #tpu.memory_space<hbm>>
    %dma_wait3A_2421 = tpu.memref_squeeze %dma_wait3A_2420 : memref<1x50x64xf32, #tpu.memory_space<hbm>> -> memref<50x64xf32, #tpu.memory_space<hbm>>
    %dma_wait3A_2422 = arith.constant 50 : i32
    %dma_wait3A_2423 = arith.constant 0 : i32
    %dma_wait3A_2424 = tpu.memref_slice %arg12[%dma_wait3A_2422, %dma_wait3A_2423] : memref<200x64xf32, #tpu.memory_space<vmem>> -> memref<50x64xf32, #tpu.memory_space<vmem>>
    tpu.wait_dma2 semaphore(%arg28 : memref<!tpu.dma_semaphore, #tpu.memory_space<semaphore_mem>>) src(%dma_wait3A_2424 : memref<50x64xf32, #tpu.memory_space<vmem>>) dst(%dma_wait3A_2421 : memref<50x64xf32, #tpu.memory_space<hbm>>)
    %add3A_2425 = arith.constant 120 : i32
    %add3A_2426 = arith.addi %mul3A_2, %add3A_2425 : i32
    %add3A_2427 = arith.constant 2 : i32
    %add3A_2428 = arith.addi %add3A_2426, %add3A_2427 : i32
    %dma_wait3A_2429 = arith.constant 100 : i32
    %dma_wait3A_2430 = arith.constant 0 : i32
    %dma_wait3A_2431 = tpu.memref_slice %arg12[%dma_wait3A_2429, %dma_wait3A_2430] : memref<200x64xf32, #tpu.memory_space<vmem>> -> memref<50x64xf32, #tpu.memory_space<vmem>>
    %dma_wait3A_2432 = arith.constant 0 : i32
    %dma_wait3A_2433 = arith.constant 0 : i32
    %dma_wait3A_2434 = tpu.memref_slice %arg4[%add3A_2428, %dma_wait3A_2432, %dma_wait3A_2433] : memref<4096x50x64xf32, #tpu.memory_space<hbm>> -> memref<1x50x64xf32, #tpu.memory_space<hbm>>
    %dma_wait3A_2435 = tpu.memref_squeeze %dma_wait3A_2434 : memref<1x50x64xf32, #tpu.memory_space<hbm>> -> memref<50x64xf32, #tpu.memory_space<hbm>>
    %dma_wait3A_2436 = arith.constant 0 : i32
    %dma_wait3A_2437 = arith.constant 0 : i32
    %dma_wait3A_2438 = tpu.memref_slice %arg4[%add3A_2428, %dma_wait3A_2436, %dma_wait3A_2437] : memref<4096x50x64xf32, #tpu.memory_space<hbm>> -> memref<1x50x64xf32, #tpu.memory_space<hbm>>
    %dma_wait3A_2439 = tpu.memref_squeeze %dma_wait3A_2438 : memref<1x50x64xf32, #tpu.memory_space<hbm>> -> memref<50x64xf32, #tpu.memory_space<hbm>>
    %dma_wait3A_2440 = arith.constant 100 : i32
    %dma_wait3A_2441 = arith.constant 0 : i32
    %dma_wait3A_2442 = tpu.memref_slice %arg12[%dma_wait3A_2440, %dma_wait3A_2441] : memref<200x64xf32, #tpu.memory_space<vmem>> -> memref<50x64xf32, #tpu.memory_space<vmem>>
    tpu.wait_dma2 semaphore(%arg28 : memref<!tpu.dma_semaphore, #tpu.memory_space<semaphore_mem>>) src(%dma_wait3A_2442 : memref<50x64xf32, #tpu.memory_space<vmem>>) dst(%dma_wait3A_2439 : memref<50x64xf32, #tpu.memory_space<hbm>>)
    %add3A_2443 = arith.constant 120 : i32
    %add3A_2444 = arith.addi %mul3A_2, %add3A_2443 : i32
    %add3A_2445 = arith.constant 3 : i32
    %add3A_2446 = arith.addi %add3A_2444, %add3A_2445 : i32
    %dma_wait3A_2447 = arith.constant 150 : i32
    %dma_wait3A_2448 = arith.constant 0 : i32
    %dma_wait3A_2449 = tpu.memref_slice %arg12[%dma_wait3A_2447, %dma_wait3A_2448] : memref<200x64xf32, #tpu.memory_space<vmem>> -> memref<50x64xf32, #tpu.memory_space<vmem>>
    %dma_wait3A_2450 = arith.constant 0 : i32
    %dma_wait3A_2451 = arith.constant 0 : i32
    %dma_wait3A_2452 = tpu.memref_slice %arg4[%add3A_2446, %dma_wait3A_2450, %dma_wait3A_2451] : memref<4096x50x64xf32, #tpu.memory_space<hbm>> -> memref<1x50x64xf32, #tpu.memory_space<hbm>>
    %dma_wait3A_2453 = tpu.memref_squeeze %dma_wait3A_2452 : memref<1x50x64xf32, #tpu.memory_space<hbm>> -> memref<50x64xf32, #tpu.memory_space<hbm>>
    %dma_wait3A_2454 = arith.constant 0 : i32
    %dma_wait3A_2455 = arith.constant 0 : i32
    %dma_wait3A_2456 = tpu.memref_slice %arg4[%add3A_2446, %dma_wait3A_2454, %dma_wait3A_2455] : memref<4096x50x64xf32, #tpu.memory_space<hbm>> -> memref<1x50x64xf32, #tpu.memory_space<hbm>>
    %dma_wait3A_2457 = tpu.memref_squeeze %dma_wait3A_2456 : memref<1x50x64xf32, #tpu.memory_space<hbm>> -> memref<50x64xf32, #tpu.memory_space<hbm>>
    %dma_wait3A_2458 = arith.constant 150 : i32
    %dma_wait3A_2459 = arith.constant 0 : i32
    %dma_wait3A_2460 = tpu.memref_slice %arg12[%dma_wait3A_2458, %dma_wait3A_2459] : memref<200x64xf32, #tpu.memory_space<vmem>> -> memref<50x64xf32, #tpu.memory_space<vmem>>
    tpu.wait_dma2 semaphore(%arg28 : memref<!tpu.dma_semaphore, #tpu.memory_space<semaphore_mem>>) src(%dma_wait3A_2460 : memref<50x64xf32, #tpu.memory_space<vmem>>) dst(%dma_wait3A_2457 : memref<50x64xf32, #tpu.memory_space<hbm>>)
    %add3A_2461 = arith.constant 124 : i32
    %add3A_2462 = arith.addi %mul3A_2, %add3A_2461 : i32
    %add3A_2463 = arith.constant 0 : i32
    %add3A_2464 = arith.addi %add3A_2462, %add3A_2463 : i32
    %dma_wait3A_2465 = arith.constant 0 : i32
    %dma_wait3A_2466 = arith.constant 0 : i32
    %dma_wait3A_2467 = tpu.memref_slice %arg13[%dma_wait3A_2465, %dma_wait3A_2466] : memref<200x64xf32, #tpu.memory_space<vmem>> -> memref<50x64xf32, #tpu.memory_space<vmem>>
    %dma_wait3A_2468 = arith.constant 0 : i32
    %dma_wait3A_2469 = arith.constant 0 : i32
    %dma_wait3A_2470 = tpu.memref_slice %arg4[%add3A_2464, %dma_wait3A_2468, %dma_wait3A_2469] : memref<4096x50x64xf32, #tpu.memory_space<hbm>> -> memref<1x50x64xf32, #tpu.memory_space<hbm>>
    %dma_wait3A_2471 = tpu.memref_squeeze %dma_wait3A_2470 : memref<1x50x64xf32, #tpu.memory_space<hbm>> -> memref<50x64xf32, #tpu.memory_space<hbm>>
    %dma_wait3A_2472 = arith.constant 0 : i32
    %dma_wait3A_2473 = arith.constant 0 : i32
    %dma_wait3A_2474 = tpu.memref_slice %arg4[%add3A_2464, %dma_wait3A_2472, %dma_wait3A_2473] : memref<4096x50x64xf32, #tpu.memory_space<hbm>> -> memref<1x50x64xf32, #tpu.memory_space<hbm>>
    %dma_wait3A_2475 = tpu.memref_squeeze %dma_wait3A_2474 : memref<1x50x64xf32, #tpu.memory_space<hbm>> -> memref<50x64xf32, #tpu.memory_space<hbm>>
    %dma_wait3A_2476 = arith.constant 0 : i32
    %dma_wait3A_2477 = arith.constant 0 : i32
    %dma_wait3A_2478 = tpu.memref_slice %arg13[%dma_wait3A_2476, %dma_wait3A_2477] : memref<200x64xf32, #tpu.memory_space<vmem>> -> memref<50x64xf32, #tpu.memory_space<vmem>>
    tpu.wait_dma2 semaphore(%arg29 : memref<!tpu.dma_semaphore, #tpu.memory_space<semaphore_mem>>) src(%dma_wait3A_2478 : memref<50x64xf32, #tpu.memory_space<vmem>>) dst(%dma_wait3A_2475 : memref<50x64xf32, #tpu.memory_space<hbm>>)
    %add3A_2479 = arith.constant 124 : i32
    %add3A_2480 = arith.addi %mul3A_2, %add3A_2479 : i32
    %add3A_2481 = arith.constant 1 : i32
    %add3A_2482 = arith.addi %add3A_2480, %add3A_2481 : i32
    %dma_wait3A_2483 = arith.constant 50 : i32
    %dma_wait3A_2484 = arith.constant 0 : i32
    %dma_wait3A_2485 = tpu.memref_slice %arg13[%dma_wait3A_2483, %dma_wait3A_2484] : memref<200x64xf32, #tpu.memory_space<vmem>> -> memref<50x64xf32, #tpu.memory_space<vmem>>
    %dma_wait3A_2486 = arith.constant 0 : i32
    %dma_wait3A_2487 = arith.constant 0 : i32
    %dma_wait3A_2488 = tpu.memref_slice %arg4[%add3A_2482, %dma_wait3A_2486, %dma_wait3A_2487] : memref<4096x50x64xf32, #tpu.memory_space<hbm>> -> memref<1x50x64xf32, #tpu.memory_space<hbm>>
    %dma_wait3A_2489 = tpu.memref_squeeze %dma_wait3A_2488 : memref<1x50x64xf32, #tpu.memory_space<hbm>> -> memref<50x64xf32, #tpu.memory_space<hbm>>
    %dma_wait3A_2490 = arith.constant 0 : i32
    %dma_wait3A_2491 = arith.constant 0 : i32
    %dma_wait3A_2492 = tpu.memref_slice %arg4[%add3A_2482, %dma_wait3A_2490, %dma_wait3A_2491] : memref<4096x50x64xf32, #tpu.memory_space<hbm>> -> memref<1x50x64xf32, #tpu.memory_space<hbm>>
    %dma_wait3A_2493 = tpu.memref_squeeze %dma_wait3A_2492 : memref<1x50x64xf32, #tpu.memory_space<hbm>> -> memref<50x64xf32, #tpu.memory_space<hbm>>
    %dma_wait3A_2494 = arith.constant 50 : i32
    %dma_wait3A_2495 = arith.constant 0 : i32
    %dma_wait3A_2496 = tpu.memref_slice %arg13[%dma_wait3A_2494, %dma_wait3A_2495] : memref<200x64xf32, #tpu.memory_space<vmem>> -> memref<50x64xf32, #tpu.memory_space<vmem>>
    tpu.wait_dma2 semaphore(%arg29 : memref<!tpu.dma_semaphore, #tpu.memory_space<semaphore_mem>>) src(%dma_wait3A_2496 : memref<50x64xf32, #tpu.memory_space<vmem>>) dst(%dma_wait3A_2493 : memref<50x64xf32, #tpu.memory_space<hbm>>)
    %add3A_2497 = arith.constant 124 : i32
    %add3A_2498 = arith.addi %mul3A_2, %add3A_2497 : i32
    %add3A_2499 = arith.constant 2 : i32
    %add3A_2500 = arith.addi %add3A_2498, %add3A_2499 : i32
    %dma_wait3A_2501 = arith.constant 100 : i32
    %dma_wait3A_2502 = arith.constant 0 : i32
    %dma_wait3A_2503 = tpu.memref_slice %arg13[%dma_wait3A_2501, %dma_wait3A_2502] : memref<200x64xf32, #tpu.memory_space<vmem>> -> memref<50x64xf32, #tpu.memory_space<vmem>>
    %dma_wait3A_2504 = arith.constant 0 : i32
    %dma_wait3A_2505 = arith.constant 0 : i32
    %dma_wait3A_2506 = tpu.memref_slice %arg4[%add3A_2500, %dma_wait3A_2504, %dma_wait3A_2505] : memref<4096x50x64xf32, #tpu.memory_space<hbm>> -> memref<1x50x64xf32, #tpu.memory_space<hbm>>
    %dma_wait3A_2507 = tpu.memref_squeeze %dma_wait3A_2506 : memref<1x50x64xf32, #tpu.memory_space<hbm>> -> memref<50x64xf32, #tpu.memory_space<hbm>>
    %dma_wait3A_2508 = arith.constant 0 : i32
    %dma_wait3A_2509 = arith.constant 0 : i32
    %dma_wait3A_2510 = tpu.memref_slice %arg4[%add3A_2500, %dma_wait3A_2508, %dma_wait3A_2509] : memref<4096x50x64xf32, #tpu.memory_space<hbm>> -> memref<1x50x64xf32, #tpu.memory_space<hbm>>
    %dma_wait3A_2511 = tpu.memref_squeeze %dma_wait3A_2510 : memref<1x50x64xf32, #tpu.memory_space<hbm>> -> memref<50x64xf32, #tpu.memory_space<hbm>>
    %dma_wait3A_2512 = arith.constant 100 : i32
    %dma_wait3A_2513 = arith.constant 0 : i32
    %dma_wait3A_2514 = tpu.memref_slice %arg13[%dma_wait3A_2512, %dma_wait3A_2513] : memref<200x64xf32, #tpu.memory_space<vmem>> -> memref<50x64xf32, #tpu.memory_space<vmem>>
    tpu.wait_dma2 semaphore(%arg29 : memref<!tpu.dma_semaphore, #tpu.memory_space<semaphore_mem>>) src(%dma_wait3A_2514 : memref<50x64xf32, #tpu.memory_space<vmem>>) dst(%dma_wait3A_2511 : memref<50x64xf32, #tpu.memory_space<hbm>>)
    %add3A_2515 = arith.constant 124 : i32
    %add3A_2516 = arith.addi %mul3A_2, %add3A_2515 : i32
    %add3A_2517 = arith.constant 3 : i32
    %add3A_2518 = arith.addi %add3A_2516, %add3A_2517 : i32
    %dma_wait3A_2519 = arith.constant 150 : i32
    %dma_wait3A_2520 = arith.constant 0 : i32
    %dma_wait3A_2521 = tpu.memref_slice %arg13[%dma_wait3A_2519, %dma_wait3A_2520] : memref<200x64xf32, #tpu.memory_space<vmem>> -> memref<50x64xf32, #tpu.memory_space<vmem>>
    %dma_wait3A_2522 = arith.constant 0 : i32
    %dma_wait3A_2523 = arith.constant 0 : i32
    %dma_wait3A_2524 = tpu.memref_slice %arg4[%add3A_2518, %dma_wait3A_2522, %dma_wait3A_2523] : memref<4096x50x64xf32, #tpu.memory_space<hbm>> -> memref<1x50x64xf32, #tpu.memory_space<hbm>>
    %dma_wait3A_2525 = tpu.memref_squeeze %dma_wait3A_2524 : memref<1x50x64xf32, #tpu.memory_space<hbm>> -> memref<50x64xf32, #tpu.memory_space<hbm>>
    %dma_wait3A_2526 = arith.constant 0 : i32
    %dma_wait3A_2527 = arith.constant 0 : i32
    %dma_wait3A_2528 = tpu.memref_slice %arg4[%add3A_2518, %dma_wait3A_2526, %dma_wait3A_2527] : memref<4096x50x64xf32, #tpu.memory_space<hbm>> -> memref<1x50x64xf32, #tpu.memory_space<hbm>>
    %dma_wait3A_2529 = tpu.memref_squeeze %dma_wait3A_2528 : memref<1x50x64xf32, #tpu.memory_space<hbm>> -> memref<50x64xf32, #tpu.memory_space<hbm>>
    %dma_wait3A_2530 = arith.constant 150 : i32
    %dma_wait3A_2531 = arith.constant 0 : i32
    %dma_wait3A_2532 = tpu.memref_slice %arg13[%dma_wait3A_2530, %dma_wait3A_2531] : memref<200x64xf32, #tpu.memory_space<vmem>> -> memref<50x64xf32, #tpu.memory_space<vmem>>
    tpu.wait_dma2 semaphore(%arg29 : memref<!tpu.dma_semaphore, #tpu.memory_space<semaphore_mem>>) src(%dma_wait3A_2532 : memref<50x64xf32, #tpu.memory_space<vmem>>) dst(%dma_wait3A_2529 : memref<50x64xf32, #tpu.memory_space<hbm>>)
    return
  }
}

</mosaic_0001>

<sc_bundles>
// kernel: kernel.3.cloned.1.call-start
scs
__scs_entry_jumppad:
0x0: {  	(pc) =	sbr.rel $0x88, $3  }
0x1: {  	(tag) =	ssettag $0x0;
	lr =	simm.s32 $0x1  }
0x2: {  	[smem:$0x3F9F] =	sst lr;
	_ =	strace $0xD0000000  }
0x3: {  	_ = 	snop  }
0x4: {  	_ = 	snop  }
0x5: {  	_ = 	snop  }
0x6: {  	_ = 	snop  }
0x7: {  	_ = 	snop  }
__scs_overlays_trampoline_lowered:
0x8: {  	[smem:$0x3FAE] =	sst s0  }
0x9: {  	[smem:$0x3FAF] =	sst s1  }
0xa: {  	[smem:$0x3FB0] =	sst s2  }
0xb: {  	[smem:$0x3FB1] =	sst s3  }
0xc: {  	[smem:$0x3FB2] =	sst s4  }
0xd: {  	[smem:$0x3FB3] =	sst s5  }
0xe: {  	[smem:$0x3FB4] =	sst s6  }
0xf: {  	[smem:$0x3FB5] =	sst s7  }
0x10: {  	[smem:$0x3FB6] =	sst s8  }
0x11: {  	[smem:$0x3FB7] =	sst s9;
	s0 =	simm.s32 @!p0 $0x0  }
0x12: {  	s1 =	sld [smem:$0x3F9D];
	s0 =	simm.s32 @p0 $0x1  }
0x13: {  	[smem:$0x3FB8] =	sst s0;
	s0 =	simm.s32 @!p1 $0x0  }
0x14: {  	s2 =	sld [smem:$0x3F9C];
	s0 =	simm.s32 @p1 $0x1  }
0x15: {  	[smem:$0x3FB9] =	sst s0;
	s0 =	simm.s32 @!p2 $0x0  }
0x16: {  	s3 =	sld [smem:$0x3FDB];
	s0 =	simm.s32 @p2 $0x1  }
0x17: {  	s4 =	simm.s32 $0x1BF5;
	[smem:$0x3FBB] =	sst s0  }
0x18: {  	s0 =	sld [smem:$0x3F9E];
	_ =	swait.ge [sflag:s4], $0x0  }
0x19: {  	s7 =	sld [smem:$0x3F9F]  }
0x1a: {  	s8 =	sadd.s32 $0xFFFFE003, lr  }
0x1b: {  	s9 =	sadd.s32 $0xFFFFFEF7, lr;
	s5 =	simm.s32 $0xFFFFFFFF;
	p2 =	slt.u32 s8, $0xFFFFF086  }
0x1c: {  	p1 =	slt.u32 s9, $0xF7A;
	s5 =	simm.s32 @!p2 $0x0  }
0x1d: {  	s5 =	simm.s32 @p1 $0x1;
	p0 =	seq.s32 s7, s2  }
0x1e: {  	s7 =	smul.u32 @!p0 $0xF7A, s2;
	p2 =	seq.s32 @!p0 s5, $0x0  }
0x1f: {  	s9 =	smul.u32 $0xF7A, s1;
	s8 =	simm.s32 @!p0 $0x1BF5;
	p2 =	por !p2, p0  }
0x20: {  	[sflag:s8] =	ssyncset.s32 @!p0 $0xFFFFF086;
	s6 =	sadd.s32 @!p0 s3, s7;
	s7 =	simm.s32 @!p0 $0x108  }
0x21: {  	s3 =	sadd.s32 s3, s9;
	s6 =	sadd.s32 @!p0 $0x88, s6;
	s7 =	simm.s32 @p2 $0x1082  }
0x22: {  	[simem:s7], [sflag:s8] =	dma.local @!p0 [hbm:s6], $0xF7A  }
0x23: {  	s9 =	sor.u32 $0xD0000000, s2;
	s6 =	simm.s32 $0x108;
	_ =	swait.ge @!p0 [sflag:s8], $0x0  }
0x24: {  	s3 =	sadd.s32 $0x88, s3;
	s6 =	simm.s32 @!p1 $0x1082;
	[sflag:s4] =	ssyncset.s32 $0xFFFFF086  }
0x25: {  	[simem:s6], [sflag:s4] =	dma.local [hbm:s3], $0xF7A  }
0x26: {  	[smem:$0x3F9F] =	sst s1;
	(tag) =	ssettag s2;
	_ =	strace s9  }
0x27: {  	s1 =	sld [smem:$0x3FAF]  }
0x28: {  	s2 =	sld [smem:$0x3FB0]  }
0x29: {  	s4 =	sld [smem:$0x3FB2]  }
0x2a: {  	p0 =	seq.s32 s5, $0x0;
	s5 =	sld [smem:$0x3FB3]  }
0x2b: {  	s6 =	sld [smem:$0x3FB4]  }
0x2c: {  	s7 =	sld [smem:$0x3FB5]  }
0x2d: {  	s3 =	simm.s32 $0x108;
	s8 =	sld [smem:$0x3FB6]  }
0x2e: {  	s3 =	simm.s32 @!p0 $0x1082;
	s9 =	sld [smem:$0x3FB7]  }
0x2f: {  	lr =	sadd.s32 s0, s3;
	s0 =	sld [smem:$0x3FAE]  }
0x30: {  	s3 =	sld [smem:$0x3FB1]  }
0x31: {  	[smem:$0x3FBA] =	sst s10  }
0x32: {  	s10 =	sld [smem:$0x3FB8];
	_ =	sdelay $0x3  }
0x33: {  	p0 =	seq.s32 s10, $0x1;
	s10 =	sld [smem:$0x3FBA];
	_ =	sdelay $0x3  }
0x34: {  	[smem:$0x3FBA] =	sst s10  }
0x35: {  	s10 =	sld [smem:$0x3FB9];
	_ =	sdelay $0x3  }
0x36: {  	p1 =	seq.s32 s10, $0x1;
	s10 =	sld [smem:$0x3FBA];
	_ =	sdelay $0x3  }
0x37: {  	[smem:$0x3FBA] =	sst s10  }
0x38: {  	s10 =	sld [smem:$0x3FBB]  }
0x39: {  	_ = 	snop;
	(pc) =	sbr.ind lr, $3  }
0x3a: {  	_ = 	snop  }
0x3b: {  	_ = 	snop  }
0x3c: {  	p2 =	seq.s32 s10, $0x1;
	s10 =	sld [smem:$0x3FBA]  }
0x3d: {  	_ =	shalt  }
0x3e: {  	_ =	shalt  }
0x3f: {  	_ =	shalt  }
0x40: {  	_ =	shalt  }
0x41: {  	_ =	shalt  }
0x42: {  	_ =	shalt  }
0x43: {  	_ =	shalt  }
0x44: {  	_ =	shalt  }
0x45: {  	_ =	shalt  }
0x46: {  	_ =	shalt  }
0x47: {  	_ =	shalt  }
0x48: {  	_ =	shalt  }
0x49: {  	_ =	shalt  }
0x4a: {  	_ =	shalt  }
0x4b: {  	_ =	shalt  }
0x4c: {  	_ =	shalt  }
0x4d: {  	_ =	shalt  }
0x4e: {  	_ =	shalt  }
0x4f: {  	_ =	shalt  }
0x50: {  	_ =	shalt  }
0x51: {  	_ =	shalt  }
0x52: {  	_ =	shalt  }
0x53: {  	_ =	shalt  }
0x54: {  	_ =	shalt  }
0x55: {  	_ =	shalt  }
0x56: {  	_ =	shalt  }
0x57: {  	_ =	shalt  }
0x58: {  	_ =	shalt  }
0x59: {  	_ =	shalt  }
0x5a: {  	_ =	shalt  }
0x5b: {  	_ =	shalt  }
0x5c: {  	_ =	shalt  }
0x5d: {  	_ =	shalt  }
0x5e: {  	_ =	shalt  }
0x5f: {  	_ =	shalt  }
0x60: {  	_ =	shalt  }
0x61: {  	_ =	shalt  }
0x62: {  	_ =	shalt  }
0x63: {  	_ =	shalt  }
0x64: {  	_ =	shalt  }
0x65: {  	_ =	shalt  }
0x66: {  	_ =	shalt  }
0x67: {  	_ =	shalt  }
0x68: {  	_ =	shalt  }
0x69: {  	_ =	shalt  }
0x6a: {  	_ =	shalt  }
0x6b: {  	_ =	shalt  }
0x6c: {  	_ =	shalt  }
0x6d: {  	_ =	shalt  }
0x6e: {  	_ =	shalt  }
0x6f: {  	_ =	shalt  }
0x70: {  	_ =	shalt  }
0x71: {  	_ =	shalt  }
0x72: {  	_ =	shalt  }
0x73: {  	_ =	shalt  }
0x74: {  	_ =	shalt  }
0x75: {  	_ =	shalt  }
0x76: {  	_ =	shalt  }
0x77: {  	_ =	shalt  }
0x78: {  	_ =	shalt  }
0x79: {  	_ =	shalt  }
0x7a: {  	_ =	shalt  }
0x7b: {  	_ =	shalt  }
0x7c: {  	_ =	shalt  }
0x7d: {  	_ =	shalt  }
0x7e: {  	_ =	shalt  }
0x7f: {  	_ =	shalt  }
0x80: {  	_ =	shalt  }
0x81: {  	_ =	shalt  }
0x82: {  	_ =	shalt  }
0x83: {  	_ =	shalt  }
0x84: {  	_ =	shalt  }
0x85: {  	_ =	shalt  }
0x86: {  	_ =	shalt  }
0x87: {  	_ =	shalt  }
.Lfunc_end0:
.L_simem_size_0:
called_computation.1_lowered:
.L_overlay_start_0:
0x88: {  	s2 =	sld [smem:$0x3FD9]  }
0x89: {  	s3 =	sld [smem:$0x3FFE];
	_ =	sdelay $0x1  }
0x8a: {  	s1 =	srdreg.scid  }
0x8b: {  	s0 =	sand.u32 $0x1, s1  }
0x8c: {  	s17 =	sshll.u32 s0, $0xA;
	s2 =	sadd.s32 s3, s2  }
0x8d: {  	s2 =	sadd.s32 s2, s17  }
0x8e: {  	[smem:$0x3FC6] =	sst s2  }
0x8f: {  	_ = 	snop  }
0x90: {  	s2 =	sld [smem:$0x3FD0];
	(tm) =	ssettm $0x1  }
0x91: {  	s18 =	sld [smem:$0x3FFB];
	_ =	sdelay $0x3  }
0x92: {  	_ =	strace s18  }
0x93: {  	s3 =	sld [smem:$0x3FFC];
	_ =	sdelay $0x3  }
0x94: {  	_ =	strace s3  }
0x95: {  	s3 =	sld [smem:$0x3FFD];
	_ =	sdelay $0x3  }
0x96: {  	_ =	strace s3  }
0x97: {  	_ =	strace $0x8FFFFFFF  }
0x98: {  	s19 =	sld [smem:$0x3FDB];
	_ =	sdelay $0x1  }
0x99: {  	s4 =	simm.s32 $_scs_section_size  }
0x9a: {  	s5 =	simm.s32 $_size__tile_overlayer_lowered;
	s6 =	simm.s32 $_tile_overlayer_lowered  }
0x9b: {  	s22 =	simm.s32 $0x1BFF;
	s21 =	sshll.u32 s6, $0x1;
	s3 =	sadd.s32 s4, s19  }
0x9c: {  	s7 =	simm.s32 $0x0;
	s20 =	sshll.u32 s5, $0x1;
	s5 =	sadd.s32 s21, s3  }
0x9d: {  	[timem:s7], [sflag:s22] =	dma.local [hbm:s5], s20  }
0x9e: {  	_ =	swait.ge [sflag:s22], s20  }
0x9f: {  	s4 =	ssub.s32 $0x0, s20;
	[sflag:s22] =	ssyncset.done $0x0  }
0xa0: {  	[sflag:s22] =	ssyncadd.s32 s4;
	_ =	sdelay $0x1  }
0xa1: {  	s23 =	simm.s32 $0x1B8B  }
0xa2: {  	_ =	swait.ge [sflag:s23], $0x1  }
0xa3: {  	[sflag:s23] =	ssyncset.done $0x0  }
0xa4: {  	s25 =	simm.s32 $0x1B8E;
	s24 =	sld [smem:$0x3FFE];
	[sflag:s23] =	ssyncadd.s32 $0xFFFFFFFF  }
0xa5: {  	s26 =	simm.s32 $execute0_lowered;
	[smem:$0x3FD2] =	sst s25  }
0xa6: {  	s5 =	sshll.u32 s26, $0x1;
	_ =	strace $0x80000046;
	[dreg:$0x1] =	wrdreg $0xFFFFFFFF  }
0xa7: {  	s28 =	simm.s32 $_size_execute0_lowered;
	s3 =	sadd.s32 s3, s5;
	[dreg:$0x0] =	wrdreg $0x0  }
0xa8: {  	s5 =	sshll.u32 s28, $0x1;
	[dreg:$0x2] =	wrdreg s3  }
0xa9: {  	[dreg:$0x3] =	wrdreg s5  }
0xaa: {  	[dreg:$0x4] =	wrdreg $0xC0  }
0xab: {  	_ =	task [dreg:s7], $0x5FFFF  }
0xac: {  	[dreg:$0x1] =	wrdreg $0xFFFFFFFF  }
0xad: {  	[dreg:$0x0] =	wrdreg $0x60  }
0xae: {  	[dreg:$0x2] =	wrdreg s24  }
0xaf: {  	[dreg:$0x3] =	wrdreg s2  }
0xb0: {  	[dreg:$0x4] =	wrdreg $0x9  }
0xb1: {  	_ =	task.clear_ibuf [dreg:s7], $0x5FFFF;
	_ =	strace $0x90000046  }
0xb2: {  	s29 =	simm.s32 $0x9;
	_ =	strace $0x80000048  }
0xb3: {  	_ =	swait.ge [sflag:s29], $0x1  }
0xb4: {  	[sflag:s29] =	ssyncadd.s32 $0xFFFFFFFF  }
0xb5: {  	_ =	strace $0x90000048  }
0xb6: {  	_ =	sfence  }
0xb7: {  	s30 =	sld [smem:$0x0];
	_ =	sdelay $0x2  }
0xb8: {  	s31 =	sshll.u32 s1, $0xD;
	s1 =	sshrl.u32 s1, $0x2  }
0xb9: {  	s3 =	sand.u32 $0x4000, s31;
	s1 =	sadd.s32 s1, s30  }
0xba: {  	s0 =	sor.u32 s3, s0;
	s1 =	sshll.u32 s1, $0x11  }
0xbb: {  	s0 =	sor.u32 s1, s0  }
0xbc: {  	s0 =	sadd.s32 $0x8F2B, s0  }
0xbd: {  	[sflag:s0] =	ssyncadd.remote.s32 $0x1  }
0xbe: {  	_ =	sfence.sel $0xFFFF  }
0xbf: {  	[dreg:$0x0] =	wrdreg $0xFFFFFFFF;
	(pc) =	sbr.abs _section_cstart, $3  }
0xc0: {  	[dreg:$0x1] =	wrdreg $0xFFFFFFFF  }
0xc1: {  	_ =	task.clear_ibuf [dreg:s7], $0x2FFFF;
	_ =	strace $0x9FFFFFFF  }
0xc2: {  	(tm) =	ssettm $0x7FFFFFFF  }
0xc3: {  	_ =	shalt  }
tec
execute0_lowered:
.L_overlay_start_1:
0x0: {  	(tag) =	ssettag $0x1  }
0x1: {  	s1 =	srdreg.scid;
	s3 =	stileid.u32  }
0x2: {  	s1 =	sand.u32 $0x1, s1;
	s4 =	sshll.u32 s3, $0x1  }
0x3: {  	s0 =	rddreg [dreg:$0x0];
	s5 =	sor.u32 s1, s4  }
0x4: {  	s2 =	rddreg [dreg:$0x1];
	s3 =	simm.s32 $0x0;
	s6 =	smul.u32 $0x320, s5  }
0x5: {  	[smem:$0x7FF] =	sst s3;
	s8 =	smul.u32 $0x64000, s5  }
0x6: {  	s4 =	sadd.s32 $0x6C00, s0;
	s1 =	ssub.s32 $0x2, s1;
	s22 =	smul.u32 $0xC800, s5  }
0x7: {  	_ =	strace $0x80000047;
	s20 =	sshrl.u32 s1, $0x1;
	s6 =	sadd.s32 s6, s0  }
0x8: {  	s0 =	ssub.s32 s1, s20;
	s23 =	sshrl.u32 s8, $0x3;
	s8 =	sadd.s32 s2, s22  }
0x9: {  	s20 =	sadd.s32 $0x190, s2;
	s21 =	sadd.s32 $0x800, s6;
	[dreg:$0x4] =	wrdreg s8  }
0xa: {  	s1 =	sadd.s32 s22, s20;
	[dreg:$0x3] =	wrdreg s21  }
0xb: {  	s0 =	smax.u32 s0, $0x1;
	[dreg:$0x5] =	wrdreg s1;
	s1 =	sadd.s32 s2, s23  }
0xc: {  	s6 =	sshll.u32 s5, $0x7;
	[smem:$0x7F8] =	sst s0;
	s5 =	sadd.s32 $0x960, s1  }
0xd: {  	s24 =	sadd.s32 $0xAF0, s1;
	[dreg:$0x6] =	wrdreg s5  }
0xe: {  	s25 =	sadd.s32 $0xC80, s1;
	[dreg:$0x7] =	wrdreg s24  }
0xf: {  	s26 =	sadd.s32 $0xE10, s1;
	[dreg:$0x8] =	wrdreg s25  }
0x10: {  	s30 =	sadd.s32 $0xFA0, s1;
	[dreg:$0x9] =	wrdreg s26  }
0x11: {  	s7 =	sadd.s32 $0x1130, s1;
	[dreg:$0xa] =	wrdreg s30  }
0x12: {  	s9 =	sadd.s32 $0x12C0, s1;
	[dreg:$0xb] =	wrdreg s7  }
0x13: {  	s10 =	sadd.s32 $0x1450, s1;
	[dreg:$0xc] =	wrdreg s9  }
0x14: {  	s11 =	sadd.s32 $0x15E0, s1;
	[dreg:$0xd] =	wrdreg s10  }
0x15: {  	s12 =	sadd.s32 $0x1770, s1;
	[dreg:$0xe] =	wrdreg s11  }
0x16: {  	s13 =	sadd.s32 $0x1900, s1;
	[dreg:$0xf] =	wrdreg s12  }
0x17: {  	s14 =	sadd.s32 $0x1A90, s1;
	[dreg:$0x10] =	wrdreg s13  }
0x18: {  	s15 =	sadd.s32 $0x1C20, s1;
	[dreg:$0x11] =	wrdreg s14  }
0x19: {  	s16 =	sadd.s32 $0x1DB0, s1;
	[dreg:$0x12] =	wrdreg s15  }
0x1a: {  	s17 =	sadd.s32 $0x1F40, s1;
	[dreg:$0x13] =	wrdreg s16  }
0x1b: {  	s18 =	sadd.s32 $0x20D0, s1;
	[dreg:$0x14] =	wrdreg s17  }
0x1c: {  	s19 =	sadd.s32 $0x2260, s1;
	[dreg:$0x15] =	wrdreg s18  }
0x1d: {  	s21 =	sadd.s32 $0x23F0, s1;
	[dreg:$0x16] =	wrdreg s19  }
0x1e: {  	s22 =	sadd.s32 $0x2580, s1;
	[dreg:$0x17] =	wrdreg s21  }
0x1f: {  	s23 =	sadd.s32 $0x2710, s1;
	[dreg:$0x18] =	wrdreg s22  }
0x20: {  	[dreg:$0x19] =	wrdreg s23;
	s24 =	sadd.s32 $0x28A0, s1  }
0x21: {  	s25 =	sadd.s32 $0x2A30, s1;
	[dreg:$0x1a] =	wrdreg s24  }
0x22: {  	s26 =	sadd.s32 $0x2BC0, s1;
	[dreg:$0x1b] =	wrdreg s25  }
0x23: {  	s30 =	sadd.s32 $0x2D50, s1;
	[dreg:$0x1c] =	wrdreg s26  }
0x24: {  	s7 =	sadd.s32 $0x2EE0, s1;
	[dreg:$0x1d] =	wrdreg s30  }
0x25: {  	s9 =	sadd.s32 $0x3070, s1;
	[dreg:$0x1e] =	wrdreg s7  }
0x26: {  	s10 =	sadd.s32 $0x9600, s1;
	[dreg:$0x1f] =	wrdreg s9  }
0x27: {  	s11 =	sadd.s32 $0x9790, s1;
	[smem:$0x7D8] =	sst s10  }
0x28: {  	s12 =	sadd.s32 $0x9920, s1;
	[smem:$0x7D9] =	sst s11  }
0x29: {  	s13 =	sadd.s32 $0x9AB0, s1;
	[smem:$0x7DA] =	sst s12  }
0x2a: {  	s14 =	sadd.s32 $0x9C40, s1;
	[smem:$0x7DB] =	sst s13  }
0x2b: {  	s15 =	sadd.s32 $0x9DD0, s1;
	[smem:$0x7DC] =	sst s14  }
0x2c: {  	s16 =	sadd.s32 $0x9F60, s1;
	[smem:$0x7DD] =	sst s15  }
0x2d: {  	s17 =	sadd.s32 $0xA0F0, s1;
	[smem:$0x7DE] =	sst s16  }
0x2e: {  	s18 =	sadd.s32 $0xA280, s1;
	[smem:$0x7DF] =	sst s17  }
0x2f: {  	s19 =	sadd.s32 $0xA410, s1;
	[smem:$0x7E0] =	sst s18  }
0x30: {  	s21 =	sadd.s32 $0xA5A0, s1;
	[smem:$0x7E1] =	sst s19  }
0x31: {  	s22 =	sadd.s32 $0xA730, s1;
	[smem:$0x7E2] =	sst s21  }
0x32: {  	s23 =	sadd.s32 $0xA8C0, s1;
	[smem:$0x7E3] =	sst s22  }
0x33: {  	[smem:$0x7E4] =	sst s23;
	s24 =	sadd.s32 $0xAA50, s1  }
0x34: {  	s25 =	sadd.s32 $0xABE0, s1;
	[smem:$0x7E5] =	sst s24  }
0x35: {  	s26 =	sadd.s32 $0xAD70, s1;
	[smem:$0x7E6] =	sst s25  }
0x36: {  	s30 =	sadd.s32 $0xAF00, s1;
	[smem:$0x7E7] =	sst s26  }
0x37: {  	s7 =	sadd.s32 $0xB090, s1;
	[smem:$0x7E8] =	sst s30  }
0x38: {  	s9 =	sadd.s32 $0xB220, s1;
	[smem:$0x7E9] =	sst s7  }
0x39: {  	s10 =	sadd.s32 $0xB3B0, s1;
	[smem:$0x7EA] =	sst s9  }
0x3a: {  	s11 =	sadd.s32 $0xB540, s1;
	[smem:$0x7EB] =	sst s10  }
0x3b: {  	s12 =	sadd.s32 $0xB6D0, s1;
	[smem:$0x7EC] =	sst s11  }
0x3c: {  	s13 =	sadd.s32 $0xB860, s1;
	[smem:$0x7ED] =	sst s12  }
0x3d: {  	s14 =	sadd.s32 $0xB9F0, s1;
	[smem:$0x7EE] =	sst s13  }
0x3e: {  	s15 =	sadd.s32 $0xBB80, s1;
	[smem:$0x7EF] =	sst s14  }
0x3f: {  	s16 =	sadd.s32 $0xBD10, s1;
	[smem:$0x7F0] =	sst s15  }
0x40: {  	s17 =	sadd.s32 $0xBEA0, s1;
	[smem:$0x7F1] =	sst s16  }
0x41: {  	s18 =	sadd.s32 $0xC030, s1;
	[smem:$0x7F2] =	sst s17  }
0x42: {  	s19 =	sadd.s32 $0xC1C0, s1;
	[smem:$0x7F3] =	sst s18  }
0x43: {  	s21 =	sadd.s32 $0xC350, s1;
	[smem:$0x7F4] =	sst s19  }
0x44: {  	s22 =	sadd.s32 $0xC4E0, s1;
	[smem:$0x7F5] =	sst s21  }
0x45: {  	s29 =	simm.s32 $0xC8;
	s1 =	sadd.s32 $0xC670, s1;
	[smem:$0x7F6] =	sst s22  }
0x46: {  	s28 =	simm.s32 $0xB;
	s23 =	sadd.s32 $0x320, s8;
	[smem:$0x7F7] =	sst s1  }
0x47: {  	s31 =	sor.u32 $0x28, s6;
	s5 =	simm.s32 $0x0;
	[smem:$0x7F9] =	sst s23  }
0x48: {  	s24 =	sadd.s32 $0x4B0, s8;
	s25 =	sadd.s32 $0x640, s8;
	s26 =	sadd.s32 $0x7D0, s8  }
0x49: {  	s1 =	sor.u32 $0x20, s6;
	s30 =	sor.u32 $0x24, s6;
	s22 =	sor.u32 $0x2C, s6  }
0x4a: {  	s17 =	simm.s32 $0x1;
	s19 =	simm.s32 $0x9;
	[smem:$0x7FA] =	sst s24  }
0x4b: {  	s9 =	simm.s32 $0xA;
	s15 =	simm.s32 $0xC;
	[smem:$0x7FB] =	sst s25  }
0x4c: {  	s16 =	simm.s32 $0xD;
	s21 =	simm.s32 $0xE;
	[smem:$0x7FC] =	sst s26  }
0x4d: {  	s23 =	simm.s32 $0xF;
	[smem:$0x7FD] =	sst s30;
	s24 =	simm.s32 $0x10  }
.LBB2_1:
0x4e: {  	[smem:$0x7D7] =	sst s5  }
0x4f: {  	s0 =	rddreg [dreg:$0x3];
	s13 =	simm.s32 $0x11  }
0x50: {  	[tilespmem:s3], [sflag:$0x11] =	stream.linear.gather [hbm4b:s0+s3], $0x1900, $0x38;
	[tilespmem:$0x1A900] =	vst v63  }
0x51: {  	_ =	swait.ge [sflag:s13], $0x1900  }
0x52: {  	[sflag:s13] =	ssyncset.done $0x0  }
0x53: {  	s10 =	simm.s32 $0x1900;
	[sflag:s13] =	ssyncadd.s32 $0xFFFFE700  }
0x54: {  	[tilespmem:s10], [sflag:$0x1] =	stream.indirect.gather [hbm4b:s4+s29], $0x40, s3, s29, $0xb8;
	[tilespmem:$0x1A900] =	vst v63  }
0x55: {  	s12 =	simm.s32 $0x4B00  }
0x56: {  	[tilespmem:s12], [sflag:$0x2] =	stream.indirect.gather [hbm4b:s4+s29], $0x40, s29, s29, $0xb8;
	[tilespmem:$0x1A900] =	vst v63  }
0x57: {  	s14 =	simm.s32 $0x190;
	s8 =	simm.s32 $0x7D00  }
0x58: {  	[tilespmem:s8], [sflag:$0x3] =	stream.indirect.gather [hbm4b:s4+s29], $0x40, s14, s29, $0xb8;
	[tilespmem:$0x1A900] =	vst v63  }
0x59: {  	s18 =	simm.s32 $0x258;
	s11 =	simm.s32 $0xAF00  }
0x5a: {  	[tilespmem:s11], [sflag:$0x4] =	stream.indirect.gather [hbm4b:s4+s29], $0x40, s18, s29, $0xb8;
	[tilespmem:$0x1A900] =	vst v63  }
0x5b: {  	_ =	swait.ge [sflag:s17], $0x3200  }
0x5c: {  	[sflag:s17] =	ssyncset.done $0x0;
	s25 =	rddreg [dreg:$0x4]  }
0x5d: {  	s26 =	rddreg [dreg:$0x5];
	[sflag:s17] =	ssyncadd.s32 $0xFFFFCE00  }
0x5e: {  	[hbm4b:s25+s3] =	stream.linear.scatter [tilespmem:s10], [sflag:$0x9], $0xC80, $0x38;
	[tilespmem:$0x1A900] =	vst v63  }
0x5f: {  	s13 =	simm.s32 $0x2580;
	s5 =	sld [smem:$0x7F9]  }
0x60: {  	[hbm4b:s26+s3] =	stream.linear.scatter [tilespmem:s13], [sflag:$0x9], $0xC80, $0x38;
	[tilespmem:$0x1A900] =	vst v63  }
0x61: {  	s7 =	simm.s32 $0x3200;
	s13 =	sld [smem:$0x7FA]  }
0x62: {  	[hbm4b:s5+s3] =	stream.linear.scatter [tilespmem:s7], [sflag:$0x9], $0xC80, $0x38;
	[tilespmem:$0x1A900] =	vst v63  }
0x63: {  	s14 =	simm.s32 $0x3E80  }
0x64: {  	[hbm4b:s13+s3] =	stream.linear.scatter [tilespmem:s14], [sflag:$0x9], $0xC80, $0x38;
	[tilespmem:$0x1A900] =	vst v63  }
0x65: {  	s18 =	simm.s32 $0x2;
	s17 =	simm.s32 $0x320;
	s13 =	simm.s32 $0xE100  }
0x66: {  	[tilespmem:s13], [sflag:$0x5] =	stream.indirect.gather [hbm4b:s4+s29], $0x40, s17, s29, $0xb8;
	[tilespmem:$0x1A900] =	vst v63  }
0x67: {  	_ =	swait.ge [sflag:s18], $0x3200  }
0x68: {  	s25 =	sld [smem:$0x7FB]  }
0x69: {  	[sflag:s18] =	ssyncset.done $0x0  }
0x6a: {  	s26 =	sld [smem:$0x7FC];
	[sflag:s18] =	ssyncadd.s32 $0xFFFFCE00  }
0x6b: {  	[hbm4b:s25+s3] =	stream.linear.scatter [tilespmem:s12], [sflag:$0xA], $0xC80, $0x38;
	[tilespmem:$0x1A900] =	vst v63  }
0x6c: {  	s5 =	simm.s32 $0x5780  }
0x6d: {  	[hbm4b:s26+s3] =	stream.linear.scatter [tilespmem:s5], [sflag:$0xA], $0xC80, $0x38;
	[tilespmem:$0x1A900] =	vst v63  }
0x6e: {  	s14 =	simm.s32 $0x6400;
	s7 =	rddreg [dreg:$0x6]  }
0x6f: {  	[hbm4b:s7+s3] =	stream.linear.scatter [tilespmem:s14], [sflag:$0xA], $0xC80, $0x38;
	[tilespmem:$0x1A900] =	vst v63  }
0x70: {  	s18 =	rddreg [dreg:$0x7];
	s25 =	simm.s32 $0x7080  }
0x71: {  	[hbm4b:s18+s3] =	stream.linear.scatter [tilespmem:s25], [sflag:$0xA], $0xC80, $0x38;
	[tilespmem:$0x1A900] =	vst v63  }
0x72: {  	s26 =	simm.s32 $0x3E8;
	s5 =	simm.s32 $0x3;
	s14 =	simm.s32 $0x11300  }
0x73: {  	[tilespmem:s14], [sflag:$0x6] =	stream.indirect.gather [hbm4b:s4+s29], $0x40, s26, s29, $0xb8;
	[tilespmem:$0x1A900] =	vst v63  }
0x74: {  	_ =	swait.ge [sflag:s5], $0x3200  }
0x75: {  	[sflag:s5] =	ssyncset.done $0x0  }
0x76: {  	s7 =	rddreg [dreg:$0x8];
	[sflag:s5] =	ssyncadd.s32 $0xFFFFCE00  }
0x77: {  	[hbm4b:s7+s3] =	stream.linear.scatter [tilespmem:s8], [sflag:$0xB], $0xC80, $0x38;
	[tilespmem:$0x1A900] =	vst v63  }
0x78: {  	s18 =	simm.s32 $0x8980;
	s17 =	rddreg [dreg:$0x9]  }
0x79: {  	[hbm4b:s17+s3] =	stream.linear.scatter [tilespmem:s18], [sflag:$0xB], $0xC80, $0x38;
	[tilespmem:$0x1A900] =	vst v63  }
0x7a: {  	s26 =	simm.s32 $0x9600;
	s25 =	rddreg [dreg:$0xa]  }
0x7b: {  	[hbm4b:s25+s3] =	stream.linear.scatter [tilespmem:s26], [sflag:$0xB], $0xC80, $0x38;
	[tilespmem:$0x1A900] =	vst v63  }
0x7c: {  	s5 =	rddreg [dreg:$0xb];
	s7 =	simm.s32 $0xA280  }
0x7d: {  	[hbm4b:s5+s3] =	stream.linear.scatter [tilespmem:s7], [sflag:$0xB], $0xC80, $0x38;
	[tilespmem:$0x1A900] =	vst v63  }
0x7e: {  	s17 =	simm.s32 $0x4B0;
	s18 =	simm.s32 $0x4;
	s5 =	simm.s32 $0x14500  }
0x7f: {  	[tilespmem:s5], [sflag:$0x7] =	stream.indirect.gather [hbm4b:s4+s29], $0x40, s17, s29, $0xb8;
	[tilespmem:$0x1A900] =	vst v63  }
0x80: {  	_ =	swait.ge [sflag:s18], $0x3200  }
0x81: {  	[sflag:s18] =	ssyncset.done $0x0  }
0x82: {  	s25 =	rddreg [dreg:$0xc];
	[sflag:s18] =	ssyncadd.s32 $0xFFFFCE00  }
0x83: {  	[hbm4b:s25+s3] =	stream.linear.scatter [tilespmem:s11], [sflag:$0xC], $0xC80, $0x38;
	[tilespmem:$0x1A900] =	vst v63  }
0x84: {  	s7 =	simm.s32 $0xBB80;
	s26 =	rddreg [dreg:$0xd]  }
0x85: {  	[hbm4b:s26+s3] =	stream.linear.scatter [tilespmem:s7], [sflag:$0xC], $0xC80, $0x38;
	[tilespmem:$0x1A900] =	vst v63  }
0x86: {  	s18 =	rddreg [dreg:$0xe];
	s25 =	simm.s32 $0xC800  }
0x87: {  	[hbm4b:s18+s3] =	stream.linear.scatter [tilespmem:s25], [sflag:$0xC], $0xC80, $0x38;
	[tilespmem:$0x1A900] =	vst v63  }
0x88: {  	s26 =	rddreg [dreg:$0xf];
	s7 =	simm.s32 $0xD480  }
0x89: {  	[hbm4b:s26+s3] =	stream.linear.scatter [tilespmem:s7], [sflag:$0xC], $0xC80, $0x38;
	[tilespmem:$0x1A900] =	vst v63  }
0x8a: {  	s18 =	simm.s32 $0x578;
	s25 =	simm.s32 $0x5;
	s7 =	simm.s32 $0x17700  }
0x8b: {  	[tilespmem:s7], [sflag:$0x8] =	stream.indirect.gather [hbm4b:s4+s29], $0x40, s18, s29, $0xb8;
	[tilespmem:$0x1A900] =	vst v63  }
0x8c: {  	_ =	swait.ge [sflag:s25], $0x3200  }
0x8d: {  	[sflag:s25] =	ssyncset.done $0x0  }
0x8e: {  	s26 =	rddreg [dreg:$0x10];
	[sflag:s25] =	ssyncadd.s32 $0xFFFFCE00  }
0x8f: {  	[hbm4b:s26+s3] =	stream.linear.scatter [tilespmem:s13], [sflag:$0xD], $0xC80, $0x38;
	[tilespmem:$0x1A900] =	vst v63  }
0x90: {  	s18 =	simm.s32 $0xED80;
	s17 =	rddreg [dreg:$0x11]  }
0x91: {  	[hbm4b:s17+s3] =	stream.linear.scatter [tilespmem:s18], [sflag:$0xD], $0xC80, $0x38;
	[tilespmem:$0x1A900] =	vst v63  }
0x92: {  	s25 =	rddreg [dreg:$0x12];
	s26 =	simm.s32 $0xFA00  }
0x93: {  	[hbm4b:s25+s3] =	stream.linear.scatter [tilespmem:s26], [sflag:$0xD], $0xC80, $0x38;
	[tilespmem:$0x1A900] =	vst v63  }
0x94: {  	s13 =	rddreg [dreg:$0x13];
	s17 =	simm.s32 $0x10680  }
0x95: {  	[hbm4b:s13+s3] =	stream.linear.scatter [tilespmem:s17], [sflag:$0xD], $0xC80, $0x38;
	[tilespmem:$0x1A900] =	vst v63  }
0x96: {  	_ =	swait.ge [sflag:s19], $0xC80  }
0x97: {  	[sflag:s19] =	ssyncset.done $0x0  }
0x98: {  	[sflag:s19] =	ssyncadd.s32 $0xFFFFF380  }
0x99: {  	_ =	swait.ge [sflag:s19], $0xC80  }
0x9a: {  	[sflag:s19] =	ssyncset.done $0x0  }
0x9b: {  	[sflag:s19] =	ssyncadd.s32 $0xFFFFF380  }
0x9c: {  	_ =	swait.ge [sflag:s19], $0xC80  }
0x9d: {  	[sflag:s19] =	ssyncset.done $0x0  }
0x9e: {  	[sflag:s19] =	ssyncadd.s32 $0xFFFFF380  }
0x9f: {  	_ =	swait.ge [sflag:s19], $0xC80  }
0xa0: {  	[sflag:s19] =	ssyncset.done $0x0  }
0xa1: {  	s18 =	simm.s32 $0x640;
	s25 =	simm.s32 $0x6;
	[sflag:s19] =	ssyncadd.s32 $0xFFFFF380  }
0xa2: {  	[tilespmem:s10], [sflag:$0x1] =	stream.indirect.gather [hbm4b:s4+s29], $0x40, s18, s29, $0xb8;
	[tilespmem:$0x1A900] =	vst v63  }
0xa3: {  	_ =	swait.ge [sflag:s25], $0x3200  }
0xa4: {  	[sflag:s25] =	ssyncset.done $0x0  }
0xa5: {  	s26 =	rddreg [dreg:$0x14];
	[sflag:s25] =	ssyncadd.s32 $0xFFFFCE00  }
0xa6: {  	[hbm4b:s26+s3] =	stream.linear.scatter [tilespmem:s14], [sflag:$0xE], $0xC80, $0x38;
	[tilespmem:$0x1A900] =	vst v63  }
0xa7: {  	s13 =	simm.s32 $0x11F80;
	s10 =	rddreg [dreg:$0x15]  }
0xa8: {  	[hbm4b:s10+s3] =	stream.linear.scatter [tilespmem:s13], [sflag:$0xE], $0xC80, $0x38;
	[tilespmem:$0x1A900] =	vst v63  }
0xa9: {  	s17 =	simm.s32 $0x12C00;
	s14 =	rddreg [dreg:$0x16]  }
0xaa: {  	[hbm4b:s14+s3] =	stream.linear.scatter [tilespmem:s17], [sflag:$0xE], $0xC80, $0x38;
	[tilespmem:$0x1A900] =	vst v63  }
0xab: {  	s18 =	rddreg [dreg:$0x17];
	s25 =	simm.s32 $0x13880  }
0xac: {  	[hbm4b:s18+s3] =	stream.linear.scatter [tilespmem:s25], [sflag:$0xE], $0xC80, $0x38;
	[tilespmem:$0x1A900] =	vst v63  }
0xad: {  	_ =	swait.ge [sflag:s9], $0xC80  }
0xae: {  	[sflag:s9] =	ssyncset.done $0x0  }
0xaf: {  	[sflag:s9] =	ssyncadd.s32 $0xFFFFF380  }
0xb0: {  	_ =	swait.ge [sflag:s9], $0xC80  }
0xb1: {  	[sflag:s9] =	ssyncset.done $0x0  }
0xb2: {  	[sflag:s9] =	ssyncadd.s32 $0xFFFFF380  }
0xb3: {  	_ =	swait.ge [sflag:s9], $0xC80  }
0xb4: {  	[sflag:s9] =	ssyncset.done $0x0  }
0xb5: {  	[sflag:s9] =	ssyncadd.s32 $0xFFFFF380  }
0xb6: {  	_ =	swait.ge [sflag:s9], $0xC80  }
0xb7: {  	[sflag:s9] =	ssyncset.done $0x0  }
0xb8: {  	s26 =	simm.s32 $0x708;
	s10 =	simm.s32 $0x7;
	[sflag:s9] =	ssyncadd.s32 $0xFFFFF380  }
0xb9: {  	[tilespmem:s12], [sflag:$0x2] =	stream.indirect.gather [hbm4b:s4+s29], $0x40, s26, s29, $0xb8;
	[tilespmem:$0x1A900] =	vst v63  }
0xba: {  	_ =	swait.ge [sflag:s10], $0x3200  }
0xbb: {  	[sflag:s10] =	ssyncset.done $0x0  }
0xbc: {  	s12 =	rddreg [dreg:$0x18];
	[sflag:s10] =	ssyncadd.s32 $0xFFFFCE00  }
0xbd: {  	[hbm4b:s12+s3] =	stream.linear.scatter [tilespmem:s5], [sflag:$0xF], $0xC80, $0x38;
	[tilespmem:$0x1A900] =	vst v63  }
0xbe: {  	s14 =	simm.s32 $0x15180;
	s13 =	rddreg [dreg:$0x19]  }
0xbf: {  	[hbm4b:s13+s3] =	stream.linear.scatter [tilespmem:s14], [sflag:$0xF], $0xC80, $0x38;
	[tilespmem:$0x1A900] =	vst v63  }
0xc0: {  	s18 =	simm.s32 $0x15E00;
	s17 =	rddreg [dreg:$0x1a]  }
0xc1: {  	[hbm4b:s17+s3] =	stream.linear.scatter [tilespmem:s18], [sflag:$0xF], $0xC80, $0x38;
	[tilespmem:$0x1A900] =	vst v63  }
0xc2: {  	s26 =	simm.s32 $0x16A80;
	s25 =	rddreg [dreg:$0x1b]  }
0xc3: {  	[hbm4b:s25+s3] =	stream.linear.scatter [tilespmem:s26], [sflag:$0xF], $0xC80, $0x38;
	[tilespmem:$0x1A900] =	vst v63  }
0xc4: {  	_ =	swait.ge [sflag:s28], $0xC80  }
0xc5: {  	[sflag:s28] =	ssyncset.done $0x0  }
0xc6: {  	[sflag:s28] =	ssyncadd.s32 $0xFFFFF380  }
0xc7: {  	_ =	swait.ge [sflag:s28], $0xC80  }
0xc8: {  	[sflag:s28] =	ssyncset.done $0x0  }
0xc9: {  	[sflag:s28] =	ssyncadd.s32 $0xFFFFF380  }
0xca: {  	_ =	swait.ge [sflag:s28], $0xC80  }
0xcb: {  	[sflag:s28] =	ssyncset.done $0x0  }
0xcc: {  	[sflag:s28] =	ssyncadd.s32 $0xFFFFF380  }
0xcd: {  	_ =	swait.ge [sflag:s28], $0xC80  }
0xce: {  	[sflag:s28] =	ssyncset.done $0x0  }
0xcf: {  	s5 =	simm.s32 $0x7D0;
	[sflag:s28] =	ssyncadd.s32 $0xFFFFF380  }
0xd0: {  	[tilespmem:s8], [sflag:$0x3] =	stream.indirect.gather [hbm4b:s4+s29], $0x40, s5, s29, $0xb8;
	[tilespmem:$0x1A900] =	vst v63  }
0xd1: {  	s8 =	simm.s32 $0x8  }
0xd2: {  	_ =	swait.ge [sflag:s8], $0x3200  }
0xd3: {  	[sflag:s8] =	ssyncset.done $0x0  }
0xd4: {  	s10 =	rddreg [dreg:$0x1c];
	[sflag:s8] =	ssyncadd.s32 $0xFFFFCE00  }
0xd5: {  	[hbm4b:s10+s3] =	stream.linear.scatter [tilespmem:s7], [sflag:$0x10], $0xC80, $0x38;
	[tilespmem:$0x1A900] =	vst v63  }
0xd6: {  	s13 =	simm.s32 $0x18380;
	s12 =	rddreg [dreg:$0x1d]  }
0xd7: {  	[hbm4b:s12+s3] =	stream.linear.scatter [tilespmem:s13], [sflag:$0x10], $0xC80, $0x38;
	[tilespmem:$0x1A900] =	vst v63  }
0xd8: {  	s17 =	simm.s32 $0x19000;
	s14 =	rddreg [dreg:$0x1e]  }
0xd9: {  	[hbm4b:s14+s3] =	stream.linear.scatter [tilespmem:s17], [sflag:$0x10], $0xC80, $0x38;
	[tilespmem:$0x1A900] =	vst v63  }
0xda: {  	s25 =	simm.s32 $0x19C80;
	s18 =	rddreg [dreg:$0x1f]  }
0xdb: {  	[hbm4b:s18+s3] =	stream.linear.scatter [tilespmem:s25], [sflag:$0x10], $0xC80, $0x38;
	[tilespmem:$0x1A900] =	vst v63  }
0xdc: {  	_ =	swait.ge [sflag:s15], $0xC80  }
0xdd: {  	[sflag:s15] =	ssyncset.done $0x0  }
0xde: {  	[sflag:s15] =	ssyncadd.s32 $0xFFFFF380  }
0xdf: {  	_ =	swait.ge [sflag:s15], $0xC80  }
0xe0: {  	[sflag:s15] =	ssyncset.done $0x0  }
0xe1: {  	[sflag:s15] =	ssyncadd.s32 $0xFFFFF380  }
0xe2: {  	_ =	swait.ge [sflag:s15], $0xC80  }
0xe3: {  	[sflag:s15] =	ssyncset.done $0x0  }
0xe4: {  	[sflag:s15] =	ssyncadd.s32 $0xFFFFF380  }
0xe5: {  	_ =	swait.ge [sflag:s15], $0xC80  }
0xe6: {  	p0 =	por $0x1, $0x1;
	[sflag:s15] =	ssyncset.done $0x0  }
0xe7: {  	s30 =	simm.s32 $0x0;
	s26 =	simm.s32 $0x898;
	[sflag:s15] =	ssyncadd.s32 $0xFFFFF380  }
0xe8: {  	[tilespmem:s11], [sflag:$0x4] =	stream.indirect.gather [hbm4b:s4+s29], $0x40, s26, s29, $0xb8;
	[tilespmem:$0x1A900] =	vst v63  }
.LBB2_2:
0xe9: {  	s25 =	sshll.u32 s30, $0x5;
	s26 =	simm.s32 $0x1  }
0xea: {  	s10 =	smov.u32 s22;
	s22 =	smov.u32 s31;
	s31 =	sadd.s32 s1, s25  }
0xeb: {  	_ =	swait.ge [sflag:s26], $0x3200;
	s14 =	smul.u32 $0x190, s31  }
0xec: {  	s12 =	smov.u32 s1;
	s13 =	simm.s32 $0x1900;
	[sflag:s26] =	ssyncset.done $0x0  }
0xed: {  	s18 =	smul.u32 $0xC80, s31;
	[sflag:s26] =	ssyncadd.s32 $0xFFFFCE00;
	s17 =	sadd.s32 s2, s14  }
0xee: {  	[hbm4b:s17+s3] =	stream.linear.scatter [tilespmem:s13], [sflag:$0x9], $0xC80, $0x38;
	[tilespmem:$0x1A900] =	vst v63  }
0xef: {  	s0 =	simm.s32 $0x2580;
	s1 =	sadd.s32 s14, s20;
	s26 =	sshrl.u32 s18, $0x3  }
0xf0: {  	[hbm4b:s1+s3] =	stream.linear.scatter [tilespmem:s0], [sflag:$0x9], $0xC80, $0x38;
	[tilespmem:$0x1A900] =	vst v63  }
0xf1: {  	s1 =	sadd.s32 s2, s26  }
0xf2: {  	s5 =	simm.s32 $0x3200;
	s0 =	sadd.s32 $0x320, s1  }
0xf3: {  	[hbm4b:s0+s3] =	stream.linear.scatter [tilespmem:s5], [sflag:$0x9], $0xC80, $0x38;
	[tilespmem:$0x1A900] =	vst v63  }
0xf4: {  	s7 =	simm.s32 $0x3E80;
	s1 =	sadd.s32 $0x4B0, s1  }
0xf5: {  	[hbm4b:s1+s3] =	stream.linear.scatter [tilespmem:s7], [sflag:$0x9], $0xC80, $0x38;
	[tilespmem:$0x1A900] =	vst v63  }
0xf6: {  	_ =	swait.ge [sflag:s16], $0xC80  }
0xf7: {  	[sflag:s16] =	ssyncset.done $0x0  }
0xf8: {  	[sflag:s16] =	ssyncadd.s32 $0xFFFFF380  }
0xf9: {  	_ =	swait.ge [sflag:s16], $0xC80  }
0xfa: {  	[sflag:s16] =	ssyncset.done $0x0  }
0xfb: {  	[sflag:s16] =	ssyncadd.s32 $0xFFFFF380  }
0xfc: {  	_ =	swait.ge [sflag:s16], $0xC80  }
0xfd: {  	s8 =	sshll.u32 s30, $0x3;
	[sflag:s16] =	ssyncset.done $0x0  }
0xfe: {  	s26 =	sadd.s32 $0xC, s8;
	[sflag:s16] =	ssyncadd.s32 $0xFFFFF380  }
0xff: {  	s1 =	smul.u32 $0x320, s26;
	_ =	swait.ge [sflag:s16], $0xC80  }
0x100: {  	[sflag:s16] =	ssyncset.done $0x0;
	s11 =	sld [smem:$0x7FD]  }
0x101: {  	s17 =	simm.s32 $0xE100;
	s1 =	sshra.s32 s1, $0x2;
	[sflag:s16] =	ssyncadd.s32 $0xFFFFF380  }
0x102: {  	[tilespmem:s17], [sflag:$0x5] =	stream.indirect.gather [hbm4b:s4+s29], $0x40, s1, s29, $0xb8;
	[tilespmem:$0x1A900] =	vst v63  }
0x103: {  	s18 =	simm.s32 $0x2;
	s14 =	sadd.s32 s11, s25  }
0x104: {  	_ =	swait.ge [sflag:s18], $0x3200;
	s31 =	smul.u32 $0x190, s14  }
0x105: {  	[sflag:s18] =	ssyncset.done $0x0  }
0x106: {  	[sflag:s18] =	ssyncadd.s32 $0xFFFFCE00;
	s18 =	simm.s32 $0x4B00;
	s5 =	sadd.s32 s2, s31  }
0x107: {  	[hbm4b:s5+s3] =	stream.linear.scatter [tilespmem:s18], [sflag:$0xA], $0xC80, $0x38;
	[tilespmem:$0x1A900] =	vst v63  }
0x108: {  	s8 =	simm.s32 $0x5780;
	s1 =	smul.u32 $0xC80, s14;
	s7 =	sadd.s32 s31, s20  }
0x109: {  	[hbm4b:s7+s3] =	stream.linear.scatter [tilespmem:s8], [sflag:$0xA], $0xC80, $0x38;
	[tilespmem:$0x1A900] =	vst v63  }
0x10a: {  	s8 =	sshrl.u32 s1, $0x3  }
0x10b: {  	s11 =	simm.s32 $0x6400;
	s0 =	sadd.s32 s2, s8  }
0x10c: {  	s31 =	smov.u32 s22;
	s22 =	smov.u32 s10;
	s10 =	sadd.s32 $0x320, s0  }
0x10d: {  	[hbm4b:s10+s3] =	stream.linear.scatter [tilespmem:s11], [sflag:$0xA], $0xC80, $0x38;
	[tilespmem:$0x1A900] =	vst v63  }
0x10e: {  	s14 =	simm.s32 $0x7080;
	s0 =	sadd.s32 $0x4B0, s0  }
0x10f: {  	[hbm4b:s0+s3] =	stream.linear.scatter [tilespmem:s14], [sflag:$0xA], $0xC80, $0x38;
	[tilespmem:$0x1A900] =	vst v63  }
0x110: {  	_ =	swait.ge [sflag:s21], $0xC80  }
0x111: {  	[sflag:s21] =	ssyncset.done $0x0  }
0x112: {  	[sflag:s21] =	ssyncadd.s32 $0xFFFFF380  }
0x113: {  	_ =	swait.ge [sflag:s21], $0xC80  }
0x114: {  	[sflag:s21] =	ssyncset.done $0x0  }
0x115: {  	[sflag:s21] =	ssyncadd.s32 $0xFFFFF380  }
0x116: {  	_ =	swait.ge [sflag:s21], $0xC80  }
0x117: {  	[sflag:s21] =	ssyncset.done $0x0  }
0x118: {  	s30 =	smul.u32 $0x1900, s30;
	[sflag:s21] =	ssyncadd.s32 $0xFFFFF380  }
0x119: {  	_ =	swait.ge [sflag:s21], $0xC80  }
0x11a: {  	s5 =	sadd.s32 $0x28A0, s30;
	s7 =	sadd.s32 s31, s25;
	[sflag:s21] =	ssyncset.done $0x0  }
0x11b: {  	s0 =	sshra.s32 s5, $0x2;
	s14 =	simm.s32 $0x11300;
	[sflag:s21] =	ssyncadd.s32 $0xFFFFF380  }
0x11c: {  	[tilespmem:s14], [sflag:$0x6] =	stream.indirect.gather [hbm4b:s4+s29], $0x40, s0, s29, $0xb8;
	[tilespmem:$0x1A900] =	vst v63  }
0x11d: {  	s10 =	simm.s32 $0x3;
	s0 =	smul.u32 $0xC80, s7  }
0x11e: {  	s11 =	smul.u32 $0x190, s7;
	_ =	swait.ge [sflag:s10], $0x3200  }
0x11f: {  	s8 =	simm.s32 $0x7D00;
	[sflag:s10] =	ssyncset.done $0x0;
	s0 =	sshrl.u32 s0, $0x3  }
0x120: {  	s1 =	sadd.s32 s2, s11;
	[sflag:s10] =	ssyncadd.s32 $0xFFFFCE00;
	s0 =	sadd.s32 s2, s0  }
0x121: {  	[hbm4b:s1+s3] =	stream.linear.scatter [tilespmem:s8], [sflag:$0xB], $0xC80, $0x38;
	[tilespmem:$0x1A900] =	vst v63  }
0x122: {  	s7 =	simm.s32 $0x8980;
	s5 =	sadd.s32 $0x190, s0  }
0x123: {  	[hbm4b:s5+s3] =	stream.linear.scatter [tilespmem:s7], [sflag:$0xB], $0xC80, $0x38;
	[tilespmem:$0x1A900] =	vst v63  }
0x124: {  	s11 =	sadd.s32 $0x320, s0;
	s5 =	simm.s32 $0x9600  }
0x125: {  	[hbm4b:s11+s3] =	stream.linear.scatter [tilespmem:s5], [sflag:$0xB], $0xC80, $0x38;
	[tilespmem:$0x1A900] =	vst v63  }
0x126: {  	s0 =	sadd.s32 $0x4B0, s0;
	s7 =	simm.s32 $0xA280  }
0x127: {  	[hbm4b:s0+s3] =	stream.linear.scatter [tilespmem:s7], [sflag:$0xB], $0xC80, $0x38;
	[tilespmem:$0x1A900] =	vst v63  }
0x128: {  	_ =	swait.ge [sflag:s23], $0xC80  }
0x129: {  	[sflag:s23] =	ssyncset.done $0x0  }
0x12a: {  	[sflag:s23] =	ssyncadd.s32 $0xFFFFF380  }
0x12b: {  	_ =	swait.ge [sflag:s23], $0xC80  }
0x12c: {  	[sflag:s23] =	ssyncset.done $0x0  }
0x12d: {  	[sflag:s23] =	ssyncadd.s32 $0xFFFFF380  }
0x12e: {  	_ =	swait.ge [sflag:s23], $0xC80  }
0x12f: {  	[sflag:s23] =	ssyncset.done $0x0  }
0x130: {  	[sflag:s23] =	ssyncadd.s32 $0xFFFFF380  }
0x131: {  	_ =	swait.ge [sflag:s23], $0xC80  }
0x132: {  	s10 =	sadd.s32 $0x2BC0, s30;
	s5 =	simm.s32 $0x14500;
	[sflag:s23] =	ssyncset.done $0x0  }
0x133: {  	s11 =	sadd.s32 s22, s25;
	s0 =	sshra.s32 s10, $0x2;
	[sflag:s23] =	ssyncadd.s32 $0xFFFFF380  }
0x134: {  	[tilespmem:s5], [sflag:$0x7] =	stream.indirect.gather [hbm4b:s4+s29], $0x40, s0, s29, $0xb8;
	[tilespmem:$0x1A900] =	vst v63  }
0x135: {  	s1 =	simm.s32 $0x4;
	s0 =	smul.u32 $0xC80, s11  }
0x136: {  	s7 =	smul.u32 $0x190, s11;
	_ =	swait.ge [sflag:s1], $0x3200  }
0x137: {  	s11 =	simm.s32 $0xAF00;
	[sflag:s1] =	ssyncset.done $0x0;
	s0 =	sshrl.u32 s0, $0x3  }
0x138: {  	[sflag:s1] =	ssyncadd.s32 $0xFFFFCE00;
	s1 =	sadd.s32 s2, s7;
	s0 =	sadd.s32 s2, s0  }
0x139: {  	[hbm4b:s1+s3] =	stream.linear.scatter [tilespmem:s11], [sflag:$0xC], $0xC80, $0x38;
	[tilespmem:$0x1A900] =	vst v63  }
0x13a: {  	s7 =	simm.s32 $0xBB80;
	s10 =	sadd.s32 $0x190, s0  }
0x13b: {  	[hbm4b:s10+s3] =	stream.linear.scatter [tilespmem:s7], [sflag:$0xC], $0xC80, $0x38;
	[tilespmem:$0x1A900] =	vst v63  }
0x13c: {  	s10 =	sadd.s32 $0x320, s0;
	s7 =	simm.s32 $0xC800  }
0x13d: {  	[hbm4b:s10+s3] =	stream.linear.scatter [tilespmem:s7], [sflag:$0xC], $0xC80, $0x38;
	[tilespmem:$0x1A900] =	vst v63  }
0x13e: {  	s0 =	sadd.s32 $0x4B0, s0;
	s7 =	simm.s32 $0xD480  }
0x13f: {  	[hbm4b:s0+s3] =	stream.linear.scatter [tilespmem:s7], [sflag:$0xC], $0xC80, $0x38;
	[tilespmem:$0x1A900] =	vst v63  }
0x140: {  	_ =	swait.ge [sflag:s24], $0xC80  }
0x141: {  	[sflag:s24] =	ssyncset.done $0x0  }
0x142: {  	[sflag:s24] =	ssyncadd.s32 $0xFFFFF380  }
0x143: {  	_ =	swait.ge [sflag:s24], $0xC80  }
0x144: {  	[sflag:s24] =	ssyncset.done $0x0  }
0x145: {  	[sflag:s24] =	ssyncadd.s32 $0xFFFFF380  }
0x146: {  	_ =	swait.ge [sflag:s24], $0xC80  }
0x147: {  	[sflag:s24] =	ssyncset.done $0x0  }
0x148: {  	[sflag:s24] =	ssyncadd.s32 $0xFFFFF380  }
0x149: {  	_ =	swait.ge [sflag:s24], $0xC80  }
0x14a: {  	s26 =	sshll.u32 s26, $0x2;
	s10 =	sadd.s32 $0x2EE0, s30;
	[sflag:s24] =	ssyncset.done $0x0  }
0x14b: {  	s0 =	sshra.s32 s10, $0x2;
	s7 =	simm.s32 $0x17700;
	[sflag:s24] =	ssyncadd.s32 $0xFFFFF380  }
0x14c: {  	[tilespmem:s7], [sflag:$0x8] =	stream.indirect.gather [hbm4b:s4+s29], $0x40, s0, s29, $0xb8;
	[tilespmem:$0x1A900] =	vst v63  }
0x14d: {  	s0 =	sor.u32 s6, s26  }
0x14e: {  	s1 =	simm.s32 $0x5;
	s26 =	smul.u32 $0x190, s0  }
0x14f: {  	_ =	swait.ge [sflag:s1], $0x3200;
	s0 =	smul.u32 $0xC80, s0  }
0x150: {  	[sflag:s1] =	ssyncset.done $0x0  }
0x151: {  	[sflag:s1] =	ssyncadd.s32 $0xFFFFCE00;
	s1 =	sadd.s32 s2, s26;
	s0 =	sshrl.u32 s0, $0x3  }
0x152: {  	[hbm4b:s1+s3] =	stream.linear.scatter [tilespmem:s17], [sflag:$0xD], $0xC80, $0x38;
	[tilespmem:$0x1A900] =	vst v63  }
0x153: {  	s0 =	sadd.s32 s2, s0  }
0x154: {  	s26 =	simm.s32 $0xED80;
	s17 =	sadd.s32 $0x190, s0  }
0x155: {  	[hbm4b:s17+s3] =	stream.linear.scatter [tilespmem:s26], [sflag:$0xD], $0xC80, $0x38;
	[tilespmem:$0x1A900] =	vst v63  }
0x156: {  	s17 =	sadd.s32 $0x320, s0;
	s26 =	simm.s32 $0xFA00  }
0x157: {  	[hbm4b:s17+s3] =	stream.linear.scatter [tilespmem:s26], [sflag:$0xD], $0xC80, $0x38;
	[tilespmem:$0x1A900] =	vst v63  }
0x158: {  	s10 =	simm.s32 $0x10680;
	s0 =	sadd.s32 $0x4B0, s0  }
0x159: {  	[hbm4b:s0+s3] =	stream.linear.scatter [tilespmem:s10], [sflag:$0xD], $0xC80, $0x38;
	[tilespmem:$0x1A900] =	vst v63  }
0x15a: {  	_ =	swait.ge [sflag:s19], $0xC80  }
0x15b: {  	[sflag:s19] =	ssyncset.done $0x0  }
0x15c: {  	[sflag:s19] =	ssyncadd.s32 $0xFFFFF380  }
0x15d: {  	_ =	swait.ge [sflag:s19], $0xC80  }
0x15e: {  	[sflag:s19] =	ssyncset.done $0x0  }
0x15f: {  	[sflag:s19] =	ssyncadd.s32 $0xFFFFF380  }
0x160: {  	_ =	swait.ge [sflag:s19], $0xC80  }
0x161: {  	[sflag:s19] =	ssyncset.done $0x0  }
0x162: {  	[sflag:s19] =	ssyncadd.s32 $0xFFFFF380  }
0x163: {  	_ =	swait.ge [sflag:s19], $0xC80  }
0x164: {  	s26 =	sshra.s32 s30, $0x2;
	s0 =	sadd.s32 s6, s25;
	[sflag:s19] =	ssyncset.done $0x0  }
0x165: {  	s17 =	sadd.s32 $0xC80, s26;
	s1 =	sadd.s32 $0x34, s0;
	[sflag:s19] =	ssyncadd.s32 $0xFFFFF380  }
0x166: {  	[tilespmem:s13], [sflag:$0x1] =	stream.indirect.gather [hbm4b:s4+s29], $0x40, s17, s29, $0xb8;
	[tilespmem:$0x1A900] =	vst v63  }
0x167: {  	s17 =	smul.u32 $0x190, s1  }
0x168: {  	s25 =	simm.s32 $0x6;
	s1 =	smul.u32 $0xC80, s1  }
0x169: {  	_ =	swait.ge [sflag:s25], $0x3200  }
0x16a: {  	[sflag:s25] =	ssyncset.done $0x0;
	s1 =	sshrl.u32 s1, $0x3  }
0x16b: {  	[sflag:s25] =	ssyncadd.s32 $0xFFFFCE00;
	s25 =	sadd.s32 s2, s17;
	s1 =	sadd.s32 s2, s1  }
0x16c: {  	[hbm4b:s25+s3] =	stream.linear.scatter [tilespmem:s14], [sflag:$0xE], $0xC80, $0x38;
	[tilespmem:$0x1A900] =	vst v63  }
0x16d: {  	s17 =	simm.s32 $0x11F80;
	s14 =	sadd.s32 $0x190, s1  }
0x16e: {  	[hbm4b:s14+s3] =	stream.linear.scatter [tilespmem:s17], [sflag:$0xE], $0xC80, $0x38;
	[tilespmem:$0x1A900] =	vst v63  }
0x16f: {  	s14 =	sadd.s32 $0x320, s1;
	s17 =	simm.s32 $0x12C00  }
0x170: {  	[hbm4b:s14+s3] =	stream.linear.scatter [tilespmem:s17], [sflag:$0xE], $0xC80, $0x38;
	[tilespmem:$0x1A900] =	vst v63  }
0x171: {  	s25 =	simm.s32 $0x13880;
	s1 =	sadd.s32 $0x4B0, s1  }
0x172: {  	[hbm4b:s1+s3] =	stream.linear.scatter [tilespmem:s25], [sflag:$0xE], $0xC80, $0x38;
	[tilespmem:$0x1A900] =	vst v63  }
0x173: {  	_ =	swait.ge [sflag:s9], $0xC80  }
0x174: {  	[sflag:s9] =	ssyncset.done $0x0  }
0x175: {  	[sflag:s9] =	ssyncadd.s32 $0xFFFFF380  }
0x176: {  	_ =	swait.ge [sflag:s9], $0xC80  }
0x177: {  	[sflag:s9] =	ssyncset.done $0x0  }
0x178: {  	[sflag:s9] =	ssyncadd.s32 $0xFFFFF380  }
0x179: {  	_ =	swait.ge [sflag:s9], $0xC80  }
0x17a: {  	[sflag:s9] =	ssyncset.done $0x0  }
0x17b: {  	[sflag:s9] =	ssyncadd.s32 $0xFFFFF380  }
0x17c: {  	_ =	swait.ge [sflag:s9], $0xC80  }
0x17d: {  	[sflag:s9] =	ssyncset.done $0x0  }
0x17e: {  	s14 =	sadd.s32 $0xD48, s26;
	s1 =	sadd.s32 $0x38, s0;
	[sflag:s9] =	ssyncadd.s32 $0xFFFFF380  }
0x17f: {  	[tilespmem:s18], [sflag:$0x2] =	stream.indirect.gather [hbm4b:s4+s29], $0x40, s14, s29, $0xb8;
	[tilespmem:$0x1A900] =	vst v63  }
0x180: {  	s18 =	smul.u32 $0x190, s1  }
0x181: {  	s17 =	simm.s32 $0x7;
	s1 =	smul.u32 $0xC80, s1  }
0x182: {  	_ =	swait.ge [sflag:s17], $0x3200  }
0x183: {  	[sflag:s17] =	ssyncset.done $0x0;
	s1 =	sshrl.u32 s1, $0x3  }
0x184: {  	s25 =	sadd.s32 s2, s18;
	[sflag:s17] =	ssyncadd.s32 $0xFFFFCE00;
	s1 =	sadd.s32 s2, s1  }
0x185: {  	[hbm4b:s25+s3] =	stream.linear.scatter [tilespmem:s5], [sflag:$0xF], $0xC80, $0x38;
	[tilespmem:$0x1A900] =	vst v63  }
0x186: {  	s14 =	simm.s32 $0x15180;
	s5 =	sadd.s32 $0x190, s1  }
0x187: {  	[hbm4b:s5+s3] =	stream.linear.scatter [tilespmem:s14], [sflag:$0xF], $0xC80, $0x38;
	[tilespmem:$0x1A900] =	vst v63  }
0x188: {  	s18 =	simm.s32 $0x15E00;
	s17 =	sadd.s32 $0x320, s1  }
0x189: {  	[hbm4b:s17+s3] =	stream.linear.scatter [tilespmem:s18], [sflag:$0xF], $0xC80, $0x38;
	[tilespmem:$0x1A900] =	vst v63  }
0x18a: {  	s1 =	sadd.s32 $0x4B0, s1;
	s25 =	simm.s32 $0x16A80  }
0x18b: {  	[hbm4b:s1+s3] =	stream.linear.scatter [tilespmem:s25], [sflag:$0xF], $0xC80, $0x38;
	[tilespmem:$0x1A900] =	vst v63  }
0x18c: {  	_ =	swait.ge [sflag:s28], $0xC80  }
0x18d: {  	[sflag:s28] =	ssyncset.done $0x0  }
0x18e: {  	[sflag:s28] =	ssyncadd.s32 $0xFFFFF380  }
0x18f: {  	_ =	swait.ge [sflag:s28], $0xC80  }
0x190: {  	[sflag:s28] =	ssyncset.done $0x0  }
0x191: {  	[sflag:s28] =	ssyncadd.s32 $0xFFFFF380  }
0x192: {  	_ =	swait.ge [sflag:s28], $0xC80  }
0x193: {  	[sflag:s28] =	ssyncset.done $0x0  }
0x194: {  	[sflag:s28] =	ssyncadd.s32 $0xFFFFF380  }
0x195: {  	s0 =	sadd.s32 $0x3C, s0;
	_ =	swait.ge [sflag:s28], $0xC80  }
0x196: {  	s14 =	sadd.s32 $0xE10, s26;
	s25 =	smul.u32 $0x190, s0;
	[sflag:s28] =	ssyncset.done $0x0  }
0x197: {  	s17 =	simm.s32 $0x8;
	s0 =	smul.u32 $0xC80, s0;
	[sflag:s28] =	ssyncadd.s32 $0xFFFFF380  }
0x198: {  	[tilespmem:s8], [sflag:$0x3] =	stream.indirect.gather [hbm4b:s4+s29], $0x40, s14, s29, $0xb8;
	[tilespmem:$0x1A900] =	vst v63  }
0x199: {  	_ =	swait.ge [sflag:s17], $0x3200  }
0x19a: {  	s0 =	sshrl.u32 s0, $0x3;
	[sflag:s17] =	ssyncset.done $0x0  }
0x19b: {  	s1 =	sadd.s32 s2, s25;
	s0 =	sadd.s32 s2, s0;
	[sflag:s17] =	ssyncadd.s32 $0xFFFFCE00  }
0x19c: {  	[hbm4b:s1+s3] =	stream.linear.scatter [tilespmem:s7], [sflag:$0x10], $0xC80, $0x38;
	[tilespmem:$0x1A900] =	vst v63  }
0x19d: {  	s8 =	simm.s32 $0x18380;
	s7 =	sadd.s32 $0x190, s0  }
0x19e: {  	[hbm4b:s7+s3] =	stream.linear.scatter [tilespmem:s8], [sflag:$0x10], $0xC80, $0x38;
	[tilespmem:$0x1A900] =	vst v63  }
0x19f: {  	s14 =	sadd.s32 $0x320, s0;
	s17 =	simm.s32 $0x19000  }
0x1a0: {  	[hbm4b:s14+s3] =	stream.linear.scatter [tilespmem:s17], [sflag:$0x10], $0xC80, $0x38;
	[tilespmem:$0x1A900] =	vst v63  }
0x1a1: {  	s25 =	simm.s32 $0x19C80;
	s0 =	sadd.s32 $0x4B0, s0  }
0x1a2: {  	[hbm4b:s0+s3] =	stream.linear.scatter [tilespmem:s25], [sflag:$0x10], $0xC80, $0x38;
	[tilespmem:$0x1A900] =	vst v63  }
0x1a3: {  	_ =	swait.ge [sflag:s15], $0xC80  }
0x1a4: {  	[sflag:s15] =	ssyncset.done $0x0  }
0x1a5: {  	[sflag:s15] =	ssyncadd.s32 $0xFFFFF380  }
0x1a6: {  	_ =	swait.ge [sflag:s15], $0xC80  }
0x1a7: {  	[sflag:s15] =	ssyncset.done $0x0  }
0x1a8: {  	[sflag:s15] =	ssyncadd.s32 $0xFFFFF380  }
0x1a9: {  	_ =	swait.ge [sflag:s15], $0xC80  }
0x1aa: {  	p1 =	por p0, p0;
	p0 =	por $0x0, $0x0;
	[sflag:s15] =	ssyncset.done $0x0  }
.Ltmp0:
0x1ab: {  	s30 =	simm.s32 $0x1;
	[sflag:s15] =	ssyncadd.s32 $0xFFFFF380;
	(pc) =	sbr.rel @p1 .LBB2_2-.Ltmp0, $4  }
0x1ac: {  	s10 =	simm.s32 $0x1900;
	s13 =	simm.s32 $0x4B00;
	_ =	swait.ge [sflag:s15], $0xC80  }
0x1ad: {  	s26 =	sadd.s32 $0xED8, s26;
	s18 =	simm.s32 $0x7D00;
	[sflag:s15] =	ssyncset.done $0x0  }
0x1ae: {  	s1 =	smov.u32 s12;
	s8 =	simm.s32 $0xAF00;
	[sflag:s15] =	ssyncadd.s32 $0xFFFFF380  }
0x1af: {  	[tilespmem:s11], [sflag:$0x4] =	stream.indirect.gather [hbm4b:s4+s29], $0x40, s26, s29, $0xb8;
	[tilespmem:$0x1A900] =	vst v63  }
0x1b0: {  	s17 =	simm.s32 $0x1  }
0x1b1: {  	_ =	swait.ge [sflag:s17], $0x3200  }
0x1b2: {  	s0 =	sld [smem:$0x7D8]  }
0x1b3: {  	[sflag:s17] =	ssyncset.done $0x0  }
0x1b4: {  	s14 =	sld [smem:$0x7D9];
	[sflag:s17] =	ssyncadd.s32 $0xFFFFCE00  }
0x1b5: {  	[hbm4b:s0+s3] =	stream.linear.scatter [tilespmem:s10], [sflag:$0x9], $0xC80, $0x38;
	[tilespmem:$0x1A900] =	vst v63  }
0x1b6: {  	s25 =	simm.s32 $0x2580;
	s26 =	sld [smem:$0x7DA]  }
0x1b7: {  	[hbm4b:s14+s3] =	stream.linear.scatter [tilespmem:s25], [sflag:$0x9], $0xC80, $0x38;
	[tilespmem:$0x1A900] =	vst v63  }
0x1b8: {  	s30 =	simm.s32 $0x3200;
	s5 =	sld [smem:$0x7DB]  }
0x1b9: {  	[hbm4b:s26+s3] =	stream.linear.scatter [tilespmem:s30], [sflag:$0x9], $0xC80, $0x38;
	[tilespmem:$0x1A900] =	vst v63  }
0x1ba: {  	s7 =	simm.s32 $0x3E80  }
0x1bb: {  	[hbm4b:s5+s3] =	stream.linear.scatter [tilespmem:s7], [sflag:$0x9], $0xC80, $0x38;
	[tilespmem:$0x1A900] =	vst v63  }
0x1bc: {  	_ =	swait.ge [sflag:s16], $0xC80  }
0x1bd: {  	[sflag:s16] =	ssyncset.done $0x0  }
0x1be: {  	[sflag:s16] =	ssyncadd.s32 $0xFFFFF380  }
0x1bf: {  	_ =	swait.ge [sflag:s16], $0xC80  }
0x1c0: {  	[sflag:s16] =	ssyncset.done $0x0  }
0x1c1: {  	[sflag:s16] =	ssyncadd.s32 $0xFFFFF380  }
0x1c2: {  	_ =	swait.ge [sflag:s16], $0xC80  }
0x1c3: {  	[sflag:s16] =	ssyncset.done $0x0  }
0x1c4: {  	[sflag:s16] =	ssyncadd.s32 $0xFFFFF380  }
0x1c5: {  	_ =	swait.ge [sflag:s16], $0xC80  }
0x1c6: {  	s11 =	simm.s32 $0x15E0;
	[sflag:s16] =	ssyncset.done $0x0  }
0x1c7: {  	s12 =	simm.s32 $0x2;
	s10 =	simm.s32 $0xE100;
	[sflag:s16] =	ssyncadd.s32 $0xFFFFF380  }
0x1c8: {  	[tilespmem:s10], [sflag:$0x5] =	stream.indirect.gather [hbm4b:s4+s29], $0x40, s11, s29, $0xb8;
	[tilespmem:$0x1A900] =	vst v63  }
0x1c9: {  	_ =	swait.ge [sflag:s12], $0x3200  }
0x1ca: {  	s14 =	sld [smem:$0x7DC]  }
0x1cb: {  	[sflag:s12] =	ssyncset.done $0x0  }
0x1cc: {  	s25 =	sld [smem:$0x7DD];
	[sflag:s12] =	ssyncadd.s32 $0xFFFFCE00  }
0x1cd: {  	[hbm4b:s14+s3] =	stream.linear.scatter [tilespmem:s13], [sflag:$0xA], $0xC80, $0x38;
	[tilespmem:$0x1A900] =	vst v63  }
0x1ce: {  	s11 =	simm.s32 $0x5780;
	s26 =	sld [smem:$0x7DE]  }
0x1cf: {  	[hbm4b:s25+s3] =	stream.linear.scatter [tilespmem:s11], [sflag:$0xA], $0xC80, $0x38;
	[tilespmem:$0x1A900] =	vst v63  }
0x1d0: {  	s30 =	simm.s32 $0x6400;
	s5 =	sld [smem:$0x7DF]  }
0x1d1: {  	[hbm4b:s26+s3] =	stream.linear.scatter [tilespmem:s30], [sflag:$0xA], $0xC80, $0x38;
	[tilespmem:$0x1A900] =	vst v63  }
0x1d2: {  	s7 =	simm.s32 $0x7080  }
0x1d3: {  	[hbm4b:s5+s3] =	stream.linear.scatter [tilespmem:s7], [sflag:$0xA], $0xC80, $0x38;
	[tilespmem:$0x1A900] =	vst v63  }
0x1d4: {  	_ =	swait.ge [sflag:s21], $0xC80  }
0x1d5: {  	[sflag:s21] =	ssyncset.done $0x0  }
0x1d6: {  	[sflag:s21] =	ssyncadd.s32 $0xFFFFF380  }
0x1d7: {  	_ =	swait.ge [sflag:s21], $0xC80  }
0x1d8: {  	[sflag:s21] =	ssyncset.done $0x0  }
0x1d9: {  	[sflag:s21] =	ssyncadd.s32 $0xFFFFF380  }
0x1da: {  	_ =	swait.ge [sflag:s21], $0xC80  }
0x1db: {  	[sflag:s21] =	ssyncset.done $0x0  }
0x1dc: {  	[sflag:s21] =	ssyncadd.s32 $0xFFFFF380  }
0x1dd: {  	_ =	swait.ge [sflag:s21], $0xC80  }
0x1de: {  	s12 =	simm.s32 $0x16A8;
	[sflag:s21] =	ssyncset.done $0x0  }
0x1df: {  	s13 =	simm.s32 $0x3;
	s11 =	simm.s32 $0x11300;
	[sflag:s21] =	ssyncadd.s32 $0xFFFFF380  }
0x1e0: {  	[tilespmem:s11], [sflag:$0x6] =	stream.indirect.gather [hbm4b:s4+s29], $0x40, s12, s29, $0xb8;
	[tilespmem:$0x1A900] =	vst v63  }
0x1e1: {  	_ =	swait.ge [sflag:s13], $0x3200  }
0x1e2: {  	s14 =	sld [smem:$0x7E0]  }
0x1e3: {  	[sflag:s13] =	ssyncset.done $0x0  }
0x1e4: {  	[sflag:s13] =	ssyncadd.s32 $0xFFFFCE00  }
0x1e5: {  	[hbm4b:s14+s3] =	stream.linear.scatter [tilespmem:s18], [sflag:$0xB], $0xC80, $0x38;
	[tilespmem:$0x1A900] =	vst v63  }
0x1e6: {  	s18 =	sld [smem:$0x7E1];
	_ =	sdelay $0x1  }
0x1e7: {  	s12 =	simm.s32 $0x8980;
	s25 =	sld [smem:$0x7E2]  }
0x1e8: {  	[hbm4b:s18+s3] =	stream.linear.scatter [tilespmem:s12], [sflag:$0xB], $0xC80, $0x38;
	[tilespmem:$0x1A900] =	vst v63  }
0x1e9: {  	s26 =	simm.s32 $0x9600;
	s30 =	sld [smem:$0x7E3]  }
0x1ea: {  	[hbm4b:s25+s3] =	stream.linear.scatter [tilespmem:s26], [sflag:$0xB], $0xC80, $0x38;
	[tilespmem:$0x1A900] =	vst v63  }
0x1eb: {  	s5 =	simm.s32 $0xA280  }
0x1ec: {  	[hbm4b:s30+s3] =	stream.linear.scatter [tilespmem:s5], [sflag:$0xB], $0xC80, $0x38;
	[tilespmem:$0x1A900] =	vst v63  }
0x1ed: {  	_ =	swait.ge [sflag:s23], $0xC80  }
0x1ee: {  	[sflag:s23] =	ssyncset.done $0x0  }
0x1ef: {  	[sflag:s23] =	ssyncadd.s32 $0xFFFFF380  }
0x1f0: {  	_ =	swait.ge [sflag:s23], $0xC80  }
0x1f1: {  	[sflag:s23] =	ssyncset.done $0x0  }
0x1f2: {  	[sflag:s23] =	ssyncadd.s32 $0xFFFFF380  }
0x1f3: {  	_ =	swait.ge [sflag:s23], $0xC80  }
0x1f4: {  	[sflag:s23] =	ssyncset.done $0x0  }
0x1f5: {  	[sflag:s23] =	ssyncadd.s32 $0xFFFFF380  }
0x1f6: {  	_ =	swait.ge [sflag:s23], $0xC80  }
0x1f7: {  	s7 =	simm.s32 $0x1770;
	[sflag:s23] =	ssyncset.done $0x0  }
0x1f8: {  	s12 =	simm.s32 $0x4;
	s5 =	simm.s32 $0x14500;
	[sflag:s23] =	ssyncadd.s32 $0xFFFFF380  }
0x1f9: {  	[tilespmem:s5], [sflag:$0x7] =	stream.indirect.gather [hbm4b:s4+s29], $0x40, s7, s29, $0xb8;
	[tilespmem:$0x1A900] =	vst v63  }
0x1fa: {  	_ =	swait.ge [sflag:s12], $0x3200  }
0x1fb: {  	s13 =	sld [smem:$0x7E4]  }
0x1fc: {  	[sflag:s12] =	ssyncset.done $0x0  }
0x1fd: {  	s14 =	sld [smem:$0x7E5];
	[sflag:s12] =	ssyncadd.s32 $0xFFFFCE00  }
0x1fe: {  	[hbm4b:s13+s3] =	stream.linear.scatter [tilespmem:s8], [sflag:$0xC], $0xC80, $0x38;
	[tilespmem:$0x1A900] =	vst v63  }
0x1ff: {  	s18 =	simm.s32 $0xBB80;
	s25 =	sld [smem:$0x7E6]  }
0x200: {  	[hbm4b:s14+s3] =	stream.linear.scatter [tilespmem:s18], [sflag:$0xC], $0xC80, $0x38;
	[tilespmem:$0x1A900] =	vst v63  }
0x201: {  	s26 =	simm.s32 $0xC800;
	s30 =	sld [smem:$0x7E7]  }
0x202: {  	[hbm4b:s25+s3] =	stream.linear.scatter [tilespmem:s26], [sflag:$0xC], $0xC80, $0x38;
	[tilespmem:$0x1A900] =	vst v63  }
0x203: {  	s7 =	simm.s32 $0xD480  }
0x204: {  	[hbm4b:s30+s3] =	stream.linear.scatter [tilespmem:s7], [sflag:$0xC], $0xC80, $0x38;
	[tilespmem:$0x1A900] =	vst v63  }
0x205: {  	_ =	swait.ge [sflag:s24], $0xC80  }
0x206: {  	[sflag:s24] =	ssyncset.done $0x0  }
0x207: {  	[sflag:s24] =	ssyncadd.s32 $0xFFFFF380  }
0x208: {  	_ =	swait.ge [sflag:s24], $0xC80  }
0x209: {  	[sflag:s24] =	ssyncset.done $0x0  }
0x20a: {  	[sflag:s24] =	ssyncadd.s32 $0xFFFFF380  }
0x20b: {  	_ =	swait.ge [sflag:s24], $0xC80  }
0x20c: {  	[sflag:s24] =	ssyncset.done $0x0  }
0x20d: {  	[sflag:s24] =	ssyncadd.s32 $0xFFFFF380  }
0x20e: {  	_ =	swait.ge [sflag:s24], $0xC80  }
0x20f: {  	s12 =	simm.s32 $0x1838;
	[sflag:s24] =	ssyncset.done $0x0  }
0x210: {  	s13 =	simm.s32 $0x5;
	s7 =	simm.s32 $0x17700;
	[sflag:s24] =	ssyncadd.s32 $0xFFFFF380  }
0x211: {  	[tilespmem:s7], [sflag:$0x8] =	stream.indirect.gather [hbm4b:s4+s29], $0x40, s12, s29, $0xb8;
	[tilespmem:$0x1A900] =	vst v63  }
0x212: {  	_ =	swait.ge [sflag:s13], $0x3200  }
0x213: {  	s14 =	sld [smem:$0x7E8]  }
0x214: {  	[sflag:s13] =	ssyncset.done $0x0  }
0x215: {  	s18 =	sld [smem:$0x7E9];
	[sflag:s13] =	ssyncadd.s32 $0xFFFFCE00  }
0x216: {  	[hbm4b:s14+s3] =	stream.linear.scatter [tilespmem:s10], [sflag:$0xD], $0xC80, $0x38;
	[tilespmem:$0x1A900] =	vst v63  }
0x217: {  	s25 =	simm.s32 $0xED80;
	s26 =	sld [smem:$0x7EA]  }
0x218: {  	[hbm4b:s18+s3] =	stream.linear.scatter [tilespmem:s25], [sflag:$0xD], $0xC80, $0x38;
	[tilespmem:$0x1A900] =	vst v63  }
0x219: {  	s30 =	simm.s32 $0xFA00;
	s10 =	sld [smem:$0x7EB]  }
0x21a: {  	[hbm4b:s26+s3] =	stream.linear.scatter [tilespmem:s30], [sflag:$0xD], $0xC80, $0x38;
	[tilespmem:$0x1A900] =	vst v63  }
0x21b: {  	s12 =	simm.s32 $0x10680;
	s13 =	simm.s32 $0x6  }
0x21c: {  	[hbm4b:s10+s3] =	stream.linear.scatter [tilespmem:s12], [sflag:$0xD], $0xC80, $0x38;
	[tilespmem:$0x1A900] =	vst v63  }
0x21d: {  	_ =	swait.ge [sflag:s13], $0x3200  }
0x21e: {  	s14 =	sld [smem:$0x7EC]  }
0x21f: {  	[sflag:s13] =	ssyncset.done $0x0  }
0x220: {  	s18 =	sld [smem:$0x7ED];
	[sflag:s13] =	ssyncadd.s32 $0xFFFFCE00  }
0x221: {  	[hbm4b:s14+s3] =	stream.linear.scatter [tilespmem:s11], [sflag:$0xE], $0xC80, $0x38;
	[tilespmem:$0x1A900] =	vst v63  }
0x222: {  	s25 =	simm.s32 $0x11F80;
	s26 =	sld [smem:$0x7EE]  }
0x223: {  	[hbm4b:s18+s3] =	stream.linear.scatter [tilespmem:s25], [sflag:$0xE], $0xC80, $0x38;
	[tilespmem:$0x1A900] =	vst v63  }
0x224: {  	s30 =	simm.s32 $0x12C00;
	s8 =	sld [smem:$0x7EF]  }
0x225: {  	[hbm4b:s26+s3] =	stream.linear.scatter [tilespmem:s30], [sflag:$0xE], $0xC80, $0x38;
	[tilespmem:$0x1A900] =	vst v63  }
0x226: {  	s10 =	simm.s32 $0x13880;
	s11 =	simm.s32 $0x7  }
0x227: {  	[hbm4b:s8+s3] =	stream.linear.scatter [tilespmem:s10], [sflag:$0xE], $0xC80, $0x38;
	[tilespmem:$0x1A900] =	vst v63  }
0x228: {  	_ =	swait.ge [sflag:s11], $0x3200  }
0x229: {  	s12 =	sld [smem:$0x7F0]  }
0x22a: {  	[sflag:s11] =	ssyncset.done $0x0  }
0x22b: {  	s13 =	sld [smem:$0x7F1];
	[sflag:s11] =	ssyncadd.s32 $0xFFFFCE00  }
0x22c: {  	[hbm4b:s12+s3] =	stream.linear.scatter [tilespmem:s5], [sflag:$0xF], $0xC80, $0x38;
	[tilespmem:$0x1A900] =	vst v63  }
0x22d: {  	s14 =	simm.s32 $0x15180;
	s18 =	sld [smem:$0x7F2]  }
0x22e: {  	[hbm4b:s13+s3] =	stream.linear.scatter [tilespmem:s14], [sflag:$0xF], $0xC80, $0x38;
	[tilespmem:$0x1A900] =	vst v63  }
0x22f: {  	s25 =	simm.s32 $0x15E00;
	s26 =	sld [smem:$0x7F3]  }
0x230: {  	[hbm4b:s18+s3] =	stream.linear.scatter [tilespmem:s25], [sflag:$0xF], $0xC80, $0x38;
	[tilespmem:$0x1A900] =	vst v63  }
0x231: {  	s30 =	simm.s32 $0x16A80;
	s8 =	simm.s32 $0x8  }
0x232: {  	[hbm4b:s26+s3] =	stream.linear.scatter [tilespmem:s30], [sflag:$0xF], $0xC80, $0x38;
	[tilespmem:$0x1A900] =	vst v63  }
0x233: {  	_ =	swait.ge [sflag:s8], $0x3200  }
0x234: {  	s10 =	sld [smem:$0x7F4]  }
0x235: {  	[sflag:s8] =	ssyncset.done $0x0  }
0x236: {  	s11 =	sld [smem:$0x7F5];
	[sflag:s8] =	ssyncadd.s32 $0xFFFFCE00  }
0x237: {  	[hbm4b:s10+s3] =	stream.linear.scatter [tilespmem:s7], [sflag:$0x10], $0xC80, $0x38;
	[tilespmem:$0x1A900] =	vst v63  }
0x238: {  	s12 =	simm.s32 $0x18380;
	s13 =	sld [smem:$0x7F6]  }
0x239: {  	[hbm4b:s11+s3] =	stream.linear.scatter [tilespmem:s12], [sflag:$0x10], $0xC80, $0x38;
	[tilespmem:$0x1A900] =	vst v63  }
0x23a: {  	s14 =	simm.s32 $0x19000;
	s18 =	sld [smem:$0x7F7]  }
0x23b: {  	[hbm4b:s13+s3] =	stream.linear.scatter [tilespmem:s14], [sflag:$0x10], $0xC80, $0x38;
	[tilespmem:$0x1A900] =	vst v63  }
0x23c: {  	s25 =	simm.s32 $0x19C80  }
0x23d: {  	[hbm4b:s18+s3] =	stream.linear.scatter [tilespmem:s25], [sflag:$0x10], $0xC80, $0x38;
	[tilespmem:$0x1A900] =	vst v63  }
0x23e: {  	_ =	swait.ge [sflag:s19], $0xC80  }
0x23f: {  	[sflag:s19] =	ssyncset.done $0x0  }
0x240: {  	[sflag:s19] =	ssyncadd.s32 $0xFFFFF380  }
0x241: {  	_ =	swait.ge [sflag:s19], $0xC80  }
0x242: {  	[sflag:s19] =	ssyncset.done $0x0  }
0x243: {  	[sflag:s19] =	ssyncadd.s32 $0xFFFFF380  }
0x244: {  	_ =	swait.ge [sflag:s19], $0xC80  }
0x245: {  	[sflag:s19] =	ssyncset.done $0x0  }
0x246: {  	[sflag:s19] =	ssyncadd.s32 $0xFFFFF380  }
0x247: {  	_ =	swait.ge [sflag:s19], $0xC80  }
0x248: {  	[sflag:s19] =	ssyncset.done $0x0  }
0x249: {  	[sflag:s19] =	ssyncadd.s32 $0xFFFFF380  }
0x24a: {  	_ =	swait.ge [sflag:s9], $0xC80  }
0x24b: {  	[sflag:s9] =	ssyncset.done $0x0  }
0x24c: {  	[sflag:s9] =	ssyncadd.s32 $0xFFFFF380  }
0x24d: {  	_ =	swait.ge [sflag:s9], $0xC80  }
0x24e: {  	[sflag:s9] =	ssyncset.done $0x0  }
0x24f: {  	[sflag:s9] =	ssyncadd.s32 $0xFFFFF380  }
0x250: {  	_ =	swait.ge [sflag:s9], $0xC80  }
0x251: {  	[sflag:s9] =	ssyncset.done $0x0  }
0x252: {  	[sflag:s9] =	ssyncadd.s32 $0xFFFFF380  }
0x253: {  	_ =	swait.ge [sflag:s9], $0xC80  }
0x254: {  	[sflag:s9] =	ssyncset.done $0x0  }
0x255: {  	[sflag:s9] =	ssyncadd.s32 $0xFFFFF380  }
0x256: {  	_ =	swait.ge [sflag:s28], $0xC80  }
0x257: {  	[sflag:s28] =	ssyncset.done $0x0  }
0x258: {  	[sflag:s28] =	ssyncadd.s32 $0xFFFFF380  }
0x259: {  	_ =	swait.ge [sflag:s28], $0xC80  }
0x25a: {  	[sflag:s28] =	ssyncset.done $0x0  }
0x25b: {  	[sflag:s28] =	ssyncadd.s32 $0xFFFFF380  }
0x25c: {  	_ =	swait.ge [sflag:s28], $0xC80  }
0x25d: {  	[sflag:s28] =	ssyncset.done $0x0  }
0x25e: {  	[sflag:s28] =	ssyncadd.s32 $0xFFFFF380  }
0x25f: {  	_ =	swait.ge [sflag:s28], $0xC80  }
0x260: {  	[sflag:s28] =	ssyncset.done $0x0  }
0x261: {  	[sflag:s28] =	ssyncadd.s32 $0xFFFFF380  }
0x262: {  	_ =	swait.ge [sflag:s15], $0xC80  }
0x263: {  	[sflag:s15] =	ssyncset.done $0x0  }
0x264: {  	[sflag:s15] =	ssyncadd.s32 $0xFFFFF380  }
0x265: {  	_ =	swait.ge [sflag:s15], $0xC80  }
0x266: {  	[sflag:s15] =	ssyncset.done $0x0  }
0x267: {  	[sflag:s15] =	ssyncadd.s32 $0xFFFFF380  }
0x268: {  	_ =	swait.ge [sflag:s15], $0xC80  }
0x269: {  	[sflag:s15] =	ssyncset.done $0x0  }
0x26a: {  	[sflag:s15] =	ssyncadd.s32 $0xFFFFF380  }
0x26b: {  	_ =	swait.ge [sflag:s15], $0xC80  }
0x26c: {  	[sflag:s15] =	ssyncset.done $0x0  }
0x26d: {  	[sflag:s15] =	ssyncadd.s32 $0xFFFFF380  }
0x26e: {  	_ =	swait.ge [sflag:s16], $0xC80  }
0x26f: {  	[sflag:s16] =	ssyncset.done $0x0  }
0x270: {  	[sflag:s16] =	ssyncadd.s32 $0xFFFFF380  }
0x271: {  	_ =	swait.ge [sflag:s16], $0xC80  }
0x272: {  	[sflag:s16] =	ssyncset.done $0x0  }
0x273: {  	[sflag:s16] =	ssyncadd.s32 $0xFFFFF380  }
0x274: {  	_ =	swait.ge [sflag:s16], $0xC80  }
0x275: {  	[sflag:s16] =	ssyncset.done $0x0  }
0x276: {  	[sflag:s16] =	ssyncadd.s32 $0xFFFFF380  }
0x277: {  	_ =	swait.ge [sflag:s16], $0xC80  }
0x278: {  	[sflag:s16] =	ssyncset.done $0x0  }
0x279: {  	[sflag:s16] =	ssyncadd.s32 $0xFFFFF380  }
0x27a: {  	_ =	swait.ge [sflag:s21], $0xC80  }
0x27b: {  	[sflag:s21] =	ssyncset.done $0x0  }
0x27c: {  	[sflag:s21] =	ssyncadd.s32 $0xFFFFF380  }
0x27d: {  	_ =	swait.ge [sflag:s21], $0xC80  }
0x27e: {  	[sflag:s21] =	ssyncset.done $0x0  }
0x27f: {  	[sflag:s21] =	ssyncadd.s32 $0xFFFFF380  }
0x280: {  	_ =	swait.ge [sflag:s21], $0xC80  }
0x281: {  	[sflag:s21] =	ssyncset.done $0x0  }
0x282: {  	[sflag:s21] =	ssyncadd.s32 $0xFFFFF380  }
0x283: {  	_ =	swait.ge [sflag:s21], $0xC80  }
0x284: {  	[sflag:s21] =	ssyncset.done $0x0  }
0x285: {  	[sflag:s21] =	ssyncadd.s32 $0xFFFFF380  }
0x286: {  	_ =	swait.ge [sflag:s23], $0xC80  }
0x287: {  	[sflag:s23] =	ssyncset.done $0x0  }
0x288: {  	[sflag:s23] =	ssyncadd.s32 $0xFFFFF380  }
0x289: {  	_ =	swait.ge [sflag:s23], $0xC80  }
0x28a: {  	[sflag:s23] =	ssyncset.done $0x0  }
0x28b: {  	[sflag:s23] =	ssyncadd.s32 $0xFFFFF380  }
0x28c: {  	_ =	swait.ge [sflag:s23], $0xC80  }
0x28d: {  	[sflag:s23] =	ssyncset.done $0x0  }
0x28e: {  	[sflag:s23] =	ssyncadd.s32 $0xFFFFF380  }
0x28f: {  	_ =	swait.ge [sflag:s23], $0xC80  }
0x290: {  	[sflag:s23] =	ssyncset.done $0x0  }
0x291: {  	[sflag:s23] =	ssyncadd.s32 $0xFFFFF380  }
0x292: {  	_ =	swait.ge [sflag:s24], $0xC80  }
0x293: {  	[sflag:s24] =	ssyncset.done $0x0  }
0x294: {  	[sflag:s24] =	ssyncadd.s32 $0xFFFFF380  }
0x295: {  	_ =	swait.ge [sflag:s24], $0xC80  }
0x296: {  	[sflag:s24] =	ssyncset.done $0x0  }
0x297: {  	[sflag:s24] =	ssyncadd.s32 $0xFFFFF380  }
0x298: {  	_ =	swait.ge [sflag:s24], $0xC80  }
0x299: {  	[sflag:s24] =	ssyncset.done $0x0  }
0x29a: {  	[sflag:s24] =	ssyncadd.s32 $0xFFFFF380  }
0x29b: {  	_ =	swait.ge [sflag:s24], $0xC80  }
0x29c: {  	s26 =	sld [smem:$0x7D7]  }
0x29d: {  	s30 =	sld [smem:$0x7F8];
	_ =	sdelay $0x1  }
0x29e: {  	s5 =	sadd.s32 $0x1, s26  }
0x29f: {  	p0 =	sne.s32 s5, s30  }
.Ltmp1:
0x2a0: {  	_ = 	snop;
	(pc) =	sbr.rel @p0 .LBB2_1-.Ltmp1, $3  }
0x2a1: {  	_ =	sdelay $0x1  }
0x2a2: {  	[sflag:s24] =	ssyncset.done $0x0  }
0x2a3: {  	[sflag:s24] =	ssyncadd.s32 $0xFFFFF380  }
0x2a4: {  	_ =	sfence.sel $0x180000  }
0x2a5: {  	[bflag:$0x0] =	sbarrier.arrive $0xFFFF  }
0x2a6: {  	_ =	strace $0x90000047  }
0x2a7: {  	s0 =	stileid.u32;
	[bflag:$0x2] =	sbarrier.arrive $0xFFFF  }
0x2a8: {  	p0 =	sne.s32 s0, $0x0;
	s0 =	rddreg [dreg:$0x2]  }
0x2a9: {  	s0 =	sadd.s32 @!p0 $0x100000, s0  }
0x2aa: {  	[sflag:s0] =	ssyncadd.tile.s32 @!p0 $0x1;
	_ =	shalt  }
.Lfunc_end2:
_tile_overlayer_lowered:
.L_overlay_start_2:
0x2ab: {  	(tag) =	ssettag $0x2  }
0x2ac: {  	s0 =	rddreg [dreg:$0x0];
	s2 =	stileid.u32  }
0x2ad: {  	s1 =	rddreg [dreg:$0x1];
	p0 =	sne.s32 s2, $0x0  }
0x2ae: {  	s3 =	rddreg [dreg:$0x2];
	[bflag:$0x3] =	sbarrier.arrive $0xFFFF;
	s2 =	simm.s32 @!p0 $0x1C11  }
0x2af: {  	[timem:s3], [sflag:s2] =	dma.local @!p0 [hbm:s0], s1  }
0x2b0: {  	s0 =	simm.s32 @!p0 $0x11  }
0x2b1: {  	_ =	swait.ge @!p0 [sflag:s0], s1  }
0x2b2: {  	s1 =	ssub.s32 @!p0 $0x0, s1;
	[sflag:s0] =	ssyncset.done @!p0 $0x0  }
0x2b3: {  	[sflag:s0] =	ssyncadd.s32 @!p0 s1  }
0x2b4: {  	[bflag:$0x3] =	sbarrier.arrive $0xFFFF  }
0x2b5: {  	_ =	shalt  }

// kernel: sparse-core-data-format-call.cloned.1.call-start
scs
called_computation_lowered:
.L_overlay_start_0:
0x0: {  	s2 =	sld [smem:$0x3FD9]  }
0x1: {  	s3 =	sld [smem:$0x3FFE];
	_ =	sdelay $0x1  }
0x2: {  	s1 =	srdreg.scid  }
0x3: {  	s0 =	sand.u32 $0x1, s1  }
0x4: {  	s18 =	sshll.u32 s0, $0xA;
	s2 =	sadd.s32 s3, s2  }
0x5: {  	s2 =	sadd.s32 s2, s18  }
0x6: {  	[smem:$0x3FC6] =	sst s2  }
0x7: {  	_ = 	snop  }
0x8: {  	s2 =	sld [smem:$0x3FD0];
	(tm) =	ssettm $0x1  }
0x9: {  	s19 =	sld [smem:$0x3FFB];
	_ =	sdelay $0x3  }
0xa: {  	_ =	strace s19  }
0xb: {  	s3 =	sld [smem:$0x3FFC];
	_ =	sdelay $0x3  }
0xc: {  	_ =	strace s3  }
0xd: {  	s3 =	sld [smem:$0x3FFD];
	_ =	sdelay $0x3  }
0xe: {  	_ =	strace s3  }
0xf: {  	_ =	strace $0x8FFFFFFF  }
0x10: {  	s20 =	sld [smem:$0x3FDB];
	_ =	sdelay $0x1  }
0x11: {  	s4 =	simm.s32 $_scs_section_size  }
0x12: {  	s5 =	simm.s32 $_size__tile_overlayer_lowered;
	s6 =	simm.s32 $_tile_overlayer_lowered  }
0x13: {  	s23 =	simm.s32 $0x1BFF;
	s22 =	sshll.u32 s6, $0x1;
	s3 =	sadd.s32 s4, s20  }
0x14: {  	s7 =	simm.s32 $0x0;
	s21 =	sshll.u32 s5, $0x1;
	s5 =	sadd.s32 s22, s3  }
0x15: {  	[timem:s7], [sflag:s23] =	dma.local [hbm:s5], s21  }
0x16: {  	_ =	swait.ge [sflag:s23], s21  }
0x17: {  	s4 =	ssub.s32 $0x0, s21;
	[sflag:s23] =	ssyncset.done $0x0  }
0x18: {  	[sflag:s23] =	ssyncadd.s32 s4;
	_ =	sdelay $0x1  }
0x19: {  	s24 =	simm.s32 $0x1B8B  }
0x1a: {  	_ =	swait.ge [sflag:s24], $0x1  }
0x1b: {  	[sflag:s24] =	ssyncset.done $0x0  }
0x1c: {  	s26 =	simm.s32 $0x1B8E;
	s25 =	sld [smem:$0x3FFE];
	[sflag:s24] =	ssyncadd.s32 $0xFFFFFFFF  }
0x1d: {  	s27 =	simm.s32 $execute0_lowered;
	[smem:$0x3FD2] =	sst s26  }
0x1e: {  	s5 =	sshll.u32 s27, $0x1;
	_ =	strace $0x80000049;
	[dreg:$0x1] =	wrdreg $0xFFFFFFFF  }
0x1f: {  	s28 =	simm.s32 $_size_execute0_lowered;
	s3 =	sadd.s32 s3, s5;
	[dreg:$0x0] =	wrdreg $0x0  }
0x20: {  	s5 =	sshll.u32 s28, $0x1;
	[dreg:$0x2] =	wrdreg s3  }
0x21: {  	[dreg:$0x3] =	wrdreg s5  }
0x22: {  	[dreg:$0x4] =	wrdreg $0xC0  }
0x23: {  	_ =	task [dreg:s7], $0x5FFFF  }
0x24: {  	[dreg:$0x1] =	wrdreg $0xFFFFFFFF  }
0x25: {  	[dreg:$0x0] =	wrdreg $0x60  }
0x26: {  	[dreg:$0x2] =	wrdreg s25  }
0x27: {  	[dreg:$0x3] =	wrdreg s2  }
0x28: {  	[dreg:$0x4] =	wrdreg $0x9  }
0x29: {  	_ =	task.clear_ibuf [dreg:s7], $0x5FFFF;
	_ =	strace $0x90000049  }
0x2a: {  	s29 =	simm.s32 $0x9;
	_ =	strace $0x8000004B  }
0x2b: {  	_ =	swait.ge [sflag:s29], $0x1  }
0x2c: {  	[sflag:s29] =	ssyncadd.s32 $0xFFFFFFFF  }
0x2d: {  	_ =	strace $0x9000004B  }
0x2e: {  	_ =	sfence  }
0x2f: {  	s30 =	sld [smem:$0x0];
	_ =	sdelay $0x2  }
0x30: {  	s31 =	sshll.u32 s1, $0xD;
	s1 =	sshrl.u32 s1, $0x2  }
0x31: {  	s3 =	sand.u32 $0x4000, s31;
	s1 =	sadd.s32 s1, s30  }
0x32: {  	s0 =	sor.u32 s3, s0;
	s1 =	sshll.u32 s1, $0x11  }
0x33: {  	s0 =	sor.u32 s1, s0  }
0x34: {  	s0 =	sadd.s32 $0x8F2B, s0  }
0x35: {  	[sflag:s0] =	ssyncadd.remote.s32 $0x1  }
0x36: {  	_ =	sfence.sel $0xFFFF  }
0x37: {  	[dreg:$0x0] =	wrdreg $0xFFFFFFFF;
	(pc) =	sbr.abs _section_cstart, $3  }
0x38: {  	[dreg:$0x1] =	wrdreg $0xFFFFFFFF  }
0x39: {  	_ =	task.clear_ibuf [dreg:s7], $0x2FFFF;
	_ =	strace $0x9FFFFFFF  }
0x3a: {  	(tm) =	ssettm $0x7FFFFFFF  }
0x3b: {  	_ =	shalt  }
tec
execute0_lowered:
.L_overlay_start_1:
0x0: {  	(tag) =	ssettag $0x1  }
0x1: {  	s0 =	srdreg.scid  }
0x2: {  	s1 =	sshll.u32 s0, $0x4  }
0x3: {  	s0 =	stileid.u32;
	s1 =	sand.u32 $0x10, s1  }
0x4: {  	s1 =	sor.u32 s0, s1  }
0x5: {  	s6 =	rddreg [dreg:$0x0];
	s4 =	simm.s32 $0x1;
	s2 =	sshll.u32 s1, $0x7  }
0x6: {  	s7 =	simm.s32 $0x2;
	s12 =	simm.s32 $0x0;
	s1 =	ssub.s32 $0x1000, s2  }
0x7: {  	s8 =	simm.s32 $0x8000;
	s13 =	simm.s32 $0x0;
	s3 =	sand.u32 $0xF80, s1  }
0x8: {  	s9 =	simm.s32 $0x0;
	s5 =	sshrl.u32 s1, $0xC;
	p0 =	sne.s32 s3, $0x0  }
.Ltmp0:
0x9: {  	s1 =	rddreg [dreg:$0x2];
	s4 =	simm.s32 @!p0 $0x0;
	(pc) =	sbr.rel .LBB1_1-.Ltmp0, $4  }
0xa: {  	s11 =	simm.s32 $0x0;
	s3 =	rddreg [dreg:$0x1];
	s5 =	sadd.s32 s4, s5  }
0xb: {  	_ =	strace $0x8000004A;
	s4 =	simm.s32 $0x1;
	s5 =	smul.u32 $0x32, s5  }
0xc: {  	s6 =	sadd.s32 $0x800, s6;
	s10 =	smov.u32 s2;
	[sflag:s4] =	ssyncpa.u1 $0x0  }
0xd: {  	p0 =	por $0x0, $0x0;
	[sflag:s7] =	ssyncpa.u1 $0x0;
	s7 =	sor.u32 $0x1, s5  }
.LBB1_4:
0xe: {  	s16 =	sshll.u32 s13, $0x3;
	s17 =	sand.u32 $0x78, s13  }
0xf: {  	s30 =	sand.u32 $0x7E00, s13;
	s12 =	sshll.u32 s12, $0xF;
	s16 =	sand.u32 $0xC00, s16  }
0x10: {  	[tilespmem:s15+$0x810 ss:$0x81] =	vst.msk $0xffff, v2;
	s31 =	sand.u32 $0x7, s13;
	s16 =	sor.u32 s17, s16;
	s17 =	sadd.s32 s3, s30  }
0x11: {  	[tilespmem:s15+$0x1020 ss:$0x81] =	vst.msk $0xffff, v0;
	s13 =	sshll.u32 s31, $0x12;
	s12 =	sadd.s32 s12, s17;
	s16 =	sshrl.u32 s16, $0x3  }
0x12: {  	[tilespmem:s15+$0x0 ss:$0x81] =	vst.msk $0xffff, v1;
	s13 =	sor.u32 $0x400, s13;
	s12 =	sadd.s32 s16, s12  }
0x13: {  	[hbm4b:s12+s13] =	stream.strided.scatter [tilespmem:s14], [sflag:$0x2], $0x2000, s8, s13, $0x20;
	[tilespmem:$0x8080] =	vst v63  }
.LBB1_5:
0x14: {  	s14 =	sadd.s32 $0x1, s9  }
0x15: {  	s12 =	sadd.s32 $0x1000, s10;
	s16 =	smov.u32 s10;
	p2 =	sgt.s32 s14, $0x31  }
0x16: {  	s16 =	smov.u32 @p2 s12  }
0x17: {  	s14 =	simm.s32 @p2 $0x0;
	p2 =	sgt.s32 s16, $0xFFF  }
0x18: {  	s16 =	smov.u32 @p2 s2;
	p2 =	sne.s32 s11, s7  }
.Ltmp1:
0x19: {  	p1 =	slt.u32 s11, $0x2;
	(pc) =	sbr.rel @!p2 .LBB1_6-.Ltmp1, $4  }
0x1a: {  	s15 =	simm.s32 @!p1 $0x2  }
0x1b: {  	s13 =	smov.u32 s10;
	p0 =	por !p0, !p0;
	_ =	swait.ge @!p1 [sflag:s15], $0x2000  }
0x1c: {  	s12 =	smov.u32 s9;
	[sflag:s15] =	ssyncset.done @!p1 $0x0;
	s9 =	smov.u32 s14  }
0x1d: {  	s11 =	sadd.s32 $0x1, s11;
	[sflag:s15] =	ssyncadd.s32 @!p1 $0xFFFFE000;
	s10 =	smov.u32 s16  }
.LBB1_1:
0x1e: {  	p1 =	sge.u32 s11, s5  }
0x1f: {  	s14 =	sand.u32 @!p1 $0x1FFFFFF, s9  }
0x20: {  	s15 =	smulhi.u32 @!p1 $0x4924925, s14;
	_ =	sdelay $0x1  }
0x21: {  	s15 =	smul.u32 @!p1 $0x38, s15  }
0x22: {  	s16 =	sxor.u32 @!p1 $0xFFFFFFFF, s11;
	s17 =	smul.u32 @!p1 $0x380, s10  }
0x23: {  	s31 =	sadd.s32 $0xFFFFFFFF, s11;
	s16 =	sshll.u32 @!p1 s16, $0xD;
	s14 =	ssub.s32 @!p1 s14, s15  }
0x24: {  	s15 =	sand.u32 @!p1 $0x2000, s16;
	s16 =	sadd.s32 @!p1 s6, s17;
	s14 =	sshll.u32 @!p1 s14, $0x4  }
0x25: {  	s17 =	simm.s32 @!p1 $0x1C00;
	s14 =	sadd.s32 @!p1 s14, s16;
	s16 =	simm.s32 @!p1 $0x40  }
0x26: {  	[tilespmem:s15], [sflag:$0x1] =	stream.strided.gather @!p1 [hbm4b:s14+s16], $0x2000, s17, s16, $0x38;
	[tilespmem:$0x8080] =	vst v63  }
0x27: {  	p1 =	sge.u32 s31, s5  }
.Ltmp2:
0x28: {  	_ = 	snop;
	(pc) =	sbr.rel @p1 .LBB1_5-.Ltmp2, $1  }
0x29: {  	_ =	sdelay $0x3  }
0x2a: {  	s14 =	simm.s32 $0x1  }
0x2b: {  	_ =	swait.ge [sflag:s4], $0x2000;
	s14 =	simm.s32 @!p0 $0x0  }
0x2c: {  	[sflag:s4] =	ssyncset.done $0x0;
	s15 =	sshll.u32 s14, $0xD  }
0x2d: {  	[sflag:s4] =	ssyncadd.s32 $0xFFFFE000;
	s18 =	sor.u32 $0x20, s15  }
0x2e: {  	s14 =	smul.u32 $0x8100, s14;
	v3 =	vld [tilespmem:s18+$0x10]  }
0x2f: {  	s30 =	sand.u32 $0x1, s11;
	v2 =	vld [tilespmem:s18+$0xFFFFFFF0]  }
0x30: {  	s15 =	smul.u32 $0x8100, s30;
	s14 =	sshrl.u32 s14, $0x2;
	v0 =	vld [tilespmem:s18+$0x0]  }
0x31: {  	v1 =	vld [tilespmem:s18+$0xFFFFFFE0];
	s16 =	sor.u32 $0x4000, s14  }
0x32: {  	s31 =	sshrl.u32 s15, $0x2;
	s15 =	sadd.s32 $0x0, s16  }
0x33: {  	s17 =	simm.s32 $0x4;
	s18 =	sadd.s32 $0x40, s18;
	s14 =	sor.u32 $0x4000, s31;
	[tilespmem:s15+$0x1830 ss:$0x81] =	vst.msk $0xffff, v3  }
.LBB1_3:
0x34: {  	v3 =	vld [tilespmem:s18+$0x10];
	p1 =	sne.s32 s17, $0x1FC;
	[tilespmem:s15+$0x810 ss:$0x81] =	vst.msk $0xffff, v2;
	s19 =	smov.u32 s17;
	s17 =	sadd.s32 $0x4, s17  }
.Ltmp3:
0x35: {  	v2 =	vld [tilespmem:s18+$0xFFFFFFF0];
	[tilespmem:s15+$0x1020 ss:$0x81] =	vst.msk $0xffff, v0;
	(pc) =	sbr.rel @p1 .LBB1_3-.Ltmp3, $4  }
0x36: {  	v0 =	vld [tilespmem:s18+$0x0];
	[tilespmem:s15+$0x0 ss:$0x81] =	vst.msk $0xffff, v1  }
0x37: {  	s15 =	sshra.s32 s19, $0x2;
	v1 =	vld [tilespmem:s18+$0xFFFFFFE0]  }
0x38: {  	s15 =	sadd.s32 s15, s16  }
0x39: {  	s18 =	sadd.s32 $0x40, s18;
	[tilespmem:s15+$0x1830 ss:$0x81] =	vst.msk $0xffff, v3  }
.Ltmp4:
0x3a: {  	_ = 	snop;
	(pc) =	sbr.rel .LBB1_4-.Ltmp4, $1  }
0x3b: {  	_ =	sdelay $0x3  }
.LBB1_6:
0x3c: {  	_ =	sfence.sel $0x180000  }
0x3d: {  	s2 =	simm.s32 $0x1;
	[bflag:$0x0] =	sbarrier.arrive $0xFFFF  }
0x3e: {  	s31 =	simm.s32 $0x2;
	[sflag:s2] =	ssyncpa.u1 $0x1  }
0x3f: {  	[sflag:s31] =	ssyncpa.u1 $0x1  }
0x40: {  	p0 =	sne.s32 s0, $0x0;
	_ =	strace $0x9000004A  }
0x41: {  	s0 =	sadd.s32 @!p0 $0x100000, s1;
	[bflag:$0x2] =	sbarrier.arrive $0xFFFF  }
0x42: {  	[sflag:s0] =	ssyncadd.tile.s32 @!p0 $0x1;
	_ =	shalt  }
.Lfunc_end1:
_tile_overlayer_lowered:
.L_overlay_start_2:
0x43: {  	(tag) =	ssettag $0x2  }
0x44: {  	s0 =	rddreg [dreg:$0x0];
	s2 =	stileid.u32  }
0x45: {  	s1 =	rddreg [dreg:$0x1];
	p0 =	sne.s32 s2, $0x0  }
0x46: {  	s3 =	rddreg [dreg:$0x2];
	[bflag:$0x3] =	sbarrier.arrive $0xFFFF;
	s2 =	simm.s32 @!p0 $0x1C01  }
0x47: {  	[timem:s3], [sflag:s2] =	dma.local @!p0 [hbm:s0], s1  }
0x48: {  	s0 =	simm.s32 @!p0 $0x1  }
0x49: {  	_ =	swait.ge @!p0 [sflag:s0], s1  }
0x4a: {  	s1 =	ssub.s32 @!p0 $0x0, s1;
	[sflag:s0] =	ssyncset.done @!p0 $0x0  }
0x4b: {  	[sflag:s0] =	ssyncadd.s32 @!p0 s1  }
0x4c: {  	[bflag:$0x3] =	sbarrier.arrive $0xFFFF  }
0x4d: {  	_ =	shalt  }

</sc_bundles>
